<compile_context>
chip_gen: v7x
topology: tpu7x:2x2x1
jax: 0.10.2.dev20260603
libtpu: 0.0.44.dev20260713+nightly
codegen_flags: <defaults>
</compile_context>

<pallas_src>
import functools

import jax
import jax.numpy as jnp
from jax import lax
from jax.experimental import pallas as pl
from jax.experimental.pallas import tpu as pltpu
from jax.experimental.pallas import tpu_sc as plsc

_BINS = 10
_NBIN = 26214
_NBPAD = 26624
_SLICE = _NBPAD // 16
_ROWS = 128


def _tc_body(x_ref, t_ref, nll_ref, bin_ref, *, nbin):
    xb = x_ref[0]
    t = t_ref[0]
    m = jnp.max(xb, axis=0)
    s = jnp.sum(jnp.exp(xb - m[None]), axis=0)
    lse = jnp.log(s) + m
    cids = lax.broadcasted_iota(jnp.int32, xb.shape, 0)
    xt = jnp.sum(jnp.where(cids == t[None], xb, 0.0), axis=0)
    logp_t = xt - lse
    g = jnp.abs(jnp.exp(logp_t) - 1.0)
    b = jnp.floor(g * (nbin - 0.0001)).astype(jnp.int32)
    b = jnp.minimum(b, nbin - 1)
    bin_ref[0] = b.reshape(8, 128, 128)
    nll_ref[0] = (-logp_t).reshape(8, 128, 128)


def _tc_stage(x, target, nbin, wave):
    B, C, H, W = x.shape
    Hb = 256
    return pl.pallas_call(
        functools.partial(_tc_body, nbin=nbin),
        grid=(2, H // Hb),
        in_specs=[
            pl.BlockSpec((1, C, Hb, W),
                         lambda i, j: (2 * wave + i, 0, j, 0)),
            pl.BlockSpec((1, Hb, W), lambda i, j: (2 * wave + i, j, 0)),
        ],
        out_specs=[
            pl.BlockSpec((1, 8, 128, 128), lambda i, j: (i, j, 0, 0)),
            pl.BlockSpec((1, 8, 128, 128), lambda i, j: (i, j, 0, 0)),
        ],
        out_shape=[
            jax.ShapeDtypeStruct((2, 16, 128, 128), jnp.float32),
            jax.ShapeDtypeStruct((2, 16, 128, 128), jnp.int32),
        ],
        compiler_params=pltpu.CompilerParams(
            dimension_semantics=("parallel", "parallel"),
        ),
    )(x, target)


def _sc_body(bin_hbm, nll_hbm, out_hbm,
             idx_v, nll_v, ones_v, zer_v, redc_v, reds_v, row_v, part_v,
             cnt_sh, sum_sh, part_sh, sem):
    c = lax.axis_index("c")
    s = lax.axis_index("s")

    zeros16 = jnp.zeros((16,), jnp.float32)
    ones16 = jnp.ones((16,), jnp.float32)

    def _fill(i, _):
        zer_v[pl.ds(i * 16, 16)] = zeros16
        return 0
    lax.fori_loop(0, _SLICE // 16, _fill, 0)

    def _fill1(i, _):
        ones_v[pl.ds(i * 16, 16)] = ones16
        return 0
    lax.fori_loop(0, 8, _fill1, 0)

    off = s * _SLICE
    pltpu.sync_copy(zer_v, cnt_sh.at[pl.ds(off, _SLICE)])
    pltpu.sync_copy(zer_v, sum_sh.at[pl.ds(off, _SLICE)])

    pltpu.sync_copy(bin_hbm.at[c, s], idx_v)
    pltpu.sync_copy(nll_hbm.at[c, s], nll_v)
    plsc.subcore_barrier()

    K = 16

    def _grp(rr, fire):
        for b in range(K):
            r = rr * K + b
            irow = idx_v.at[r]
            if fire:
                pltpu.async_copy(ones_v, cnt_sh.at[irow], sem, add=True)
                pltpu.async_copy(nll_v.at[r], sum_sh.at[irow], sem, add=True)
            else:
                pltpu.make_async_copy(ones_v, cnt_sh.at[irow], sem).wait()
                pltpu.make_async_copy(nll_v.at[r], sum_sh.at[irow],
                                      sem).wait()

    def _scat(rr, _):
        _grp(rr, True)

        @pl.when(rr > 0)
        def _():
            _grp(rr - 1, False)

        return 0

    lax.fori_loop(0, _ROWS // K, _scat, 0)
    _grp(_ROWS // K - 1, False)
    plsc.subcore_barrier()

    pltpu.sync_copy(cnt_sh.at[pl.ds(off, _SLICE)], redc_v)
    pltpu.sync_copy(sum_sh.at[pl.ds(off, _SLICE)], reds_v)

    def _red(i, carry):
        acc_s, acc_n = carry
        cv = redc_v[pl.ds(i * 16, 16)]
        sv = reds_v[pl.ds(i * 16, 16)]
        acc_s = acc_s + sv / jnp.maximum(cv, 1.0)
        acc_n = acc_n + jnp.where(cv > 0.0, 1.0, 0.0)
        return acc_s, acc_n

    acc_s, acc_n = lax.fori_loop(0, _SLICE // 16, _red, (zeros16, zeros16))
    row_v[0] = acc_s
    row_v[1] = acc_n
    pltpu.sync_copy(row_v, part_sh.at[s])
    plsc.subcore_barrier()

    @pl.when(s == 0)
    def _():
        pltpu.sync_copy(part_sh, part_v)

        def _fold(jj, carry):
            fa, fb = carry
            return fa + part_v[jj, 0], fb + part_v[jj, 1]

        acc_s, acc_n = lax.fori_loop(0, 16, _fold, (zeros16, zeros16))
        row_v[0] = acc_s
        row_v[1] = acc_n
        pltpu.sync_copy(row_v, out_hbm.at[c])


@functools.lru_cache(maxsize=1)
def _make_sc_hist():
    @functools.partial(
        pl.kernel,
        out_type=jax.ShapeDtypeStruct((2, 2, 16), jnp.float32),
        mesh=plsc.VectorSubcoreMesh(core_axis_name="c", subcore_axis_name="s",
                                    num_cores=2, num_subcores=16),
        scratch_types=[
            pltpu.VMEM((_ROWS, 128), jnp.int32),
            pltpu.VMEM((_ROWS, 128), jnp.float32),
            pltpu.VMEM((128,), jnp.float32),
            pltpu.VMEM((_SLICE,), jnp.float32),
            pltpu.VMEM((_SLICE,), jnp.float32),
            pltpu.VMEM((_SLICE,), jnp.float32),
            pltpu.VMEM((2, 16), jnp.float32),
            pltpu.VMEM((16, 2, 16), jnp.float32),
            pltpu.VMEM_SHARED((_NBPAD,), jnp.float32),
            pltpu.VMEM_SHARED((_NBPAD,), jnp.float32),
            pltpu.VMEM_SHARED((16, 2, 16), jnp.float32),
            pltpu.SemaphoreType.DMA,
        ],
    )
    def _sc_hist(bin_hbm, nll_hbm, out_hbm, *rest):
        _sc_body(bin_hbm, nll_hbm, out_hbm, *rest)

    return _sc_hist


def kernel(x, target):
    B, C, H, W = x.shape
    N = H * W
    nbin = N // _BINS
    assert (B, C, H, W) == (4, 19, 512, 512) and nbin == _NBIN

    sc = _make_sc_hist()
    outs = []
    for w in range(2):
        nll4, bin4 = _tc_stage(x, target, nbin, w)
        outs.append(sc(bin4, nll4))
    out = jnp.concatenate(outs, axis=0)
    s_b = jnp.sum(out[:, 0, :], axis=-1)
    nz_b = jnp.sum(out[:, 1, :], axis=-1)
    return jnp.mean(s_b / nz_b)

# --- scband reference (transcript-rebuilt; emitter-appended) ---
"""Pipeline reference for scband-ghm-loss-36155034697955 (READ-ONLY COPY).

The authoritative reference and input builder live on the scoring server;
editing this copy changes nothing except your own understanding.
"""

import jax, jax.numpy as jnp
import numpy as np

BINS = 10


def setup_inputs(seed: int = 0) -> dict:
    key = jax.random.key(seed)
    k1, k2 = jax.random.split(key)
    x = jax.random.normal(k1, (4, 19, 512, 512), dtype=jnp.float32)
    target = jax.random.randint(k2, (4, 512, 512), 0, 19, dtype=jnp.int32)
    return {"x": x, "target": target}


def reference(x, target):
    # GHMC-style concrete instantiation of GHM_Loss (base class is abstract):
    #   _custom_loss_grad(x, t) = softmax(x)[t] - 1  (per-pixel CE gradient wrt true-class logit)
    #   _custom_loss(x, t, w)   = sum(w * NLL) / sum(w)
    B, C, H, W = x.shape
    logp = jax.nn.log_softmax(x, axis=1)
    p_t = jnp.exp(jnp.take_along_axis(logp, target[:, None, :, :], axis=1)[:, 0])  # [B,H,W]
    g = jax.lax.stop_gradient(jnp.abs(p_t - 1.0))  # detached gradient density statistic

    N = H * W
    nbin = N // BINS  # matches torch: bin = int(N // self._bins)  (is_split_batch=True)
    bin_idx = jnp.floor(g * (nbin - 0.0001)).astype(jnp.int32)
    bin_idx = jnp.minimum(bin_idx, nbin - 1)  # torch.clamp(max=bin-1)

    def _bincount(bi):
        counts = jnp.zeros((nbin,), dtype=jnp.float32).at[bi.ravel()].add(1.0)
        nonzero = jnp.sum((counts > 0).astype(jnp.float32))
        return counts * nonzero  # bin_count[i] *= (bin_count[i] > 0).sum()

    bin_count = jax.vmap(_bincount)(bin_idx)  # [B, nbin]
    # alpha=0 and is_evaluation=False -> use_alpha is identity
    gd = jnp.maximum(bin_count, 1.0)  # torch.clamp(min=1)
    beta = N * 1.0 / gd  # [B, nbin]
    weight = jnp.take_along_axis(beta, bin_idx.reshape(B, -1), axis=1).reshape(B, H, W)
    weight = jax.lax.stop_gradient(weight)

    nll = -jnp.take_along_axis(logp, target[:, None, :, :], axis=1)[:, 0]  # [B,H,W]
    loss = jnp.sum(nll * weight) / jnp.sum(weight)
    return loss

if __name__ == "__main__":
    import jax
    _d = setup_inputs()
    print(jax.jit(kernel)(*tuple(_d.values())))

</pallas_src>

<mosaic_0001>
#map = affine_map<(d0, d1) -> (0, 0, 0, 0)>
#map1 = affine_map<(d0, d1) -> (0, 0, 0)>
module attributes {stable_mosaic.version = 14 : i64} {
  func.func @_sc_hist(%arg0: i32, %arg1: i32, %arg2: memref<2x16x128x128xi32, #tpu.memory_space<hbm>>, %arg3: memref<2x16x128x128xf32, #tpu.memory_space<hbm>>, %arg4: memref<2x2x16xf32, #tpu.memory_space<hbm>>, %arg5: memref<128x128xi32, #tpu.memory_space<vmem>>, %arg6: memref<128x128xf32, #tpu.memory_space<vmem>>, %arg7: memref<128xf32, #tpu.memory_space<vmem>>, %arg8: memref<1664xf32, #tpu.memory_space<vmem>>, %arg9: memref<1664xf32, #tpu.memory_space<vmem>>, %arg10: memref<1664xf32, #tpu.memory_space<vmem>>, %arg11: memref<2x16xf32, #tpu.memory_space<vmem>>, %arg12: memref<16x2x16xf32, #tpu.memory_space<vmem>>, %arg13: memref<26624xf32, #tpu.memory_space<vmem_shared>>, %arg14: memref<26624xf32, #tpu.memory_space<vmem_shared>>, %arg15: memref<16x2x16xf32, #tpu.memory_space<vmem_shared>>, %arg16: memref<!tpu.dma_semaphore, #tpu.memory_space<semaphore_mem>>) attributes {dimension_semantics = [#tpu.dimension_semantics<core_parallel>, #tpu.dimension_semantics<subcore_parallel>], iteration_bounds = array<i64: 2, 16>, scalar_prefetch = 0 : i64, scratch_operands = 12 : i64, tpu.core_type = #tpu.core_type<sc_vector_subcore>, window_params = [{transform_indices = #map}, {transform_indices = #map}, {transform_indices = #map1}]} {
    %broadcast_in_dim3A = arith.constant 0.000000e+00 : f32
    %broadcast_in_dim3A_0 = vector.broadcast %broadcast_in_dim3A : f32 to vector<16xf32>
    %broadcast_in_dim3A_1 = arith.constant 1.000000e+00 : f32
    %broadcast_in_dim3A_2 = vector.broadcast %broadcast_in_dim3A_1 : f32 to vector<16xf32>
    %scan3A = arith.constant 0 : i32
    %scan3A_3 = arith.constant 0 : i32
    %scan3A_4 = arith.constant 104 : i32
    %scan3A_5 = arith.addi %scan3A_3, %scan3A_4 : i32
    %scan3A_6 = arith.constant 1 : i32
    %scan3A_7 = scf.for %scan3A_300 = %scan3A_3 to %scan3A_5 step %scan3A_6 iter_args(%scan3A_301 = %scan3A) -> (i32)  : i32 {
      %mul3A_302 = arith.constant 16 : i32
      %mul3A_303 = arith.muli %scan3A_300, %mul3A_302 : i32
      %swap3A_304 = arith.index_cast %mul3A_303 : i32 to index
      %swap3A_305 = tpu.vector_load %arg8[%swap3A_304] {strides = array<i32>} : memref<1664xf32, #tpu.memory_space<vmem>>, vector<16xf32>,
      %swap3A_306 = vector.shape_cast %swap3A_305 : vector<16xf32> to vector<16xf32>
      %swap3A_307 = vector.shape_cast %broadcast_in_dim3A_0 : vector<16xf32> to vector<16xf32>
      tpu.vector_store %arg8[%swap3A_304], %swap3A_307 {strides = array<i32>} : memref<1664xf32, #tpu.memory_space<vmem>>, vector<16xf32>,
      %scan3A_308 = arith.constant 0 : i32
      scf.yield %scan3A_308 : i32
    }
    %scan3A_8 = arith.constant 104 : i32
    %scan3A_9 = arith.constant 0 : i32
    %scan3A_10 = arith.constant 0 : i32
    %scan3A_11 = arith.constant 8 : i32
    %scan3A_12 = arith.addi %scan3A_10, %scan3A_11 : i32
    %scan3A_13 = arith.constant 1 : i32
    %scan3A_14 = scf.for %scan3A_300 = %scan3A_10 to %scan3A_12 step %scan3A_13 iter_args(%scan3A_301 = %scan3A_9) -> (i32)  : i32 {
      %mul3A_302 = arith.constant 16 : i32
      %mul3A_303 = arith.muli %scan3A_300, %mul3A_302 : i32
      %swap3A_304 = arith.index_cast %mul3A_303 : i32 to index
      %swap3A_305 = tpu.vector_load %arg7[%swap3A_304] {strides = array<i32>} : memref<128xf32, #tpu.memory_space<vmem>>, vector<16xf32>,
      %swap3A_306 = vector.shape_cast %swap3A_305 : vector<16xf32> to vector<16xf32>
      %swap3A_307 = vector.shape_cast %broadcast_in_dim3A_2 : vector<16xf32> to vector<16xf32>
      tpu.vector_store %arg7[%swap3A_304], %swap3A_307 {strides = array<i32>} : memref<128xf32, #tpu.memory_space<vmem>>, vector<16xf32>,
      %scan3A_308 = arith.constant 0 : i32
      scf.yield %scan3A_308 : i32
    }
    %scan3A_15 = arith.constant 8 : i32
    %mul3A = arith.constant 1664 : i32
    %mul3A_16 = arith.muli %arg1, %mul3A : i32
    "tpu.region"() ({
      %run_scoped3A = tpu.sem_alloc : memref<!tpu.dma_semaphore, #tpu.memory_space<semaphore_mem>>
      %dma_start3A = tpu.memref_slice %arg13[%mul3A_16] : memref<26624xf32, #tpu.memory_space<vmem_shared>> -> memref<1664xf32, #tpu.memory_space<vmem_shared>>
      %dma_start3A_300 = tpu.memref_slice %arg13[%mul3A_16] : memref<26624xf32, #tpu.memory_space<vmem_shared>> -> memref<1664xf32, #tpu.memory_space<vmem_shared>>
      tpu.enqueue_dma source(%arg8 : memref<1664xf32, #tpu.memory_space<vmem>>) target(%dma_start3A_300 : memref<1664xf32, #tpu.memory_space<vmem_shared>>) target_semaphore(%run_scoped3A : memref<!tpu.dma_semaphore, #tpu.memory_space<semaphore_mem>>)
      %dma_wait3A_301 = tpu.memref_slice %arg13[%mul3A_16] : memref<26624xf32, #tpu.memory_space<vmem_shared>> -> memref<1664xf32, #tpu.memory_space<vmem_shared>>
      %dma_wait3A_302 = tpu.memref_slice %arg13[%mul3A_16] : memref<26624xf32, #tpu.memory_space<vmem_shared>> -> memref<1664xf32, #tpu.memory_space<vmem_shared>>
      tpu.wait_dma2 semaphore(%run_scoped3A : memref<!tpu.dma_semaphore, #tpu.memory_space<semaphore_mem>>) src(%arg8 : memref<1664xf32, #tpu.memory_space<vmem>>) dst(%dma_wait3A_302 : memref<1664xf32, #tpu.memory_space<vmem_shared>>)
      tpu.yield
    }) : () -> ()
    "tpu.region"() ({
      %run_scoped3A = tpu.sem_alloc : memref<!tpu.dma_semaphore, #tpu.memory_space<semaphore_mem>>
      %dma_start3A = tpu.memref_slice %arg14[%mul3A_16] : memref<26624xf32, #tpu.memory_space<vmem_shared>> -> memref<1664xf32, #tpu.memory_space<vmem_shared>>
      %dma_start3A_300 = tpu.memref_slice %arg14[%mul3A_16] : memref<26624xf32, #tpu.memory_space<vmem_shared>> -> memref<1664xf32, #tpu.memory_space<vmem_shared>>
      tpu.enqueue_dma source(%arg8 : memref<1664xf32, #tpu.memory_space<vmem>>) target(%dma_start3A_300 : memref<1664xf32, #tpu.memory_space<vmem_shared>>) target_semaphore(%run_scoped3A : memref<!tpu.dma_semaphore, #tpu.memory_space<semaphore_mem>>)
      %dma_wait3A_301 = tpu.memref_slice %arg14[%mul3A_16] : memref<26624xf32, #tpu.memory_space<vmem_shared>> -> memref<1664xf32, #tpu.memory_space<vmem_shared>>
      %dma_wait3A_302 = tpu.memref_slice %arg14[%mul3A_16] : memref<26624xf32, #tpu.memory_space<vmem_shared>> -> memref<1664xf32, #tpu.memory_space<vmem_shared>>
      tpu.wait_dma2 semaphore(%run_scoped3A : memref<!tpu.dma_semaphore, #tpu.memory_space<semaphore_mem>>) src(%arg8 : memref<1664xf32, #tpu.memory_space<vmem>>) dst(%dma_wait3A_302 : memref<1664xf32, #tpu.memory_space<vmem_shared>>)
      tpu.yield
    }) : () -> ()
    "tpu.region"() ({
      %run_scoped3A = tpu.sem_alloc : memref<!tpu.dma_semaphore, #tpu.memory_space<semaphore_mem>>
      %dma_start3A = arith.constant 0 : i32
      %dma_start3A_300 = arith.constant 0 : i32
      %dma_start3A_301 = tpu.memref_slice %arg2[%arg0, %arg1, %dma_start3A, %dma_start3A_300] : memref<2x16x128x128xi32, #tpu.memory_space<hbm>> -> memref<1x1x128x128xi32, #tpu.memory_space<hbm>>
      %dma_start3A_302 = tpu.memref_squeeze %dma_start3A_301 : memref<1x1x128x128xi32, #tpu.memory_space<hbm>> -> memref<128x128xi32, #tpu.memory_space<hbm>>
      %dma_start3A_303 = arith.constant 0 : i32
      %dma_start3A_304 = arith.constant 0 : i32
      %dma_start3A_305 = tpu.memref_slice %arg2[%arg0, %arg1, %dma_start3A_303, %dma_start3A_304] : memref<2x16x128x128xi32, #tpu.memory_space<hbm>> -> memref<1x1x128x128xi32, #tpu.memory_space<hbm>>
      %dma_start3A_306 = tpu.memref_squeeze %dma_start3A_305 : memref<1x1x128x128xi32, #tpu.memory_space<hbm>> -> memref<128x128xi32, #tpu.memory_space<hbm>>
      tpu.enqueue_dma source(%dma_start3A_306 : memref<128x128xi32, #tpu.memory_space<hbm>>) target(%arg5 : memref<128x128xi32, #tpu.memory_space<vmem>>) target_semaphore(%run_scoped3A : memref<!tpu.dma_semaphore, #tpu.memory_space<semaphore_mem>>)
      %dma_wait3A_307 = arith.constant 0 : i32
      %dma_wait3A_308 = arith.constant 0 : i32
      %dma_wait3A_309 = tpu.memref_slice %arg2[%arg0, %arg1, %dma_wait3A_307, %dma_wait3A_308] : memref<2x16x128x128xi32, #tpu.memory_space<hbm>> -> memref<1x1x128x128xi32, #tpu.memory_space<hbm>>
      %dma_wait3A_310 = tpu.memref_squeeze %dma_wait3A_309 : memref<1x1x128x128xi32, #tpu.memory_space<hbm>> -> memref<128x128xi32, #tpu.memory_space<hbm>>
      %dma_wait3A_311 = arith.constant 0 : i32
      %dma_wait3A_312 = arith.constant 0 : i32
      %dma_wait3A_313 = tpu.memref_slice %arg2[%arg0, %arg1, %dma_wait3A_311, %dma_wait3A_312] : memref<2x16x128x128xi32, #tpu.memory_space<hbm>> -> memref<1x1x128x128xi32, #tpu.memory_space<hbm>>
      %dma_wait3A_314 = tpu.memref_squeeze %dma_wait3A_313 : memref<1x1x128x128xi32, #tpu.memory_space<hbm>> -> memref<128x128xi32, #tpu.memory_space<hbm>>
      tpu.wait_dma2 semaphore(%run_scoped3A : memref<!tpu.dma_semaphore, #tpu.memory_space<semaphore_mem>>) src(%dma_wait3A_314 : memref<128x128xi32, #tpu.memory_space<hbm>>) dst(%arg5 : memref<128x128xi32, #tpu.memory_space<vmem>>)
      tpu.yield
    }) : () -> ()
    "tpu.region"() ({
      %run_scoped3A = tpu.sem_alloc : memref<!tpu.dma_semaphore, #tpu.memory_space<semaphore_mem>>
      %dma_start3A = arith.constant 0 : i32
      %dma_start3A_300 = arith.constant 0 : i32
      %dma_start3A_301 = tpu.memref_slice %arg3[%arg0, %arg1, %dma_start3A, %dma_start3A_300] : memref<2x16x128x128xf32, #tpu.memory_space<hbm>> -> memref<1x1x128x128xf32, #tpu.memory_space<hbm>>
      %dma_start3A_302 = tpu.memref_squeeze %dma_start3A_301 : memref<1x1x128x128xf32, #tpu.memory_space<hbm>> -> memref<128x128xf32, #tpu.memory_space<hbm>>
      %dma_start3A_303 = arith.constant 0 : i32
      %dma_start3A_304 = arith.constant 0 : i32
      %dma_start3A_305 = tpu.memref_slice %arg3[%arg0, %arg1, %dma_start3A_303, %dma_start3A_304] : memref<2x16x128x128xf32, #tpu.memory_space<hbm>> -> memref<1x1x128x128xf32, #tpu.memory_space<hbm>>
      %dma_start3A_306 = tpu.memref_squeeze %dma_start3A_305 : memref<1x1x128x128xf32, #tpu.memory_space<hbm>> -> memref<128x128xf32, #tpu.memory_space<hbm>>
      tpu.enqueue_dma source(%dma_start3A_306 : memref<128x128xf32, #tpu.memory_space<hbm>>) target(%arg6 : memref<128x128xf32, #tpu.memory_space<vmem>>) target_semaphore(%run_scoped3A : memref<!tpu.dma_semaphore, #tpu.memory_space<semaphore_mem>>)
      %dma_wait3A_307 = arith.constant 0 : i32
      %dma_wait3A_308 = arith.constant 0 : i32
      %dma_wait3A_309 = tpu.memref_slice %arg3[%arg0, %arg1, %dma_wait3A_307, %dma_wait3A_308] : memref<2x16x128x128xf32, #tpu.memory_space<hbm>> -> memref<1x1x128x128xf32, #tpu.memory_space<hbm>>
      %dma_wait3A_310 = tpu.memref_squeeze %dma_wait3A_309 : memref<1x1x128x128xf32, #tpu.memory_space<hbm>> -> memref<128x128xf32, #tpu.memory_space<hbm>>
      %dma_wait3A_311 = arith.constant 0 : i32
      %dma_wait3A_312 = arith.constant 0 : i32
      %dma_wait3A_313 = tpu.memref_slice %arg3[%arg0, %arg1, %dma_wait3A_311, %dma_wait3A_312] : memref<2x16x128x128xf32, #tpu.memory_space<hbm>> -> memref<1x1x128x128xf32, #tpu.memory_space<hbm>>
      %dma_wait3A_314 = tpu.memref_squeeze %dma_wait3A_313 : memref<1x1x128x128xf32, #tpu.memory_space<hbm>> -> memref<128x128xf32, #tpu.memory_space<hbm>>
      tpu.wait_dma2 semaphore(%run_scoped3A : memref<!tpu.dma_semaphore, #tpu.memory_space<semaphore_mem>>) src(%dma_wait3A_314 : memref<128x128xf32, #tpu.memory_space<hbm>>) dst(%arg6 : memref<128x128xf32, #tpu.memory_space<vmem>>)
      tpu.yield
    }) : () -> ()
    %barrier3A = arith.constant 0 : index
    tpu.barrier barrier_id(%barrier3A)
    %scan3A_17 = arith.constant 0 : i32
    %scan3A_18 = arith.constant 0 : i32
    %scan3A_19 = arith.constant 8 : i32
    %scan3A_20 = arith.addi %scan3A_18, %scan3A_19 : i32
    %scan3A_21 = arith.constant 1 : i32
    %scan3A_22 = scf.for %scan3A_300 = %scan3A_18 to %scan3A_20 step %scan3A_21 iter_args(%scan3A_301 = %scan3A_17) -> (i32)  : i32 {
      %mul3A_302 = arith.constant 16 : i32
      %mul3A_303 = arith.muli %scan3A_300, %mul3A_302 : i32
      %add3A = arith.constant 0 : i32
      %add3A_304 = arith.addi %mul3A_303, %add3A : i32
      %dma_start3A = arith.constant 0 : i32
      %dma_start3A_305 = tpu.memref_slice %arg5[%add3A_304, %dma_start3A] : memref<128x128xi32, #tpu.memory_space<vmem>> -> memref<1x128xi32, #tpu.memory_space<vmem>>
      %dma_start3A_306 = tpu.memref_squeeze %dma_start3A_305 : memref<1x128xi32, #tpu.memory_space<vmem>> -> memref<128xi32, #tpu.memory_space<vmem>>
      %dma_start3A_307 = arith.constant 0 : i32
      %dma_start3A_308 = tpu.memref_slice %arg13[%dma_start3A_307] : memref<26624xf32, #tpu.memory_space<vmem_shared>> -> memref<26624xf32, #tpu.memory_space<vmem_shared>>
      tpu.enqueue_indirect_dma source(%arg7 : memref<128xf32, #tpu.memory_space<vmem>>) target(%dma_start3A_308 : memref<26624xf32, #tpu.memory_space<vmem_shared>>) offsets(%dma_start3A_306 : memref<128xi32, #tpu.memory_space<vmem>>) semaphore(%arg16 : memref<!tpu.dma_semaphore, #tpu.memory_space<semaphore_mem>>) {add = true}
      %dma_start3A_309 = arith.constant 0 : i32
      %dma_start3A_310 = tpu.memref_slice %arg6[%add3A_304, %dma_start3A_309] : memref<128x128xf32, #tpu.memory_space<vmem>> -> memref<1x128xf32, #tpu.memory_space<vmem>>
      %dma_start3A_311 = tpu.memref_squeeze %dma_start3A_310 : memref<1x128xf32, #tpu.memory_space<vmem>> -> memref<128xf32, #tpu.memory_space<vmem>>
      %dma_start3A_312 = arith.constant 0 : i32
      %dma_start3A_313 = tpu.memref_slice %arg5[%add3A_304, %dma_start3A_312] : memref<128x128xi32, #tpu.memory_space<vmem>> -> memref<1x128xi32, #tpu.memory_space<vmem>>
      %dma_start3A_314 = tpu.memref_squeeze %dma_start3A_313 : memref<1x128xi32, #tpu.memory_space<vmem>> -> memref<128xi32, #tpu.memory_space<vmem>>
      %dma_start3A_315 = arith.constant 0 : i32
      %dma_start3A_316 = tpu.memref_slice %arg14[%dma_start3A_315] : memref<26624xf32, #tpu.memory_space<vmem_shared>> -> memref<26624xf32, #tpu.memory_space<vmem_shared>>
      tpu.enqueue_indirect_dma source(%dma_start3A_311 : memref<128xf32, #tpu.memory_space<vmem>>) target(%dma_start3A_316 : memref<26624xf32, #tpu.memory_space<vmem_shared>>) offsets(%dma_start3A_314 : memref<128xi32, #tpu.memory_space<vmem>>) semaphore(%arg16 : memref<!tpu.dma_semaphore, #tpu.memory_space<semaphore_mem>>) {add = true}
      %mul3A_317 = arith.constant 16 : i32
      %mul3A_318 = arith.muli %scan3A_300, %mul3A_317 : i32
      %add3A_319 = arith.constant 1 : i32
      %add3A_320 = arith.addi %mul3A_318, %add3A_319 : i32
      %dma_start3A_321 = arith.constant 0 : i32
      %dma_start3A_322 = tpu.memref_slice %arg5[%add3A_320, %dma_start3A_321] : memref<128x128xi32, #tpu.memory_space<vmem>> -> memref<1x128xi32, #tpu.memory_space<vmem>>
      %dma_start3A_323 = tpu.memref_squeeze %dma_start3A_322 : memref<1x128xi32, #tpu.memory_space<vmem>> -> memref<128xi32, #tpu.memory_space<vmem>>
      %dma_start3A_324 = arith.constant 0 : i32
      %dma_start3A_325 = tpu.memref_slice %arg13[%dma_start3A_324] : memref<26624xf32, #tpu.memory_space<vmem_shared>> -> memref<26624xf32, #tpu.memory_space<vmem_shared>>
      tpu.enqueue_indirect_dma source(%arg7 : memref<128xf32, #tpu.memory_space<vmem>>) target(%dma_start3A_325 : memref<26624xf32, #tpu.memory_space<vmem_shared>>) offsets(%dma_start3A_323 : memref<128xi32, #tpu.memory_space<vmem>>) semaphore(%arg16 : memref<!tpu.dma_semaphore, #tpu.memory_space<semaphore_mem>>) {add = true}
      %dma_start3A_326 = arith.constant 0 : i32
      %dma_start3A_327 = tpu.memref_slice %arg6[%add3A_320, %dma_start3A_326] : memref<128x128xf32, #tpu.memory_space<vmem>> -> memref<1x128xf32, #tpu.memory_space<vmem>>
      %dma_start3A_328 = tpu.memref_squeeze %dma_start3A_327 : memref<1x128xf32, #tpu.memory_space<vmem>> -> memref<128xf32, #tpu.memory_space<vmem>>
      %dma_start3A_329 = arith.constant 0 : i32
      %dma_start3A_330 = tpu.memref_slice %arg5[%add3A_320, %dma_start3A_329] : memref<128x128xi32, #tpu.memory_space<vmem>> -> memref<1x128xi32, #tpu.memory_space<vmem>>
      %dma_start3A_331 = tpu.memref_squeeze %dma_start3A_330 : memref<1x128xi32, #tpu.memory_space<vmem>> -> memref<128xi32, #tpu.memory_space<vmem>>
      %dma_start3A_332 = arith.constant 0 : i32
      %dma_start3A_333 = tpu.memref_slice %arg14[%dma_start3A_332] : memref<26624xf32, #tpu.memory_space<vmem_shared>> -> memref<26624xf32, #tpu.memory_space<vmem_shared>>
      tpu.enqueue_indirect_dma source(%dma_start3A_328 : memref<128xf32, #tpu.memory_space<vmem>>) target(%dma_start3A_333 : memref<26624xf32, #tpu.memory_space<vmem_shared>>) offsets(%dma_start3A_331 : memref<128xi32, #tpu.memory_space<vmem>>) semaphore(%arg16 : memref<!tpu.dma_semaphore, #tpu.memory_space<semaphore_mem>>) {add = true}
      %mul3A_334 = arith.constant 16 : i32
      %mul3A_335 = arith.muli %scan3A_300, %mul3A_334 : i32
      %add3A_336 = arith.constant 2 : i32
      %add3A_337 = arith.addi %mul3A_335, %add3A_336 : i32
      %dma_start3A_338 = arith.constant 0 : i32
      %dma_start3A_339 = tpu.memref_slice %arg5[%add3A_337, %dma_start3A_338] : memref<128x128xi32, #tpu.memory_space<vmem>> -> memref<1x128xi32, #tpu.memory_space<vmem>>
      %dma_start3A_340 = tpu.memref_squeeze %dma_start3A_339 : memref<1x128xi32, #tpu.memory_space<vmem>> -> memref<128xi32, #tpu.memory_space<vmem>>
      %dma_start3A_341 = arith.constant 0 : i32
      %dma_start3A_342 = tpu.memref_slice %arg13[%dma_start3A_341] : memref<26624xf32, #tpu.memory_space<vmem_shared>> -> memref<26624xf32, #tpu.memory_space<vmem_shared>>
      tpu.enqueue_indirect_dma source(%arg7 : memref<128xf32, #tpu.memory_space<vmem>>) target(%dma_start3A_342 : memref<26624xf32, #tpu.memory_space<vmem_shared>>) offsets(%dma_start3A_340 : memref<128xi32, #tpu.memory_space<vmem>>) semaphore(%arg16 : memref<!tpu.dma_semaphore, #tpu.memory_space<semaphore_mem>>) {add = true}
      %dma_start3A_343 = arith.constant 0 : i32
      %dma_start3A_344 = tpu.memref_slice %arg6[%add3A_337, %dma_start3A_343] : memref<128x128xf32, #tpu.memory_space<vmem>> -> memref<1x128xf32, #tpu.memory_space<vmem>>
      %dma_start3A_345 = tpu.memref_squeeze %dma_start3A_344 : memref<1x128xf32, #tpu.memory_space<vmem>> -> memref<128xf32, #tpu.memory_space<vmem>>
      %dma_start3A_346 = arith.constant 0 : i32
      %dma_start3A_347 = tpu.memref_slice %arg5[%add3A_337, %dma_start3A_346] : memref<128x128xi32, #tpu.memory_space<vmem>> -> memref<1x128xi32, #tpu.memory_space<vmem>>
      %dma_start3A_348 = tpu.memref_squeeze %dma_start3A_347 : memref<1x128xi32, #tpu.memory_space<vmem>> -> memref<128xi32, #tpu.memory_space<vmem>>
      %dma_start3A_349 = arith.constant 0 : i32
      %dma_start3A_350 = tpu.memref_slice %arg14[%dma_start3A_349] : memref<26624xf32, #tpu.memory_space<vmem_shared>> -> memref<26624xf32, #tpu.memory_space<vmem_shared>>
      tpu.enqueue_indirect_dma source(%dma_start3A_345 : memref<128xf32, #tpu.memory_space<vmem>>) target(%dma_start3A_350 : memref<26624xf32, #tpu.memory_space<vmem_shared>>) offsets(%dma_start3A_348 : memref<128xi32, #tpu.memory_space<vmem>>) semaphore(%arg16 : memref<!tpu.dma_semaphore, #tpu.memory_space<semaphore_mem>>) {add = true}
      %mul3A_351 = arith.constant 16 : i32
      %mul3A_352 = arith.muli %scan3A_300, %mul3A_351 : i32
      %add3A_353 = arith.constant 3 : i32
      %add3A_354 = arith.addi %mul3A_352, %add3A_353 : i32
      %dma_start3A_355 = arith.constant 0 : i32
      %dma_start3A_356 = tpu.memref_slice %arg5[%add3A_354, %dma_start3A_355] : memref<128x128xi32, #tpu.memory_space<vmem>> -> memref<1x128xi32, #tpu.memory_space<vmem>>
      %dma_start3A_357 = tpu.memref_squeeze %dma_start3A_356 : memref<1x128xi32, #tpu.memory_space<vmem>> -> memref<128xi32, #tpu.memory_space<vmem>>
      %dma_start3A_358 = arith.constant 0 : i32
      %dma_start3A_359 = tpu.memref_slice %arg13[%dma_start3A_358] : memref<26624xf32, #tpu.memory_space<vmem_shared>> -> memref<26624xf32, #tpu.memory_space<vmem_shared>>
      tpu.enqueue_indirect_dma source(%arg7 : memref<128xf32, #tpu.memory_space<vmem>>) target(%dma_start3A_359 : memref<26624xf32, #tpu.memory_space<vmem_shared>>) offsets(%dma_start3A_357 : memref<128xi32, #tpu.memory_space<vmem>>) semaphore(%arg16 : memref<!tpu.dma_semaphore, #tpu.memory_space<semaphore_mem>>) {add = true}
      %dma_start3A_360 = arith.constant 0 : i32
      %dma_start3A_361 = tpu.memref_slice %arg6[%add3A_354, %dma_start3A_360] : memref<128x128xf32, #tpu.memory_space<vmem>> -> memref<1x128xf32, #tpu.memory_space<vmem>>
      %dma_start3A_362 = tpu.memref_squeeze %dma_start3A_361 : memref<1x128xf32, #tpu.memory_space<vmem>> -> memref<128xf32, #tpu.memory_space<vmem>>
      %dma_start3A_363 = arith.constant 0 : i32
      %dma_start3A_364 = tpu.memref_slice %arg5[%add3A_354, %dma_start3A_363] : memref<128x128xi32, #tpu.memory_space<vmem>> -> memref<1x128xi32, #tpu.memory_space<vmem>>
      %dma_start3A_365 = tpu.memref_squeeze %dma_start3A_364 : memref<1x128xi32, #tpu.memory_space<vmem>> -> memref<128xi32, #tpu.memory_space<vmem>>
      %dma_start3A_366 = arith.constant 0 : i32
      %dma_start3A_367 = tpu.memref_slice %arg14[%dma_start3A_366] : memref<26624xf32, #tpu.memory_space<vmem_shared>> -> memref<26624xf32, #tpu.memory_space<vmem_shared>>
      tpu.enqueue_indirect_dma source(%dma_start3A_362 : memref<128xf32, #tpu.memory_space<vmem>>) target(%dma_start3A_367 : memref<26624xf32, #tpu.memory_space<vmem_shared>>) offsets(%dma_start3A_365 : memref<128xi32, #tpu.memory_space<vmem>>) semaphore(%arg16 : memref<!tpu.dma_semaphore, #tpu.memory_space<semaphore_mem>>) {add = true}
      %mul3A_368 = arith.constant 16 : i32
      %mul3A_369 = arith.muli %scan3A_300, %mul3A_368 : i32
      %add3A_370 = arith.constant 4 : i32
      %add3A_371 = arith.addi %mul3A_369, %add3A_370 : i32
      %dma_start3A_372 = arith.constant 0 : i32
      %dma_start3A_373 = tpu.memref_slice %arg5[%add3A_371, %dma_start3A_372] : memref<128x128xi32, #tpu.memory_space<vmem>> -> memref<1x128xi32, #tpu.memory_space<vmem>>
      %dma_start3A_374 = tpu.memref_squeeze %dma_start3A_373 : memref<1x128xi32, #tpu.memory_space<vmem>> -> memref<128xi32, #tpu.memory_space<vmem>>
      %dma_start3A_375 = arith.constant 0 : i32
      %dma_start3A_376 = tpu.memref_slice %arg13[%dma_start3A_375] : memref<26624xf32, #tpu.memory_space<vmem_shared>> -> memref<26624xf32, #tpu.memory_space<vmem_shared>>
      tpu.enqueue_indirect_dma source(%arg7 : memref<128xf32, #tpu.memory_space<vmem>>) target(%dma_start3A_376 : memref<26624xf32, #tpu.memory_space<vmem_shared>>) offsets(%dma_start3A_374 : memref<128xi32, #tpu.memory_space<vmem>>) semaphore(%arg16 : memref<!tpu.dma_semaphore, #tpu.memory_space<semaphore_mem>>) {add = true}
      %dma_start3A_377 = arith.constant 0 : i32
      %dma_start3A_378 = tpu.memref_slice %arg6[%add3A_371, %dma_start3A_377] : memref<128x128xf32, #tpu.memory_space<vmem>> -> memref<1x128xf32, #tpu.memory_space<vmem>>
      %dma_start3A_379 = tpu.memref_squeeze %dma_start3A_378 : memref<1x128xf32, #tpu.memory_space<vmem>> -> memref<128xf32, #tpu.memory_space<vmem>>
      %dma_start3A_380 = arith.constant 0 : i32
      %dma_start3A_381 = tpu.memref_slice %arg5[%add3A_371, %dma_start3A_380] : memref<128x128xi32, #tpu.memory_space<vmem>> -> memref<1x128xi32, #tpu.memory_space<vmem>>
      %dma_start3A_382 = tpu.memref_squeeze %dma_start3A_381 : memref<1x128xi32, #tpu.memory_space<vmem>> -> memref<128xi32, #tpu.memory_space<vmem>>
      %dma_start3A_383 = arith.constant 0 : i32
      %dma_start3A_384 = tpu.memref_slice %arg14[%dma_start3A_383] : memref<26624xf32, #tpu.memory_space<vmem_shared>> -> memref<26624xf32, #tpu.memory_space<vmem_shared>>
      tpu.enqueue_indirect_dma source(%dma_start3A_379 : memref<128xf32, #tpu.memory_space<vmem>>) target(%dma_start3A_384 : memref<26624xf32, #tpu.memory_space<vmem_shared>>) offsets(%dma_start3A_382 : memref<128xi32, #tpu.memory_space<vmem>>) semaphore(%arg16 : memref<!tpu.dma_semaphore, #tpu.memory_space<semaphore_mem>>) {add = true}
      %mul3A_385 = arith.constant 16 : i32
      %mul3A_386 = arith.muli %scan3A_300, %mul3A_385 : i32
      %add3A_387 = arith.constant 5 : i32
      %add3A_388 = arith.addi %mul3A_386, %add3A_387 : i32
      %dma_start3A_389 = arith.constant 0 : i32
      %dma_start3A_390 = tpu.memref_slice %arg5[%add3A_388, %dma_start3A_389] : memref<128x128xi32, #tpu.memory_space<vmem>> -> memref<1x128xi32, #tpu.memory_space<vmem>>
      %dma_start3A_391 = tpu.memref_squeeze %dma_start3A_390 : memref<1x128xi32, #tpu.memory_space<vmem>> -> memref<128xi32, #tpu.memory_space<vmem>>
      %dma_start3A_392 = arith.constant 0 : i32
      %dma_start3A_393 = tpu.memref_slice %arg13[%dma_start3A_392] : memref<26624xf32, #tpu.memory_space<vmem_shared>> -> memref<26624xf32, #tpu.memory_space<vmem_shared>>
      tpu.enqueue_indirect_dma source(%arg7 : memref<128xf32, #tpu.memory_space<vmem>>) target(%dma_start3A_393 : memref<26624xf32, #tpu.memory_space<vmem_shared>>) offsets(%dma_start3A_391 : memref<128xi32, #tpu.memory_space<vmem>>) semaphore(%arg16 : memref<!tpu.dma_semaphore, #tpu.memory_space<semaphore_mem>>) {add = true}
      %dma_start3A_394 = arith.constant 0 : i32
      %dma_start3A_395 = tpu.memref_slice %arg6[%add3A_388, %dma_start3A_394] : memref<128x128xf32, #tpu.memory_space<vmem>> -> memref<1x128xf32, #tpu.memory_space<vmem>>
      %dma_start3A_396 = tpu.memref_squeeze %dma_start3A_395 : memref<1x128xf32, #tpu.memory_space<vmem>> -> memref<128xf32, #tpu.memory_space<vmem>>
      %dma_start3A_397 = arith.constant 0 : i32
      %dma_start3A_398 = tpu.memref_slice %arg5[%add3A_388, %dma_start3A_397] : memref<128x128xi32, #tpu.memory_space<vmem>> -> memref<1x128xi32, #tpu.memory_space<vmem>>
      %dma_start3A_399 = tpu.memref_squeeze %dma_start3A_398 : memref<1x128xi32, #tpu.memory_space<vmem>> -> memref<128xi32, #tpu.memory_space<vmem>>
      %dma_start3A_400 = arith.constant 0 : i32
      %dma_start3A_401 = tpu.memref_slice %arg14[%dma_start3A_400] : memref<26624xf32, #tpu.memory_space<vmem_shared>> -> memref<26624xf32, #tpu.memory_space<vmem_shared>>
      tpu.enqueue_indirect_dma source(%dma_start3A_396 : memref<128xf32, #tpu.memory_space<vmem>>) target(%dma_start3A_401 : memref<26624xf32, #tpu.memory_space<vmem_shared>>) offsets(%dma_start3A_399 : memref<128xi32, #tpu.memory_space<vmem>>) semaphore(%arg16 : memref<!tpu.dma_semaphore, #tpu.memory_space<semaphore_mem>>) {add = true}
      %mul3A_402 = arith.constant 16 : i32
      %mul3A_403 = arith.muli %scan3A_300, %mul3A_402 : i32
      %add3A_404 = arith.constant 6 : i32
      %add3A_405 = arith.addi %mul3A_403, %add3A_404 : i32
      %dma_start3A_406 = arith.constant 0 : i32
      %dma_start3A_407 = tpu.memref_slice %arg5[%add3A_405, %dma_start3A_406] : memref<128x128xi32, #tpu.memory_space<vmem>> -> memref<1x128xi32, #tpu.memory_space<vmem>>
      %dma_start3A_408 = tpu.memref_squeeze %dma_start3A_407 : memref<1x128xi32, #tpu.memory_space<vmem>> -> memref<128xi32, #tpu.memory_space<vmem>>
      %dma_start3A_409 = arith.constant 0 : i32
      %dma_start3A_410 = tpu.memref_slice %arg13[%dma_start3A_409] : memref<26624xf32, #tpu.memory_space<vmem_shared>> -> memref<26624xf32, #tpu.memory_space<vmem_shared>>
      tpu.enqueue_indirect_dma source(%arg7 : memref<128xf32, #tpu.memory_space<vmem>>) target(%dma_start3A_410 : memref<26624xf32, #tpu.memory_space<vmem_shared>>) offsets(%dma_start3A_408 : memref<128xi32, #tpu.memory_space<vmem>>) semaphore(%arg16 : memref<!tpu.dma_semaphore, #tpu.memory_space<semaphore_mem>>) {add = true}
      %dma_start3A_411 = arith.constant 0 : i32
      %dma_start3A_412 = tpu.memref_slice %arg6[%add3A_405, %dma_start3A_411] : memref<128x128xf32, #tpu.memory_space<vmem>> -> memref<1x128xf32, #tpu.memory_space<vmem>>
      %dma_start3A_413 = tpu.memref_squeeze %dma_start3A_412 : memref<1x128xf32, #tpu.memory_space<vmem>> -> memref<128xf32, #tpu.memory_space<vmem>>
      %dma_start3A_414 = arith.constant 0 : i32
      %dma_start3A_415 = tpu.memref_slice %arg5[%add3A_405, %dma_start3A_414] : memref<128x128xi32, #tpu.memory_space<vmem>> -> memref<1x128xi32, #tpu.memory_space<vmem>>
      %dma_start3A_416 = tpu.memref_squeeze %dma_start3A_415 : memref<1x128xi32, #tpu.memory_space<vmem>> -> memref<128xi32, #tpu.memory_space<vmem>>
      %dma_start3A_417 = arith.constant 0 : i32
      %dma_start3A_418 = tpu.memref_slice %arg14[%dma_start3A_417] : memref<26624xf32, #tpu.memory_space<vmem_shared>> -> memref<26624xf32, #tpu.memory_space<vmem_shared>>
      tpu.enqueue_indirect_dma source(%dma_start3A_413 : memref<128xf32, #tpu.memory_space<vmem>>) target(%dma_start3A_418 : memref<26624xf32, #tpu.memory_space<vmem_shared>>) offsets(%dma_start3A_416 : memref<128xi32, #tpu.memory_space<vmem>>) semaphore(%arg16 : memref<!tpu.dma_semaphore, #tpu.memory_space<semaphore_mem>>) {add = true}
      %mul3A_419 = arith.constant 16 : i32
      %mul3A_420 = arith.muli %scan3A_300, %mul3A_419 : i32
      %add3A_421 = arith.constant 7 : i32
      %add3A_422 = arith.addi %mul3A_420, %add3A_421 : i32
      %dma_start3A_423 = arith.constant 0 : i32
      %dma_start3A_424 = tpu.memref_slice %arg5[%add3A_422, %dma_start3A_423] : memref<128x128xi32, #tpu.memory_space<vmem>> -> memref<1x128xi32, #tpu.memory_space<vmem>>
      %dma_start3A_425 = tpu.memref_squeeze %dma_start3A_424 : memref<1x128xi32, #tpu.memory_space<vmem>> -> memref<128xi32, #tpu.memory_space<vmem>>
      %dma_start3A_426 = arith.constant 0 : i32
      %dma_start3A_427 = tpu.memref_slice %arg13[%dma_start3A_426] : memref<26624xf32, #tpu.memory_space<vmem_shared>> -> memref<26624xf32, #tpu.memory_space<vmem_shared>>
      tpu.enqueue_indirect_dma source(%arg7 : memref<128xf32, #tpu.memory_space<vmem>>) target(%dma_start3A_427 : memref<26624xf32, #tpu.memory_space<vmem_shared>>) offsets(%dma_start3A_425 : memref<128xi32, #tpu.memory_space<vmem>>) semaphore(%arg16 : memref<!tpu.dma_semaphore, #tpu.memory_space<semaphore_mem>>) {add = true}
      %dma_start3A_428 = arith.constant 0 : i32
      %dma_start3A_429 = tpu.memref_slice %arg6[%add3A_422, %dma_start3A_428] : memref<128x128xf32, #tpu.memory_space<vmem>> -> memref<1x128xf32, #tpu.memory_space<vmem>>
      %dma_start3A_430 = tpu.memref_squeeze %dma_start3A_429 : memref<1x128xf32, #tpu.memory_space<vmem>> -> memref<128xf32, #tpu.memory_space<vmem>>
      %dma_start3A_431 = arith.constant 0 : i32
      %dma_start3A_432 = tpu.memref_slice %arg5[%add3A_422, %dma_start3A_431] : memref<128x128xi32, #tpu.memory_space<vmem>> -> memref<1x128xi32, #tpu.memory_space<vmem>>
      %dma_start3A_433 = tpu.memref_squeeze %dma_start3A_432 : memref<1x128xi32, #tpu.memory_space<vmem>> -> memref<128xi32, #tpu.memory_space<vmem>>
      %dma_start3A_434 = arith.constant 0 : i32
      %dma_start3A_435 = tpu.memref_slice %arg14[%dma_start3A_434] : memref<26624xf32, #tpu.memory_space<vmem_shared>> -> memref<26624xf32, #tpu.memory_space<vmem_shared>>
      tpu.enqueue_indirect_dma source(%dma_start3A_430 : memref<128xf32, #tpu.memory_space<vmem>>) target(%dma_start3A_435 : memref<26624xf32, #tpu.memory_space<vmem_shared>>) offsets(%dma_start3A_433 : memref<128xi32, #tpu.memory_space<vmem>>) semaphore(%arg16 : memref<!tpu.dma_semaphore, #tpu.memory_space<semaphore_mem>>) {add = true}
      %mul3A_436 = arith.constant 16 : i32
      %mul3A_437 = arith.muli %scan3A_300, %mul3A_436 : i32
      %add3A_438 = arith.constant 8 : i32
      %add3A_439 = arith.addi %mul3A_437, %add3A_438 : i32
      %dma_start3A_440 = arith.constant 0 : i32
      %dma_start3A_441 = tpu.memref_slice %arg5[%add3A_439, %dma_start3A_440] : memref<128x128xi32, #tpu.memory_space<vmem>> -> memref<1x128xi32, #tpu.memory_space<vmem>>
      %dma_start3A_442 = tpu.memref_squeeze %dma_start3A_441 : memref<1x128xi32, #tpu.memory_space<vmem>> -> memref<128xi32, #tpu.memory_space<vmem>>
      %dma_start3A_443 = arith.constant 0 : i32
      %dma_start3A_444 = tpu.memref_slice %arg13[%dma_start3A_443] : memref<26624xf32, #tpu.memory_space<vmem_shared>> -> memref<26624xf32, #tpu.memory_space<vmem_shared>>
      tpu.enqueue_indirect_dma source(%arg7 : memref<128xf32, #tpu.memory_space<vmem>>) target(%dma_start3A_444 : memref<26624xf32, #tpu.memory_space<vmem_shared>>) offsets(%dma_start3A_442 : memref<128xi32, #tpu.memory_space<vmem>>) semaphore(%arg16 : memref<!tpu.dma_semaphore, #tpu.memory_space<semaphore_mem>>) {add = true}
      %dma_start3A_445 = arith.constant 0 : i32
      %dma_start3A_446 = tpu.memref_slice %arg6[%add3A_439, %dma_start3A_445] : memref<128x128xf32, #tpu.memory_space<vmem>> -> memref<1x128xf32, #tpu.memory_space<vmem>>
      %dma_start3A_447 = tpu.memref_squeeze %dma_start3A_446 : memref<1x128xf32, #tpu.memory_space<vmem>> -> memref<128xf32, #tpu.memory_space<vmem>>
      %dma_start3A_448 = arith.constant 0 : i32
      %dma_start3A_449 = tpu.memref_slice %arg5[%add3A_439, %dma_start3A_448] : memref<128x128xi32, #tpu.memory_space<vmem>> -> memref<1x128xi32, #tpu.memory_space<vmem>>
      %dma_start3A_450 = tpu.memref_squeeze %dma_start3A_449 : memref<1x128xi32, #tpu.memory_space<vmem>> -> memref<128xi32, #tpu.memory_space<vmem>>
      %dma_start3A_451 = arith.constant 0 : i32
      %dma_start3A_452 = tpu.memref_slice %arg14[%dma_start3A_451] : memref<26624xf32, #tpu.memory_space<vmem_shared>> -> memref<26624xf32, #tpu.memory_space<vmem_shared>>
      tpu.enqueue_indirect_dma source(%dma_start3A_447 : memref<128xf32, #tpu.memory_space<vmem>>) target(%dma_start3A_452 : memref<26624xf32, #tpu.memory_space<vmem_shared>>) offsets(%dma_start3A_450 : memref<128xi32, #tpu.memory_space<vmem>>) semaphore(%arg16 : memref<!tpu.dma_semaphore, #tpu.memory_space<semaphore_mem>>) {add = true}
      %mul3A_453 = arith.constant 16 : i32
      %mul3A_454 = arith.muli %scan3A_300, %mul3A_453 : i32
      %add3A_455 = arith.constant 9 : i32
      %add3A_456 = arith.addi %mul3A_454, %add3A_455 : i32
      %dma_start3A_457 = arith.constant 0 : i32
      %dma_start3A_458 = tpu.memref_slice %arg5[%add3A_456, %dma_start3A_457] : memref<128x128xi32, #tpu.memory_space<vmem>> -> memref<1x128xi32, #tpu.memory_space<vmem>>
      %dma_start3A_459 = tpu.memref_squeeze %dma_start3A_458 : memref<1x128xi32, #tpu.memory_space<vmem>> -> memref<128xi32, #tpu.memory_space<vmem>>
      %dma_start3A_460 = arith.constant 0 : i32
      %dma_start3A_461 = tpu.memref_slice %arg13[%dma_start3A_460] : memref<26624xf32, #tpu.memory_space<vmem_shared>> -> memref<26624xf32, #tpu.memory_space<vmem_shared>>
      tpu.enqueue_indirect_dma source(%arg7 : memref<128xf32, #tpu.memory_space<vmem>>) target(%dma_start3A_461 : memref<26624xf32, #tpu.memory_space<vmem_shared>>) offsets(%dma_start3A_459 : memref<128xi32, #tpu.memory_space<vmem>>) semaphore(%arg16 : memref<!tpu.dma_semaphore, #tpu.memory_space<semaphore_mem>>) {add = true}
      %dma_start3A_462 = arith.constant 0 : i32
      %dma_start3A_463 = tpu.memref_slice %arg6[%add3A_456, %dma_start3A_462] : memref<128x128xf32, #tpu.memory_space<vmem>> -> memref<1x128xf32, #tpu.memory_space<vmem>>
      %dma_start3A_464 = tpu.memref_squeeze %dma_start3A_463 : memref<1x128xf32, #tpu.memory_space<vmem>> -> memref<128xf32, #tpu.memory_space<vmem>>
      %dma_start3A_465 = arith.constant 0 : i32
      %dma_start3A_466 = tpu.memref_slice %arg5[%add3A_456, %dma_start3A_465] : memref<128x128xi32, #tpu.memory_space<vmem>> -> memref<1x128xi32, #tpu.memory_space<vmem>>
      %dma_start3A_467 = tpu.memref_squeeze %dma_start3A_466 : memref<1x128xi32, #tpu.memory_space<vmem>> -> memref<128xi32, #tpu.memory_space<vmem>>
      %dma_start3A_468 = arith.constant 0 : i32
      %dma_start3A_469 = tpu.memref_slice %arg14[%dma_start3A_468] : memref<26624xf32, #tpu.memory_space<vmem_shared>> -> memref<26624xf32, #tpu.memory_space<vmem_shared>>
      tpu.enqueue_indirect_dma source(%dma_start3A_464 : memref<128xf32, #tpu.memory_space<vmem>>) target(%dma_start3A_469 : memref<26624xf32, #tpu.memory_space<vmem_shared>>) offsets(%dma_start3A_467 : memref<128xi32, #tpu.memory_space<vmem>>) semaphore(%arg16 : memref<!tpu.dma_semaphore, #tpu.memory_space<semaphore_mem>>) {add = true}
      %mul3A_470 = arith.constant 16 : i32
      %mul3A_471 = arith.muli %scan3A_300, %mul3A_470 : i32
      %add3A_472 = arith.constant 10 : i32
      %add3A_473 = arith.addi %mul3A_471, %add3A_472 : i32
      %dma_start3A_474 = arith.constant 0 : i32
      %dma_start3A_475 = tpu.memref_slice %arg5[%add3A_473, %dma_start3A_474] : memref<128x128xi32, #tpu.memory_space<vmem>> -> memref<1x128xi32, #tpu.memory_space<vmem>>
      %dma_start3A_476 = tpu.memref_squeeze %dma_start3A_475 : memref<1x128xi32, #tpu.memory_space<vmem>> -> memref<128xi32, #tpu.memory_space<vmem>>
      %dma_start3A_477 = arith.constant 0 : i32
      %dma_start3A_478 = tpu.memref_slice %arg13[%dma_start3A_477] : memref<26624xf32, #tpu.memory_space<vmem_shared>> -> memref<26624xf32, #tpu.memory_space<vmem_shared>>
      tpu.enqueue_indirect_dma source(%arg7 : memref<128xf32, #tpu.memory_space<vmem>>) target(%dma_start3A_478 : memref<26624xf32, #tpu.memory_space<vmem_shared>>) offsets(%dma_start3A_476 : memref<128xi32, #tpu.memory_space<vmem>>) semaphore(%arg16 : memref<!tpu.dma_semaphore, #tpu.memory_space<semaphore_mem>>) {add = true}
      %dma_start3A_479 = arith.constant 0 : i32
      %dma_start3A_480 = tpu.memref_slice %arg6[%add3A_473, %dma_start3A_479] : memref<128x128xf32, #tpu.memory_space<vmem>> -> memref<1x128xf32, #tpu.memory_space<vmem>>
      %dma_start3A_481 = tpu.memref_squeeze %dma_start3A_480 : memref<1x128xf32, #tpu.memory_space<vmem>> -> memref<128xf32, #tpu.memory_space<vmem>>
      %dma_start3A_482 = arith.constant 0 : i32
      %dma_start3A_483 = tpu.memref_slice %arg5[%add3A_473, %dma_start3A_482] : memref<128x128xi32, #tpu.memory_space<vmem>> -> memref<1x128xi32, #tpu.memory_space<vmem>>
      %dma_start3A_484 = tpu.memref_squeeze %dma_start3A_483 : memref<1x128xi32, #tpu.memory_space<vmem>> -> memref<128xi32, #tpu.memory_space<vmem>>
      %dma_start3A_485 = arith.constant 0 : i32
      %dma_start3A_486 = tpu.memref_slice %arg14[%dma_start3A_485] : memref<26624xf32, #tpu.memory_space<vmem_shared>> -> memref<26624xf32, #tpu.memory_space<vmem_shared>>
      tpu.enqueue_indirect_dma source(%dma_start3A_481 : memref<128xf32, #tpu.memory_space<vmem>>) target(%dma_start3A_486 : memref<26624xf32, #tpu.memory_space<vmem_shared>>) offsets(%dma_start3A_484 : memref<128xi32, #tpu.memory_space<vmem>>) semaphore(%arg16 : memref<!tpu.dma_semaphore, #tpu.memory_space<semaphore_mem>>) {add = true}
      %mul3A_487 = arith.constant 16 : i32
      %mul3A_488 = arith.muli %scan3A_300, %mul3A_487 : i32
      %add3A_489 = arith.constant 11 : i32
      %add3A_490 = arith.addi %mul3A_488, %add3A_489 : i32
      %dma_start3A_491 = arith.constant 0 : i32
      %dma_start3A_492 = tpu.memref_slice %arg5[%add3A_490, %dma_start3A_491] : memref<128x128xi32, #tpu.memory_space<vmem>> -> memref<1x128xi32, #tpu.memory_space<vmem>>
      %dma_start3A_493 = tpu.memref_squeeze %dma_start3A_492 : memref<1x128xi32, #tpu.memory_space<vmem>> -> memref<128xi32, #tpu.memory_space<vmem>>
      %dma_start3A_494 = arith.constant 0 : i32
      %dma_start3A_495 = tpu.memref_slice %arg13[%dma_start3A_494] : memref<26624xf32, #tpu.memory_space<vmem_shared>> -> memref<26624xf32, #tpu.memory_space<vmem_shared>>
      tpu.enqueue_indirect_dma source(%arg7 : memref<128xf32, #tpu.memory_space<vmem>>) target(%dma_start3A_495 : memref<26624xf32, #tpu.memory_space<vmem_shared>>) offsets(%dma_start3A_493 : memref<128xi32, #tpu.memory_space<vmem>>) semaphore(%arg16 : memref<!tpu.dma_semaphore, #tpu.memory_space<semaphore_mem>>) {add = true}
      %dma_start3A_496 = arith.constant 0 : i32
      %dma_start3A_497 = tpu.memref_slice %arg6[%add3A_490, %dma_start3A_496] : memref<128x128xf32, #tpu.memory_space<vmem>> -> memref<1x128xf32, #tpu.memory_space<vmem>>
      %dma_start3A_498 = tpu.memref_squeeze %dma_start3A_497 : memref<1x128xf32, #tpu.memory_space<vmem>> -> memref<128xf32, #tpu.memory_space<vmem>>
      %dma_start3A_499 = arith.constant 0 : i32
      %dma_start3A_500 = tpu.memref_slice %arg5[%add3A_490, %dma_start3A_499] : memref<128x128xi32, #tpu.memory_space<vmem>> -> memref<1x128xi32, #tpu.memory_space<vmem>>
      %dma_start3A_501 = tpu.memref_squeeze %dma_start3A_500 : memref<1x128xi32, #tpu.memory_space<vmem>> -> memref<128xi32, #tpu.memory_space<vmem>>
      %dma_start3A_502 = arith.constant 0 : i32
      %dma_start3A_503 = tpu.memref_slice %arg14[%dma_start3A_502] : memref<26624xf32, #tpu.memory_space<vmem_shared>> -> memref<26624xf32, #tpu.memory_space<vmem_shared>>
      tpu.enqueue_indirect_dma source(%dma_start3A_498 : memref<128xf32, #tpu.memory_space<vmem>>) target(%dma_start3A_503 : memref<26624xf32, #tpu.memory_space<vmem_shared>>) offsets(%dma_start3A_501 : memref<128xi32, #tpu.memory_space<vmem>>) semaphore(%arg16 : memref<!tpu.dma_semaphore, #tpu.memory_space<semaphore_mem>>) {add = true}
      %mul3A_504 = arith.constant 16 : i32
      %mul3A_505 = arith.muli %scan3A_300, %mul3A_504 : i32
      %add3A_506 = arith.constant 12 : i32
      %add3A_507 = arith.addi %mul3A_505, %add3A_506 : i32
      %dma_start3A_508 = arith.constant 0 : i32
      %dma_start3A_509 = tpu.memref_slice %arg5[%add3A_507, %dma_start3A_508] : memref<128x128xi32, #tpu.memory_space<vmem>> -> memref<1x128xi32, #tpu.memory_space<vmem>>
      %dma_start3A_510 = tpu.memref_squeeze %dma_start3A_509 : memref<1x128xi32, #tpu.memory_space<vmem>> -> memref<128xi32, #tpu.memory_space<vmem>>
      %dma_start3A_511 = arith.constant 0 : i32
      %dma_start3A_512 = tpu.memref_slice %arg13[%dma_start3A_511] : memref<26624xf32, #tpu.memory_space<vmem_shared>> -> memref<26624xf32, #tpu.memory_space<vmem_shared>>
      tpu.enqueue_indirect_dma source(%arg7 : memref<128xf32, #tpu.memory_space<vmem>>) target(%dma_start3A_512 : memref<26624xf32, #tpu.memory_space<vmem_shared>>) offsets(%dma_start3A_510 : memref<128xi32, #tpu.memory_space<vmem>>) semaphore(%arg16 : memref<!tpu.dma_semaphore, #tpu.memory_space<semaphore_mem>>) {add = true}
      %dma_start3A_513 = arith.constant 0 : i32
      %dma_start3A_514 = tpu.memref_slice %arg6[%add3A_507, %dma_start3A_513] : memref<128x128xf32, #tpu.memory_space<vmem>> -> memref<1x128xf32, #tpu.memory_space<vmem>>
      %dma_start3A_515 = tpu.memref_squeeze %dma_start3A_514 : memref<1x128xf32, #tpu.memory_space<vmem>> -> memref<128xf32, #tpu.memory_space<vmem>>
      %dma_start3A_516 = arith.constant 0 : i32
      %dma_start3A_517 = tpu.memref_slice %arg5[%add3A_507, %dma_start3A_516] : memref<128x128xi32, #tpu.memory_space<vmem>> -> memref<1x128xi32, #tpu.memory_space<vmem>>
      %dma_start3A_518 = tpu.memref_squeeze %dma_start3A_517 : memref<1x128xi32, #tpu.memory_space<vmem>> -> memref<128xi32, #tpu.memory_space<vmem>>
      %dma_start3A_519 = arith.constant 0 : i32
      %dma_start3A_520 = tpu.memref_slice %arg14[%dma_start3A_519] : memref<26624xf32, #tpu.memory_space<vmem_shared>> -> memref<26624xf32, #tpu.memory_space<vmem_shared>>
      tpu.enqueue_indirect_dma source(%dma_start3A_515 : memref<128xf32, #tpu.memory_space<vmem>>) target(%dma_start3A_520 : memref<26624xf32, #tpu.memory_space<vmem_shared>>) offsets(%dma_start3A_518 : memref<128xi32, #tpu.memory_space<vmem>>) semaphore(%arg16 : memref<!tpu.dma_semaphore, #tpu.memory_space<semaphore_mem>>) {add = true}
      %mul3A_521 = arith.constant 16 : i32
      %mul3A_522 = arith.muli %scan3A_300, %mul3A_521 : i32
      %add3A_523 = arith.constant 13 : i32
      %add3A_524 = arith.addi %mul3A_522, %add3A_523 : i32
      %dma_start3A_525 = arith.constant 0 : i32
      %dma_start3A_526 = tpu.memref_slice %arg5[%add3A_524, %dma_start3A_525] : memref<128x128xi32, #tpu.memory_space<vmem>> -> memref<1x128xi32, #tpu.memory_space<vmem>>
      %dma_start3A_527 = tpu.memref_squeeze %dma_start3A_526 : memref<1x128xi32, #tpu.memory_space<vmem>> -> memref<128xi32, #tpu.memory_space<vmem>>
      %dma_start3A_528 = arith.constant 0 : i32
      %dma_start3A_529 = tpu.memref_slice %arg13[%dma_start3A_528] : memref<26624xf32, #tpu.memory_space<vmem_shared>> -> memref<26624xf32, #tpu.memory_space<vmem_shared>>
      tpu.enqueue_indirect_dma source(%arg7 : memref<128xf32, #tpu.memory_space<vmem>>) target(%dma_start3A_529 : memref<26624xf32, #tpu.memory_space<vmem_shared>>) offsets(%dma_start3A_527 : memref<128xi32, #tpu.memory_space<vmem>>) semaphore(%arg16 : memref<!tpu.dma_semaphore, #tpu.memory_space<semaphore_mem>>) {add = true}
      %dma_start3A_530 = arith.constant 0 : i32
      %dma_start3A_531 = tpu.memref_slice %arg6[%add3A_524, %dma_start3A_530] : memref<128x128xf32, #tpu.memory_space<vmem>> -> memref<1x128xf32, #tpu.memory_space<vmem>>
      %dma_start3A_532 = tpu.memref_squeeze %dma_start3A_531 : memref<1x128xf32, #tpu.memory_space<vmem>> -> memref<128xf32, #tpu.memory_space<vmem>>
      %dma_start3A_533 = arith.constant 0 : i32
      %dma_start3A_534 = tpu.memref_slice %arg5[%add3A_524, %dma_start3A_533] : memref<128x128xi32, #tpu.memory_space<vmem>> -> memref<1x128xi32, #tpu.memory_space<vmem>>
      %dma_start3A_535 = tpu.memref_squeeze %dma_start3A_534 : memref<1x128xi32, #tpu.memory_space<vmem>> -> memref<128xi32, #tpu.memory_space<vmem>>
      %dma_start3A_536 = arith.constant 0 : i32
      %dma_start3A_537 = tpu.memref_slice %arg14[%dma_start3A_536] : memref<26624xf32, #tpu.memory_space<vmem_shared>> -> memref<26624xf32, #tpu.memory_space<vmem_shared>>
      tpu.enqueue_indirect_dma source(%dma_start3A_532 : memref<128xf32, #tpu.memory_space<vmem>>) target(%dma_start3A_537 : memref<26624xf32, #tpu.memory_space<vmem_shared>>) offsets(%dma_start3A_535 : memref<128xi32, #tpu.memory_space<vmem>>) semaphore(%arg16 : memref<!tpu.dma_semaphore, #tpu.memory_space<semaphore_mem>>) {add = true}
      %mul3A_538 = arith.constant 16 : i32
      %mul3A_539 = arith.muli %scan3A_300, %mul3A_538 : i32
      %add3A_540 = arith.constant 14 : i32
      %add3A_541 = arith.addi %mul3A_539, %add3A_540 : i32
      %dma_start3A_542 = arith.constant 0 : i32
      %dma_start3A_543 = tpu.memref_slice %arg5[%add3A_541, %dma_start3A_542] : memref<128x128xi32, #tpu.memory_space<vmem>> -> memref<1x128xi32, #tpu.memory_space<vmem>>
      %dma_start3A_544 = tpu.memref_squeeze %dma_start3A_543 : memref<1x128xi32, #tpu.memory_space<vmem>> -> memref<128xi32, #tpu.memory_space<vmem>>
      %dma_start3A_545 = arith.constant 0 : i32
      %dma_start3A_546 = tpu.memref_slice %arg13[%dma_start3A_545] : memref<26624xf32, #tpu.memory_space<vmem_shared>> -> memref<26624xf32, #tpu.memory_space<vmem_shared>>
      tpu.enqueue_indirect_dma source(%arg7 : memref<128xf32, #tpu.memory_space<vmem>>) target(%dma_start3A_546 : memref<26624xf32, #tpu.memory_space<vmem_shared>>) offsets(%dma_start3A_544 : memref<128xi32, #tpu.memory_space<vmem>>) semaphore(%arg16 : memref<!tpu.dma_semaphore, #tpu.memory_space<semaphore_mem>>) {add = true}
      %dma_start3A_547 = arith.constant 0 : i32
      %dma_start3A_548 = tpu.memref_slice %arg6[%add3A_541, %dma_start3A_547] : memref<128x128xf32, #tpu.memory_space<vmem>> -> memref<1x128xf32, #tpu.memory_space<vmem>>
      %dma_start3A_549 = tpu.memref_squeeze %dma_start3A_548 : memref<1x128xf32, #tpu.memory_space<vmem>> -> memref<128xf32, #tpu.memory_space<vmem>>
      %dma_start3A_550 = arith.constant 0 : i32
      %dma_start3A_551 = tpu.memref_slice %arg5[%add3A_541, %dma_start3A_550] : memref<128x128xi32, #tpu.memory_space<vmem>> -> memref<1x128xi32, #tpu.memory_space<vmem>>
      %dma_start3A_552 = tpu.memref_squeeze %dma_start3A_551 : memref<1x128xi32, #tpu.memory_space<vmem>> -> memref<128xi32, #tpu.memory_space<vmem>>
      %dma_start3A_553 = arith.constant 0 : i32
      %dma_start3A_554 = tpu.memref_slice %arg14[%dma_start3A_553] : memref<26624xf32, #tpu.memory_space<vmem_shared>> -> memref<26624xf32, #tpu.memory_space<vmem_shared>>
      tpu.enqueue_indirect_dma source(%dma_start3A_549 : memref<128xf32, #tpu.memory_space<vmem>>) target(%dma_start3A_554 : memref<26624xf32, #tpu.memory_space<vmem_shared>>) offsets(%dma_start3A_552 : memref<128xi32, #tpu.memory_space<vmem>>) semaphore(%arg16 : memref<!tpu.dma_semaphore, #tpu.memory_space<semaphore_mem>>) {add = true}
      %mul3A_555 = arith.constant 16 : i32
      %mul3A_556 = arith.muli %scan3A_300, %mul3A_555 : i32
      %add3A_557 = arith.constant 15 : i32
      %add3A_558 = arith.addi %mul3A_556, %add3A_557 : i32
      %dma_start3A_559 = arith.constant 0 : i32
      %dma_start3A_560 = tpu.memref_slice %arg5[%add3A_558, %dma_start3A_559] : memref<128x128xi32, #tpu.memory_space<vmem>> -> memref<1x128xi32, #tpu.memory_space<vmem>>
      %dma_start3A_561 = tpu.memref_squeeze %dma_start3A_560 : memref<1x128xi32, #tpu.memory_space<vmem>> -> memref<128xi32, #tpu.memory_space<vmem>>
      %dma_start3A_562 = arith.constant 0 : i32
      %dma_start3A_563 = tpu.memref_slice %arg13[%dma_start3A_562] : memref<26624xf32, #tpu.memory_space<vmem_shared>> -> memref<26624xf32, #tpu.memory_space<vmem_shared>>
      tpu.enqueue_indirect_dma source(%arg7 : memref<128xf32, #tpu.memory_space<vmem>>) target(%dma_start3A_563 : memref<26624xf32, #tpu.memory_space<vmem_shared>>) offsets(%dma_start3A_561 : memref<128xi32, #tpu.memory_space<vmem>>) semaphore(%arg16 : memref<!tpu.dma_semaphore, #tpu.memory_space<semaphore_mem>>) {add = true}
      %dma_start3A_564 = arith.constant 0 : i32
      %dma_start3A_565 = tpu.memref_slice %arg6[%add3A_558, %dma_start3A_564] : memref<128x128xf32, #tpu.memory_space<vmem>> -> memref<1x128xf32, #tpu.memory_space<vmem>>
      %dma_start3A_566 = tpu.memref_squeeze %dma_start3A_565 : memref<1x128xf32, #tpu.memory_space<vmem>> -> memref<128xf32, #tpu.memory_space<vmem>>
      %dma_start3A_567 = arith.constant 0 : i32
      %dma_start3A_568 = tpu.memref_slice %arg5[%add3A_558, %dma_start3A_567] : memref<128x128xi32, #tpu.memory_space<vmem>> -> memref<1x128xi32, #tpu.memory_space<vmem>>
      %dma_start3A_569 = tpu.memref_squeeze %dma_start3A_568 : memref<1x128xi32, #tpu.memory_space<vmem>> -> memref<128xi32, #tpu.memory_space<vmem>>
      %dma_start3A_570 = arith.constant 0 : i32
      %dma_start3A_571 = tpu.memref_slice %arg14[%dma_start3A_570] : memref<26624xf32, #tpu.memory_space<vmem_shared>> -> memref<26624xf32, #tpu.memory_space<vmem_shared>>
      tpu.enqueue_indirect_dma source(%dma_start3A_566 : memref<128xf32, #tpu.memory_space<vmem>>) target(%dma_start3A_571 : memref<26624xf32, #tpu.memory_space<vmem_shared>>) offsets(%dma_start3A_569 : memref<128xi32, #tpu.memory_space<vmem>>) semaphore(%arg16 : memref<!tpu.dma_semaphore, #tpu.memory_space<semaphore_mem>>) {add = true}
      %gt3A = arith.constant 0 : i32
      %gt3A_572 = arith.cmpi sgt, %scan3A_300, %gt3A : i32
      %convert_element_type3A_573 = arith.extui %gt3A_572 : i1 to i32
      %cond3A_574 = arith.constant 0 : i32
      %cond3A_575 = arith.cmpi ne, %convert_element_type3A_573, %cond3A_574 : i32
      scf.if %cond3A_575 {
        %sub3A = arith.constant 1 : i32
        %sub3A_577 = arith.subi %scan3A_300, %sub3A : i32
        %mul3A_578 = arith.constant 16 : i32
        %mul3A_579 = arith.muli %sub3A_577, %mul3A_578 : i32
        %add3A_580 = arith.constant 0 : i32
        %add3A_581 = arith.addi %mul3A_579, %add3A_580 : i32
        %dma_wait3A_582 = arith.constant 0 : i32
        %dma_wait3A_583 = tpu.memref_slice %arg5[%add3A_581, %dma_wait3A_582] : memref<128x128xi32, #tpu.memory_space<vmem>> -> memref<1x128xi32, #tpu.memory_space<vmem>>
        %dma_wait3A_584 = tpu.memref_squeeze %dma_wait3A_583 : memref<1x128xi32, #tpu.memory_space<vmem>> -> memref<128xi32, #tpu.memory_space<vmem>>
        %dma_wait3A_585 = arith.constant 0 : i32
        %dma_wait3A_586 = tpu.memref_slice %arg13[%dma_wait3A_585] : memref<26624xf32, #tpu.memory_space<vmem_shared>> -> memref<26624xf32, #tpu.memory_space<vmem_shared>>
        tpu.wait_indirect_dma semaphore(%arg16 : memref<!tpu.dma_semaphore, #tpu.memory_space<semaphore_mem>>) src(%arg7 : memref<128xf32, #tpu.memory_space<vmem>>) dst(%dma_wait3A_586 : memref<26624xf32, #tpu.memory_space<vmem_shared>>)
        %dma_wait3A_587 = arith.constant 0 : i32
        %dma_wait3A_588 = tpu.memref_slice %arg6[%add3A_581, %dma_wait3A_587] : memref<128x128xf32, #tpu.memory_space<vmem>> -> memref<1x128xf32, #tpu.memory_space<vmem>>
        %dma_wait3A_589 = tpu.memref_squeeze %dma_wait3A_588 : memref<1x128xf32, #tpu.memory_space<vmem>> -> memref<128xf32, #tpu.memory_space<vmem>>
        %dma_wait3A_590 = arith.constant 0 : i32
        %dma_wait3A_591 = tpu.memref_slice %arg5[%add3A_581, %dma_wait3A_590] : memref<128x128xi32, #tpu.memory_space<vmem>> -> memref<1x128xi32, #tpu.memory_space<vmem>>
        %dma_wait3A_592 = tpu.memref_squeeze %dma_wait3A_591 : memref<1x128xi32, #tpu.memory_space<vmem>> -> memref<128xi32, #tpu.memory_space<vmem>>
        %dma_wait3A_593 = arith.constant 0 : i32
        %dma_wait3A_594 = tpu.memref_slice %arg14[%dma_wait3A_593] : memref<26624xf32, #tpu.memory_space<vmem_shared>> -> memref<26624xf32, #tpu.memory_space<vmem_shared>>
        tpu.wait_indirect_dma semaphore(%arg16 : memref<!tpu.dma_semaphore, #tpu.memory_space<semaphore_mem>>) src(%dma_wait3A_589 : memref<128xf32, #tpu.memory_space<vmem>>) dst(%dma_wait3A_594 : memref<26624xf32, #tpu.memory_space<vmem_shared>>)
        %mul3A_595 = arith.constant 16 : i32
        %mul3A_596 = arith.muli %sub3A_577, %mul3A_595 : i32
        %add3A_597 = arith.constant 1 : i32
        %add3A_598 = arith.addi %mul3A_596, %add3A_597 : i32
        %dma_wait3A_599 = arith.constant 0 : i32
        %dma_wait3A_600 = tpu.memref_slice %arg5[%add3A_598, %dma_wait3A_599] : memref<128x128xi32, #tpu.memory_space<vmem>> -> memref<1x128xi32, #tpu.memory_space<vmem>>
        %dma_wait3A_601 = tpu.memref_squeeze %dma_wait3A_600 : memref<1x128xi32, #tpu.memory_space<vmem>> -> memref<128xi32, #tpu.memory_space<vmem>>
        %dma_wait3A_602 = arith.constant 0 : i32
        %dma_wait3A_603 = tpu.memref_slice %arg13[%dma_wait3A_602] : memref<26624xf32, #tpu.memory_space<vmem_shared>> -> memref<26624xf32, #tpu.memory_space<vmem_shared>>
        tpu.wait_indirect_dma semaphore(%arg16 : memref<!tpu.dma_semaphore, #tpu.memory_space<semaphore_mem>>) src(%arg7 : memref<128xf32, #tpu.memory_space<vmem>>) dst(%dma_wait3A_603 : memref<26624xf32, #tpu.memory_space<vmem_shared>>)
        %dma_wait3A_604 = arith.constant 0 : i32
        %dma_wait3A_605 = tpu.memref_slice %arg6[%add3A_598, %dma_wait3A_604] : memref<128x128xf32, #tpu.memory_space<vmem>> -> memref<1x128xf32, #tpu.memory_space<vmem>>
        %dma_wait3A_606 = tpu.memref_squeeze %dma_wait3A_605 : memref<1x128xf32, #tpu.memory_space<vmem>> -> memref<128xf32, #tpu.memory_space<vmem>>
        %dma_wait3A_607 = arith.constant 0 : i32
        %dma_wait3A_608 = tpu.memref_slice %arg5[%add3A_598, %dma_wait3A_607] : memref<128x128xi32, #tpu.memory_space<vmem>> -> memref<1x128xi32, #tpu.memory_space<vmem>>
        %dma_wait3A_609 = tpu.memref_squeeze %dma_wait3A_608 : memref<1x128xi32, #tpu.memory_space<vmem>> -> memref<128xi32, #tpu.memory_space<vmem>>
        %dma_wait3A_610 = arith.constant 0 : i32
        %dma_wait3A_611 = tpu.memref_slice %arg14[%dma_wait3A_610] : memref<26624xf32, #tpu.memory_space<vmem_shared>> -> memref<26624xf32, #tpu.memory_space<vmem_shared>>
        tpu.wait_indirect_dma semaphore(%arg16 : memref<!tpu.dma_semaphore, #tpu.memory_space<semaphore_mem>>) src(%dma_wait3A_606 : memref<128xf32, #tpu.memory_space<vmem>>) dst(%dma_wait3A_611 : memref<26624xf32, #tpu.memory_space<vmem_shared>>)
        %mul3A_612 = arith.constant 16 : i32
        %mul3A_613 = arith.muli %sub3A_577, %mul3A_612 : i32
        %add3A_614 = arith.constant 2 : i32
        %add3A_615 = arith.addi %mul3A_613, %add3A_614 : i32
        %dma_wait3A_616 = arith.constant 0 : i32
        %dma_wait3A_617 = tpu.memref_slice %arg5[%add3A_615, %dma_wait3A_616] : memref<128x128xi32, #tpu.memory_space<vmem>> -> memref<1x128xi32, #tpu.memory_space<vmem>>
        %dma_wait3A_618 = tpu.memref_squeeze %dma_wait3A_617 : memref<1x128xi32, #tpu.memory_space<vmem>> -> memref<128xi32, #tpu.memory_space<vmem>>
        %dma_wait3A_619 = arith.constant 0 : i32
        %dma_wait3A_620 = tpu.memref_slice %arg13[%dma_wait3A_619] : memref<26624xf32, #tpu.memory_space<vmem_shared>> -> memref<26624xf32, #tpu.memory_space<vmem_shared>>
        tpu.wait_indirect_dma semaphore(%arg16 : memref<!tpu.dma_semaphore, #tpu.memory_space<semaphore_mem>>) src(%arg7 : memref<128xf32, #tpu.memory_space<vmem>>) dst(%dma_wait3A_620 : memref<26624xf32, #tpu.memory_space<vmem_shared>>)
        %dma_wait3A_621 = arith.constant 0 : i32
        %dma_wait3A_622 = tpu.memref_slice %arg6[%add3A_615, %dma_wait3A_621] : memref<128x128xf32, #tpu.memory_space<vmem>> -> memref<1x128xf32, #tpu.memory_space<vmem>>
        %dma_wait3A_623 = tpu.memref_squeeze %dma_wait3A_622 : memref<1x128xf32, #tpu.memory_space<vmem>> -> memref<128xf32, #tpu.memory_space<vmem>>
        %dma_wait3A_624 = arith.constant 0 : i32
        %dma_wait3A_625 = tpu.memref_slice %arg5[%add3A_615, %dma_wait3A_624] : memref<128x128xi32, #tpu.memory_space<vmem>> -> memref<1x128xi32, #tpu.memory_space<vmem>>
        %dma_wait3A_626 = tpu.memref_squeeze %dma_wait3A_625 : memref<1x128xi32, #tpu.memory_space<vmem>> -> memref<128xi32, #tpu.memory_space<vmem>>
        %dma_wait3A_627 = arith.constant 0 : i32
        %dma_wait3A_628 = tpu.memref_slice %arg14[%dma_wait3A_627] : memref<26624xf32, #tpu.memory_space<vmem_shared>> -> memref<26624xf32, #tpu.memory_space<vmem_shared>>
        tpu.wait_indirect_dma semaphore(%arg16 : memref<!tpu.dma_semaphore, #tpu.memory_space<semaphore_mem>>) src(%dma_wait3A_623 : memref<128xf32, #tpu.memory_space<vmem>>) dst(%dma_wait3A_628 : memref<26624xf32, #tpu.memory_space<vmem_shared>>)
        %mul3A_629 = arith.constant 16 : i32
        %mul3A_630 = arith.muli %sub3A_577, %mul3A_629 : i32
        %add3A_631 = arith.constant 3 : i32
        %add3A_632 = arith.addi %mul3A_630, %add3A_631 : i32
        %dma_wait3A_633 = arith.constant 0 : i32
        %dma_wait3A_634 = tpu.memref_slice %arg5[%add3A_632, %dma_wait3A_633] : memref<128x128xi32, #tpu.memory_space<vmem>> -> memref<1x128xi32, #tpu.memory_space<vmem>>
        %dma_wait3A_635 = tpu.memref_squeeze %dma_wait3A_634 : memref<1x128xi32, #tpu.memory_space<vmem>> -> memref<128xi32, #tpu.memory_space<vmem>>
        %dma_wait3A_636 = arith.constant 0 : i32
        %dma_wait3A_637 = tpu.memref_slice %arg13[%dma_wait3A_636] : memref<26624xf32, #tpu.memory_space<vmem_shared>> -> memref<26624xf32, #tpu.memory_space<vmem_shared>>
        tpu.wait_indirect_dma semaphore(%arg16 : memref<!tpu.dma_semaphore, #tpu.memory_space<semaphore_mem>>) src(%arg7 : memref<128xf32, #tpu.memory_space<vmem>>) dst(%dma_wait3A_637 : memref<26624xf32, #tpu.memory_space<vmem_shared>>)
        %dma_wait3A_638 = arith.constant 0 : i32
        %dma_wait3A_639 = tpu.memref_slice %arg6[%add3A_632, %dma_wait3A_638] : memref<128x128xf32, #tpu.memory_space<vmem>> -> memref<1x128xf32, #tpu.memory_space<vmem>>
        %dma_wait3A_640 = tpu.memref_squeeze %dma_wait3A_639 : memref<1x128xf32, #tpu.memory_space<vmem>> -> memref<128xf32, #tpu.memory_space<vmem>>
        %dma_wait3A_641 = arith.constant 0 : i32
        %dma_wait3A_642 = tpu.memref_slice %arg5[%add3A_632, %dma_wait3A_641] : memref<128x128xi32, #tpu.memory_space<vmem>> -> memref<1x128xi32, #tpu.memory_space<vmem>>
        %dma_wait3A_643 = tpu.memref_squeeze %dma_wait3A_642 : memref<1x128xi32, #tpu.memory_space<vmem>> -> memref<128xi32, #tpu.memory_space<vmem>>
        %dma_wait3A_644 = arith.constant 0 : i32
        %dma_wait3A_645 = tpu.memref_slice %arg14[%dma_wait3A_644] : memref<26624xf32, #tpu.memory_space<vmem_shared>> -> memref<26624xf32, #tpu.memory_space<vmem_shared>>
        tpu.wait_indirect_dma semaphore(%arg16 : memref<!tpu.dma_semaphore, #tpu.memory_space<semaphore_mem>>) src(%dma_wait3A_640 : memref<128xf32, #tpu.memory_space<vmem>>) dst(%dma_wait3A_645 : memref<26624xf32, #tpu.memory_space<vmem_shared>>)
        %mul3A_646 = arith.constant 16 : i32
        %mul3A_647 = arith.muli %sub3A_577, %mul3A_646 : i32
        %add3A_648 = arith.constant 4 : i32
        %add3A_649 = arith.addi %mul3A_647, %add3A_648 : i32
        %dma_wait3A_650 = arith.constant 0 : i32
        %dma_wait3A_651 = tpu.memref_slice %arg5[%add3A_649, %dma_wait3A_650] : memref<128x128xi32, #tpu.memory_space<vmem>> -> memref<1x128xi32, #tpu.memory_space<vmem>>
        %dma_wait3A_652 = tpu.memref_squeeze %dma_wait3A_651 : memref<1x128xi32, #tpu.memory_space<vmem>> -> memref<128xi32, #tpu.memory_space<vmem>>
        %dma_wait3A_653 = arith.constant 0 : i32
        %dma_wait3A_654 = tpu.memref_slice %arg13[%dma_wait3A_653] : memref<26624xf32, #tpu.memory_space<vmem_shared>> -> memref<26624xf32, #tpu.memory_space<vmem_shared>>
        tpu.wait_indirect_dma semaphore(%arg16 : memref<!tpu.dma_semaphore, #tpu.memory_space<semaphore_mem>>) src(%arg7 : memref<128xf32, #tpu.memory_space<vmem>>) dst(%dma_wait3A_654 : memref<26624xf32, #tpu.memory_space<vmem_shared>>)
        %dma_wait3A_655 = arith.constant 0 : i32
        %dma_wait3A_656 = tpu.memref_slice %arg6[%add3A_649, %dma_wait3A_655] : memref<128x128xf32, #tpu.memory_space<vmem>> -> memref<1x128xf32, #tpu.memory_space<vmem>>
        %dma_wait3A_657 = tpu.memref_squeeze %dma_wait3A_656 : memref<1x128xf32, #tpu.memory_space<vmem>> -> memref<128xf32, #tpu.memory_space<vmem>>
        %dma_wait3A_658 = arith.constant 0 : i32
        %dma_wait3A_659 = tpu.memref_slice %arg5[%add3A_649, %dma_wait3A_658] : memref<128x128xi32, #tpu.memory_space<vmem>> -> memref<1x128xi32, #tpu.memory_space<vmem>>
        %dma_wait3A_660 = tpu.memref_squeeze %dma_wait3A_659 : memref<1x128xi32, #tpu.memory_space<vmem>> -> memref<128xi32, #tpu.memory_space<vmem>>
        %dma_wait3A_661 = arith.constant 0 : i32
        %dma_wait3A_662 = tpu.memref_slice %arg14[%dma_wait3A_661] : memref<26624xf32, #tpu.memory_space<vmem_shared>> -> memref<26624xf32, #tpu.memory_space<vmem_shared>>
        tpu.wait_indirect_dma semaphore(%arg16 : memref<!tpu.dma_semaphore, #tpu.memory_space<semaphore_mem>>) src(%dma_wait3A_657 : memref<128xf32, #tpu.memory_space<vmem>>) dst(%dma_wait3A_662 : memref<26624xf32, #tpu.memory_space<vmem_shared>>)
        %mul3A_663 = arith.constant 16 : i32
        %mul3A_664 = arith.muli %sub3A_577, %mul3A_663 : i32
        %add3A_665 = arith.constant 5 : i32
        %add3A_666 = arith.addi %mul3A_664, %add3A_665 : i32
        %dma_wait3A_667 = arith.constant 0 : i32
        %dma_wait3A_668 = tpu.memref_slice %arg5[%add3A_666, %dma_wait3A_667] : memref<128x128xi32, #tpu.memory_space<vmem>> -> memref<1x128xi32, #tpu.memory_space<vmem>>
        %dma_wait3A_669 = tpu.memref_squeeze %dma_wait3A_668 : memref<1x128xi32, #tpu.memory_space<vmem>> -> memref<128xi32, #tpu.memory_space<vmem>>
        %dma_wait3A_670 = arith.constant 0 : i32
        %dma_wait3A_671 = tpu.memref_slice %arg13[%dma_wait3A_670] : memref<26624xf32, #tpu.memory_space<vmem_shared>> -> memref<26624xf32, #tpu.memory_space<vmem_shared>>
        tpu.wait_indirect_dma semaphore(%arg16 : memref<!tpu.dma_semaphore, #tpu.memory_space<semaphore_mem>>) src(%arg7 : memref<128xf32, #tpu.memory_space<vmem>>) dst(%dma_wait3A_671 : memref<26624xf32, #tpu.memory_space<vmem_shared>>)
        %dma_wait3A_672 = arith.constant 0 : i32
        %dma_wait3A_673 = tpu.memref_slice %arg6[%add3A_666, %dma_wait3A_672] : memref<128x128xf32, #tpu.memory_space<vmem>> -> memref<1x128xf32, #tpu.memory_space<vmem>>
        %dma_wait3A_674 = tpu.memref_squeeze %dma_wait3A_673 : memref<1x128xf32, #tpu.memory_space<vmem>> -> memref<128xf32, #tpu.memory_space<vmem>>
        %dma_wait3A_675 = arith.constant 0 : i32
        %dma_wait3A_676 = tpu.memref_slice %arg5[%add3A_666, %dma_wait3A_675] : memref<128x128xi32, #tpu.memory_space<vmem>> -> memref<1x128xi32, #tpu.memory_space<vmem>>
        %dma_wait3A_677 = tpu.memref_squeeze %dma_wait3A_676 : memref<1x128xi32, #tpu.memory_space<vmem>> -> memref<128xi32, #tpu.memory_space<vmem>>
        %dma_wait3A_678 = arith.constant 0 : i32
        %dma_wait3A_679 = tpu.memref_slice %arg14[%dma_wait3A_678] : memref<26624xf32, #tpu.memory_space<vmem_shared>> -> memref<26624xf32, #tpu.memory_space<vmem_shared>>
        tpu.wait_indirect_dma semaphore(%arg16 : memref<!tpu.dma_semaphore, #tpu.memory_space<semaphore_mem>>) src(%dma_wait3A_674 : memref<128xf32, #tpu.memory_space<vmem>>) dst(%dma_wait3A_679 : memref<26624xf32, #tpu.memory_space<vmem_shared>>)
        %mul3A_680 = arith.constant 16 : i32
        %mul3A_681 = arith.muli %sub3A_577, %mul3A_680 : i32
        %add3A_682 = arith.constant 6 : i32
        %add3A_683 = arith.addi %mul3A_681, %add3A_682 : i32
        %dma_wait3A_684 = arith.constant 0 : i32
        %dma_wait3A_685 = tpu.memref_slice %arg5[%add3A_683, %dma_wait3A_684] : memref<128x128xi32, #tpu.memory_space<vmem>> -> memref<1x128xi32, #tpu.memory_space<vmem>>
        %dma_wait3A_686 = tpu.memref_squeeze %dma_wait3A_685 : memref<1x128xi32, #tpu.memory_space<vmem>> -> memref<128xi32, #tpu.memory_space<vmem>>
        %dma_wait3A_687 = arith.constant 0 : i32
        %dma_wait3A_688 = tpu.memref_slice %arg13[%dma_wait3A_687] : memref<26624xf32, #tpu.memory_space<vmem_shared>> -> memref<26624xf32, #tpu.memory_space<vmem_shared>>
        tpu.wait_indirect_dma semaphore(%arg16 : memref<!tpu.dma_semaphore, #tpu.memory_space<semaphore_mem>>) src(%arg7 : memref<128xf32, #tpu.memory_space<vmem>>) dst(%dma_wait3A_688 : memref<26624xf32, #tpu.memory_space<vmem_shared>>)
        %dma_wait3A_689 = arith.constant 0 : i32
        %dma_wait3A_690 = tpu.memref_slice %arg6[%add3A_683, %dma_wait3A_689] : memref<128x128xf32, #tpu.memory_space<vmem>> -> memref<1x128xf32, #tpu.memory_space<vmem>>
        %dma_wait3A_691 = tpu.memref_squeeze %dma_wait3A_690 : memref<1x128xf32, #tpu.memory_space<vmem>> -> memref<128xf32, #tpu.memory_space<vmem>>
        %dma_wait3A_692 = arith.constant 0 : i32
        %dma_wait3A_693 = tpu.memref_slice %arg5[%add3A_683, %dma_wait3A_692] : memref<128x128xi32, #tpu.memory_space<vmem>> -> memref<1x128xi32, #tpu.memory_space<vmem>>
        %dma_wait3A_694 = tpu.memref_squeeze %dma_wait3A_693 : memref<1x128xi32, #tpu.memory_space<vmem>> -> memref<128xi32, #tpu.memory_space<vmem>>
        %dma_wait3A_695 = arith.constant 0 : i32
        %dma_wait3A_696 = tpu.memref_slice %arg14[%dma_wait3A_695] : memref<26624xf32, #tpu.memory_space<vmem_shared>> -> memref<26624xf32, #tpu.memory_space<vmem_shared>>
        tpu.wait_indirect_dma semaphore(%arg16 : memref<!tpu.dma_semaphore, #tpu.memory_space<semaphore_mem>>) src(%dma_wait3A_691 : memref<128xf32, #tpu.memory_space<vmem>>) dst(%dma_wait3A_696 : memref<26624xf32, #tpu.memory_space<vmem_shared>>)
        %mul3A_697 = arith.constant 16 : i32
        %mul3A_698 = arith.muli %sub3A_577, %mul3A_697 : i32
        %add3A_699 = arith.constant 7 : i32
        %add3A_700 = arith.addi %mul3A_698, %add3A_699 : i32
        %dma_wait3A_701 = arith.constant 0 : i32
        %dma_wait3A_702 = tpu.memref_slice %arg5[%add3A_700, %dma_wait3A_701] : memref<128x128xi32, #tpu.memory_space<vmem>> -> memref<1x128xi32, #tpu.memory_space<vmem>>
        %dma_wait3A_703 = tpu.memref_squeeze %dma_wait3A_702 : memref<1x128xi32, #tpu.memory_space<vmem>> -> memref<128xi32, #tpu.memory_space<vmem>>
        %dma_wait3A_704 = arith.constant 0 : i32
        %dma_wait3A_705 = tpu.memref_slice %arg13[%dma_wait3A_704] : memref<26624xf32, #tpu.memory_space<vmem_shared>> -> memref<26624xf32, #tpu.memory_space<vmem_shared>>
        tpu.wait_indirect_dma semaphore(%arg16 : memref<!tpu.dma_semaphore, #tpu.memory_space<semaphore_mem>>) src(%arg7 : memref<128xf32, #tpu.memory_space<vmem>>) dst(%dma_wait3A_705 : memref<26624xf32, #tpu.memory_space<vmem_shared>>)
        %dma_wait3A_706 = arith.constant 0 : i32
        %dma_wait3A_707 = tpu.memref_slice %arg6[%add3A_700, %dma_wait3A_706] : memref<128x128xf32, #tpu.memory_space<vmem>> -> memref<1x128xf32, #tpu.memory_space<vmem>>
        %dma_wait3A_708 = tpu.memref_squeeze %dma_wait3A_707 : memref<1x128xf32, #tpu.memory_space<vmem>> -> memref<128xf32, #tpu.memory_space<vmem>>
        %dma_wait3A_709 = arith.constant 0 : i32
        %dma_wait3A_710 = tpu.memref_slice %arg5[%add3A_700, %dma_wait3A_709] : memref<128x128xi32, #tpu.memory_space<vmem>> -> memref<1x128xi32, #tpu.memory_space<vmem>>
        %dma_wait3A_711 = tpu.memref_squeeze %dma_wait3A_710 : memref<1x128xi32, #tpu.memory_space<vmem>> -> memref<128xi32, #tpu.memory_space<vmem>>
        %dma_wait3A_712 = arith.constant 0 : i32
        %dma_wait3A_713 = tpu.memref_slice %arg14[%dma_wait3A_712] : memref<26624xf32, #tpu.memory_space<vmem_shared>> -> memref<26624xf32, #tpu.memory_space<vmem_shared>>
        tpu.wait_indirect_dma semaphore(%arg16 : memref<!tpu.dma_semaphore, #tpu.memory_space<semaphore_mem>>) src(%dma_wait3A_708 : memref<128xf32, #tpu.memory_space<vmem>>) dst(%dma_wait3A_713 : memref<26624xf32, #tpu.memory_space<vmem_shared>>)
        %mul3A_714 = arith.constant 16 : i32
        %mul3A_715 = arith.muli %sub3A_577, %mul3A_714 : i32
        %add3A_716 = arith.constant 8 : i32
        %add3A_717 = arith.addi %mul3A_715, %add3A_716 : i32
        %dma_wait3A_718 = arith.constant 0 : i32
        %dma_wait3A_719 = tpu.memref_slice %arg5[%add3A_717, %dma_wait3A_718] : memref<128x128xi32, #tpu.memory_space<vmem>> -> memref<1x128xi32, #tpu.memory_space<vmem>>
        %dma_wait3A_720 = tpu.memref_squeeze %dma_wait3A_719 : memref<1x128xi32, #tpu.memory_space<vmem>> -> memref<128xi32, #tpu.memory_space<vmem>>
        %dma_wait3A_721 = arith.constant 0 : i32
        %dma_wait3A_722 = tpu.memref_slice %arg13[%dma_wait3A_721] : memref<26624xf32, #tpu.memory_space<vmem_shared>> -> memref<26624xf32, #tpu.memory_space<vmem_shared>>
        tpu.wait_indirect_dma semaphore(%arg16 : memref<!tpu.dma_semaphore, #tpu.memory_space<semaphore_mem>>) src(%arg7 : memref<128xf32, #tpu.memory_space<vmem>>) dst(%dma_wait3A_722 : memref<26624xf32, #tpu.memory_space<vmem_shared>>)
        %dma_wait3A_723 = arith.constant 0 : i32
        %dma_wait3A_724 = tpu.memref_slice %arg6[%add3A_717, %dma_wait3A_723] : memref<128x128xf32, #tpu.memory_space<vmem>> -> memref<1x128xf32, #tpu.memory_space<vmem>>
        %dma_wait3A_725 = tpu.memref_squeeze %dma_wait3A_724 : memref<1x128xf32, #tpu.memory_space<vmem>> -> memref<128xf32, #tpu.memory_space<vmem>>
        %dma_wait3A_726 = arith.constant 0 : i32
        %dma_wait3A_727 = tpu.memref_slice %arg5[%add3A_717, %dma_wait3A_726] : memref<128x128xi32, #tpu.memory_space<vmem>> -> memref<1x128xi32, #tpu.memory_space<vmem>>
        %dma_wait3A_728 = tpu.memref_squeeze %dma_wait3A_727 : memref<1x128xi32, #tpu.memory_space<vmem>> -> memref<128xi32, #tpu.memory_space<vmem>>
        %dma_wait3A_729 = arith.constant 0 : i32
        %dma_wait3A_730 = tpu.memref_slice %arg14[%dma_wait3A_729] : memref<26624xf32, #tpu.memory_space<vmem_shared>> -> memref<26624xf32, #tpu.memory_space<vmem_shared>>
        tpu.wait_indirect_dma semaphore(%arg16 : memref<!tpu.dma_semaphore, #tpu.memory_space<semaphore_mem>>) src(%dma_wait3A_725 : memref<128xf32, #tpu.memory_space<vmem>>) dst(%dma_wait3A_730 : memref<26624xf32, #tpu.memory_space<vmem_shared>>)
        %mul3A_731 = arith.constant 16 : i32
        %mul3A_732 = arith.muli %sub3A_577, %mul3A_731 : i32
        %add3A_733 = arith.constant 9 : i32
        %add3A_734 = arith.addi %mul3A_732, %add3A_733 : i32
        %dma_wait3A_735 = arith.constant 0 : i32
        %dma_wait3A_736 = tpu.memref_slice %arg5[%add3A_734, %dma_wait3A_735] : memref<128x128xi32, #tpu.memory_space<vmem>> -> memref<1x128xi32, #tpu.memory_space<vmem>>
        %dma_wait3A_737 = tpu.memref_squeeze %dma_wait3A_736 : memref<1x128xi32, #tpu.memory_space<vmem>> -> memref<128xi32, #tpu.memory_space<vmem>>
        %dma_wait3A_738 = arith.constant 0 : i32
        %dma_wait3A_739 = tpu.memref_slice %arg13[%dma_wait3A_738] : memref<26624xf32, #tpu.memory_space<vmem_shared>> -> memref<26624xf32, #tpu.memory_space<vmem_shared>>
        tpu.wait_indirect_dma semaphore(%arg16 : memref<!tpu.dma_semaphore, #tpu.memory_space<semaphore_mem>>) src(%arg7 : memref<128xf32, #tpu.memory_space<vmem>>) dst(%dma_wait3A_739 : memref<26624xf32, #tpu.memory_space<vmem_shared>>)
        %dma_wait3A_740 = arith.constant 0 : i32
        %dma_wait3A_741 = tpu.memref_slice %arg6[%add3A_734, %dma_wait3A_740] : memref<128x128xf32, #tpu.memory_space<vmem>> -> memref<1x128xf32, #tpu.memory_space<vmem>>
        %dma_wait3A_742 = tpu.memref_squeeze %dma_wait3A_741 : memref<1x128xf32, #tpu.memory_space<vmem>> -> memref<128xf32, #tpu.memory_space<vmem>>
        %dma_wait3A_743 = arith.constant 0 : i32
        %dma_wait3A_744 = tpu.memref_slice %arg5[%add3A_734, %dma_wait3A_743] : memref<128x128xi32, #tpu.memory_space<vmem>> -> memref<1x128xi32, #tpu.memory_space<vmem>>
        %dma_wait3A_745 = tpu.memref_squeeze %dma_wait3A_744 : memref<1x128xi32, #tpu.memory_space<vmem>> -> memref<128xi32, #tpu.memory_space<vmem>>
        %dma_wait3A_746 = arith.constant 0 : i32
        %dma_wait3A_747 = tpu.memref_slice %arg14[%dma_wait3A_746] : memref<26624xf32, #tpu.memory_space<vmem_shared>> -> memref<26624xf32, #tpu.memory_space<vmem_shared>>
        tpu.wait_indirect_dma semaphore(%arg16 : memref<!tpu.dma_semaphore, #tpu.memory_space<semaphore_mem>>) src(%dma_wait3A_742 : memref<128xf32, #tpu.memory_space<vmem>>) dst(%dma_wait3A_747 : memref<26624xf32, #tpu.memory_space<vmem_shared>>)
        %mul3A_748 = arith.constant 16 : i32
        %mul3A_749 = arith.muli %sub3A_577, %mul3A_748 : i32
        %add3A_750 = arith.constant 10 : i32
        %add3A_751 = arith.addi %mul3A_749, %add3A_750 : i32
        %dma_wait3A_752 = arith.constant 0 : i32
        %dma_wait3A_753 = tpu.memref_slice %arg5[%add3A_751, %dma_wait3A_752] : memref<128x128xi32, #tpu.memory_space<vmem>> -> memref<1x128xi32, #tpu.memory_space<vmem>>
        %dma_wait3A_754 = tpu.memref_squeeze %dma_wait3A_753 : memref<1x128xi32, #tpu.memory_space<vmem>> -> memref<128xi32, #tpu.memory_space<vmem>>
        %dma_wait3A_755 = arith.constant 0 : i32
        %dma_wait3A_756 = tpu.memref_slice %arg13[%dma_wait3A_755] : memref<26624xf32, #tpu.memory_space<vmem_shared>> -> memref<26624xf32, #tpu.memory_space<vmem_shared>>
        tpu.wait_indirect_dma semaphore(%arg16 : memref<!tpu.dma_semaphore, #tpu.memory_space<semaphore_mem>>) src(%arg7 : memref<128xf32, #tpu.memory_space<vmem>>) dst(%dma_wait3A_756 : memref<26624xf32, #tpu.memory_space<vmem_shared>>)
        %dma_wait3A_757 = arith.constant 0 : i32
        %dma_wait3A_758 = tpu.memref_slice %arg6[%add3A_751, %dma_wait3A_757] : memref<128x128xf32, #tpu.memory_space<vmem>> -> memref<1x128xf32, #tpu.memory_space<vmem>>
        %dma_wait3A_759 = tpu.memref_squeeze %dma_wait3A_758 : memref<1x128xf32, #tpu.memory_space<vmem>> -> memref<128xf32, #tpu.memory_space<vmem>>
        %dma_wait3A_760 = arith.constant 0 : i32
        %dma_wait3A_761 = tpu.memref_slice %arg5[%add3A_751, %dma_wait3A_760] : memref<128x128xi32, #tpu.memory_space<vmem>> -> memref<1x128xi32, #tpu.memory_space<vmem>>
        %dma_wait3A_762 = tpu.memref_squeeze %dma_wait3A_761 : memref<1x128xi32, #tpu.memory_space<vmem>> -> memref<128xi32, #tpu.memory_space<vmem>>
        %dma_wait3A_763 = arith.constant 0 : i32
        %dma_wait3A_764 = tpu.memref_slice %arg14[%dma_wait3A_763] : memref<26624xf32, #tpu.memory_space<vmem_shared>> -> memref<26624xf32, #tpu.memory_space<vmem_shared>>
        tpu.wait_indirect_dma semaphore(%arg16 : memref<!tpu.dma_semaphore, #tpu.memory_space<semaphore_mem>>) src(%dma_wait3A_759 : memref<128xf32, #tpu.memory_space<vmem>>) dst(%dma_wait3A_764 : memref<26624xf32, #tpu.memory_space<vmem_shared>>)
        %mul3A_765 = arith.constant 16 : i32
        %mul3A_766 = arith.muli %sub3A_577, %mul3A_765 : i32
        %add3A_767 = arith.constant 11 : i32
        %add3A_768 = arith.addi %mul3A_766, %add3A_767 : i32
        %dma_wait3A_769 = arith.constant 0 : i32
        %dma_wait3A_770 = tpu.memref_slice %arg5[%add3A_768, %dma_wait3A_769] : memref<128x128xi32, #tpu.memory_space<vmem>> -> memref<1x128xi32, #tpu.memory_space<vmem>>
        %dma_wait3A_771 = tpu.memref_squeeze %dma_wait3A_770 : memref<1x128xi32, #tpu.memory_space<vmem>> -> memref<128xi32, #tpu.memory_space<vmem>>
        %dma_wait3A_772 = arith.constant 0 : i32
        %dma_wait3A_773 = tpu.memref_slice %arg13[%dma_wait3A_772] : memref<26624xf32, #tpu.memory_space<vmem_shared>> -> memref<26624xf32, #tpu.memory_space<vmem_shared>>
        tpu.wait_indirect_dma semaphore(%arg16 : memref<!tpu.dma_semaphore, #tpu.memory_space<semaphore_mem>>) src(%arg7 : memref<128xf32, #tpu.memory_space<vmem>>) dst(%dma_wait3A_773 : memref<26624xf32, #tpu.memory_space<vmem_shared>>)
        %dma_wait3A_774 = arith.constant 0 : i32
        %dma_wait3A_775 = tpu.memref_slice %arg6[%add3A_768, %dma_wait3A_774] : memref<128x128xf32, #tpu.memory_space<vmem>> -> memref<1x128xf32, #tpu.memory_space<vmem>>
        %dma_wait3A_776 = tpu.memref_squeeze %dma_wait3A_775 : memref<1x128xf32, #tpu.memory_space<vmem>> -> memref<128xf32, #tpu.memory_space<vmem>>
        %dma_wait3A_777 = arith.constant 0 : i32
        %dma_wait3A_778 = tpu.memref_slice %arg5[%add3A_768, %dma_wait3A_777] : memref<128x128xi32, #tpu.memory_space<vmem>> -> memref<1x128xi32, #tpu.memory_space<vmem>>
        %dma_wait3A_779 = tpu.memref_squeeze %dma_wait3A_778 : memref<1x128xi32, #tpu.memory_space<vmem>> -> memref<128xi32, #tpu.memory_space<vmem>>
        %dma_wait3A_780 = arith.constant 0 : i32
        %dma_wait3A_781 = tpu.memref_slice %arg14[%dma_wait3A_780] : memref<26624xf32, #tpu.memory_space<vmem_shared>> -> memref<26624xf32, #tpu.memory_space<vmem_shared>>
        tpu.wait_indirect_dma semaphore(%arg16 : memref<!tpu.dma_semaphore, #tpu.memory_space<semaphore_mem>>) src(%dma_wait3A_776 : memref<128xf32, #tpu.memory_space<vmem>>) dst(%dma_wait3A_781 : memref<26624xf32, #tpu.memory_space<vmem_shared>>)
        %mul3A_782 = arith.constant 16 : i32
        %mul3A_783 = arith.muli %sub3A_577, %mul3A_782 : i32
        %add3A_784 = arith.constant 12 : i32
        %add3A_785 = arith.addi %mul3A_783, %add3A_784 : i32
        %dma_wait3A_786 = arith.constant 0 : i32
        %dma_wait3A_787 = tpu.memref_slice %arg5[%add3A_785, %dma_wait3A_786] : memref<128x128xi32, #tpu.memory_space<vmem>> -> memref<1x128xi32, #tpu.memory_space<vmem>>
        %dma_wait3A_788 = tpu.memref_squeeze %dma_wait3A_787 : memref<1x128xi32, #tpu.memory_space<vmem>> -> memref<128xi32, #tpu.memory_space<vmem>>
        %dma_wait3A_789 = arith.constant 0 : i32
        %dma_wait3A_790 = tpu.memref_slice %arg13[%dma_wait3A_789] : memref<26624xf32, #tpu.memory_space<vmem_shared>> -> memref<26624xf32, #tpu.memory_space<vmem_shared>>
        tpu.wait_indirect_dma semaphore(%arg16 : memref<!tpu.dma_semaphore, #tpu.memory_space<semaphore_mem>>) src(%arg7 : memref<128xf32, #tpu.memory_space<vmem>>) dst(%dma_wait3A_790 : memref<26624xf32, #tpu.memory_space<vmem_shared>>)
        %dma_wait3A_791 = arith.constant 0 : i32
        %dma_wait3A_792 = tpu.memref_slice %arg6[%add3A_785, %dma_wait3A_791] : memref<128x128xf32, #tpu.memory_space<vmem>> -> memref<1x128xf32, #tpu.memory_space<vmem>>
        %dma_wait3A_793 = tpu.memref_squeeze %dma_wait3A_792 : memref<1x128xf32, #tpu.memory_space<vmem>> -> memref<128xf32, #tpu.memory_space<vmem>>
        %dma_wait3A_794 = arith.constant 0 : i32
        %dma_wait3A_795 = tpu.memref_slice %arg5[%add3A_785, %dma_wait3A_794] : memref<128x128xi32, #tpu.memory_space<vmem>> -> memref<1x128xi32, #tpu.memory_space<vmem>>
        %dma_wait3A_796 = tpu.memref_squeeze %dma_wait3A_795 : memref<1x128xi32, #tpu.memory_space<vmem>> -> memref<128xi32, #tpu.memory_space<vmem>>
        %dma_wait3A_797 = arith.constant 0 : i32
        %dma_wait3A_798 = tpu.memref_slice %arg14[%dma_wait3A_797] : memref<26624xf32, #tpu.memory_space<vmem_shared>> -> memref<26624xf32, #tpu.memory_space<vmem_shared>>
        tpu.wait_indirect_dma semaphore(%arg16 : memref<!tpu.dma_semaphore, #tpu.memory_space<semaphore_mem>>) src(%dma_wait3A_793 : memref<128xf32, #tpu.memory_space<vmem>>) dst(%dma_wait3A_798 : memref<26624xf32, #tpu.memory_space<vmem_shared>>)
        %mul3A_799 = arith.constant 16 : i32
        %mul3A_800 = arith.muli %sub3A_577, %mul3A_799 : i32
        %add3A_801 = arith.constant 13 : i32
        %add3A_802 = arith.addi %mul3A_800, %add3A_801 : i32
        %dma_wait3A_803 = arith.constant 0 : i32
        %dma_wait3A_804 = tpu.memref_slice %arg5[%add3A_802, %dma_wait3A_803] : memref<128x128xi32, #tpu.memory_space<vmem>> -> memref<1x128xi32, #tpu.memory_space<vmem>>
        %dma_wait3A_805 = tpu.memref_squeeze %dma_wait3A_804 : memref<1x128xi32, #tpu.memory_space<vmem>> -> memref<128xi32, #tpu.memory_space<vmem>>
        %dma_wait3A_806 = arith.constant 0 : i32
        %dma_wait3A_807 = tpu.memref_slice %arg13[%dma_wait3A_806] : memref<26624xf32, #tpu.memory_space<vmem_shared>> -> memref<26624xf32, #tpu.memory_space<vmem_shared>>
        tpu.wait_indirect_dma semaphore(%arg16 : memref<!tpu.dma_semaphore, #tpu.memory_space<semaphore_mem>>) src(%arg7 : memref<128xf32, #tpu.memory_space<vmem>>) dst(%dma_wait3A_807 : memref<26624xf32, #tpu.memory_space<vmem_shared>>)
        %dma_wait3A_808 = arith.constant 0 : i32
        %dma_wait3A_809 = tpu.memref_slice %arg6[%add3A_802, %dma_wait3A_808] : memref<128x128xf32, #tpu.memory_space<vmem>> -> memref<1x128xf32, #tpu.memory_space<vmem>>
        %dma_wait3A_810 = tpu.memref_squeeze %dma_wait3A_809 : memref<1x128xf32, #tpu.memory_space<vmem>> -> memref<128xf32, #tpu.memory_space<vmem>>
        %dma_wait3A_811 = arith.constant 0 : i32
        %dma_wait3A_812 = tpu.memref_slice %arg5[%add3A_802, %dma_wait3A_811] : memref<128x128xi32, #tpu.memory_space<vmem>> -> memref<1x128xi32, #tpu.memory_space<vmem>>
        %dma_wait3A_813 = tpu.memref_squeeze %dma_wait3A_812 : memref<1x128xi32, #tpu.memory_space<vmem>> -> memref<128xi32, #tpu.memory_space<vmem>>
        %dma_wait3A_814 = arith.constant 0 : i32
        %dma_wait3A_815 = tpu.memref_slice %arg14[%dma_wait3A_814] : memref<26624xf32, #tpu.memory_space<vmem_shared>> -> memref<26624xf32, #tpu.memory_space<vmem_shared>>
        tpu.wait_indirect_dma semaphore(%arg16 : memref<!tpu.dma_semaphore, #tpu.memory_space<semaphore_mem>>) src(%dma_wait3A_810 : memref<128xf32, #tpu.memory_space<vmem>>) dst(%dma_wait3A_815 : memref<26624xf32, #tpu.memory_space<vmem_shared>>)
        %mul3A_816 = arith.constant 16 : i32
        %mul3A_817 = arith.muli %sub3A_577, %mul3A_816 : i32
        %add3A_818 = arith.constant 14 : i32
        %add3A_819 = arith.addi %mul3A_817, %add3A_818 : i32
        %dma_wait3A_820 = arith.constant 0 : i32
        %dma_wait3A_821 = tpu.memref_slice %arg5[%add3A_819, %dma_wait3A_820] : memref<128x128xi32, #tpu.memory_space<vmem>> -> memref<1x128xi32, #tpu.memory_space<vmem>>
        %dma_wait3A_822 = tpu.memref_squeeze %dma_wait3A_821 : memref<1x128xi32, #tpu.memory_space<vmem>> -> memref<128xi32, #tpu.memory_space<vmem>>
        %dma_wait3A_823 = arith.constant 0 : i32
        %dma_wait3A_824 = tpu.memref_slice %arg13[%dma_wait3A_823] : memref<26624xf32, #tpu.memory_space<vmem_shared>> -> memref<26624xf32, #tpu.memory_space<vmem_shared>>
        tpu.wait_indirect_dma semaphore(%arg16 : memref<!tpu.dma_semaphore, #tpu.memory_space<semaphore_mem>>) src(%arg7 : memref<128xf32, #tpu.memory_space<vmem>>) dst(%dma_wait3A_824 : memref<26624xf32, #tpu.memory_space<vmem_shared>>)
        %dma_wait3A_825 = arith.constant 0 : i32
        %dma_wait3A_826 = tpu.memref_slice %arg6[%add3A_819, %dma_wait3A_825] : memref<128x128xf32, #tpu.memory_space<vmem>> -> memref<1x128xf32, #tpu.memory_space<vmem>>
        %dma_wait3A_827 = tpu.memref_squeeze %dma_wait3A_826 : memref<1x128xf32, #tpu.memory_space<vmem>> -> memref<128xf32, #tpu.memory_space<vmem>>
        %dma_wait3A_828 = arith.constant 0 : i32
        %dma_wait3A_829 = tpu.memref_slice %arg5[%add3A_819, %dma_wait3A_828] : memref<128x128xi32, #tpu.memory_space<vmem>> -> memref<1x128xi32, #tpu.memory_space<vmem>>
        %dma_wait3A_830 = tpu.memref_squeeze %dma_wait3A_829 : memref<1x128xi32, #tpu.memory_space<vmem>> -> memref<128xi32, #tpu.memory_space<vmem>>
        %dma_wait3A_831 = arith.constant 0 : i32
        %dma_wait3A_832 = tpu.memref_slice %arg14[%dma_wait3A_831] : memref<26624xf32, #tpu.memory_space<vmem_shared>> -> memref<26624xf32, #tpu.memory_space<vmem_shared>>
        tpu.wait_indirect_dma semaphore(%arg16 : memref<!tpu.dma_semaphore, #tpu.memory_space<semaphore_mem>>) src(%dma_wait3A_827 : memref<128xf32, #tpu.memory_space<vmem>>) dst(%dma_wait3A_832 : memref<26624xf32, #tpu.memory_space<vmem_shared>>)
        %mul3A_833 = arith.constant 16 : i32
        %mul3A_834 = arith.muli %sub3A_577, %mul3A_833 : i32
        %add3A_835 = arith.constant 15 : i32
        %add3A_836 = arith.addi %mul3A_834, %add3A_835 : i32
        %dma_wait3A_837 = arith.constant 0 : i32
        %dma_wait3A_838 = tpu.memref_slice %arg5[%add3A_836, %dma_wait3A_837] : memref<128x128xi32, #tpu.memory_space<vmem>> -> memref<1x128xi32, #tpu.memory_space<vmem>>
        %dma_wait3A_839 = tpu.memref_squeeze %dma_wait3A_838 : memref<1x128xi32, #tpu.memory_space<vmem>> -> memref<128xi32, #tpu.memory_space<vmem>>
        %dma_wait3A_840 = arith.constant 0 : i32
        %dma_wait3A_841 = tpu.memref_slice %arg13[%dma_wait3A_840] : memref<26624xf32, #tpu.memory_space<vmem_shared>> -> memref<26624xf32, #tpu.memory_space<vmem_shared>>
        tpu.wait_indirect_dma semaphore(%arg16 : memref<!tpu.dma_semaphore, #tpu.memory_space<semaphore_mem>>) src(%arg7 : memref<128xf32, #tpu.memory_space<vmem>>) dst(%dma_wait3A_841 : memref<26624xf32, #tpu.memory_space<vmem_shared>>)
        %dma_wait3A_842 = arith.constant 0 : i32
        %dma_wait3A_843 = tpu.memref_slice %arg6[%add3A_836, %dma_wait3A_842] : memref<128x128xf32, #tpu.memory_space<vmem>> -> memref<1x128xf32, #tpu.memory_space<vmem>>
        %dma_wait3A_844 = tpu.memref_squeeze %dma_wait3A_843 : memref<1x128xf32, #tpu.memory_space<vmem>> -> memref<128xf32, #tpu.memory_space<vmem>>
        %dma_wait3A_845 = arith.constant 0 : i32
        %dma_wait3A_846 = tpu.memref_slice %arg5[%add3A_836, %dma_wait3A_845] : memref<128x128xi32, #tpu.memory_space<vmem>> -> memref<1x128xi32, #tpu.memory_space<vmem>>
        %dma_wait3A_847 = tpu.memref_squeeze %dma_wait3A_846 : memref<1x128xi32, #tpu.memory_space<vmem>> -> memref<128xi32, #tpu.memory_space<vmem>>
        %dma_wait3A_848 = arith.constant 0 : i32
        %dma_wait3A_849 = tpu.memref_slice %arg14[%dma_wait3A_848] : memref<26624xf32, #tpu.memory_space<vmem_shared>> -> memref<26624xf32, #tpu.memory_space<vmem_shared>>
        tpu.wait_indirect_dma semaphore(%arg16 : memref<!tpu.dma_semaphore, #tpu.memory_space<semaphore_mem>>) src(%dma_wait3A_844 : memref<128xf32, #tpu.memory_space<vmem>>) dst(%dma_wait3A_849 : memref<26624xf32, #tpu.memory_space<vmem_shared>>)
      } else {
      }
      %scan3A_576 = arith.constant 0 : i32
      scf.yield %scan3A_576 : i32
    }
    %scan3A_23 = arith.constant 8 : i32
    %dma_wait3A = arith.constant 112 : i32
    %dma_wait3A_24 = arith.constant 0 : i32
    %dma_wait3A_25 = tpu.memref_slice %arg5[%dma_wait3A, %dma_wait3A_24] : memref<128x128xi32, #tpu.memory_space<vmem>> -> memref<1x128xi32, #tpu.memory_space<vmem>>
    %dma_wait3A_26 = tpu.memref_squeeze %dma_wait3A_25 : memref<1x128xi32, #tpu.memory_space<vmem>> -> memref<128xi32, #tpu.memory_space<vmem>>
    %dma_wait3A_27 = arith.constant 0 : i32
    %dma_wait3A_28 = tpu.memref_slice %arg13[%dma_wait3A_27] : memref<26624xf32, #tpu.memory_space<vmem_shared>> -> memref<26624xf32, #tpu.memory_space<vmem_shared>>
    tpu.wait_indirect_dma semaphore(%arg16 : memref<!tpu.dma_semaphore, #tpu.memory_space<semaphore_mem>>) src(%arg7 : memref<128xf32, #tpu.memory_space<vmem>>) dst(%dma_wait3A_28 : memref<26624xf32, #tpu.memory_space<vmem_shared>>)
    %dma_wait3A_29 = arith.constant 112 : i32
    %dma_wait3A_30 = arith.constant 112 : i32
    %dma_wait3A_31 = arith.constant 0 : i32
    %dma_wait3A_32 = tpu.memref_slice %arg6[%dma_wait3A_29, %dma_wait3A_31] : memref<128x128xf32, #tpu.memory_space<vmem>> -> memref<1x128xf32, #tpu.memory_space<vmem>>
    %dma_wait3A_33 = tpu.memref_squeeze %dma_wait3A_32 : memref<1x128xf32, #tpu.memory_space<vmem>> -> memref<128xf32, #tpu.memory_space<vmem>>
    %dma_wait3A_34 = arith.constant 0 : i32
    %dma_wait3A_35 = tpu.memref_slice %arg5[%dma_wait3A_30, %dma_wait3A_34] : memref<128x128xi32, #tpu.memory_space<vmem>> -> memref<1x128xi32, #tpu.memory_space<vmem>>
    %dma_wait3A_36 = tpu.memref_squeeze %dma_wait3A_35 : memref<1x128xi32, #tpu.memory_space<vmem>> -> memref<128xi32, #tpu.memory_space<vmem>>
    %dma_wait3A_37 = arith.constant 0 : i32
    %dma_wait3A_38 = tpu.memref_slice %arg14[%dma_wait3A_37] : memref<26624xf32, #tpu.memory_space<vmem_shared>> -> memref<26624xf32, #tpu.memory_space<vmem_shared>>
    tpu.wait_indirect_dma semaphore(%arg16 : memref<!tpu.dma_semaphore, #tpu.memory_space<semaphore_mem>>) src(%dma_wait3A_33 : memref<128xf32, #tpu.memory_space<vmem>>) dst(%dma_wait3A_38 : memref<26624xf32, #tpu.memory_space<vmem_shared>>)
    %dma_wait3A_39 = arith.constant 113 : i32
    %dma_wait3A_40 = arith.constant 0 : i32
    %dma_wait3A_41 = tpu.memref_slice %arg5[%dma_wait3A_39, %dma_wait3A_40] : memref<128x128xi32, #tpu.memory_space<vmem>> -> memref<1x128xi32, #tpu.memory_space<vmem>>
    %dma_wait3A_42 = tpu.memref_squeeze %dma_wait3A_41 : memref<1x128xi32, #tpu.memory_space<vmem>> -> memref<128xi32, #tpu.memory_space<vmem>>
    %dma_wait3A_43 = arith.constant 0 : i32
    %dma_wait3A_44 = tpu.memref_slice %arg13[%dma_wait3A_43] : memref<26624xf32, #tpu.memory_space<vmem_shared>> -> memref<26624xf32, #tpu.memory_space<vmem_shared>>
    tpu.wait_indirect_dma semaphore(%arg16 : memref<!tpu.dma_semaphore, #tpu.memory_space<semaphore_mem>>) src(%arg7 : memref<128xf32, #tpu.memory_space<vmem>>) dst(%dma_wait3A_44 : memref<26624xf32, #tpu.memory_space<vmem_shared>>)
    %dma_wait3A_45 = arith.constant 113 : i32
    %dma_wait3A_46 = arith.constant 113 : i32
    %dma_wait3A_47 = arith.constant 0 : i32
    %dma_wait3A_48 = tpu.memref_slice %arg6[%dma_wait3A_45, %dma_wait3A_47] : memref<128x128xf32, #tpu.memory_space<vmem>> -> memref<1x128xf32, #tpu.memory_space<vmem>>
    %dma_wait3A_49 = tpu.memref_squeeze %dma_wait3A_48 : memref<1x128xf32, #tpu.memory_space<vmem>> -> memref<128xf32, #tpu.memory_space<vmem>>
    %dma_wait3A_50 = arith.constant 0 : i32
    %dma_wait3A_51 = tpu.memref_slice %arg5[%dma_wait3A_46, %dma_wait3A_50] : memref<128x128xi32, #tpu.memory_space<vmem>> -> memref<1x128xi32, #tpu.memory_space<vmem>>
    %dma_wait3A_52 = tpu.memref_squeeze %dma_wait3A_51 : memref<1x128xi32, #tpu.memory_space<vmem>> -> memref<128xi32, #tpu.memory_space<vmem>>
    %dma_wait3A_53 = arith.constant 0 : i32
    %dma_wait3A_54 = tpu.memref_slice %arg14[%dma_wait3A_53] : memref<26624xf32, #tpu.memory_space<vmem_shared>> -> memref<26624xf32, #tpu.memory_space<vmem_shared>>
    tpu.wait_indirect_dma semaphore(%arg16 : memref<!tpu.dma_semaphore, #tpu.memory_space<semaphore_mem>>) src(%dma_wait3A_49 : memref<128xf32, #tpu.memory_space<vmem>>) dst(%dma_wait3A_54 : memref<26624xf32, #tpu.memory_space<vmem_shared>>)
    %dma_wait3A_55 = arith.constant 114 : i32
    %dma_wait3A_56 = arith.constant 0 : i32
    %dma_wait3A_57 = tpu.memref_slice %arg5[%dma_wait3A_55, %dma_wait3A_56] : memref<128x128xi32, #tpu.memory_space<vmem>> -> memref<1x128xi32, #tpu.memory_space<vmem>>
    %dma_wait3A_58 = tpu.memref_squeeze %dma_wait3A_57 : memref<1x128xi32, #tpu.memory_space<vmem>> -> memref<128xi32, #tpu.memory_space<vmem>>
    %dma_wait3A_59 = arith.constant 0 : i32
    %dma_wait3A_60 = tpu.memref_slice %arg13[%dma_wait3A_59] : memref<26624xf32, #tpu.memory_space<vmem_shared>> -> memref<26624xf32, #tpu.memory_space<vmem_shared>>
    tpu.wait_indirect_dma semaphore(%arg16 : memref<!tpu.dma_semaphore, #tpu.memory_space<semaphore_mem>>) src(%arg7 : memref<128xf32, #tpu.memory_space<vmem>>) dst(%dma_wait3A_60 : memref<26624xf32, #tpu.memory_space<vmem_shared>>)
    %dma_wait3A_61 = arith.constant 114 : i32
    %dma_wait3A_62 = arith.constant 114 : i32
    %dma_wait3A_63 = arith.constant 0 : i32
    %dma_wait3A_64 = tpu.memref_slice %arg6[%dma_wait3A_61, %dma_wait3A_63] : memref<128x128xf32, #tpu.memory_space<vmem>> -> memref<1x128xf32, #tpu.memory_space<vmem>>
    %dma_wait3A_65 = tpu.memref_squeeze %dma_wait3A_64 : memref<1x128xf32, #tpu.memory_space<vmem>> -> memref<128xf32, #tpu.memory_space<vmem>>
    %dma_wait3A_66 = arith.constant 0 : i32
    %dma_wait3A_67 = tpu.memref_slice %arg5[%dma_wait3A_62, %dma_wait3A_66] : memref<128x128xi32, #tpu.memory_space<vmem>> -> memref<1x128xi32, #tpu.memory_space<vmem>>
    %dma_wait3A_68 = tpu.memref_squeeze %dma_wait3A_67 : memref<1x128xi32, #tpu.memory_space<vmem>> -> memref<128xi32, #tpu.memory_space<vmem>>
    %dma_wait3A_69 = arith.constant 0 : i32
    %dma_wait3A_70 = tpu.memref_slice %arg14[%dma_wait3A_69] : memref<26624xf32, #tpu.memory_space<vmem_shared>> -> memref<26624xf32, #tpu.memory_space<vmem_shared>>
    tpu.wait_indirect_dma semaphore(%arg16 : memref<!tpu.dma_semaphore, #tpu.memory_space<semaphore_mem>>) src(%dma_wait3A_65 : memref<128xf32, #tpu.memory_space<vmem>>) dst(%dma_wait3A_70 : memref<26624xf32, #tpu.memory_space<vmem_shared>>)
    %dma_wait3A_71 = arith.constant 115 : i32
    %dma_wait3A_72 = arith.constant 0 : i32
    %dma_wait3A_73 = tpu.memref_slice %arg5[%dma_wait3A_71, %dma_wait3A_72] : memref<128x128xi32, #tpu.memory_space<vmem>> -> memref<1x128xi32, #tpu.memory_space<vmem>>
    %dma_wait3A_74 = tpu.memref_squeeze %dma_wait3A_73 : memref<1x128xi32, #tpu.memory_space<vmem>> -> memref<128xi32, #tpu.memory_space<vmem>>
    %dma_wait3A_75 = arith.constant 0 : i32
    %dma_wait3A_76 = tpu.memref_slice %arg13[%dma_wait3A_75] : memref<26624xf32, #tpu.memory_space<vmem_shared>> -> memref<26624xf32, #tpu.memory_space<vmem_shared>>
    tpu.wait_indirect_dma semaphore(%arg16 : memref<!tpu.dma_semaphore, #tpu.memory_space<semaphore_mem>>) src(%arg7 : memref<128xf32, #tpu.memory_space<vmem>>) dst(%dma_wait3A_76 : memref<26624xf32, #tpu.memory_space<vmem_shared>>)
    %dma_wait3A_77 = arith.constant 115 : i32
    %dma_wait3A_78 = arith.constant 115 : i32
    %dma_wait3A_79 = arith.constant 0 : i32
    %dma_wait3A_80 = tpu.memref_slice %arg6[%dma_wait3A_77, %dma_wait3A_79] : memref<128x128xf32, #tpu.memory_space<vmem>> -> memref<1x128xf32, #tpu.memory_space<vmem>>
    %dma_wait3A_81 = tpu.memref_squeeze %dma_wait3A_80 : memref<1x128xf32, #tpu.memory_space<vmem>> -> memref<128xf32, #tpu.memory_space<vmem>>
    %dma_wait3A_82 = arith.constant 0 : i32
    %dma_wait3A_83 = tpu.memref_slice %arg5[%dma_wait3A_78, %dma_wait3A_82] : memref<128x128xi32, #tpu.memory_space<vmem>> -> memref<1x128xi32, #tpu.memory_space<vmem>>
    %dma_wait3A_84 = tpu.memref_squeeze %dma_wait3A_83 : memref<1x128xi32, #tpu.memory_space<vmem>> -> memref<128xi32, #tpu.memory_space<vmem>>
    %dma_wait3A_85 = arith.constant 0 : i32
    %dma_wait3A_86 = tpu.memref_slice %arg14[%dma_wait3A_85] : memref<26624xf32, #tpu.memory_space<vmem_shared>> -> memref<26624xf32, #tpu.memory_space<vmem_shared>>
    tpu.wait_indirect_dma semaphore(%arg16 : memref<!tpu.dma_semaphore, #tpu.memory_space<semaphore_mem>>) src(%dma_wait3A_81 : memref<128xf32, #tpu.memory_space<vmem>>) dst(%dma_wait3A_86 : memref<26624xf32, #tpu.memory_space<vmem_shared>>)
    %dma_wait3A_87 = arith.constant 116 : i32
    %dma_wait3A_88 = arith.constant 0 : i32
    %dma_wait3A_89 = tpu.memref_slice %arg5[%dma_wait3A_87, %dma_wait3A_88] : memref<128x128xi32, #tpu.memory_space<vmem>> -> memref<1x128xi32, #tpu.memory_space<vmem>>
    %dma_wait3A_90 = tpu.memref_squeeze %dma_wait3A_89 : memref<1x128xi32, #tpu.memory_space<vmem>> -> memref<128xi32, #tpu.memory_space<vmem>>
    %dma_wait3A_91 = arith.constant 0 : i32
    %dma_wait3A_92 = tpu.memref_slice %arg13[%dma_wait3A_91] : memref<26624xf32, #tpu.memory_space<vmem_shared>> -> memref<26624xf32, #tpu.memory_space<vmem_shared>>
    tpu.wait_indirect_dma semaphore(%arg16 : memref<!tpu.dma_semaphore, #tpu.memory_space<semaphore_mem>>) src(%arg7 : memref<128xf32, #tpu.memory_space<vmem>>) dst(%dma_wait3A_92 : memref<26624xf32, #tpu.memory_space<vmem_shared>>)
    %dma_wait3A_93 = arith.constant 116 : i32
    %dma_wait3A_94 = arith.constant 116 : i32
    %dma_wait3A_95 = arith.constant 0 : i32
    %dma_wait3A_96 = tpu.memref_slice %arg6[%dma_wait3A_93, %dma_wait3A_95] : memref<128x128xf32, #tpu.memory_space<vmem>> -> memref<1x128xf32, #tpu.memory_space<vmem>>
    %dma_wait3A_97 = tpu.memref_squeeze %dma_wait3A_96 : memref<1x128xf32, #tpu.memory_space<vmem>> -> memref<128xf32, #tpu.memory_space<vmem>>
    %dma_wait3A_98 = arith.constant 0 : i32
    %dma_wait3A_99 = tpu.memref_slice %arg5[%dma_wait3A_94, %dma_wait3A_98] : memref<128x128xi32, #tpu.memory_space<vmem>> -> memref<1x128xi32, #tpu.memory_space<vmem>>
    %dma_wait3A_100 = tpu.memref_squeeze %dma_wait3A_99 : memref<1x128xi32, #tpu.memory_space<vmem>> -> memref<128xi32, #tpu.memory_space<vmem>>
    %dma_wait3A_101 = arith.constant 0 : i32
    %dma_wait3A_102 = tpu.memref_slice %arg14[%dma_wait3A_101] : memref<26624xf32, #tpu.memory_space<vmem_shared>> -> memref<26624xf32, #tpu.memory_space<vmem_shared>>
    tpu.wait_indirect_dma semaphore(%arg16 : memref<!tpu.dma_semaphore, #tpu.memory_space<semaphore_mem>>) src(%dma_wait3A_97 : memref<128xf32, #tpu.memory_space<vmem>>) dst(%dma_wait3A_102 : memref<26624xf32, #tpu.memory_space<vmem_shared>>)
    %dma_wait3A_103 = arith.constant 117 : i32
    %dma_wait3A_104 = arith.constant 0 : i32
    %dma_wait3A_105 = tpu.memref_slice %arg5[%dma_wait3A_103, %dma_wait3A_104] : memref<128x128xi32, #tpu.memory_space<vmem>> -> memref<1x128xi32, #tpu.memory_space<vmem>>
    %dma_wait3A_106 = tpu.memref_squeeze %dma_wait3A_105 : memref<1x128xi32, #tpu.memory_space<vmem>> -> memref<128xi32, #tpu.memory_space<vmem>>
    %dma_wait3A_107 = arith.constant 0 : i32
    %dma_wait3A_108 = tpu.memref_slice %arg13[%dma_wait3A_107] : memref<26624xf32, #tpu.memory_space<vmem_shared>> -> memref<26624xf32, #tpu.memory_space<vmem_shared>>
    tpu.wait_indirect_dma semaphore(%arg16 : memref<!tpu.dma_semaphore, #tpu.memory_space<semaphore_mem>>) src(%arg7 : memref<128xf32, #tpu.memory_space<vmem>>) dst(%dma_wait3A_108 : memref<26624xf32, #tpu.memory_space<vmem_shared>>)
    %dma_wait3A_109 = arith.constant 117 : i32
    %dma_wait3A_110 = arith.constant 117 : i32
    %dma_wait3A_111 = arith.constant 0 : i32
    %dma_wait3A_112 = tpu.memref_slice %arg6[%dma_wait3A_109, %dma_wait3A_111] : memref<128x128xf32, #tpu.memory_space<vmem>> -> memref<1x128xf32, #tpu.memory_space<vmem>>
    %dma_wait3A_113 = tpu.memref_squeeze %dma_wait3A_112 : memref<1x128xf32, #tpu.memory_space<vmem>> -> memref<128xf32, #tpu.memory_space<vmem>>
    %dma_wait3A_114 = arith.constant 0 : i32
    %dma_wait3A_115 = tpu.memref_slice %arg5[%dma_wait3A_110, %dma_wait3A_114] : memref<128x128xi32, #tpu.memory_space<vmem>> -> memref<1x128xi32, #tpu.memory_space<vmem>>
    %dma_wait3A_116 = tpu.memref_squeeze %dma_wait3A_115 : memref<1x128xi32, #tpu.memory_space<vmem>> -> memref<128xi32, #tpu.memory_space<vmem>>
    %dma_wait3A_117 = arith.constant 0 : i32
    %dma_wait3A_118 = tpu.memref_slice %arg14[%dma_wait3A_117] : memref<26624xf32, #tpu.memory_space<vmem_shared>> -> memref<26624xf32, #tpu.memory_space<vmem_shared>>
    tpu.wait_indirect_dma semaphore(%arg16 : memref<!tpu.dma_semaphore, #tpu.memory_space<semaphore_mem>>) src(%dma_wait3A_113 : memref<128xf32, #tpu.memory_space<vmem>>) dst(%dma_wait3A_118 : memref<26624xf32, #tpu.memory_space<vmem_shared>>)
    %dma_wait3A_119 = arith.constant 118 : i32
    %dma_wait3A_120 = arith.constant 0 : i32
    %dma_wait3A_121 = tpu.memref_slice %arg5[%dma_wait3A_119, %dma_wait3A_120] : memref<128x128xi32, #tpu.memory_space<vmem>> -> memref<1x128xi32, #tpu.memory_space<vmem>>
    %dma_wait3A_122 = tpu.memref_squeeze %dma_wait3A_121 : memref<1x128xi32, #tpu.memory_space<vmem>> -> memref<128xi32, #tpu.memory_space<vmem>>
    %dma_wait3A_123 = arith.constant 0 : i32
    %dma_wait3A_124 = tpu.memref_slice %arg13[%dma_wait3A_123] : memref<26624xf32, #tpu.memory_space<vmem_shared>> -> memref<26624xf32, #tpu.memory_space<vmem_shared>>
    tpu.wait_indirect_dma semaphore(%arg16 : memref<!tpu.dma_semaphore, #tpu.memory_space<semaphore_mem>>) src(%arg7 : memref<128xf32, #tpu.memory_space<vmem>>) dst(%dma_wait3A_124 : memref<26624xf32, #tpu.memory_space<vmem_shared>>)
    %dma_wait3A_125 = arith.constant 118 : i32
    %dma_wait3A_126 = arith.constant 118 : i32
    %dma_wait3A_127 = arith.constant 0 : i32
    %dma_wait3A_128 = tpu.memref_slice %arg6[%dma_wait3A_125, %dma_wait3A_127] : memref<128x128xf32, #tpu.memory_space<vmem>> -> memref<1x128xf32, #tpu.memory_space<vmem>>
    %dma_wait3A_129 = tpu.memref_squeeze %dma_wait3A_128 : memref<1x128xf32, #tpu.memory_space<vmem>> -> memref<128xf32, #tpu.memory_space<vmem>>
    %dma_wait3A_130 = arith.constant 0 : i32
    %dma_wait3A_131 = tpu.memref_slice %arg5[%dma_wait3A_126, %dma_wait3A_130] : memref<128x128xi32, #tpu.memory_space<vmem>> -> memref<1x128xi32, #tpu.memory_space<vmem>>
    %dma_wait3A_132 = tpu.memref_squeeze %dma_wait3A_131 : memref<1x128xi32, #tpu.memory_space<vmem>> -> memref<128xi32, #tpu.memory_space<vmem>>
    %dma_wait3A_133 = arith.constant 0 : i32
    %dma_wait3A_134 = tpu.memref_slice %arg14[%dma_wait3A_133] : memref<26624xf32, #tpu.memory_space<vmem_shared>> -> memref<26624xf32, #tpu.memory_space<vmem_shared>>
    tpu.wait_indirect_dma semaphore(%arg16 : memref<!tpu.dma_semaphore, #tpu.memory_space<semaphore_mem>>) src(%dma_wait3A_129 : memref<128xf32, #tpu.memory_space<vmem>>) dst(%dma_wait3A_134 : memref<26624xf32, #tpu.memory_space<vmem_shared>>)
    %dma_wait3A_135 = arith.constant 119 : i32
    %dma_wait3A_136 = arith.constant 0 : i32
    %dma_wait3A_137 = tpu.memref_slice %arg5[%dma_wait3A_135, %dma_wait3A_136] : memref<128x128xi32, #tpu.memory_space<vmem>> -> memref<1x128xi32, #tpu.memory_space<vmem>>
    %dma_wait3A_138 = tpu.memref_squeeze %dma_wait3A_137 : memref<1x128xi32, #tpu.memory_space<vmem>> -> memref<128xi32, #tpu.memory_space<vmem>>
    %dma_wait3A_139 = arith.constant 0 : i32
    %dma_wait3A_140 = tpu.memref_slice %arg13[%dma_wait3A_139] : memref<26624xf32, #tpu.memory_space<vmem_shared>> -> memref<26624xf32, #tpu.memory_space<vmem_shared>>
    tpu.wait_indirect_dma semaphore(%arg16 : memref<!tpu.dma_semaphore, #tpu.memory_space<semaphore_mem>>) src(%arg7 : memref<128xf32, #tpu.memory_space<vmem>>) dst(%dma_wait3A_140 : memref<26624xf32, #tpu.memory_space<vmem_shared>>)
    %dma_wait3A_141 = arith.constant 119 : i32
    %dma_wait3A_142 = arith.constant 119 : i32
    %dma_wait3A_143 = arith.constant 0 : i32
    %dma_wait3A_144 = tpu.memref_slice %arg6[%dma_wait3A_141, %dma_wait3A_143] : memref<128x128xf32, #tpu.memory_space<vmem>> -> memref<1x128xf32, #tpu.memory_space<vmem>>
    %dma_wait3A_145 = tpu.memref_squeeze %dma_wait3A_144 : memref<1x128xf32, #tpu.memory_space<vmem>> -> memref<128xf32, #tpu.memory_space<vmem>>
    %dma_wait3A_146 = arith.constant 0 : i32
    %dma_wait3A_147 = tpu.memref_slice %arg5[%dma_wait3A_142, %dma_wait3A_146] : memref<128x128xi32, #tpu.memory_space<vmem>> -> memref<1x128xi32, #tpu.memory_space<vmem>>
    %dma_wait3A_148 = tpu.memref_squeeze %dma_wait3A_147 : memref<1x128xi32, #tpu.memory_space<vmem>> -> memref<128xi32, #tpu.memory_space<vmem>>
    %dma_wait3A_149 = arith.constant 0 : i32
    %dma_wait3A_150 = tpu.memref_slice %arg14[%dma_wait3A_149] : memref<26624xf32, #tpu.memory_space<vmem_shared>> -> memref<26624xf32, #tpu.memory_space<vmem_shared>>
    tpu.wait_indirect_dma semaphore(%arg16 : memref<!tpu.dma_semaphore, #tpu.memory_space<semaphore_mem>>) src(%dma_wait3A_145 : memref<128xf32, #tpu.memory_space<vmem>>) dst(%dma_wait3A_150 : memref<26624xf32, #tpu.memory_space<vmem_shared>>)
    %dma_wait3A_151 = arith.constant 120 : i32
    %dma_wait3A_152 = arith.constant 0 : i32
    %dma_wait3A_153 = tpu.memref_slice %arg5[%dma_wait3A_151, %dma_wait3A_152] : memref<128x128xi32, #tpu.memory_space<vmem>> -> memref<1x128xi32, #tpu.memory_space<vmem>>
    %dma_wait3A_154 = tpu.memref_squeeze %dma_wait3A_153 : memref<1x128xi32, #tpu.memory_space<vmem>> -> memref<128xi32, #tpu.memory_space<vmem>>
    %dma_wait3A_155 = arith.constant 0 : i32
    %dma_wait3A_156 = tpu.memref_slice %arg13[%dma_wait3A_155] : memref<26624xf32, #tpu.memory_space<vmem_shared>> -> memref<26624xf32, #tpu.memory_space<vmem_shared>>
    tpu.wait_indirect_dma semaphore(%arg16 : memref<!tpu.dma_semaphore, #tpu.memory_space<semaphore_mem>>) src(%arg7 : memref<128xf32, #tpu.memory_space<vmem>>) dst(%dma_wait3A_156 : memref<26624xf32, #tpu.memory_space<vmem_shared>>)
    %dma_wait3A_157 = arith.constant 120 : i32
    %dma_wait3A_158 = arith.constant 120 : i32
    %dma_wait3A_159 = arith.constant 0 : i32
    %dma_wait3A_160 = tpu.memref_slice %arg6[%dma_wait3A_157, %dma_wait3A_159] : memref<128x128xf32, #tpu.memory_space<vmem>> -> memref<1x128xf32, #tpu.memory_space<vmem>>
    %dma_wait3A_161 = tpu.memref_squeeze %dma_wait3A_160 : memref<1x128xf32, #tpu.memory_space<vmem>> -> memref<128xf32, #tpu.memory_space<vmem>>
    %dma_wait3A_162 = arith.constant 0 : i32
    %dma_wait3A_163 = tpu.memref_slice %arg5[%dma_wait3A_158, %dma_wait3A_162] : memref<128x128xi32, #tpu.memory_space<vmem>> -> memref<1x128xi32, #tpu.memory_space<vmem>>
    %dma_wait3A_164 = tpu.memref_squeeze %dma_wait3A_163 : memref<1x128xi32, #tpu.memory_space<vmem>> -> memref<128xi32, #tpu.memory_space<vmem>>
    %dma_wait3A_165 = arith.constant 0 : i32
    %dma_wait3A_166 = tpu.memref_slice %arg14[%dma_wait3A_165] : memref<26624xf32, #tpu.memory_space<vmem_shared>> -> memref<26624xf32, #tpu.memory_space<vmem_shared>>
    tpu.wait_indirect_dma semaphore(%arg16 : memref<!tpu.dma_semaphore, #tpu.memory_space<semaphore_mem>>) src(%dma_wait3A_161 : memref<128xf32, #tpu.memory_space<vmem>>) dst(%dma_wait3A_166 : memref<26624xf32, #tpu.memory_space<vmem_shared>>)
    %dma_wait3A_167 = arith.constant 121 : i32
    %dma_wait3A_168 = arith.constant 0 : i32
    %dma_wait3A_169 = tpu.memref_slice %arg5[%dma_wait3A_167, %dma_wait3A_168] : memref<128x128xi32, #tpu.memory_space<vmem>> -> memref<1x128xi32, #tpu.memory_space<vmem>>
    %dma_wait3A_170 = tpu.memref_squeeze %dma_wait3A_169 : memref<1x128xi32, #tpu.memory_space<vmem>> -> memref<128xi32, #tpu.memory_space<vmem>>
    %dma_wait3A_171 = arith.constant 0 : i32
    %dma_wait3A_172 = tpu.memref_slice %arg13[%dma_wait3A_171] : memref<26624xf32, #tpu.memory_space<vmem_shared>> -> memref<26624xf32, #tpu.memory_space<vmem_shared>>
    tpu.wait_indirect_dma semaphore(%arg16 : memref<!tpu.dma_semaphore, #tpu.memory_space<semaphore_mem>>) src(%arg7 : memref<128xf32, #tpu.memory_space<vmem>>) dst(%dma_wait3A_172 : memref<26624xf32, #tpu.memory_space<vmem_shared>>)
    %dma_wait3A_173 = arith.constant 121 : i32
    %dma_wait3A_174 = arith.constant 121 : i32
    %dma_wait3A_175 = arith.constant 0 : i32
    %dma_wait3A_176 = tpu.memref_slice %arg6[%dma_wait3A_173, %dma_wait3A_175] : memref<128x128xf32, #tpu.memory_space<vmem>> -> memref<1x128xf32, #tpu.memory_space<vmem>>
    %dma_wait3A_177 = tpu.memref_squeeze %dma_wait3A_176 : memref<1x128xf32, #tpu.memory_space<vmem>> -> memref<128xf32, #tpu.memory_space<vmem>>
    %dma_wait3A_178 = arith.constant 0 : i32
    %dma_wait3A_179 = tpu.memref_slice %arg5[%dma_wait3A_174, %dma_wait3A_178] : memref<128x128xi32, #tpu.memory_space<vmem>> -> memref<1x128xi32, #tpu.memory_space<vmem>>
    %dma_wait3A_180 = tpu.memref_squeeze %dma_wait3A_179 : memref<1x128xi32, #tpu.memory_space<vmem>> -> memref<128xi32, #tpu.memory_space<vmem>>
    %dma_wait3A_181 = arith.constant 0 : i32
    %dma_wait3A_182 = tpu.memref_slice %arg14[%dma_wait3A_181] : memref<26624xf32, #tpu.memory_space<vmem_shared>> -> memref<26624xf32, #tpu.memory_space<vmem_shared>>
    tpu.wait_indirect_dma semaphore(%arg16 : memref<!tpu.dma_semaphore, #tpu.memory_space<semaphore_mem>>) src(%dma_wait3A_177 : memref<128xf32, #tpu.memory_space<vmem>>) dst(%dma_wait3A_182 : memref<26624xf32, #tpu.memory_space<vmem_shared>>)
    %dma_wait3A_183 = arith.constant 122 : i32
    %dma_wait3A_184 = arith.constant 0 : i32
    %dma_wait3A_185 = tpu.memref_slice %arg5[%dma_wait3A_183, %dma_wait3A_184] : memref<128x128xi32, #tpu.memory_space<vmem>> -> memref<1x128xi32, #tpu.memory_space<vmem>>
    %dma_wait3A_186 = tpu.memref_squeeze %dma_wait3A_185 : memref<1x128xi32, #tpu.memory_space<vmem>> -> memref<128xi32, #tpu.memory_space<vmem>>
    %dma_wait3A_187 = arith.constant 0 : i32
    %dma_wait3A_188 = tpu.memref_slice %arg13[%dma_wait3A_187] : memref<26624xf32, #tpu.memory_space<vmem_shared>> -> memref<26624xf32, #tpu.memory_space<vmem_shared>>
    tpu.wait_indirect_dma semaphore(%arg16 : memref<!tpu.dma_semaphore, #tpu.memory_space<semaphore_mem>>) src(%arg7 : memref<128xf32, #tpu.memory_space<vmem>>) dst(%dma_wait3A_188 : memref<26624xf32, #tpu.memory_space<vmem_shared>>)
    %dma_wait3A_189 = arith.constant 122 : i32
    %dma_wait3A_190 = arith.constant 122 : i32
    %dma_wait3A_191 = arith.constant 0 : i32
    %dma_wait3A_192 = tpu.memref_slice %arg6[%dma_wait3A_189, %dma_wait3A_191] : memref<128x128xf32, #tpu.memory_space<vmem>> -> memref<1x128xf32, #tpu.memory_space<vmem>>
    %dma_wait3A_193 = tpu.memref_squeeze %dma_wait3A_192 : memref<1x128xf32, #tpu.memory_space<vmem>> -> memref<128xf32, #tpu.memory_space<vmem>>
    %dma_wait3A_194 = arith.constant 0 : i32
    %dma_wait3A_195 = tpu.memref_slice %arg5[%dma_wait3A_190, %dma_wait3A_194] : memref<128x128xi32, #tpu.memory_space<vmem>> -> memref<1x128xi32, #tpu.memory_space<vmem>>
    %dma_wait3A_196 = tpu.memref_squeeze %dma_wait3A_195 : memref<1x128xi32, #tpu.memory_space<vmem>> -> memref<128xi32, #tpu.memory_space<vmem>>
    %dma_wait3A_197 = arith.constant 0 : i32
    %dma_wait3A_198 = tpu.memref_slice %arg14[%dma_wait3A_197] : memref<26624xf32, #tpu.memory_space<vmem_shared>> -> memref<26624xf32, #tpu.memory_space<vmem_shared>>
    tpu.wait_indirect_dma semaphore(%arg16 : memref<!tpu.dma_semaphore, #tpu.memory_space<semaphore_mem>>) src(%dma_wait3A_193 : memref<128xf32, #tpu.memory_space<vmem>>) dst(%dma_wait3A_198 : memref<26624xf32, #tpu.memory_space<vmem_shared>>)
    %dma_wait3A_199 = arith.constant 123 : i32
    %dma_wait3A_200 = arith.constant 0 : i32
    %dma_wait3A_201 = tpu.memref_slice %arg5[%dma_wait3A_199, %dma_wait3A_200] : memref<128x128xi32, #tpu.memory_space<vmem>> -> memref<1x128xi32, #tpu.memory_space<vmem>>
    %dma_wait3A_202 = tpu.memref_squeeze %dma_wait3A_201 : memref<1x128xi32, #tpu.memory_space<vmem>> -> memref<128xi32, #tpu.memory_space<vmem>>
    %dma_wait3A_203 = arith.constant 0 : i32
    %dma_wait3A_204 = tpu.memref_slice %arg13[%dma_wait3A_203] : memref<26624xf32, #tpu.memory_space<vmem_shared>> -> memref<26624xf32, #tpu.memory_space<vmem_shared>>
    tpu.wait_indirect_dma semaphore(%arg16 : memref<!tpu.dma_semaphore, #tpu.memory_space<semaphore_mem>>) src(%arg7 : memref<128xf32, #tpu.memory_space<vmem>>) dst(%dma_wait3A_204 : memref<26624xf32, #tpu.memory_space<vmem_shared>>)
    %dma_wait3A_205 = arith.constant 123 : i32
    %dma_wait3A_206 = arith.constant 123 : i32
    %dma_wait3A_207 = arith.constant 0 : i32
    %dma_wait3A_208 = tpu.memref_slice %arg6[%dma_wait3A_205, %dma_wait3A_207] : memref<128x128xf32, #tpu.memory_space<vmem>> -> memref<1x128xf32, #tpu.memory_space<vmem>>
    %dma_wait3A_209 = tpu.memref_squeeze %dma_wait3A_208 : memref<1x128xf32, #tpu.memory_space<vmem>> -> memref<128xf32, #tpu.memory_space<vmem>>
    %dma_wait3A_210 = arith.constant 0 : i32
    %dma_wait3A_211 = tpu.memref_slice %arg5[%dma_wait3A_206, %dma_wait3A_210] : memref<128x128xi32, #tpu.memory_space<vmem>> -> memref<1x128xi32, #tpu.memory_space<vmem>>
    %dma_wait3A_212 = tpu.memref_squeeze %dma_wait3A_211 : memref<1x128xi32, #tpu.memory_space<vmem>> -> memref<128xi32, #tpu.memory_space<vmem>>
    %dma_wait3A_213 = arith.constant 0 : i32
    %dma_wait3A_214 = tpu.memref_slice %arg14[%dma_wait3A_213] : memref<26624xf32, #tpu.memory_space<vmem_shared>> -> memref<26624xf32, #tpu.memory_space<vmem_shared>>
    tpu.wait_indirect_dma semaphore(%arg16 : memref<!tpu.dma_semaphore, #tpu.memory_space<semaphore_mem>>) src(%dma_wait3A_209 : memref<128xf32, #tpu.memory_space<vmem>>) dst(%dma_wait3A_214 : memref<26624xf32, #tpu.memory_space<vmem_shared>>)
    %dma_wait3A_215 = arith.constant 124 : i32
    %dma_wait3A_216 = arith.constant 0 : i32
    %dma_wait3A_217 = tpu.memref_slice %arg5[%dma_wait3A_215, %dma_wait3A_216] : memref<128x128xi32, #tpu.memory_space<vmem>> -> memref<1x128xi32, #tpu.memory_space<vmem>>
    %dma_wait3A_218 = tpu.memref_squeeze %dma_wait3A_217 : memref<1x128xi32, #tpu.memory_space<vmem>> -> memref<128xi32, #tpu.memory_space<vmem>>
    %dma_wait3A_219 = arith.constant 0 : i32
    %dma_wait3A_220 = tpu.memref_slice %arg13[%dma_wait3A_219] : memref<26624xf32, #tpu.memory_space<vmem_shared>> -> memref<26624xf32, #tpu.memory_space<vmem_shared>>
    tpu.wait_indirect_dma semaphore(%arg16 : memref<!tpu.dma_semaphore, #tpu.memory_space<semaphore_mem>>) src(%arg7 : memref<128xf32, #tpu.memory_space<vmem>>) dst(%dma_wait3A_220 : memref<26624xf32, #tpu.memory_space<vmem_shared>>)
    %dma_wait3A_221 = arith.constant 124 : i32
    %dma_wait3A_222 = arith.constant 124 : i32
    %dma_wait3A_223 = arith.constant 0 : i32
    %dma_wait3A_224 = tpu.memref_slice %arg6[%dma_wait3A_221, %dma_wait3A_223] : memref<128x128xf32, #tpu.memory_space<vmem>> -> memref<1x128xf32, #tpu.memory_space<vmem>>
    %dma_wait3A_225 = tpu.memref_squeeze %dma_wait3A_224 : memref<1x128xf32, #tpu.memory_space<vmem>> -> memref<128xf32, #tpu.memory_space<vmem>>
    %dma_wait3A_226 = arith.constant 0 : i32
    %dma_wait3A_227 = tpu.memref_slice %arg5[%dma_wait3A_222, %dma_wait3A_226] : memref<128x128xi32, #tpu.memory_space<vmem>> -> memref<1x128xi32, #tpu.memory_space<vmem>>
    %dma_wait3A_228 = tpu.memref_squeeze %dma_wait3A_227 : memref<1x128xi32, #tpu.memory_space<vmem>> -> memref<128xi32, #tpu.memory_space<vmem>>
    %dma_wait3A_229 = arith.constant 0 : i32
    %dma_wait3A_230 = tpu.memref_slice %arg14[%dma_wait3A_229] : memref<26624xf32, #tpu.memory_space<vmem_shared>> -> memref<26624xf32, #tpu.memory_space<vmem_shared>>
    tpu.wait_indirect_dma semaphore(%arg16 : memref<!tpu.dma_semaphore, #tpu.memory_space<semaphore_mem>>) src(%dma_wait3A_225 : memref<128xf32, #tpu.memory_space<vmem>>) dst(%dma_wait3A_230 : memref<26624xf32, #tpu.memory_space<vmem_shared>>)
    %dma_wait3A_231 = arith.constant 125 : i32
    %dma_wait3A_232 = arith.constant 0 : i32
    %dma_wait3A_233 = tpu.memref_slice %arg5[%dma_wait3A_231, %dma_wait3A_232] : memref<128x128xi32, #tpu.memory_space<vmem>> -> memref<1x128xi32, #tpu.memory_space<vmem>>
    %dma_wait3A_234 = tpu.memref_squeeze %dma_wait3A_233 : memref<1x128xi32, #tpu.memory_space<vmem>> -> memref<128xi32, #tpu.memory_space<vmem>>
    %dma_wait3A_235 = arith.constant 0 : i32
    %dma_wait3A_236 = tpu.memref_slice %arg13[%dma_wait3A_235] : memref<26624xf32, #tpu.memory_space<vmem_shared>> -> memref<26624xf32, #tpu.memory_space<vmem_shared>>
    tpu.wait_indirect_dma semaphore(%arg16 : memref<!tpu.dma_semaphore, #tpu.memory_space<semaphore_mem>>) src(%arg7 : memref<128xf32, #tpu.memory_space<vmem>>) dst(%dma_wait3A_236 : memref<26624xf32, #tpu.memory_space<vmem_shared>>)
    %dma_wait3A_237 = arith.constant 125 : i32
    %dma_wait3A_238 = arith.constant 125 : i32
    %dma_wait3A_239 = arith.constant 0 : i32
    %dma_wait3A_240 = tpu.memref_slice %arg6[%dma_wait3A_237, %dma_wait3A_239] : memref<128x128xf32, #tpu.memory_space<vmem>> -> memref<1x128xf32, #tpu.memory_space<vmem>>
    %dma_wait3A_241 = tpu.memref_squeeze %dma_wait3A_240 : memref<1x128xf32, #tpu.memory_space<vmem>> -> memref<128xf32, #tpu.memory_space<vmem>>
    %dma_wait3A_242 = arith.constant 0 : i32
    %dma_wait3A_243 = tpu.memref_slice %arg5[%dma_wait3A_238, %dma_wait3A_242] : memref<128x128xi32, #tpu.memory_space<vmem>> -> memref<1x128xi32, #tpu.memory_space<vmem>>
    %dma_wait3A_244 = tpu.memref_squeeze %dma_wait3A_243 : memref<1x128xi32, #tpu.memory_space<vmem>> -> memref<128xi32, #tpu.memory_space<vmem>>
    %dma_wait3A_245 = arith.constant 0 : i32
    %dma_wait3A_246 = tpu.memref_slice %arg14[%dma_wait3A_245] : memref<26624xf32, #tpu.memory_space<vmem_shared>> -> memref<26624xf32, #tpu.memory_space<vmem_shared>>
    tpu.wait_indirect_dma semaphore(%arg16 : memref<!tpu.dma_semaphore, #tpu.memory_space<semaphore_mem>>) src(%dma_wait3A_241 : memref<128xf32, #tpu.memory_space<vmem>>) dst(%dma_wait3A_246 : memref<26624xf32, #tpu.memory_space<vmem_shared>>)
    %dma_wait3A_247 = arith.constant 126 : i32
    %dma_wait3A_248 = arith.constant 0 : i32
    %dma_wait3A_249 = tpu.memref_slice %arg5[%dma_wait3A_247, %dma_wait3A_248] : memref<128x128xi32, #tpu.memory_space<vmem>> -> memref<1x128xi32, #tpu.memory_space<vmem>>
    %dma_wait3A_250 = tpu.memref_squeeze %dma_wait3A_249 : memref<1x128xi32, #tpu.memory_space<vmem>> -> memref<128xi32, #tpu.memory_space<vmem>>
    %dma_wait3A_251 = arith.constant 0 : i32
    %dma_wait3A_252 = tpu.memref_slice %arg13[%dma_wait3A_251] : memref<26624xf32, #tpu.memory_space<vmem_shared>> -> memref<26624xf32, #tpu.memory_space<vmem_shared>>
    tpu.wait_indirect_dma semaphore(%arg16 : memref<!tpu.dma_semaphore, #tpu.memory_space<semaphore_mem>>) src(%arg7 : memref<128xf32, #tpu.memory_space<vmem>>) dst(%dma_wait3A_252 : memref<26624xf32, #tpu.memory_space<vmem_shared>>)
    %dma_wait3A_253 = arith.constant 126 : i32
    %dma_wait3A_254 = arith.constant 126 : i32
    %dma_wait3A_255 = arith.constant 0 : i32
    %dma_wait3A_256 = tpu.memref_slice %arg6[%dma_wait3A_253, %dma_wait3A_255] : memref<128x128xf32, #tpu.memory_space<vmem>> -> memref<1x128xf32, #tpu.memory_space<vmem>>
    %dma_wait3A_257 = tpu.memref_squeeze %dma_wait3A_256 : memref<1x128xf32, #tpu.memory_space<vmem>> -> memref<128xf32, #tpu.memory_space<vmem>>
    %dma_wait3A_258 = arith.constant 0 : i32
    %dma_wait3A_259 = tpu.memref_slice %arg5[%dma_wait3A_254, %dma_wait3A_258] : memref<128x128xi32, #tpu.memory_space<vmem>> -> memref<1x128xi32, #tpu.memory_space<vmem>>
    %dma_wait3A_260 = tpu.memref_squeeze %dma_wait3A_259 : memref<1x128xi32, #tpu.memory_space<vmem>> -> memref<128xi32, #tpu.memory_space<vmem>>
    %dma_wait3A_261 = arith.constant 0 : i32
    %dma_wait3A_262 = tpu.memref_slice %arg14[%dma_wait3A_261] : memref<26624xf32, #tpu.memory_space<vmem_shared>> -> memref<26624xf32, #tpu.memory_space<vmem_shared>>
    tpu.wait_indirect_dma semaphore(%arg16 : memref<!tpu.dma_semaphore, #tpu.memory_space<semaphore_mem>>) src(%dma_wait3A_257 : memref<128xf32, #tpu.memory_space<vmem>>) dst(%dma_wait3A_262 : memref<26624xf32, #tpu.memory_space<vmem_shared>>)
    %dma_wait3A_263 = arith.constant 127 : i32
    %dma_wait3A_264 = arith.constant 0 : i32
    %dma_wait3A_265 = tpu.memref_slice %arg5[%dma_wait3A_263, %dma_wait3A_264] : memref<128x128xi32, #tpu.memory_space<vmem>> -> memref<1x128xi32, #tpu.memory_space<vmem>>
    %dma_wait3A_266 = tpu.memref_squeeze %dma_wait3A_265 : memref<1x128xi32, #tpu.memory_space<vmem>> -> memref<128xi32, #tpu.memory_space<vmem>>
    %dma_wait3A_267 = arith.constant 0 : i32
    %dma_wait3A_268 = tpu.memref_slice %arg13[%dma_wait3A_267] : memref<26624xf32, #tpu.memory_space<vmem_shared>> -> memref<26624xf32, #tpu.memory_space<vmem_shared>>
    tpu.wait_indirect_dma semaphore(%arg16 : memref<!tpu.dma_semaphore, #tpu.memory_space<semaphore_mem>>) src(%arg7 : memref<128xf32, #tpu.memory_space<vmem>>) dst(%dma_wait3A_268 : memref<26624xf32, #tpu.memory_space<vmem_shared>>)
    %dma_wait3A_269 = arith.constant 127 : i32
    %dma_wait3A_270 = arith.constant 127 : i32
    %dma_wait3A_271 = arith.constant 0 : i32
    %dma_wait3A_272 = tpu.memref_slice %arg6[%dma_wait3A_269, %dma_wait3A_271] : memref<128x128xf32, #tpu.memory_space<vmem>> -> memref<1x128xf32, #tpu.memory_space<vmem>>
    %dma_wait3A_273 = tpu.memref_squeeze %dma_wait3A_272 : memref<1x128xf32, #tpu.memory_space<vmem>> -> memref<128xf32, #tpu.memory_space<vmem>>
    %dma_wait3A_274 = arith.constant 0 : i32
    %dma_wait3A_275 = tpu.memref_slice %arg5[%dma_wait3A_270, %dma_wait3A_274] : memref<128x128xi32, #tpu.memory_space<vmem>> -> memref<1x128xi32, #tpu.memory_space<vmem>>
    %dma_wait3A_276 = tpu.memref_squeeze %dma_wait3A_275 : memref<1x128xi32, #tpu.memory_space<vmem>> -> memref<128xi32, #tpu.memory_space<vmem>>
    %dma_wait3A_277 = arith.constant 0 : i32
    %dma_wait3A_278 = tpu.memref_slice %arg14[%dma_wait3A_277] : memref<26624xf32, #tpu.memory_space<vmem_shared>> -> memref<26624xf32, #tpu.memory_space<vmem_shared>>
    tpu.wait_indirect_dma semaphore(%arg16 : memref<!tpu.dma_semaphore, #tpu.memory_space<semaphore_mem>>) src(%dma_wait3A_273 : memref<128xf32, #tpu.memory_space<vmem>>) dst(%dma_wait3A_278 : memref<26624xf32, #tpu.memory_space<vmem_shared>>)
    %barrier3A_279 = arith.constant 0 : index
    tpu.barrier barrier_id(%barrier3A_279)
    "tpu.region"() ({
      %run_scoped3A = tpu.sem_alloc : memref<!tpu.dma_semaphore, #tpu.memory_space<semaphore_mem>>
      %dma_start3A = tpu.memref_slice %arg13[%mul3A_16] : memref<26624xf32, #tpu.memory_space<vmem_shared>> -> memref<1664xf32, #tpu.memory_space<vmem_shared>>
      %dma_start3A_300 = tpu.memref_slice %arg13[%mul3A_16] : memref<26624xf32, #tpu.memory_space<vmem_shared>> -> memref<1664xf32, #tpu.memory_space<vmem_shared>>
      tpu.enqueue_dma source(%dma_start3A_300 : memref<1664xf32, #tpu.memory_space<vmem_shared>>) target(%arg9 : memref<1664xf32, #tpu.memory_space<vmem>>) target_semaphore(%run_scoped3A : memref<!tpu.dma_semaphore, #tpu.memory_space<semaphore_mem>>)
      %dma_wait3A_301 = tpu.memref_slice %arg13[%mul3A_16] : memref<26624xf32, #tpu.memory_space<vmem_shared>> -> memref<1664xf32, #tpu.memory_space<vmem_shared>>
      %dma_wait3A_302 = tpu.memref_slice %arg13[%mul3A_16] : memref<26624xf32, #tpu.memory_space<vmem_shared>> -> memref<1664xf32, #tpu.memory_space<vmem_shared>>
      tpu.wait_dma2 semaphore(%run_scoped3A : memref<!tpu.dma_semaphore, #tpu.memory_space<semaphore_mem>>) src(%dma_wait3A_302 : memref<1664xf32, #tpu.memory_space<vmem_shared>>) dst(%arg9 : memref<1664xf32, #tpu.memory_space<vmem>>)
      tpu.yield
    }) : () -> ()
    "tpu.region"() ({
      %run_scoped3A = tpu.sem_alloc : memref<!tpu.dma_semaphore, #tpu.memory_space<semaphore_mem>>
      %dma_start3A = tpu.memref_slice %arg14[%mul3A_16] : memref<26624xf32, #tpu.memory_space<vmem_shared>> -> memref<1664xf32, #tpu.memory_space<vmem_shared>>
      %dma_start3A_300 = tpu.memref_slice %arg14[%mul3A_16] : memref<26624xf32, #tpu.memory_space<vmem_shared>> -> memref<1664xf32, #tpu.memory_space<vmem_shared>>
      tpu.enqueue_dma source(%dma_start3A_300 : memref<1664xf32, #tpu.memory_space<vmem_shared>>) target(%arg10 : memref<1664xf32, #tpu.memory_space<vmem>>) target_semaphore(%run_scoped3A : memref<!tpu.dma_semaphore, #tpu.memory_space<semaphore_mem>>)
      %dma_wait3A_301 = tpu.memref_slice %arg14[%mul3A_16] : memref<26624xf32, #tpu.memory_space<vmem_shared>> -> memref<1664xf32, #tpu.memory_space<vmem_shared>>
      %dma_wait3A_302 = tpu.memref_slice %arg14[%mul3A_16] : memref<26624xf32, #tpu.memory_space<vmem_shared>> -> memref<1664xf32, #tpu.memory_space<vmem_shared>>
      tpu.wait_dma2 semaphore(%run_scoped3A : memref<!tpu.dma_semaphore, #tpu.memory_space<semaphore_mem>>) src(%dma_wait3A_302 : memref<1664xf32, #tpu.memory_space<vmem_shared>>) dst(%arg10 : memref<1664xf32, #tpu.memory_space<vmem>>)
      tpu.yield
    }) : () -> ()
    %scan3A_280 = arith.constant 0 : i32
    %scan3A_281 = arith.constant 104 : i32
    %scan3A_282 = arith.addi %scan3A_280, %scan3A_281 : i32
    %scan3A_283 = arith.constant 1 : i32
    %scan3A_284:2 = scf.for %scan3A_300 = %scan3A_280 to %scan3A_282 step %scan3A_283 iter_args(%scan3A_301 = %broadcast_in_dim3A_0, %scan3A_302 = %broadcast_in_dim3A_0) -> (vector<16xf32>, vector<16xf32>)  : i32 {
      %mul3A_303 = arith.constant 16 : i32
      %mul3A_304 = arith.muli %scan3A_300, %mul3A_303 : i32
      %get3A = arith.index_cast %mul3A_304 : i32 to index
      %get3A_305 = tpu.vector_load %arg9[%get3A] {strides = array<i32>} : memref<1664xf32, #tpu.memory_space<vmem>>, vector<16xf32>,
      %get3A_306 = vector.shape_cast %get3A_305 : vector<16xf32> to vector<16xf32>
      %mul3A_307 = arith.constant 16 : i32
      %mul3A_308 = arith.muli %scan3A_300, %mul3A_307 : i32
      %get3A_309 = arith.index_cast %mul3A_308 : i32 to index
      %get3A_310 = tpu.vector_load %arg10[%get3A_309] {strides = array<i32>} : memref<1664xf32, #tpu.memory_space<vmem>>, vector<16xf32>,
      %get3A_311 = vector.shape_cast %get3A_310 : vector<16xf32> to vector<16xf32>
      %max3A = arith.constant 1.000000e+00 : f32
      %max3A_312 = vector.broadcast %max3A : f32 to vector<16xf32>
      %max3A_313 = arith.maximumf %get3A_306, %max3A_312 : vector<16xf32>
      %div3A = arith.divf %get3A_311, %max3A_313 : vector<16xf32>
      %add3A = arith.addf %scan3A_301, %div3A : vector<16xf32>
      %gt3A = arith.constant 0.000000e+00 : f32
      %gt3A_314 = vector.broadcast %gt3A : f32 to vector<16xf32>
      %gt3A_315 = arith.cmpf ogt, %get3A_306, %gt3A_314 : vector<16xf32>
      %jit3A = arith.constant 1.000000e+00 : f32
      %jit3A_316 = arith.constant 0.000000e+00 : f32
      %broadcast_in_dim3A_317 = vector.broadcast %jit3A : f32 to vector<16xf32>
      %broadcast_in_dim3A_318 = vector.broadcast %jit3A_316 : f32 to vector<16xf32>
      %select_n3A = arith.select %gt3A_315, %broadcast_in_dim3A_317, %broadcast_in_dim3A_318 : vector<16xi1>, vector<16xf32>
      %add3A_319 = arith.addf %scan3A_302, %select_n3A : vector<16xf32>
      scf.yield %add3A, %add3A_319 : vector<16xf32>, vector<16xf32>
    }
    %scan3A_285 = arith.constant 104 : i32
    %swap3A = arith.constant 0 : i32
    %swap3A_286 = arith.index_cast %swap3A : i32 to index
    %swap3A_287 = arith.constant 0 : index
    %swap3A_288 = tpu.vector_load %arg11[%swap3A_286, %swap3A_287] {strides = array<i32>} : memref<2x16xf32, #tpu.memory_space<vmem>>, vector<1x16xf32>,
    %swap3A_289 = vector.shape_cast %swap3A_288 : vector<1x16xf32> to vector<16xf32>
    %swap3A_290 = vector.shape_cast %scan3A_284#0 : vector<16xf32> to vector<1x16xf32>
    tpu.vector_store %arg11[%swap3A_286, %swap3A_287], %swap3A_290 {strides = array<i32>} : memref<2x16xf32, #tpu.memory_space<vmem>>, vector<1x16xf32>,
    %swap3A_291 = arith.constant 1 : i32
    %swap3A_292 = arith.index_cast %swap3A_291 : i32 to index
    %swap3A_293 = arith.constant 0 : index
    %swap3A_294 = tpu.vector_load %arg11[%swap3A_292, %swap3A_293] {strides = array<i32>} : memref<2x16xf32, #tpu.memory_space<vmem>>, vector<1x16xf32>,
    %swap3A_295 = vector.shape_cast %swap3A_294 : vector<1x16xf32> to vector<16xf32>
    %swap3A_296 = vector.shape_cast %scan3A_284#1 : vector<16xf32> to vector<1x16xf32>
    tpu.vector_store %arg11[%swap3A_292, %swap3A_293], %swap3A_296 {strides = array<i32>} : memref<2x16xf32, #tpu.memory_space<vmem>>, vector<1x16xf32>,
    "tpu.region"() ({
      %run_scoped3A = tpu.sem_alloc : memref<!tpu.dma_semaphore, #tpu.memory_space<semaphore_mem>>
      %dma_start3A = arith.constant 0 : i32
      %dma_start3A_300 = arith.constant 0 : i32
      %dma_start3A_301 = tpu.memref_slice %arg15[%arg1, %dma_start3A, %dma_start3A_300] : memref<16x2x16xf32, #tpu.memory_space<vmem_shared>> -> memref<1x2x16xf32, #tpu.memory_space<vmem_shared>>
      %dma_start3A_302 = tpu.memref_squeeze %dma_start3A_301 : memref<1x2x16xf32, #tpu.memory_space<vmem_shared>> -> memref<2x16xf32, #tpu.memory_space<vmem_shared>>
      %dma_start3A_303 = arith.constant 0 : i32
      %dma_start3A_304 = arith.constant 0 : i32
      %dma_start3A_305 = tpu.memref_slice %arg15[%arg1, %dma_start3A_303, %dma_start3A_304] : memref<16x2x16xf32, #tpu.memory_space<vmem_shared>> -> memref<1x2x16xf32, #tpu.memory_space<vmem_shared>>
      %dma_start3A_306 = tpu.memref_squeeze %dma_start3A_305 : memref<1x2x16xf32, #tpu.memory_space<vmem_shared>> -> memref<2x16xf32, #tpu.memory_space<vmem_shared>>
      tpu.enqueue_dma source(%arg11 : memref<2x16xf32, #tpu.memory_space<vmem>>) target(%dma_start3A_306 : memref<2x16xf32, #tpu.memory_space<vmem_shared>>) target_semaphore(%run_scoped3A : memref<!tpu.dma_semaphore, #tpu.memory_space<semaphore_mem>>)
      %dma_wait3A_307 = arith.constant 0 : i32
      %dma_wait3A_308 = arith.constant 0 : i32
      %dma_wait3A_309 = tpu.memref_slice %arg15[%arg1, %dma_wait3A_307, %dma_wait3A_308] : memref<16x2x16xf32, #tpu.memory_space<vmem_shared>> -> memref<1x2x16xf32, #tpu.memory_space<vmem_shared>>
      %dma_wait3A_310 = tpu.memref_squeeze %dma_wait3A_309 : memref<1x2x16xf32, #tpu.memory_space<vmem_shared>> -> memref<2x16xf32, #tpu.memory_space<vmem_shared>>
      %dma_wait3A_311 = arith.constant 0 : i32
      %dma_wait3A_312 = arith.constant 0 : i32
      %dma_wait3A_313 = tpu.memref_slice %arg15[%arg1, %dma_wait3A_311, %dma_wait3A_312] : memref<16x2x16xf32, #tpu.memory_space<vmem_shared>> -> memref<1x2x16xf32, #tpu.memory_space<vmem_shared>>
      %dma_wait3A_314 = tpu.memref_squeeze %dma_wait3A_313 : memref<1x2x16xf32, #tpu.memory_space<vmem_shared>> -> memref<2x16xf32, #tpu.memory_space<vmem_shared>>
      tpu.wait_dma2 semaphore(%run_scoped3A : memref<!tpu.dma_semaphore, #tpu.memory_space<semaphore_mem>>) src(%arg11 : memref<2x16xf32, #tpu.memory_space<vmem>>) dst(%dma_wait3A_314 : memref<2x16xf32, #tpu.memory_space<vmem_shared>>)
      tpu.yield
    }) : () -> ()
    %barrier3A_297 = arith.constant 0 : index
    tpu.barrier barrier_id(%barrier3A_297)
    %eq3A = arith.constant 0 : i32
    %eq3A_298 = arith.cmpi eq, %arg1, %eq3A : i32
    %convert_element_type3A = arith.extui %eq3A_298 : i1 to i32
    %cond3A = arith.constant 0 : i32
    %cond3A_299 = arith.cmpi ne, %convert_element_type3A, %cond3A : i32
    scf.if %cond3A_299 {
      "tpu.region"() ({
        %run_scoped3A = tpu.sem_alloc : memref<!tpu.dma_semaphore, #tpu.memory_space<semaphore_mem>>
        tpu.enqueue_dma source(%arg15 : memref<16x2x16xf32, #tpu.memory_space<vmem_shared>>) target(%arg12 : memref<16x2x16xf32, #tpu.memory_space<vmem>>) target_semaphore(%run_scoped3A : memref<!tpu.dma_semaphore, #tpu.memory_space<semaphore_mem>>)
        tpu.wait_dma2 semaphore(%run_scoped3A : memref<!tpu.dma_semaphore, #tpu.memory_space<semaphore_mem>>) src(%arg15 : memref<16x2x16xf32, #tpu.memory_space<vmem_shared>>) dst(%arg12 : memref<16x2x16xf32, #tpu.memory_space<vmem>>)
        tpu.yield
      }) : () -> ()
      %scan3A_300 = arith.constant 0 : i32
      %scan3A_301 = arith.constant 16 : i32
      %scan3A_302 = arith.addi %scan3A_300, %scan3A_301 : i32
      %scan3A_303 = arith.constant 1 : i32
      %scan3A_304:2 = scf.for %scan3A_318 = %scan3A_300 to %scan3A_302 step %scan3A_303 iter_args(%scan3A_319 = %broadcast_in_dim3A_0, %scan3A_320 = %broadcast_in_dim3A_0) -> (vector<16xf32>, vector<16xf32>)  : i32 {
        %get3A = arith.constant 0 : i32
        %get3A_321 = arith.index_cast %scan3A_318 : i32 to index
        %get3A_322 = arith.index_cast %get3A : i32 to index
        %get3A_323 = arith.constant 0 : index
        %get3A_324 = tpu.vector_load %arg12[%get3A_321, %get3A_322, %get3A_323] {strides = array<i32>} : memref<16x2x16xf32, #tpu.memory_space<vmem>>, vector<1x1x16xf32>,
        %get3A_325 = vector.shape_cast %get3A_324 : vector<1x1x16xf32> to vector<16xf32>
        %add3A = arith.addf %scan3A_319, %get3A_325 : vector<16xf32>
        %get3A_326 = arith.constant 1 : i32
        %get3A_327 = arith.index_cast %scan3A_318 : i32 to index
        %get3A_328 = arith.index_cast %get3A_326 : i32 to index
        %get3A_329 = arith.constant 0 : index
        %get3A_330 = tpu.vector_load %arg12[%get3A_327, %get3A_328, %get3A_329] {strides = array<i32>} : memref<16x2x16xf32, #tpu.memory_space<vmem>>, vector<1x1x16xf32>,
        %get3A_331 = vector.shape_cast %get3A_330 : vector<1x1x16xf32> to vector<16xf32>
        %add3A_332 = arith.addf %scan3A_320, %get3A_331 : vector<16xf32>
        scf.yield %add3A, %add3A_332 : vector<16xf32>, vector<16xf32>
      }
      %scan3A_305 = arith.constant 16 : i32
      %swap3A_306 = arith.constant 0 : i32
      %swap3A_307 = arith.index_cast %swap3A_306 : i32 to index
      %swap3A_308 = arith.constant 0 : index
      %swap3A_309 = tpu.vector_load %arg11[%swap3A_307, %swap3A_308] {strides = array<i32>} : memref<2x16xf32, #tpu.memory_space<vmem>>, vector<1x16xf32>,
      %swap3A_310 = vector.shape_cast %swap3A_309 : vector<1x16xf32> to vector<16xf32>
      %swap3A_311 = vector.shape_cast %scan3A_304#0 : vector<16xf32> to vector<1x16xf32>
      tpu.vector_store %arg11[%swap3A_307, %swap3A_308], %swap3A_311 {strides = array<i32>} : memref<2x16xf32, #tpu.memory_space<vmem>>, vector<1x16xf32>,
      %swap3A_312 = arith.constant 1 : i32
      %swap3A_313 = arith.index_cast %swap3A_312 : i32 to index
      %swap3A_314 = arith.constant 0 : index
      %swap3A_315 = tpu.vector_load %arg11[%swap3A_313, %swap3A_314] {strides = array<i32>} : memref<2x16xf32, #tpu.memory_space<vmem>>, vector<1x16xf32>,
      %swap3A_316 = vector.shape_cast %swap3A_315 : vector<1x16xf32> to vector<16xf32>
      %swap3A_317 = vector.shape_cast %scan3A_304#1 : vector<16xf32> to vector<1x16xf32>
      tpu.vector_store %arg11[%swap3A_313, %swap3A_314], %swap3A_317 {strides = array<i32>} : memref<2x16xf32, #tpu.memory_space<vmem>>, vector<1x16xf32>,
      "tpu.region"() ({
        %run_scoped3A = tpu.sem_alloc : memref<!tpu.dma_semaphore, #tpu.memory_space<semaphore_mem>>
        %dma_start3A = arith.constant 0 : i32
        %dma_start3A_318 = arith.constant 0 : i32
        %dma_start3A_319 = tpu.memref_slice %arg4[%arg0, %dma_start3A, %dma_start3A_318] : memref<2x2x16xf32, #tpu.memory_space<hbm>> -> memref<1x2x16xf32, #tpu.memory_space<hbm>>
        %dma_start3A_320 = tpu.memref_squeeze %dma_start3A_319 : memref<1x2x16xf32, #tpu.memory_space<hbm>> -> memref<2x16xf32, #tpu.memory_space<hbm>>
        %dma_start3A_321 = arith.constant 0 : i32
        %dma_start3A_322 = arith.constant 0 : i32
        %dma_start3A_323 = tpu.memref_slice %arg4[%arg0, %dma_start3A_321, %dma_start3A_322] : memref<2x2x16xf32, #tpu.memory_space<hbm>> -> memref<1x2x16xf32, #tpu.memory_space<hbm>>
        %dma_start3A_324 = tpu.memref_squeeze %dma_start3A_323 : memref<1x2x16xf32, #tpu.memory_space<hbm>> -> memref<2x16xf32, #tpu.memory_space<hbm>>
        tpu.enqueue_dma source(%arg11 : memref<2x16xf32, #tpu.memory_space<vmem>>) target(%dma_start3A_324 : memref<2x16xf32, #tpu.memory_space<hbm>>) target_semaphore(%run_scoped3A : memref<!tpu.dma_semaphore, #tpu.memory_space<semaphore_mem>>)
        %dma_wait3A_325 = arith.constant 0 : i32
        %dma_wait3A_326 = arith.constant 0 : i32
        %dma_wait3A_327 = tpu.memref_slice %arg4[%arg0, %dma_wait3A_325, %dma_wait3A_326] : memref<2x2x16xf32, #tpu.memory_space<hbm>> -> memref<1x2x16xf32, #tpu.memory_space<hbm>>
        %dma_wait3A_328 = tpu.memref_squeeze %dma_wait3A_327 : memref<1x2x16xf32, #tpu.memory_space<hbm>> -> memref<2x16xf32, #tpu.memory_space<hbm>>
        %dma_wait3A_329 = arith.constant 0 : i32
        %dma_wait3A_330 = arith.constant 0 : i32
        %dma_wait3A_331 = tpu.memref_slice %arg4[%arg0, %dma_wait3A_329, %dma_wait3A_330] : memref<2x2x16xf32, #tpu.memory_space<hbm>> -> memref<1x2x16xf32, #tpu.memory_space<hbm>>
        %dma_wait3A_332 = tpu.memref_squeeze %dma_wait3A_331 : memref<1x2x16xf32, #tpu.memory_space<hbm>> -> memref<2x16xf32, #tpu.memory_space<hbm>>
        tpu.wait_dma2 semaphore(%run_scoped3A : memref<!tpu.dma_semaphore, #tpu.memory_space<semaphore_mem>>) src(%arg11 : memref<2x16xf32, #tpu.memory_space<vmem>>) dst(%dma_wait3A_332 : memref<2x16xf32, #tpu.memory_space<hbm>>)
        tpu.yield
      }) : () -> ()
    } else {
    }
    return
  }
}

#map = affine_map<(d0, d1) -> (0, 0, 0, 0)>
#map1 = affine_map<(d0, d1) -> (0, 0, 0)>
module attributes {stable_mosaic.version = 14 : i64} {
  func.func @_sc_hist(%arg0: i32, %arg1: i32, %arg2: memref<2x16x128x128xi32, #tpu.memory_space<hbm>>, %arg3: memref<2x16x128x128xf32, #tpu.memory_space<hbm>>, %arg4: memref<2x2x16xf32, #tpu.memory_space<hbm>>, %arg5: memref<128x128xi32, #tpu.memory_space<vmem>>, %arg6: memref<128x128xf32, #tpu.memory_space<vmem>>, %arg7: memref<128xf32, #tpu.memory_space<vmem>>, %arg8: memref<1664xf32, #tpu.memory_space<vmem>>, %arg9: memref<1664xf32, #tpu.memory_space<vmem>>, %arg10: memref<1664xf32, #tpu.memory_space<vmem>>, %arg11: memref<2x16xf32, #tpu.memory_space<vmem>>, %arg12: memref<16x2x16xf32, #tpu.memory_space<vmem>>, %arg13: memref<26624xf32, #tpu.memory_space<vmem_shared>>, %arg14: memref<26624xf32, #tpu.memory_space<vmem_shared>>, %arg15: memref<16x2x16xf32, #tpu.memory_space<vmem_shared>>, %arg16: memref<!tpu.dma_semaphore, #tpu.memory_space<semaphore_mem>>) attributes {dimension_semantics = [#tpu.dimension_semantics<core_parallel>, #tpu.dimension_semantics<subcore_parallel>], iteration_bounds = array<i64: 2, 16>, scalar_prefetch = 0 : i64, scratch_operands = 12 : i64, tpu.core_type = #tpu.core_type<sc_vector_subcore>, window_params = [{transform_indices = #map}, {transform_indices = #map}, {transform_indices = #map1}]} {
    %broadcast_in_dim3A = arith.constant 0.000000e+00 : f32
    %broadcast_in_dim3A_0 = vector.broadcast %broadcast_in_dim3A : f32 to vector<16xf32>
    %broadcast_in_dim3A_1 = arith.constant 1.000000e+00 : f32
    %broadcast_in_dim3A_2 = vector.broadcast %broadcast_in_dim3A_1 : f32 to vector<16xf32>
    %scan3A = arith.constant 0 : i32
    %scan3A_3 = arith.constant 0 : i32
    %scan3A_4 = arith.constant 104 : i32
    %scan3A_5 = arith.addi %scan3A_3, %scan3A_4 : i32
    %scan3A_6 = arith.constant 1 : i32
    %scan3A_7 = scf.for %scan3A_300 = %scan3A_3 to %scan3A_5 step %scan3A_6 iter_args(%scan3A_301 = %scan3A) -> (i32)  : i32 {
      %mul3A_302 = arith.constant 16 : i32
      %mul3A_303 = arith.muli %scan3A_300, %mul3A_302 : i32
      %swap3A_304 = arith.index_cast %mul3A_303 : i32 to index
      %swap3A_305 = tpu.vector_load %arg8[%swap3A_304] {strides = array<i32>} : memref<1664xf32, #tpu.memory_space<vmem>>, vector<16xf32>,
      %swap3A_306 = vector.shape_cast %swap3A_305 : vector<16xf32> to vector<16xf32>
      %swap3A_307 = vector.shape_cast %broadcast_in_dim3A_0 : vector<16xf32> to vector<16xf32>
      tpu.vector_store %arg8[%swap3A_304], %swap3A_307 {strides = array<i32>} : memref<1664xf32, #tpu.memory_space<vmem>>, vector<16xf32>,
      %scan3A_308 = arith.constant 0 : i32
      scf.yield %scan3A_308 : i32
    }
    %scan3A_8 = arith.constant 104 : i32
    %scan3A_9 = arith.constant 0 : i32
    %scan3A_10 = arith.constant 0 : i32
    %scan3A_11 = arith.constant 8 : i32
    %scan3A_12 = arith.addi %scan3A_10, %scan3A_11 : i32
    %scan3A_13 = arith.constant 1 : i32
    %scan3A_14 = scf.for %scan3A_300 = %scan3A_10 to %scan3A_12 step %scan3A_13 iter_args(%scan3A_301 = %scan3A_9) -> (i32)  : i32 {
      %mul3A_302 = arith.constant 16 : i32
      %mul3A_303 = arith.muli %scan3A_300, %mul3A_302 : i32
      %swap3A_304 = arith.index_cast %mul3A_303 : i32 to index
      %swap3A_305 = tpu.vector_load %arg7[%swap3A_304] {strides = array<i32>} : memref<128xf32, #tpu.memory_space<vmem>>, vector<16xf32>,
      %swap3A_306 = vector.shape_cast %swap3A_305 : vector<16xf32> to vector<16xf32>
      %swap3A_307 = vector.shape_cast %broadcast_in_dim3A_2 : vector<16xf32> to vector<16xf32>
      tpu.vector_store %arg7[%swap3A_304], %swap3A_307 {strides = array<i32>} : memref<128xf32, #tpu.memory_space<vmem>>, vector<16xf32>,
      %scan3A_308 = arith.constant 0 : i32
      scf.yield %scan3A_308 : i32
    }
    %scan3A_15 = arith.constant 8 : i32
    %mul3A = arith.constant 1664 : i32
    %mul3A_16 = arith.muli %arg1, %mul3A : i32
    "tpu.region"() ({
      %run_scoped3A = tpu.sem_alloc : memref<!tpu.dma_semaphore, #tpu.memory_space<semaphore_mem>>
      %dma_start3A = tpu.memref_slice %arg13[%mul3A_16] : memref<26624xf32, #tpu.memory_space<vmem_shared>> -> memref<1664xf32, #tpu.memory_space<vmem_shared>>
      %dma_start3A_300 = tpu.memref_slice %arg13[%mul3A_16] : memref<26624xf32, #tpu.memory_space<vmem_shared>> -> memref<1664xf32, #tpu.memory_space<vmem_shared>>
      tpu.enqueue_dma source(%arg8 : memref<1664xf32, #tpu.memory_space<vmem>>) target(%dma_start3A_300 : memref<1664xf32, #tpu.memory_space<vmem_shared>>) target_semaphore(%run_scoped3A : memref<!tpu.dma_semaphore, #tpu.memory_space<semaphore_mem>>)
      %dma_wait3A_301 = tpu.memref_slice %arg13[%mul3A_16] : memref<26624xf32, #tpu.memory_space<vmem_shared>> -> memref<1664xf32, #tpu.memory_space<vmem_shared>>
      %dma_wait3A_302 = tpu.memref_slice %arg13[%mul3A_16] : memref<26624xf32, #tpu.memory_space<vmem_shared>> -> memref<1664xf32, #tpu.memory_space<vmem_shared>>
      tpu.wait_dma2 semaphore(%run_scoped3A : memref<!tpu.dma_semaphore, #tpu.memory_space<semaphore_mem>>) src(%arg8 : memref<1664xf32, #tpu.memory_space<vmem>>) dst(%dma_wait3A_302 : memref<1664xf32, #tpu.memory_space<vmem_shared>>)
      tpu.yield
    }) : () -> ()
    "tpu.region"() ({
      %run_scoped3A = tpu.sem_alloc : memref<!tpu.dma_semaphore, #tpu.memory_space<semaphore_mem>>
      %dma_start3A = tpu.memref_slice %arg14[%mul3A_16] : memref<26624xf32, #tpu.memory_space<vmem_shared>> -> memref<1664xf32, #tpu.memory_space<vmem_shared>>
      %dma_start3A_300 = tpu.memref_slice %arg14[%mul3A_16] : memref<26624xf32, #tpu.memory_space<vmem_shared>> -> memref<1664xf32, #tpu.memory_space<vmem_shared>>
      tpu.enqueue_dma source(%arg8 : memref<1664xf32, #tpu.memory_space<vmem>>) target(%dma_start3A_300 : memref<1664xf32, #tpu.memory_space<vmem_shared>>) target_semaphore(%run_scoped3A : memref<!tpu.dma_semaphore, #tpu.memory_space<semaphore_mem>>)
      %dma_wait3A_301 = tpu.memref_slice %arg14[%mul3A_16] : memref<26624xf32, #tpu.memory_space<vmem_shared>> -> memref<1664xf32, #tpu.memory_space<vmem_shared>>
      %dma_wait3A_302 = tpu.memref_slice %arg14[%mul3A_16] : memref<26624xf32, #tpu.memory_space<vmem_shared>> -> memref<1664xf32, #tpu.memory_space<vmem_shared>>
      tpu.wait_dma2 semaphore(%run_scoped3A : memref<!tpu.dma_semaphore, #tpu.memory_space<semaphore_mem>>) src(%arg8 : memref<1664xf32, #tpu.memory_space<vmem>>) dst(%dma_wait3A_302 : memref<1664xf32, #tpu.memory_space<vmem_shared>>)
      tpu.yield
    }) : () -> ()
    "tpu.region"() ({
      %run_scoped3A = tpu.sem_alloc : memref<!tpu.dma_semaphore, #tpu.memory_space<semaphore_mem>>
      %dma_start3A = arith.constant 0 : i32
      %dma_start3A_300 = arith.constant 0 : i32
      %dma_start3A_301 = tpu.memref_slice %arg2[%arg0, %arg1, %dma_start3A, %dma_start3A_300] : memref<2x16x128x128xi32, #tpu.memory_space<hbm>> -> memref<1x1x128x128xi32, #tpu.memory_space<hbm>>
      %dma_start3A_302 = tpu.memref_squeeze %dma_start3A_301 : memref<1x1x128x128xi32, #tpu.memory_space<hbm>> -> memref<128x128xi32, #tpu.memory_space<hbm>>
      %dma_start3A_303 = arith.constant 0 : i32
      %dma_start3A_304 = arith.constant 0 : i32
      %dma_start3A_305 = tpu.memref_slice %arg2[%arg0, %arg1, %dma_start3A_303, %dma_start3A_304] : memref<2x16x128x128xi32, #tpu.memory_space<hbm>> -> memref<1x1x128x128xi32, #tpu.memory_space<hbm>>
      %dma_start3A_306 = tpu.memref_squeeze %dma_start3A_305 : memref<1x1x128x128xi32, #tpu.memory_space<hbm>> -> memref<128x128xi32, #tpu.memory_space<hbm>>
      tpu.enqueue_dma source(%dma_start3A_306 : memref<128x128xi32, #tpu.memory_space<hbm>>) target(%arg5 : memref<128x128xi32, #tpu.memory_space<vmem>>) target_semaphore(%run_scoped3A : memref<!tpu.dma_semaphore, #tpu.memory_space<semaphore_mem>>)
      %dma_wait3A_307 = arith.constant 0 : i32
      %dma_wait3A_308 = arith.constant 0 : i32
      %dma_wait3A_309 = tpu.memref_slice %arg2[%arg0, %arg1, %dma_wait3A_307, %dma_wait3A_308] : memref<2x16x128x128xi32, #tpu.memory_space<hbm>> -> memref<1x1x128x128xi32, #tpu.memory_space<hbm>>
      %dma_wait3A_310 = tpu.memref_squeeze %dma_wait3A_309 : memref<1x1x128x128xi32, #tpu.memory_space<hbm>> -> memref<128x128xi32, #tpu.memory_space<hbm>>
      %dma_wait3A_311 = arith.constant 0 : i32
      %dma_wait3A_312 = arith.constant 0 : i32
      %dma_wait3A_313 = tpu.memref_slice %arg2[%arg0, %arg1, %dma_wait3A_311, %dma_wait3A_312] : memref<2x16x128x128xi32, #tpu.memory_space<hbm>> -> memref<1x1x128x128xi32, #tpu.memory_space<hbm>>
      %dma_wait3A_314 = tpu.memref_squeeze %dma_wait3A_313 : memref<1x1x128x128xi32, #tpu.memory_space<hbm>> -> memref<128x128xi32, #tpu.memory_space<hbm>>
      tpu.wait_dma2 semaphore(%run_scoped3A : memref<!tpu.dma_semaphore, #tpu.memory_space<semaphore_mem>>) src(%dma_wait3A_314 : memref<128x128xi32, #tpu.memory_space<hbm>>) dst(%arg5 : memref<128x128xi32, #tpu.memory_space<vmem>>)
      tpu.yield
    }) : () -> ()
    "tpu.region"() ({
      %run_scoped3A = tpu.sem_alloc : memref<!tpu.dma_semaphore, #tpu.memory_space<semaphore_mem>>
      %dma_start3A = arith.constant 0 : i32
      %dma_start3A_300 = arith.constant 0 : i32
      %dma_start3A_301 = tpu.memref_slice %arg3[%arg0, %arg1, %dma_start3A, %dma_start3A_300] : memref<2x16x128x128xf32, #tpu.memory_space<hbm>> -> memref<1x1x128x128xf32, #tpu.memory_space<hbm>>
      %dma_start3A_302 = tpu.memref_squeeze %dma_start3A_301 : memref<1x1x128x128xf32, #tpu.memory_space<hbm>> -> memref<128x128xf32, #tpu.memory_space<hbm>>
      %dma_start3A_303 = arith.constant 0 : i32
      %dma_start3A_304 = arith.constant 0 : i32
      %dma_start3A_305 = tpu.memref_slice %arg3[%arg0, %arg1, %dma_start3A_303, %dma_start3A_304] : memref<2x16x128x128xf32, #tpu.memory_space<hbm>> -> memref<1x1x128x128xf32, #tpu.memory_space<hbm>>
      %dma_start3A_306 = tpu.memref_squeeze %dma_start3A_305 : memref<1x1x128x128xf32, #tpu.memory_space<hbm>> -> memref<128x128xf32, #tpu.memory_space<hbm>>
      tpu.enqueue_dma source(%dma_start3A_306 : memref<128x128xf32, #tpu.memory_space<hbm>>) target(%arg6 : memref<128x128xf32, #tpu.memory_space<vmem>>) target_semaphore(%run_scoped3A : memref<!tpu.dma_semaphore, #tpu.memory_space<semaphore_mem>>)
      %dma_wait3A_307 = arith.constant 0 : i32
      %dma_wait3A_308 = arith.constant 0 : i32
      %dma_wait3A_309 = tpu.memref_slice %arg3[%arg0, %arg1, %dma_wait3A_307, %dma_wait3A_308] : memref<2x16x128x128xf32, #tpu.memory_space<hbm>> -> memref<1x1x128x128xf32, #tpu.memory_space<hbm>>
      %dma_wait3A_310 = tpu.memref_squeeze %dma_wait3A_309 : memref<1x1x128x128xf32, #tpu.memory_space<hbm>> -> memref<128x128xf32, #tpu.memory_space<hbm>>
      %dma_wait3A_311 = arith.constant 0 : i32
      %dma_wait3A_312 = arith.constant 0 : i32
      %dma_wait3A_313 = tpu.memref_slice %arg3[%arg0, %arg1, %dma_wait3A_311, %dma_wait3A_312] : memref<2x16x128x128xf32, #tpu.memory_space<hbm>> -> memref<1x1x128x128xf32, #tpu.memory_space<hbm>>
      %dma_wait3A_314 = tpu.memref_squeeze %dma_wait3A_313 : memref<1x1x128x128xf32, #tpu.memory_space<hbm>> -> memref<128x128xf32, #tpu.memory_space<hbm>>
      tpu.wait_dma2 semaphore(%run_scoped3A : memref<!tpu.dma_semaphore, #tpu.memory_space<semaphore_mem>>) src(%dma_wait3A_314 : memref<128x128xf32, #tpu.memory_space<hbm>>) dst(%arg6 : memref<128x128xf32, #tpu.memory_space<vmem>>)
      tpu.yield
    }) : () -> ()
    %barrier3A = arith.constant 0 : index
    tpu.barrier barrier_id(%barrier3A)
    %scan3A_17 = arith.constant 0 : i32
    %scan3A_18 = arith.constant 0 : i32
    %scan3A_19 = arith.constant 8 : i32
    %scan3A_20 = arith.addi %scan3A_18, %scan3A_19 : i32
    %scan3A_21 = arith.constant 1 : i32
    %scan3A_22 = scf.for %scan3A_300 = %scan3A_18 to %scan3A_20 step %scan3A_21 iter_args(%scan3A_301 = %scan3A_17) -> (i32)  : i32 {
      %mul3A_302 = arith.constant 16 : i32
      %mul3A_303 = arith.muli %scan3A_300, %mul3A_302 : i32
      %add3A = arith.constant 0 : i32
      %add3A_304 = arith.addi %mul3A_303, %add3A : i32
      %dma_start3A = arith.constant 0 : i32
      %dma_start3A_305 = tpu.memref_slice %arg5[%add3A_304, %dma_start3A] : memref<128x128xi32, #tpu.memory_space<vmem>> -> memref<1x128xi32, #tpu.memory_space<vmem>>
      %dma_start3A_306 = tpu.memref_squeeze %dma_start3A_305 : memref<1x128xi32, #tpu.memory_space<vmem>> -> memref<128xi32, #tpu.memory_space<vmem>>
      %dma_start3A_307 = arith.constant 0 : i32
      %dma_start3A_308 = tpu.memref_slice %arg13[%dma_start3A_307] : memref<26624xf32, #tpu.memory_space<vmem_shared>> -> memref<26624xf32, #tpu.memory_space<vmem_shared>>
      tpu.enqueue_indirect_dma source(%arg7 : memref<128xf32, #tpu.memory_space<vmem>>) target(%dma_start3A_308 : memref<26624xf32, #tpu.memory_space<vmem_shared>>) offsets(%dma_start3A_306 : memref<128xi32, #tpu.memory_space<vmem>>) semaphore(%arg16 : memref<!tpu.dma_semaphore, #tpu.memory_space<semaphore_mem>>) {add = true}
      %dma_start3A_309 = arith.constant 0 : i32
      %dma_start3A_310 = tpu.memref_slice %arg6[%add3A_304, %dma_start3A_309] : memref<128x128xf32, #tpu.memory_space<vmem>> -> memref<1x128xf32, #tpu.memory_space<vmem>>
      %dma_start3A_311 = tpu.memref_squeeze %dma_start3A_310 : memref<1x128xf32, #tpu.memory_space<vmem>> -> memref<128xf32, #tpu.memory_space<vmem>>
      %dma_start3A_312 = arith.constant 0 : i32
      %dma_start3A_313 = tpu.memref_slice %arg5[%add3A_304, %dma_start3A_312] : memref<128x128xi32, #tpu.memory_space<vmem>> -> memref<1x128xi32, #tpu.memory_space<vmem>>
      %dma_start3A_314 = tpu.memref_squeeze %dma_start3A_313 : memref<1x128xi32, #tpu.memory_space<vmem>> -> memref<128xi32, #tpu.memory_space<vmem>>
      %dma_start3A_315 = arith.constant 0 : i32
      %dma_start3A_316 = tpu.memref_slice %arg14[%dma_start3A_315] : memref<26624xf32, #tpu.memory_space<vmem_shared>> -> memref<26624xf32, #tpu.memory_space<vmem_shared>>
      tpu.enqueue_indirect_dma source(%dma_start3A_311 : memref<128xf32, #tpu.memory_space<vmem>>) target(%dma_start3A_316 : memref<26624xf32, #tpu.memory_space<vmem_shared>>) offsets(%dma_start3A_314 : memref<128xi32, #tpu.memory_space<vmem>>) semaphore(%arg16 : memref<!tpu.dma_semaphore, #tpu.memory_space<semaphore_mem>>) {add = true}
      %mul3A_317 = arith.constant 16 : i32
      %mul3A_318 = arith.muli %scan3A_300, %mul3A_317 : i32
      %add3A_319 = arith.constant 1 : i32
      %add3A_320 = arith.addi %mul3A_318, %add3A_319 : i32
      %dma_start3A_321 = arith.constant 0 : i32
      %dma_start3A_322 = tpu.memref_slice %arg5[%add3A_320, %dma_start3A_321] : memref<128x128xi32, #tpu.memory_space<vmem>> -> memref<1x128xi32, #tpu.memory_space<vmem>>
      %dma_start3A_323 = tpu.memref_squeeze %dma_start3A_322 : memref<1x128xi32, #tpu.memory_space<vmem>> -> memref<128xi32, #tpu.memory_space<vmem>>
      %dma_start3A_324 = arith.constant 0 : i32
      %dma_start3A_325 = tpu.memref_slice %arg13[%dma_start3A_324] : memref<26624xf32, #tpu.memory_space<vmem_shared>> -> memref<26624xf32, #tpu.memory_space<vmem_shared>>
      tpu.enqueue_indirect_dma source(%arg7 : memref<128xf32, #tpu.memory_space<vmem>>) target(%dma_start3A_325 : memref<26624xf32, #tpu.memory_space<vmem_shared>>) offsets(%dma_start3A_323 : memref<128xi32, #tpu.memory_space<vmem>>) semaphore(%arg16 : memref<!tpu.dma_semaphore, #tpu.memory_space<semaphore_mem>>) {add = true}
      %dma_start3A_326 = arith.constant 0 : i32
      %dma_start3A_327 = tpu.memref_slice %arg6[%add3A_320, %dma_start3A_326] : memref<128x128xf32, #tpu.memory_space<vmem>> -> memref<1x128xf32, #tpu.memory_space<vmem>>
      %dma_start3A_328 = tpu.memref_squeeze %dma_start3A_327 : memref<1x128xf32, #tpu.memory_space<vmem>> -> memref<128xf32, #tpu.memory_space<vmem>>
      %dma_start3A_329 = arith.constant 0 : i32
      %dma_start3A_330 = tpu.memref_slice %arg5[%add3A_320, %dma_start3A_329] : memref<128x128xi32, #tpu.memory_space<vmem>> -> memref<1x128xi32, #tpu.memory_space<vmem>>
      %dma_start3A_331 = tpu.memref_squeeze %dma_start3A_330 : memref<1x128xi32, #tpu.memory_space<vmem>> -> memref<128xi32, #tpu.memory_space<vmem>>
      %dma_start3A_332 = arith.constant 0 : i32
      %dma_start3A_333 = tpu.memref_slice %arg14[%dma_start3A_332] : memref<26624xf32, #tpu.memory_space<vmem_shared>> -> memref<26624xf32, #tpu.memory_space<vmem_shared>>
      tpu.enqueue_indirect_dma source(%dma_start3A_328 : memref<128xf32, #tpu.memory_space<vmem>>) target(%dma_start3A_333 : memref<26624xf32, #tpu.memory_space<vmem_shared>>) offsets(%dma_start3A_331 : memref<128xi32, #tpu.memory_space<vmem>>) semaphore(%arg16 : memref<!tpu.dma_semaphore, #tpu.memory_space<semaphore_mem>>) {add = true}
      %mul3A_334 = arith.constant 16 : i32
      %mul3A_335 = arith.muli %scan3A_300, %mul3A_334 : i32
      %add3A_336 = arith.constant 2 : i32
      %add3A_337 = arith.addi %mul3A_335, %add3A_336 : i32
      %dma_start3A_338 = arith.constant 0 : i32
      %dma_start3A_339 = tpu.memref_slice %arg5[%add3A_337, %dma_start3A_338] : memref<128x128xi32, #tpu.memory_space<vmem>> -> memref<1x128xi32, #tpu.memory_space<vmem>>
      %dma_start3A_340 = tpu.memref_squeeze %dma_start3A_339 : memref<1x128xi32, #tpu.memory_space<vmem>> -> memref<128xi32, #tpu.memory_space<vmem>>
      %dma_start3A_341 = arith.constant 0 : i32
      %dma_start3A_342 = tpu.memref_slice %arg13[%dma_start3A_341] : memref<26624xf32, #tpu.memory_space<vmem_shared>> -> memref<26624xf32, #tpu.memory_space<vmem_shared>>
      tpu.enqueue_indirect_dma source(%arg7 : memref<128xf32, #tpu.memory_space<vmem>>) target(%dma_start3A_342 : memref<26624xf32, #tpu.memory_space<vmem_shared>>) offsets(%dma_start3A_340 : memref<128xi32, #tpu.memory_space<vmem>>) semaphore(%arg16 : memref<!tpu.dma_semaphore, #tpu.memory_space<semaphore_mem>>) {add = true}
      %dma_start3A_343 = arith.constant 0 : i32
      %dma_start3A_344 = tpu.memref_slice %arg6[%add3A_337, %dma_start3A_343] : memref<128x128xf32, #tpu.memory_space<vmem>> -> memref<1x128xf32, #tpu.memory_space<vmem>>
      %dma_start3A_345 = tpu.memref_squeeze %dma_start3A_344 : memref<1x128xf32, #tpu.memory_space<vmem>> -> memref<128xf32, #tpu.memory_space<vmem>>
      %dma_start3A_346 = arith.constant 0 : i32
      %dma_start3A_347 = tpu.memref_slice %arg5[%add3A_337, %dma_start3A_346] : memref<128x128xi32, #tpu.memory_space<vmem>> -> memref<1x128xi32, #tpu.memory_space<vmem>>
      %dma_start3A_348 = tpu.memref_squeeze %dma_start3A_347 : memref<1x128xi32, #tpu.memory_space<vmem>> -> memref<128xi32, #tpu.memory_space<vmem>>
      %dma_start3A_349 = arith.constant 0 : i32
      %dma_start3A_350 = tpu.memref_slice %arg14[%dma_start3A_349] : memref<26624xf32, #tpu.memory_space<vmem_shared>> -> memref<26624xf32, #tpu.memory_space<vmem_shared>>
      tpu.enqueue_indirect_dma source(%dma_start3A_345 : memref<128xf32, #tpu.memory_space<vmem>>) target(%dma_start3A_350 : memref<26624xf32, #tpu.memory_space<vmem_shared>>) offsets(%dma_start3A_348 : memref<128xi32, #tpu.memory_space<vmem>>) semaphore(%arg16 : memref<!tpu.dma_semaphore, #tpu.memory_space<semaphore_mem>>) {add = true}
      %mul3A_351 = arith.constant 16 : i32
      %mul3A_352 = arith.muli %scan3A_300, %mul3A_351 : i32
      %add3A_353 = arith.constant 3 : i32
      %add3A_354 = arith.addi %mul3A_352, %add3A_353 : i32
      %dma_start3A_355 = arith.constant 0 : i32
      %dma_start3A_356 = tpu.memref_slice %arg5[%add3A_354, %dma_start3A_355] : memref<128x128xi32, #tpu.memory_space<vmem>> -> memref<1x128xi32, #tpu.memory_space<vmem>>
      %dma_start3A_357 = tpu.memref_squeeze %dma_start3A_356 : memref<1x128xi32, #tpu.memory_space<vmem>> -> memref<128xi32, #tpu.memory_space<vmem>>
      %dma_start3A_358 = arith.constant 0 : i32
      %dma_start3A_359 = tpu.memref_slice %arg13[%dma_start3A_358] : memref<26624xf32, #tpu.memory_space<vmem_shared>> -> memref<26624xf32, #tpu.memory_space<vmem_shared>>
      tpu.enqueue_indirect_dma source(%arg7 : memref<128xf32, #tpu.memory_space<vmem>>) target(%dma_start3A_359 : memref<26624xf32, #tpu.memory_space<vmem_shared>>) offsets(%dma_start3A_357 : memref<128xi32, #tpu.memory_space<vmem>>) semaphore(%arg16 : memref<!tpu.dma_semaphore, #tpu.memory_space<semaphore_mem>>) {add = true}
      %dma_start3A_360 = arith.constant 0 : i32
      %dma_start3A_361 = tpu.memref_slice %arg6[%add3A_354, %dma_start3A_360] : memref<128x128xf32, #tpu.memory_space<vmem>> -> memref<1x128xf32, #tpu.memory_space<vmem>>
      %dma_start3A_362 = tpu.memref_squeeze %dma_start3A_361 : memref<1x128xf32, #tpu.memory_space<vmem>> -> memref<128xf32, #tpu.memory_space<vmem>>
      %dma_start3A_363 = arith.constant 0 : i32
      %dma_start3A_364 = tpu.memref_slice %arg5[%add3A_354, %dma_start3A_363] : memref<128x128xi32, #tpu.memory_space<vmem>> -> memref<1x128xi32, #tpu.memory_space<vmem>>
      %dma_start3A_365 = tpu.memref_squeeze %dma_start3A_364 : memref<1x128xi32, #tpu.memory_space<vmem>> -> memref<128xi32, #tpu.memory_space<vmem>>
      %dma_start3A_366 = arith.constant 0 : i32
      %dma_start3A_367 = tpu.memref_slice %arg14[%dma_start3A_366] : memref<26624xf32, #tpu.memory_space<vmem_shared>> -> memref<26624xf32, #tpu.memory_space<vmem_shared>>
      tpu.enqueue_indirect_dma source(%dma_start3A_362 : memref<128xf32, #tpu.memory_space<vmem>>) target(%dma_start3A_367 : memref<26624xf32, #tpu.memory_space<vmem_shared>>) offsets(%dma_start3A_365 : memref<128xi32, #tpu.memory_space<vmem>>) semaphore(%arg16 : memref<!tpu.dma_semaphore, #tpu.memory_space<semaphore_mem>>) {add = true}
      %mul3A_368 = arith.constant 16 : i32
      %mul3A_369 = arith.muli %scan3A_300, %mul3A_368 : i32
      %add3A_370 = arith.constant 4 : i32
      %add3A_371 = arith.addi %mul3A_369, %add3A_370 : i32
      %dma_start3A_372 = arith.constant 0 : i32
      %dma_start3A_373 = tpu.memref_slice %arg5[%add3A_371, %dma_start3A_372] : memref<128x128xi32, #tpu.memory_space<vmem>> -> memref<1x128xi32, #tpu.memory_space<vmem>>
      %dma_start3A_374 = tpu.memref_squeeze %dma_start3A_373 : memref<1x128xi32, #tpu.memory_space<vmem>> -> memref<128xi32, #tpu.memory_space<vmem>>
      %dma_start3A_375 = arith.constant 0 : i32
      %dma_start3A_376 = tpu.memref_slice %arg13[%dma_start3A_375] : memref<26624xf32, #tpu.memory_space<vmem_shared>> -> memref<26624xf32, #tpu.memory_space<vmem_shared>>
      tpu.enqueue_indirect_dma source(%arg7 : memref<128xf32, #tpu.memory_space<vmem>>) target(%dma_start3A_376 : memref<26624xf32, #tpu.memory_space<vmem_shared>>) offsets(%dma_start3A_374 : memref<128xi32, #tpu.memory_space<vmem>>) semaphore(%arg16 : memref<!tpu.dma_semaphore, #tpu.memory_space<semaphore_mem>>) {add = true}
      %dma_start3A_377 = arith.constant 0 : i32
      %dma_start3A_378 = tpu.memref_slice %arg6[%add3A_371, %dma_start3A_377] : memref<128x128xf32, #tpu.memory_space<vmem>> -> memref<1x128xf32, #tpu.memory_space<vmem>>
      %dma_start3A_379 = tpu.memref_squeeze %dma_start3A_378 : memref<1x128xf32, #tpu.memory_space<vmem>> -> memref<128xf32, #tpu.memory_space<vmem>>
      %dma_start3A_380 = arith.constant 0 : i32
      %dma_start3A_381 = tpu.memref_slice %arg5[%add3A_371, %dma_start3A_380] : memref<128x128xi32, #tpu.memory_space<vmem>> -> memref<1x128xi32, #tpu.memory_space<vmem>>
      %dma_start3A_382 = tpu.memref_squeeze %dma_start3A_381 : memref<1x128xi32, #tpu.memory_space<vmem>> -> memref<128xi32, #tpu.memory_space<vmem>>
      %dma_start3A_383 = arith.constant 0 : i32
      %dma_start3A_384 = tpu.memref_slice %arg14[%dma_start3A_383] : memref<26624xf32, #tpu.memory_space<vmem_shared>> -> memref<26624xf32, #tpu.memory_space<vmem_shared>>
      tpu.enqueue_indirect_dma source(%dma_start3A_379 : memref<128xf32, #tpu.memory_space<vmem>>) target(%dma_start3A_384 : memref<26624xf32, #tpu.memory_space<vmem_shared>>) offsets(%dma_start3A_382 : memref<128xi32, #tpu.memory_space<vmem>>) semaphore(%arg16 : memref<!tpu.dma_semaphore, #tpu.memory_space<semaphore_mem>>) {add = true}
      %mul3A_385 = arith.constant 16 : i32
      %mul3A_386 = arith.muli %scan3A_300, %mul3A_385 : i32
      %add3A_387 = arith.constant 5 : i32
      %add3A_388 = arith.addi %mul3A_386, %add3A_387 : i32
      %dma_start3A_389 = arith.constant 0 : i32
      %dma_start3A_390 = tpu.memref_slice %arg5[%add3A_388, %dma_start3A_389] : memref<128x128xi32, #tpu.memory_space<vmem>> -> memref<1x128xi32, #tpu.memory_space<vmem>>
      %dma_start3A_391 = tpu.memref_squeeze %dma_start3A_390 : memref<1x128xi32, #tpu.memory_space<vmem>> -> memref<128xi32, #tpu.memory_space<vmem>>
      %dma_start3A_392 = arith.constant 0 : i32
      %dma_start3A_393 = tpu.memref_slice %arg13[%dma_start3A_392] : memref<26624xf32, #tpu.memory_space<vmem_shared>> -> memref<26624xf32, #tpu.memory_space<vmem_shared>>
      tpu.enqueue_indirect_dma source(%arg7 : memref<128xf32, #tpu.memory_space<vmem>>) target(%dma_start3A_393 : memref<26624xf32, #tpu.memory_space<vmem_shared>>) offsets(%dma_start3A_391 : memref<128xi32, #tpu.memory_space<vmem>>) semaphore(%arg16 : memref<!tpu.dma_semaphore, #tpu.memory_space<semaphore_mem>>) {add = true}
      %dma_start3A_394 = arith.constant 0 : i32
      %dma_start3A_395 = tpu.memref_slice %arg6[%add3A_388, %dma_start3A_394] : memref<128x128xf32, #tpu.memory_space<vmem>> -> memref<1x128xf32, #tpu.memory_space<vmem>>
      %dma_start3A_396 = tpu.memref_squeeze %dma_start3A_395 : memref<1x128xf32, #tpu.memory_space<vmem>> -> memref<128xf32, #tpu.memory_space<vmem>>
      %dma_start3A_397 = arith.constant 0 : i32
      %dma_start3A_398 = tpu.memref_slice %arg5[%add3A_388, %dma_start3A_397] : memref<128x128xi32, #tpu.memory_space<vmem>> -> memref<1x128xi32, #tpu.memory_space<vmem>>
      %dma_start3A_399 = tpu.memref_squeeze %dma_start3A_398 : memref<1x128xi32, #tpu.memory_space<vmem>> -> memref<128xi32, #tpu.memory_space<vmem>>
      %dma_start3A_400 = arith.constant 0 : i32
      %dma_start3A_401 = tpu.memref_slice %arg14[%dma_start3A_400] : memref<26624xf32, #tpu.memory_space<vmem_shared>> -> memref<26624xf32, #tpu.memory_space<vmem_shared>>
      tpu.enqueue_indirect_dma source(%dma_start3A_396 : memref<128xf32, #tpu.memory_space<vmem>>) target(%dma_start3A_401 : memref<26624xf32, #tpu.memory_space<vmem_shared>>) offsets(%dma_start3A_399 : memref<128xi32, #tpu.memory_space<vmem>>) semaphore(%arg16 : memref<!tpu.dma_semaphore, #tpu.memory_space<semaphore_mem>>) {add = true}
      %mul3A_402 = arith.constant 16 : i32
      %mul3A_403 = arith.muli %scan3A_300, %mul3A_402 : i32
      %add3A_404 = arith.constant 6 : i32
      %add3A_405 = arith.addi %mul3A_403, %add3A_404 : i32
      %dma_start3A_406 = arith.constant 0 : i32
      %dma_start3A_407 = tpu.memref_slice %arg5[%add3A_405, %dma_start3A_406] : memref<128x128xi32, #tpu.memory_space<vmem>> -> memref<1x128xi32, #tpu.memory_space<vmem>>
      %dma_start3A_408 = tpu.memref_squeeze %dma_start3A_407 : memref<1x128xi32, #tpu.memory_space<vmem>> -> memref<128xi32, #tpu.memory_space<vmem>>
      %dma_start3A_409 = arith.constant 0 : i32
      %dma_start3A_410 = tpu.memref_slice %arg13[%dma_start3A_409] : memref<26624xf32, #tpu.memory_space<vmem_shared>> -> memref<26624xf32, #tpu.memory_space<vmem_shared>>
      tpu.enqueue_indirect_dma source(%arg7 : memref<128xf32, #tpu.memory_space<vmem>>) target(%dma_start3A_410 : memref<26624xf32, #tpu.memory_space<vmem_shared>>) offsets(%dma_start3A_408 : memref<128xi32, #tpu.memory_space<vmem>>) semaphore(%arg16 : memref<!tpu.dma_semaphore, #tpu.memory_space<semaphore_mem>>) {add = true}
      %dma_start3A_411 = arith.constant 0 : i32
      %dma_start3A_412 = tpu.memref_slice %arg6[%add3A_405, %dma_start3A_411] : memref<128x128xf32, #tpu.memory_space<vmem>> -> memref<1x128xf32, #tpu.memory_space<vmem>>
      %dma_start3A_413 = tpu.memref_squeeze %dma_start3A_412 : memref<1x128xf32, #tpu.memory_space<vmem>> -> memref<128xf32, #tpu.memory_space<vmem>>
      %dma_start3A_414 = arith.constant 0 : i32
      %dma_start3A_415 = tpu.memref_slice %arg5[%add3A_405, %dma_start3A_414] : memref<128x128xi32, #tpu.memory_space<vmem>> -> memref<1x128xi32, #tpu.memory_space<vmem>>
      %dma_start3A_416 = tpu.memref_squeeze %dma_start3A_415 : memref<1x128xi32, #tpu.memory_space<vmem>> -> memref<128xi32, #tpu.memory_space<vmem>>
      %dma_start3A_417 = arith.constant 0 : i32
      %dma_start3A_418 = tpu.memref_slice %arg14[%dma_start3A_417] : memref<26624xf32, #tpu.memory_space<vmem_shared>> -> memref<26624xf32, #tpu.memory_space<vmem_shared>>
      tpu.enqueue_indirect_dma source(%dma_start3A_413 : memref<128xf32, #tpu.memory_space<vmem>>) target(%dma_start3A_418 : memref<26624xf32, #tpu.memory_space<vmem_shared>>) offsets(%dma_start3A_416 : memref<128xi32, #tpu.memory_space<vmem>>) semaphore(%arg16 : memref<!tpu.dma_semaphore, #tpu.memory_space<semaphore_mem>>) {add = true}
      %mul3A_419 = arith.constant 16 : i32
      %mul3A_420 = arith.muli %scan3A_300, %mul3A_419 : i32
      %add3A_421 = arith.constant 7 : i32
      %add3A_422 = arith.addi %mul3A_420, %add3A_421 : i32
      %dma_start3A_423 = arith.constant 0 : i32
      %dma_start3A_424 = tpu.memref_slice %arg5[%add3A_422, %dma_start3A_423] : memref<128x128xi32, #tpu.memory_space<vmem>> -> memref<1x128xi32, #tpu.memory_space<vmem>>
      %dma_start3A_425 = tpu.memref_squeeze %dma_start3A_424 : memref<1x128xi32, #tpu.memory_space<vmem>> -> memref<128xi32, #tpu.memory_space<vmem>>
      %dma_start3A_426 = arith.constant 0 : i32
      %dma_start3A_427 = tpu.memref_slice %arg13[%dma_start3A_426] : memref<26624xf32, #tpu.memory_space<vmem_shared>> -> memref<26624xf32, #tpu.memory_space<vmem_shared>>
      tpu.enqueue_indirect_dma source(%arg7 : memref<128xf32, #tpu.memory_space<vmem>>) target(%dma_start3A_427 : memref<26624xf32, #tpu.memory_space<vmem_shared>>) offsets(%dma_start3A_425 : memref<128xi32, #tpu.memory_space<vmem>>) semaphore(%arg16 : memref<!tpu.dma_semaphore, #tpu.memory_space<semaphore_mem>>) {add = true}
      %dma_start3A_428 = arith.constant 0 : i32
      %dma_start3A_429 = tpu.memref_slice %arg6[%add3A_422, %dma_start3A_428] : memref<128x128xf32, #tpu.memory_space<vmem>> -> memref<1x128xf32, #tpu.memory_space<vmem>>
      %dma_start3A_430 = tpu.memref_squeeze %dma_start3A_429 : memref<1x128xf32, #tpu.memory_space<vmem>> -> memref<128xf32, #tpu.memory_space<vmem>>
      %dma_start3A_431 = arith.constant 0 : i32
      %dma_start3A_432 = tpu.memref_slice %arg5[%add3A_422, %dma_start3A_431] : memref<128x128xi32, #tpu.memory_space<vmem>> -> memref<1x128xi32, #tpu.memory_space<vmem>>
      %dma_start3A_433 = tpu.memref_squeeze %dma_start3A_432 : memref<1x128xi32, #tpu.memory_space<vmem>> -> memref<128xi32, #tpu.memory_space<vmem>>
      %dma_start3A_434 = arith.constant 0 : i32
      %dma_start3A_435 = tpu.memref_slice %arg14[%dma_start3A_434] : memref<26624xf32, #tpu.memory_space<vmem_shared>> -> memref<26624xf32, #tpu.memory_space<vmem_shared>>
      tpu.enqueue_indirect_dma source(%dma_start3A_430 : memref<128xf32, #tpu.memory_space<vmem>>) target(%dma_start3A_435 : memref<26624xf32, #tpu.memory_space<vmem_shared>>) offsets(%dma_start3A_433 : memref<128xi32, #tpu.memory_space<vmem>>) semaphore(%arg16 : memref<!tpu.dma_semaphore, #tpu.memory_space<semaphore_mem>>) {add = true}
      %mul3A_436 = arith.constant 16 : i32
      %mul3A_437 = arith.muli %scan3A_300, %mul3A_436 : i32
      %add3A_438 = arith.constant 8 : i32
      %add3A_439 = arith.addi %mul3A_437, %add3A_438 : i32
      %dma_start3A_440 = arith.constant 0 : i32
      %dma_start3A_441 = tpu.memref_slice %arg5[%add3A_439, %dma_start3A_440] : memref<128x128xi32, #tpu.memory_space<vmem>> -> memref<1x128xi32, #tpu.memory_space<vmem>>
      %dma_start3A_442 = tpu.memref_squeeze %dma_start3A_441 : memref<1x128xi32, #tpu.memory_space<vmem>> -> memref<128xi32, #tpu.memory_space<vmem>>
      %dma_start3A_443 = arith.constant 0 : i32
      %dma_start3A_444 = tpu.memref_slice %arg13[%dma_start3A_443] : memref<26624xf32, #tpu.memory_space<vmem_shared>> -> memref<26624xf32, #tpu.memory_space<vmem_shared>>
      tpu.enqueue_indirect_dma source(%arg7 : memref<128xf32, #tpu.memory_space<vmem>>) target(%dma_start3A_444 : memref<26624xf32, #tpu.memory_space<vmem_shared>>) offsets(%dma_start3A_442 : memref<128xi32, #tpu.memory_space<vmem>>) semaphore(%arg16 : memref<!tpu.dma_semaphore, #tpu.memory_space<semaphore_mem>>) {add = true}
      %dma_start3A_445 = arith.constant 0 : i32
      %dma_start3A_446 = tpu.memref_slice %arg6[%add3A_439, %dma_start3A_445] : memref<128x128xf32, #tpu.memory_space<vmem>> -> memref<1x128xf32, #tpu.memory_space<vmem>>
      %dma_start3A_447 = tpu.memref_squeeze %dma_start3A_446 : memref<1x128xf32, #tpu.memory_space<vmem>> -> memref<128xf32, #tpu.memory_space<vmem>>
      %dma_start3A_448 = arith.constant 0 : i32
      %dma_start3A_449 = tpu.memref_slice %arg5[%add3A_439, %dma_start3A_448] : memref<128x128xi32, #tpu.memory_space<vmem>> -> memref<1x128xi32, #tpu.memory_space<vmem>>
      %dma_start3A_450 = tpu.memref_squeeze %dma_start3A_449 : memref<1x128xi32, #tpu.memory_space<vmem>> -> memref<128xi32, #tpu.memory_space<vmem>>
      %dma_start3A_451 = arith.constant 0 : i32
      %dma_start3A_452 = tpu.memref_slice %arg14[%dma_start3A_451] : memref<26624xf32, #tpu.memory_space<vmem_shared>> -> memref<26624xf32, #tpu.memory_space<vmem_shared>>
      tpu.enqueue_indirect_dma source(%dma_start3A_447 : memref<128xf32, #tpu.memory_space<vmem>>) target(%dma_start3A_452 : memref<26624xf32, #tpu.memory_space<vmem_shared>>) offsets(%dma_start3A_450 : memref<128xi32, #tpu.memory_space<vmem>>) semaphore(%arg16 : memref<!tpu.dma_semaphore, #tpu.memory_space<semaphore_mem>>) {add = true}
      %mul3A_453 = arith.constant 16 : i32
      %mul3A_454 = arith.muli %scan3A_300, %mul3A_453 : i32
      %add3A_455 = arith.constant 9 : i32
      %add3A_456 = arith.addi %mul3A_454, %add3A_455 : i32
      %dma_start3A_457 = arith.constant 0 : i32
      %dma_start3A_458 = tpu.memref_slice %arg5[%add3A_456, %dma_start3A_457] : memref<128x128xi32, #tpu.memory_space<vmem>> -> memref<1x128xi32, #tpu.memory_space<vmem>>
      %dma_start3A_459 = tpu.memref_squeeze %dma_start3A_458 : memref<1x128xi32, #tpu.memory_space<vmem>> -> memref<128xi32, #tpu.memory_space<vmem>>
      %dma_start3A_460 = arith.constant 0 : i32
      %dma_start3A_461 = tpu.memref_slice %arg13[%dma_start3A_460] : memref<26624xf32, #tpu.memory_space<vmem_shared>> -> memref<26624xf32, #tpu.memory_space<vmem_shared>>
      tpu.enqueue_indirect_dma source(%arg7 : memref<128xf32, #tpu.memory_space<vmem>>) target(%dma_start3A_461 : memref<26624xf32, #tpu.memory_space<vmem_shared>>) offsets(%dma_start3A_459 : memref<128xi32, #tpu.memory_space<vmem>>) semaphore(%arg16 : memref<!tpu.dma_semaphore, #tpu.memory_space<semaphore_mem>>) {add = true}
      %dma_start3A_462 = arith.constant 0 : i32
      %dma_start3A_463 = tpu.memref_slice %arg6[%add3A_456, %dma_start3A_462] : memref<128x128xf32, #tpu.memory_space<vmem>> -> memref<1x128xf32, #tpu.memory_space<vmem>>
      %dma_start3A_464 = tpu.memref_squeeze %dma_start3A_463 : memref<1x128xf32, #tpu.memory_space<vmem>> -> memref<128xf32, #tpu.memory_space<vmem>>
      %dma_start3A_465 = arith.constant 0 : i32
      %dma_start3A_466 = tpu.memref_slice %arg5[%add3A_456, %dma_start3A_465] : memref<128x128xi32, #tpu.memory_space<vmem>> -> memref<1x128xi32, #tpu.memory_space<vmem>>
      %dma_start3A_467 = tpu.memref_squeeze %dma_start3A_466 : memref<1x128xi32, #tpu.memory_space<vmem>> -> memref<128xi32, #tpu.memory_space<vmem>>
      %dma_start3A_468 = arith.constant 0 : i32
      %dma_start3A_469 = tpu.memref_slice %arg14[%dma_start3A_468] : memref<26624xf32, #tpu.memory_space<vmem_shared>> -> memref<26624xf32, #tpu.memory_space<vmem_shared>>
      tpu.enqueue_indirect_dma source(%dma_start3A_464 : memref<128xf32, #tpu.memory_space<vmem>>) target(%dma_start3A_469 : memref<26624xf32, #tpu.memory_space<vmem_shared>>) offsets(%dma_start3A_467 : memref<128xi32, #tpu.memory_space<vmem>>) semaphore(%arg16 : memref<!tpu.dma_semaphore, #tpu.memory_space<semaphore_mem>>) {add = true}
      %mul3A_470 = arith.constant 16 : i32
      %mul3A_471 = arith.muli %scan3A_300, %mul3A_470 : i32
      %add3A_472 = arith.constant 10 : i32
      %add3A_473 = arith.addi %mul3A_471, %add3A_472 : i32
      %dma_start3A_474 = arith.constant 0 : i32
      %dma_start3A_475 = tpu.memref_slice %arg5[%add3A_473, %dma_start3A_474] : memref<128x128xi32, #tpu.memory_space<vmem>> -> memref<1x128xi32, #tpu.memory_space<vmem>>
      %dma_start3A_476 = tpu.memref_squeeze %dma_start3A_475 : memref<1x128xi32, #tpu.memory_space<vmem>> -> memref<128xi32, #tpu.memory_space<vmem>>
      %dma_start3A_477 = arith.constant 0 : i32
      %dma_start3A_478 = tpu.memref_slice %arg13[%dma_start3A_477] : memref<26624xf32, #tpu.memory_space<vmem_shared>> -> memref<26624xf32, #tpu.memory_space<vmem_shared>>
      tpu.enqueue_indirect_dma source(%arg7 : memref<128xf32, #tpu.memory_space<vmem>>) target(%dma_start3A_478 : memref<26624xf32, #tpu.memory_space<vmem_shared>>) offsets(%dma_start3A_476 : memref<128xi32, #tpu.memory_space<vmem>>) semaphore(%arg16 : memref<!tpu.dma_semaphore, #tpu.memory_space<semaphore_mem>>) {add = true}
      %dma_start3A_479 = arith.constant 0 : i32
      %dma_start3A_480 = tpu.memref_slice %arg6[%add3A_473, %dma_start3A_479] : memref<128x128xf32, #tpu.memory_space<vmem>> -> memref<1x128xf32, #tpu.memory_space<vmem>>
      %dma_start3A_481 = tpu.memref_squeeze %dma_start3A_480 : memref<1x128xf32, #tpu.memory_space<vmem>> -> memref<128xf32, #tpu.memory_space<vmem>>
      %dma_start3A_482 = arith.constant 0 : i32
      %dma_start3A_483 = tpu.memref_slice %arg5[%add3A_473, %dma_start3A_482] : memref<128x128xi32, #tpu.memory_space<vmem>> -> memref<1x128xi32, #tpu.memory_space<vmem>>
      %dma_start3A_484 = tpu.memref_squeeze %dma_start3A_483 : memref<1x128xi32, #tpu.memory_space<vmem>> -> memref<128xi32, #tpu.memory_space<vmem>>
      %dma_start3A_485 = arith.constant 0 : i32
      %dma_start3A_486 = tpu.memref_slice %arg14[%dma_start3A_485] : memref<26624xf32, #tpu.memory_space<vmem_shared>> -> memref<26624xf32, #tpu.memory_space<vmem_shared>>
      tpu.enqueue_indirect_dma source(%dma_start3A_481 : memref<128xf32, #tpu.memory_space<vmem>>) target(%dma_start3A_486 : memref<26624xf32, #tpu.memory_space<vmem_shared>>) offsets(%dma_start3A_484 : memref<128xi32, #tpu.memory_space<vmem>>) semaphore(%arg16 : memref<!tpu.dma_semaphore, #tpu.memory_space<semaphore_mem>>) {add = true}
      %mul3A_487 = arith.constant 16 : i32
      %mul3A_488 = arith.muli %scan3A_300, %mul3A_487 : i32
      %add3A_489 = arith.constant 11 : i32
      %add3A_490 = arith.addi %mul3A_488, %add3A_489 : i32
      %dma_start3A_491 = arith.constant 0 : i32
      %dma_start3A_492 = tpu.memref_slice %arg5[%add3A_490, %dma_start3A_491] : memref<128x128xi32, #tpu.memory_space<vmem>> -> memref<1x128xi32, #tpu.memory_space<vmem>>
      %dma_start3A_493 = tpu.memref_squeeze %dma_start3A_492 : memref<1x128xi32, #tpu.memory_space<vmem>> -> memref<128xi32, #tpu.memory_space<vmem>>
      %dma_start3A_494 = arith.constant 0 : i32
      %dma_start3A_495 = tpu.memref_slice %arg13[%dma_start3A_494] : memref<26624xf32, #tpu.memory_space<vmem_shared>> -> memref<26624xf32, #tpu.memory_space<vmem_shared>>
      tpu.enqueue_indirect_dma source(%arg7 : memref<128xf32, #tpu.memory_space<vmem>>) target(%dma_start3A_495 : memref<26624xf32, #tpu.memory_space<vmem_shared>>) offsets(%dma_start3A_493 : memref<128xi32, #tpu.memory_space<vmem>>) semaphore(%arg16 : memref<!tpu.dma_semaphore, #tpu.memory_space<semaphore_mem>>) {add = true}
      %dma_start3A_496 = arith.constant 0 : i32
      %dma_start3A_497 = tpu.memref_slice %arg6[%add3A_490, %dma_start3A_496] : memref<128x128xf32, #tpu.memory_space<vmem>> -> memref<1x128xf32, #tpu.memory_space<vmem>>
      %dma_start3A_498 = tpu.memref_squeeze %dma_start3A_497 : memref<1x128xf32, #tpu.memory_space<vmem>> -> memref<128xf32, #tpu.memory_space<vmem>>
      %dma_start3A_499 = arith.constant 0 : i32
      %dma_start3A_500 = tpu.memref_slice %arg5[%add3A_490, %dma_start3A_499] : memref<128x128xi32, #tpu.memory_space<vmem>> -> memref<1x128xi32, #tpu.memory_space<vmem>>
      %dma_start3A_501 = tpu.memref_squeeze %dma_start3A_500 : memref<1x128xi32, #tpu.memory_space<vmem>> -> memref<128xi32, #tpu.memory_space<vmem>>
      %dma_start3A_502 = arith.constant 0 : i32
      %dma_start3A_503 = tpu.memref_slice %arg14[%dma_start3A_502] : memref<26624xf32, #tpu.memory_space<vmem_shared>> -> memref<26624xf32, #tpu.memory_space<vmem_shared>>
      tpu.enqueue_indirect_dma source(%dma_start3A_498 : memref<128xf32, #tpu.memory_space<vmem>>) target(%dma_start3A_503 : memref<26624xf32, #tpu.memory_space<vmem_shared>>) offsets(%dma_start3A_501 : memref<128xi32, #tpu.memory_space<vmem>>) semaphore(%arg16 : memref<!tpu.dma_semaphore, #tpu.memory_space<semaphore_mem>>) {add = true}
      %mul3A_504 = arith.constant 16 : i32
      %mul3A_505 = arith.muli %scan3A_300, %mul3A_504 : i32
      %add3A_506 = arith.constant 12 : i32
      %add3A_507 = arith.addi %mul3A_505, %add3A_506 : i32
      %dma_start3A_508 = arith.constant 0 : i32
      %dma_start3A_509 = tpu.memref_slice %arg5[%add3A_507, %dma_start3A_508] : memref<128x128xi32, #tpu.memory_space<vmem>> -> memref<1x128xi32, #tpu.memory_space<vmem>>
      %dma_start3A_510 = tpu.memref_squeeze %dma_start3A_509 : memref<1x128xi32, #tpu.memory_space<vmem>> -> memref<128xi32, #tpu.memory_space<vmem>>
      %dma_start3A_511 = arith.constant 0 : i32
      %dma_start3A_512 = tpu.memref_slice %arg13[%dma_start3A_511] : memref<26624xf32, #tpu.memory_space<vmem_shared>> -> memref<26624xf32, #tpu.memory_space<vmem_shared>>
      tpu.enqueue_indirect_dma source(%arg7 : memref<128xf32, #tpu.memory_space<vmem>>) target(%dma_start3A_512 : memref<26624xf32, #tpu.memory_space<vmem_shared>>) offsets(%dma_start3A_510 : memref<128xi32, #tpu.memory_space<vmem>>) semaphore(%arg16 : memref<!tpu.dma_semaphore, #tpu.memory_space<semaphore_mem>>) {add = true}
      %dma_start3A_513 = arith.constant 0 : i32
      %dma_start3A_514 = tpu.memref_slice %arg6[%add3A_507, %dma_start3A_513] : memref<128x128xf32, #tpu.memory_space<vmem>> -> memref<1x128xf32, #tpu.memory_space<vmem>>
      %dma_start3A_515 = tpu.memref_squeeze %dma_start3A_514 : memref<1x128xf32, #tpu.memory_space<vmem>> -> memref<128xf32, #tpu.memory_space<vmem>>
      %dma_start3A_516 = arith.constant 0 : i32
      %dma_start3A_517 = tpu.memref_slice %arg5[%add3A_507, %dma_start3A_516] : memref<128x128xi32, #tpu.memory_space<vmem>> -> memref<1x128xi32, #tpu.memory_space<vmem>>
      %dma_start3A_518 = tpu.memref_squeeze %dma_start3A_517 : memref<1x128xi32, #tpu.memory_space<vmem>> -> memref<128xi32, #tpu.memory_space<vmem>>
      %dma_start3A_519 = arith.constant 0 : i32
      %dma_start3A_520 = tpu.memref_slice %arg14[%dma_start3A_519] : memref<26624xf32, #tpu.memory_space<vmem_shared>> -> memref<26624xf32, #tpu.memory_space<vmem_shared>>
      tpu.enqueue_indirect_dma source(%dma_start3A_515 : memref<128xf32, #tpu.memory_space<vmem>>) target(%dma_start3A_520 : memref<26624xf32, #tpu.memory_space<vmem_shared>>) offsets(%dma_start3A_518 : memref<128xi32, #tpu.memory_space<vmem>>) semaphore(%arg16 : memref<!tpu.dma_semaphore, #tpu.memory_space<semaphore_mem>>) {add = true}
      %mul3A_521 = arith.constant 16 : i32
      %mul3A_522 = arith.muli %scan3A_300, %mul3A_521 : i32
      %add3A_523 = arith.constant 13 : i32
      %add3A_524 = arith.addi %mul3A_522, %add3A_523 : i32
      %dma_start3A_525 = arith.constant 0 : i32
      %dma_start3A_526 = tpu.memref_slice %arg5[%add3A_524, %dma_start3A_525] : memref<128x128xi32, #tpu.memory_space<vmem>> -> memref<1x128xi32, #tpu.memory_space<vmem>>
      %dma_start3A_527 = tpu.memref_squeeze %dma_start3A_526 : memref<1x128xi32, #tpu.memory_space<vmem>> -> memref<128xi32, #tpu.memory_space<vmem>>
      %dma_start3A_528 = arith.constant 0 : i32
      %dma_start3A_529 = tpu.memref_slice %arg13[%dma_start3A_528] : memref<26624xf32, #tpu.memory_space<vmem_shared>> -> memref<26624xf32, #tpu.memory_space<vmem_shared>>
      tpu.enqueue_indirect_dma source(%arg7 : memref<128xf32, #tpu.memory_space<vmem>>) target(%dma_start3A_529 : memref<26624xf32, #tpu.memory_space<vmem_shared>>) offsets(%dma_start3A_527 : memref<128xi32, #tpu.memory_space<vmem>>) semaphore(%arg16 : memref<!tpu.dma_semaphore, #tpu.memory_space<semaphore_mem>>) {add = true}
      %dma_start3A_530 = arith.constant 0 : i32
      %dma_start3A_531 = tpu.memref_slice %arg6[%add3A_524, %dma_start3A_530] : memref<128x128xf32, #tpu.memory_space<vmem>> -> memref<1x128xf32, #tpu.memory_space<vmem>>
      %dma_start3A_532 = tpu.memref_squeeze %dma_start3A_531 : memref<1x128xf32, #tpu.memory_space<vmem>> -> memref<128xf32, #tpu.memory_space<vmem>>
      %dma_start3A_533 = arith.constant 0 : i32
      %dma_start3A_534 = tpu.memref_slice %arg5[%add3A_524, %dma_start3A_533] : memref<128x128xi32, #tpu.memory_space<vmem>> -> memref<1x128xi32, #tpu.memory_space<vmem>>
      %dma_start3A_535 = tpu.memref_squeeze %dma_start3A_534 : memref<1x128xi32, #tpu.memory_space<vmem>> -> memref<128xi32, #tpu.memory_space<vmem>>
      %dma_start3A_536 = arith.constant 0 : i32
      %dma_start3A_537 = tpu.memref_slice %arg14[%dma_start3A_536] : memref<26624xf32, #tpu.memory_space<vmem_shared>> -> memref<26624xf32, #tpu.memory_space<vmem_shared>>
      tpu.enqueue_indirect_dma source(%dma_start3A_532 : memref<128xf32, #tpu.memory_space<vmem>>) target(%dma_start3A_537 : memref<26624xf32, #tpu.memory_space<vmem_shared>>) offsets(%dma_start3A_535 : memref<128xi32, #tpu.memory_space<vmem>>) semaphore(%arg16 : memref<!tpu.dma_semaphore, #tpu.memory_space<semaphore_mem>>) {add = true}
      %mul3A_538 = arith.constant 16 : i32
      %mul3A_539 = arith.muli %scan3A_300, %mul3A_538 : i32
      %add3A_540 = arith.constant 14 : i32
      %add3A_541 = arith.addi %mul3A_539, %add3A_540 : i32
      %dma_start3A_542 = arith.constant 0 : i32
      %dma_start3A_543 = tpu.memref_slice %arg5[%add3A_541, %dma_start3A_542] : memref<128x128xi32, #tpu.memory_space<vmem>> -> memref<1x128xi32, #tpu.memory_space<vmem>>
      %dma_start3A_544 = tpu.memref_squeeze %dma_start3A_543 : memref<1x128xi32, #tpu.memory_space<vmem>> -> memref<128xi32, #tpu.memory_space<vmem>>
      %dma_start3A_545 = arith.constant 0 : i32
      %dma_start3A_546 = tpu.memref_slice %arg13[%dma_start3A_545] : memref<26624xf32, #tpu.memory_space<vmem_shared>> -> memref<26624xf32, #tpu.memory_space<vmem_shared>>
      tpu.enqueue_indirect_dma source(%arg7 : memref<128xf32, #tpu.memory_space<vmem>>) target(%dma_start3A_546 : memref<26624xf32, #tpu.memory_space<vmem_shared>>) offsets(%dma_start3A_544 : memref<128xi32, #tpu.memory_space<vmem>>) semaphore(%arg16 : memref<!tpu.dma_semaphore, #tpu.memory_space<semaphore_mem>>) {add = true}
      %dma_start3A_547 = arith.constant 0 : i32
      %dma_start3A_548 = tpu.memref_slice %arg6[%add3A_541, %dma_start3A_547] : memref<128x128xf32, #tpu.memory_space<vmem>> -> memref<1x128xf32, #tpu.memory_space<vmem>>
      %dma_start3A_549 = tpu.memref_squeeze %dma_start3A_548 : memref<1x128xf32, #tpu.memory_space<vmem>> -> memref<128xf32, #tpu.memory_space<vmem>>
      %dma_start3A_550 = arith.constant 0 : i32
      %dma_start3A_551 = tpu.memref_slice %arg5[%add3A_541, %dma_start3A_550] : memref<128x128xi32, #tpu.memory_space<vmem>> -> memref<1x128xi32, #tpu.memory_space<vmem>>
      %dma_start3A_552 = tpu.memref_squeeze %dma_start3A_551 : memref<1x128xi32, #tpu.memory_space<vmem>> -> memref<128xi32, #tpu.memory_space<vmem>>
      %dma_start3A_553 = arith.constant 0 : i32
      %dma_start3A_554 = tpu.memref_slice %arg14[%dma_start3A_553] : memref<26624xf32, #tpu.memory_space<vmem_shared>> -> memref<26624xf32, #tpu.memory_space<vmem_shared>>
      tpu.enqueue_indirect_dma source(%dma_start3A_549 : memref<128xf32, #tpu.memory_space<vmem>>) target(%dma_start3A_554 : memref<26624xf32, #tpu.memory_space<vmem_shared>>) offsets(%dma_start3A_552 : memref<128xi32, #tpu.memory_space<vmem>>) semaphore(%arg16 : memref<!tpu.dma_semaphore, #tpu.memory_space<semaphore_mem>>) {add = true}
      %mul3A_555 = arith.constant 16 : i32
      %mul3A_556 = arith.muli %scan3A_300, %mul3A_555 : i32
      %add3A_557 = arith.constant 15 : i32
      %add3A_558 = arith.addi %mul3A_556, %add3A_557 : i32
      %dma_start3A_559 = arith.constant 0 : i32
      %dma_start3A_560 = tpu.memref_slice %arg5[%add3A_558, %dma_start3A_559] : memref<128x128xi32, #tpu.memory_space<vmem>> -> memref<1x128xi32, #tpu.memory_space<vmem>>
      %dma_start3A_561 = tpu.memref_squeeze %dma_start3A_560 : memref<1x128xi32, #tpu.memory_space<vmem>> -> memref<128xi32, #tpu.memory_space<vmem>>
      %dma_start3A_562 = arith.constant 0 : i32
      %dma_start3A_563 = tpu.memref_slice %arg13[%dma_start3A_562] : memref<26624xf32, #tpu.memory_space<vmem_shared>> -> memref<26624xf32, #tpu.memory_space<vmem_shared>>
      tpu.enqueue_indirect_dma source(%arg7 : memref<128xf32, #tpu.memory_space<vmem>>) target(%dma_start3A_563 : memref<26624xf32, #tpu.memory_space<vmem_shared>>) offsets(%dma_start3A_561 : memref<128xi32, #tpu.memory_space<vmem>>) semaphore(%arg16 : memref<!tpu.dma_semaphore, #tpu.memory_space<semaphore_mem>>) {add = true}
      %dma_start3A_564 = arith.constant 0 : i32
      %dma_start3A_565 = tpu.memref_slice %arg6[%add3A_558, %dma_start3A_564] : memref<128x128xf32, #tpu.memory_space<vmem>> -> memref<1x128xf32, #tpu.memory_space<vmem>>
      %dma_start3A_566 = tpu.memref_squeeze %dma_start3A_565 : memref<1x128xf32, #tpu.memory_space<vmem>> -> memref<128xf32, #tpu.memory_space<vmem>>
      %dma_start3A_567 = arith.constant 0 : i32
      %dma_start3A_568 = tpu.memref_slice %arg5[%add3A_558, %dma_start3A_567] : memref<128x128xi32, #tpu.memory_space<vmem>> -> memref<1x128xi32, #tpu.memory_space<vmem>>
      %dma_start3A_569 = tpu.memref_squeeze %dma_start3A_568 : memref<1x128xi32, #tpu.memory_space<vmem>> -> memref<128xi32, #tpu.memory_space<vmem>>
      %dma_start3A_570 = arith.constant 0 : i32
      %dma_start3A_571 = tpu.memref_slice %arg14[%dma_start3A_570] : memref<26624xf32, #tpu.memory_space<vmem_shared>> -> memref<26624xf32, #tpu.memory_space<vmem_shared>>
      tpu.enqueue_indirect_dma source(%dma_start3A_566 : memref<128xf32, #tpu.memory_space<vmem>>) target(%dma_start3A_571 : memref<26624xf32, #tpu.memory_space<vmem_shared>>) offsets(%dma_start3A_569 : memref<128xi32, #tpu.memory_space<vmem>>) semaphore(%arg16 : memref<!tpu.dma_semaphore, #tpu.memory_space<semaphore_mem>>) {add = true}
      %gt3A = arith.constant 0 : i32
      %gt3A_572 = arith.cmpi sgt, %scan3A_300, %gt3A : i32
      %convert_element_type3A_573 = arith.extui %gt3A_572 : i1 to i32
      %cond3A_574 = arith.constant 0 : i32
      %cond3A_575 = arith.cmpi ne, %convert_element_type3A_573, %cond3A_574 : i32
      scf.if %cond3A_575 {
        %sub3A = arith.constant 1 : i32
        %sub3A_577 = arith.subi %scan3A_300, %sub3A : i32
        %mul3A_578 = arith.constant 16 : i32
        %mul3A_579 = arith.muli %sub3A_577, %mul3A_578 : i32
        %add3A_580 = arith.constant 0 : i32
        %add3A_581 = arith.addi %mul3A_579, %add3A_580 : i32
        %dma_wait3A_582 = arith.constant 0 : i32
        %dma_wait3A_583 = tpu.memref_slice %arg5[%add3A_581, %dma_wait3A_582] : memref<128x128xi32, #tpu.memory_space<vmem>> -> memref<1x128xi32, #tpu.memory_space<vmem>>
        %dma_wait3A_584 = tpu.memref_squeeze %dma_wait3A_583 : memref<1x128xi32, #tpu.memory_space<vmem>> -> memref<128xi32, #tpu.memory_space<vmem>>
        %dma_wait3A_585 = arith.constant 0 : i32
        %dma_wait3A_586 = tpu.memref_slice %arg13[%dma_wait3A_585] : memref<26624xf32, #tpu.memory_space<vmem_shared>> -> memref<26624xf32, #tpu.memory_space<vmem_shared>>
        tpu.wait_indirect_dma semaphore(%arg16 : memref<!tpu.dma_semaphore, #tpu.memory_space<semaphore_mem>>) src(%arg7 : memref<128xf32, #tpu.memory_space<vmem>>) dst(%dma_wait3A_586 : memref<26624xf32, #tpu.memory_space<vmem_shared>>)
        %dma_wait3A_587 = arith.constant 0 : i32
        %dma_wait3A_588 = tpu.memref_slice %arg6[%add3A_581, %dma_wait3A_587] : memref<128x128xf32, #tpu.memory_space<vmem>> -> memref<1x128xf32, #tpu.memory_space<vmem>>
        %dma_wait3A_589 = tpu.memref_squeeze %dma_wait3A_588 : memref<1x128xf32, #tpu.memory_space<vmem>> -> memref<128xf32, #tpu.memory_space<vmem>>
        %dma_wait3A_590 = arith.constant 0 : i32
        %dma_wait3A_591 = tpu.memref_slice %arg5[%add3A_581, %dma_wait3A_590] : memref<128x128xi32, #tpu.memory_space<vmem>> -> memref<1x128xi32, #tpu.memory_space<vmem>>
        %dma_wait3A_592 = tpu.memref_squeeze %dma_wait3A_591 : memref<1x128xi32, #tpu.memory_space<vmem>> -> memref<128xi32, #tpu.memory_space<vmem>>
        %dma_wait3A_593 = arith.constant 0 : i32
        %dma_wait3A_594 = tpu.memref_slice %arg14[%dma_wait3A_593] : memref<26624xf32, #tpu.memory_space<vmem_shared>> -> memref<26624xf32, #tpu.memory_space<vmem_shared>>
        tpu.wait_indirect_dma semaphore(%arg16 : memref<!tpu.dma_semaphore, #tpu.memory_space<semaphore_mem>>) src(%dma_wait3A_589 : memref<128xf32, #tpu.memory_space<vmem>>) dst(%dma_wait3A_594 : memref<26624xf32, #tpu.memory_space<vmem_shared>>)
        %mul3A_595 = arith.constant 16 : i32
        %mul3A_596 = arith.muli %sub3A_577, %mul3A_595 : i32
        %add3A_597 = arith.constant 1 : i32
        %add3A_598 = arith.addi %mul3A_596, %add3A_597 : i32
        %dma_wait3A_599 = arith.constant 0 : i32
        %dma_wait3A_600 = tpu.memref_slice %arg5[%add3A_598, %dma_wait3A_599] : memref<128x128xi32, #tpu.memory_space<vmem>> -> memref<1x128xi32, #tpu.memory_space<vmem>>
        %dma_wait3A_601 = tpu.memref_squeeze %dma_wait3A_600 : memref<1x128xi32, #tpu.memory_space<vmem>> -> memref<128xi32, #tpu.memory_space<vmem>>
        %dma_wait3A_602 = arith.constant 0 : i32
        %dma_wait3A_603 = tpu.memref_slice %arg13[%dma_wait3A_602] : memref<26624xf32, #tpu.memory_space<vmem_shared>> -> memref<26624xf32, #tpu.memory_space<vmem_shared>>
        tpu.wait_indirect_dma semaphore(%arg16 : memref<!tpu.dma_semaphore, #tpu.memory_space<semaphore_mem>>) src(%arg7 : memref<128xf32, #tpu.memory_space<vmem>>) dst(%dma_wait3A_603 : memref<26624xf32, #tpu.memory_space<vmem_shared>>)
        %dma_wait3A_604 = arith.constant 0 : i32
        %dma_wait3A_605 = tpu.memref_slice %arg6[%add3A_598, %dma_wait3A_604] : memref<128x128xf32, #tpu.memory_space<vmem>> -> memref<1x128xf32, #tpu.memory_space<vmem>>
        %dma_wait3A_606 = tpu.memref_squeeze %dma_wait3A_605 : memref<1x128xf32, #tpu.memory_space<vmem>> -> memref<128xf32, #tpu.memory_space<vmem>>
        %dma_wait3A_607 = arith.constant 0 : i32
        %dma_wait3A_608 = tpu.memref_slice %arg5[%add3A_598, %dma_wait3A_607] : memref<128x128xi32, #tpu.memory_space<vmem>> -> memref<1x128xi32, #tpu.memory_space<vmem>>
        %dma_wait3A_609 = tpu.memref_squeeze %dma_wait3A_608 : memref<1x128xi32, #tpu.memory_space<vmem>> -> memref<128xi32, #tpu.memory_space<vmem>>
        %dma_wait3A_610 = arith.constant 0 : i32
        %dma_wait3A_611 = tpu.memref_slice %arg14[%dma_wait3A_610] : memref<26624xf32, #tpu.memory_space<vmem_shared>> -> memref<26624xf32, #tpu.memory_space<vmem_shared>>
        tpu.wait_indirect_dma semaphore(%arg16 : memref<!tpu.dma_semaphore, #tpu.memory_space<semaphore_mem>>) src(%dma_wait3A_606 : memref<128xf32, #tpu.memory_space<vmem>>) dst(%dma_wait3A_611 : memref<26624xf32, #tpu.memory_space<vmem_shared>>)
        %mul3A_612 = arith.constant 16 : i32
        %mul3A_613 = arith.muli %sub3A_577, %mul3A_612 : i32
        %add3A_614 = arith.constant 2 : i32
        %add3A_615 = arith.addi %mul3A_613, %add3A_614 : i32
        %dma_wait3A_616 = arith.constant 0 : i32
        %dma_wait3A_617 = tpu.memref_slice %arg5[%add3A_615, %dma_wait3A_616] : memref<128x128xi32, #tpu.memory_space<vmem>> -> memref<1x128xi32, #tpu.memory_space<vmem>>
        %dma_wait3A_618 = tpu.memref_squeeze %dma_wait3A_617 : memref<1x128xi32, #tpu.memory_space<vmem>> -> memref<128xi32, #tpu.memory_space<vmem>>
        %dma_wait3A_619 = arith.constant 0 : i32
        %dma_wait3A_620 = tpu.memref_slice %arg13[%dma_wait3A_619] : memref<26624xf32, #tpu.memory_space<vmem_shared>> -> memref<26624xf32, #tpu.memory_space<vmem_shared>>
        tpu.wait_indirect_dma semaphore(%arg16 : memref<!tpu.dma_semaphore, #tpu.memory_space<semaphore_mem>>) src(%arg7 : memref<128xf32, #tpu.memory_space<vmem>>) dst(%dma_wait3A_620 : memref<26624xf32, #tpu.memory_space<vmem_shared>>)
        %dma_wait3A_621 = arith.constant 0 : i32
        %dma_wait3A_622 = tpu.memref_slice %arg6[%add3A_615, %dma_wait3A_621] : memref<128x128xf32, #tpu.memory_space<vmem>> -> memref<1x128xf32, #tpu.memory_space<vmem>>
        %dma_wait3A_623 = tpu.memref_squeeze %dma_wait3A_622 : memref<1x128xf32, #tpu.memory_space<vmem>> -> memref<128xf32, #tpu.memory_space<vmem>>
        %dma_wait3A_624 = arith.constant 0 : i32
        %dma_wait3A_625 = tpu.memref_slice %arg5[%add3A_615, %dma_wait3A_624] : memref<128x128xi32, #tpu.memory_space<vmem>> -> memref<1x128xi32, #tpu.memory_space<vmem>>
        %dma_wait3A_626 = tpu.memref_squeeze %dma_wait3A_625 : memref<1x128xi32, #tpu.memory_space<vmem>> -> memref<128xi32, #tpu.memory_space<vmem>>
        %dma_wait3A_627 = arith.constant 0 : i32
        %dma_wait3A_628 = tpu.memref_slice %arg14[%dma_wait3A_627] : memref<26624xf32, #tpu.memory_space<vmem_shared>> -> memref<26624xf32, #tpu.memory_space<vmem_shared>>
        tpu.wait_indirect_dma semaphore(%arg16 : memref<!tpu.dma_semaphore, #tpu.memory_space<semaphore_mem>>) src(%dma_wait3A_623 : memref<128xf32, #tpu.memory_space<vmem>>) dst(%dma_wait3A_628 : memref<26624xf32, #tpu.memory_space<vmem_shared>>)
        %mul3A_629 = arith.constant 16 : i32
        %mul3A_630 = arith.muli %sub3A_577, %mul3A_629 : i32
        %add3A_631 = arith.constant 3 : i32
        %add3A_632 = arith.addi %mul3A_630, %add3A_631 : i32
        %dma_wait3A_633 = arith.constant 0 : i32
        %dma_wait3A_634 = tpu.memref_slice %arg5[%add3A_632, %dma_wait3A_633] : memref<128x128xi32, #tpu.memory_space<vmem>> -> memref<1x128xi32, #tpu.memory_space<vmem>>
        %dma_wait3A_635 = tpu.memref_squeeze %dma_wait3A_634 : memref<1x128xi32, #tpu.memory_space<vmem>> -> memref<128xi32, #tpu.memory_space<vmem>>
        %dma_wait3A_636 = arith.constant 0 : i32
        %dma_wait3A_637 = tpu.memref_slice %arg13[%dma_wait3A_636] : memref<26624xf32, #tpu.memory_space<vmem_shared>> -> memref<26624xf32, #tpu.memory_space<vmem_shared>>
        tpu.wait_indirect_dma semaphore(%arg16 : memref<!tpu.dma_semaphore, #tpu.memory_space<semaphore_mem>>) src(%arg7 : memref<128xf32, #tpu.memory_space<vmem>>) dst(%dma_wait3A_637 : memref<26624xf32, #tpu.memory_space<vmem_shared>>)
        %dma_wait3A_638 = arith.constant 0 : i32
        %dma_wait3A_639 = tpu.memref_slice %arg6[%add3A_632, %dma_wait3A_638] : memref<128x128xf32, #tpu.memory_space<vmem>> -> memref<1x128xf32, #tpu.memory_space<vmem>>
        %dma_wait3A_640 = tpu.memref_squeeze %dma_wait3A_639 : memref<1x128xf32, #tpu.memory_space<vmem>> -> memref<128xf32, #tpu.memory_space<vmem>>
        %dma_wait3A_641 = arith.constant 0 : i32
        %dma_wait3A_642 = tpu.memref_slice %arg5[%add3A_632, %dma_wait3A_641] : memref<128x128xi32, #tpu.memory_space<vmem>> -> memref<1x128xi32, #tpu.memory_space<vmem>>
        %dma_wait3A_643 = tpu.memref_squeeze %dma_wait3A_642 : memref<1x128xi32, #tpu.memory_space<vmem>> -> memref<128xi32, #tpu.memory_space<vmem>>
        %dma_wait3A_644 = arith.constant 0 : i32
        %dma_wait3A_645 = tpu.memref_slice %arg14[%dma_wait3A_644] : memref<26624xf32, #tpu.memory_space<vmem_shared>> -> memref<26624xf32, #tpu.memory_space<vmem_shared>>
        tpu.wait_indirect_dma semaphore(%arg16 : memref<!tpu.dma_semaphore, #tpu.memory_space<semaphore_mem>>) src(%dma_wait3A_640 : memref<128xf32, #tpu.memory_space<vmem>>) dst(%dma_wait3A_645 : memref<26624xf32, #tpu.memory_space<vmem_shared>>)
        %mul3A_646 = arith.constant 16 : i32
        %mul3A_647 = arith.muli %sub3A_577, %mul3A_646 : i32
        %add3A_648 = arith.constant 4 : i32
        %add3A_649 = arith.addi %mul3A_647, %add3A_648 : i32
        %dma_wait3A_650 = arith.constant 0 : i32
        %dma_wait3A_651 = tpu.memref_slice %arg5[%add3A_649, %dma_wait3A_650] : memref<128x128xi32, #tpu.memory_space<vmem>> -> memref<1x128xi32, #tpu.memory_space<vmem>>
        %dma_wait3A_652 = tpu.memref_squeeze %dma_wait3A_651 : memref<1x128xi32, #tpu.memory_space<vmem>> -> memref<128xi32, #tpu.memory_space<vmem>>
        %dma_wait3A_653 = arith.constant 0 : i32
        %dma_wait3A_654 = tpu.memref_slice %arg13[%dma_wait3A_653] : memref<26624xf32, #tpu.memory_space<vmem_shared>> -> memref<26624xf32, #tpu.memory_space<vmem_shared>>
        tpu.wait_indirect_dma semaphore(%arg16 : memref<!tpu.dma_semaphore, #tpu.memory_space<semaphore_mem>>) src(%arg7 : memref<128xf32, #tpu.memory_space<vmem>>) dst(%dma_wait3A_654 : memref<26624xf32, #tpu.memory_space<vmem_shared>>)
        %dma_wait3A_655 = arith.constant 0 : i32
        %dma_wait3A_656 = tpu.memref_slice %arg6[%add3A_649, %dma_wait3A_655] : memref<128x128xf32, #tpu.memory_space<vmem>> -> memref<1x128xf32, #tpu.memory_space<vmem>>
        %dma_wait3A_657 = tpu.memref_squeeze %dma_wait3A_656 : memref<1x128xf32, #tpu.memory_space<vmem>> -> memref<128xf32, #tpu.memory_space<vmem>>
        %dma_wait3A_658 = arith.constant 0 : i32
        %dma_wait3A_659 = tpu.memref_slice %arg5[%add3A_649, %dma_wait3A_658] : memref<128x128xi32, #tpu.memory_space<vmem>> -> memref<1x128xi32, #tpu.memory_space<vmem>>
        %dma_wait3A_660 = tpu.memref_squeeze %dma_wait3A_659 : memref<1x128xi32, #tpu.memory_space<vmem>> -> memref<128xi32, #tpu.memory_space<vmem>>
        %dma_wait3A_661 = arith.constant 0 : i32
        %dma_wait3A_662 = tpu.memref_slice %arg14[%dma_wait3A_661] : memref<26624xf32, #tpu.memory_space<vmem_shared>> -> memref<26624xf32, #tpu.memory_space<vmem_shared>>
        tpu.wait_indirect_dma semaphore(%arg16 : memref<!tpu.dma_semaphore, #tpu.memory_space<semaphore_mem>>) src(%dma_wait3A_657 : memref<128xf32, #tpu.memory_space<vmem>>) dst(%dma_wait3A_662 : memref<26624xf32, #tpu.memory_space<vmem_shared>>)
        %mul3A_663 = arith.constant 16 : i32
        %mul3A_664 = arith.muli %sub3A_577, %mul3A_663 : i32
        %add3A_665 = arith.constant 5 : i32
        %add3A_666 = arith.addi %mul3A_664, %add3A_665 : i32
        %dma_wait3A_667 = arith.constant 0 : i32
        %dma_wait3A_668 = tpu.memref_slice %arg5[%add3A_666, %dma_wait3A_667] : memref<128x128xi32, #tpu.memory_space<vmem>> -> memref<1x128xi32, #tpu.memory_space<vmem>>
        %dma_wait3A_669 = tpu.memref_squeeze %dma_wait3A_668 : memref<1x128xi32, #tpu.memory_space<vmem>> -> memref<128xi32, #tpu.memory_space<vmem>>
        %dma_wait3A_670 = arith.constant 0 : i32
        %dma_wait3A_671 = tpu.memref_slice %arg13[%dma_wait3A_670] : memref<26624xf32, #tpu.memory_space<vmem_shared>> -> memref<26624xf32, #tpu.memory_space<vmem_shared>>
        tpu.wait_indirect_dma semaphore(%arg16 : memref<!tpu.dma_semaphore, #tpu.memory_space<semaphore_mem>>) src(%arg7 : memref<128xf32, #tpu.memory_space<vmem>>) dst(%dma_wait3A_671 : memref<26624xf32, #tpu.memory_space<vmem_shared>>)
        %dma_wait3A_672 = arith.constant 0 : i32
        %dma_wait3A_673 = tpu.memref_slice %arg6[%add3A_666, %dma_wait3A_672] : memref<128x128xf32, #tpu.memory_space<vmem>> -> memref<1x128xf32, #tpu.memory_space<vmem>>
        %dma_wait3A_674 = tpu.memref_squeeze %dma_wait3A_673 : memref<1x128xf32, #tpu.memory_space<vmem>> -> memref<128xf32, #tpu.memory_space<vmem>>
        %dma_wait3A_675 = arith.constant 0 : i32
        %dma_wait3A_676 = tpu.memref_slice %arg5[%add3A_666, %dma_wait3A_675] : memref<128x128xi32, #tpu.memory_space<vmem>> -> memref<1x128xi32, #tpu.memory_space<vmem>>
        %dma_wait3A_677 = tpu.memref_squeeze %dma_wait3A_676 : memref<1x128xi32, #tpu.memory_space<vmem>> -> memref<128xi32, #tpu.memory_space<vmem>>
        %dma_wait3A_678 = arith.constant 0 : i32
        %dma_wait3A_679 = tpu.memref_slice %arg14[%dma_wait3A_678] : memref<26624xf32, #tpu.memory_space<vmem_shared>> -> memref<26624xf32, #tpu.memory_space<vmem_shared>>
        tpu.wait_indirect_dma semaphore(%arg16 : memref<!tpu.dma_semaphore, #tpu.memory_space<semaphore_mem>>) src(%dma_wait3A_674 : memref<128xf32, #tpu.memory_space<vmem>>) dst(%dma_wait3A_679 : memref<26624xf32, #tpu.memory_space<vmem_shared>>)
        %mul3A_680 = arith.constant 16 : i32
        %mul3A_681 = arith.muli %sub3A_577, %mul3A_680 : i32
        %add3A_682 = arith.constant 6 : i32
        %add3A_683 = arith.addi %mul3A_681, %add3A_682 : i32
        %dma_wait3A_684 = arith.constant 0 : i32
        %dma_wait3A_685 = tpu.memref_slice %arg5[%add3A_683, %dma_wait3A_684] : memref<128x128xi32, #tpu.memory_space<vmem>> -> memref<1x128xi32, #tpu.memory_space<vmem>>
        %dma_wait3A_686 = tpu.memref_squeeze %dma_wait3A_685 : memref<1x128xi32, #tpu.memory_space<vmem>> -> memref<128xi32, #tpu.memory_space<vmem>>
        %dma_wait3A_687 = arith.constant 0 : i32
        %dma_wait3A_688 = tpu.memref_slice %arg13[%dma_wait3A_687] : memref<26624xf32, #tpu.memory_space<vmem_shared>> -> memref<26624xf32, #tpu.memory_space<vmem_shared>>
        tpu.wait_indirect_dma semaphore(%arg16 : memref<!tpu.dma_semaphore, #tpu.memory_space<semaphore_mem>>) src(%arg7 : memref<128xf32, #tpu.memory_space<vmem>>) dst(%dma_wait3A_688 : memref<26624xf32, #tpu.memory_space<vmem_shared>>)
        %dma_wait3A_689 = arith.constant 0 : i32
        %dma_wait3A_690 = tpu.memref_slice %arg6[%add3A_683, %dma_wait3A_689] : memref<128x128xf32, #tpu.memory_space<vmem>> -> memref<1x128xf32, #tpu.memory_space<vmem>>
        %dma_wait3A_691 = tpu.memref_squeeze %dma_wait3A_690 : memref<1x128xf32, #tpu.memory_space<vmem>> -> memref<128xf32, #tpu.memory_space<vmem>>
        %dma_wait3A_692 = arith.constant 0 : i32
        %dma_wait3A_693 = tpu.memref_slice %arg5[%add3A_683, %dma_wait3A_692] : memref<128x128xi32, #tpu.memory_space<vmem>> -> memref<1x128xi32, #tpu.memory_space<vmem>>
        %dma_wait3A_694 = tpu.memref_squeeze %dma_wait3A_693 : memref<1x128xi32, #tpu.memory_space<vmem>> -> memref<128xi32, #tpu.memory_space<vmem>>
        %dma_wait3A_695 = arith.constant 0 : i32
        %dma_wait3A_696 = tpu.memref_slice %arg14[%dma_wait3A_695] : memref<26624xf32, #tpu.memory_space<vmem_shared>> -> memref<26624xf32, #tpu.memory_space<vmem_shared>>
        tpu.wait_indirect_dma semaphore(%arg16 : memref<!tpu.dma_semaphore, #tpu.memory_space<semaphore_mem>>) src(%dma_wait3A_691 : memref<128xf32, #tpu.memory_space<vmem>>) dst(%dma_wait3A_696 : memref<26624xf32, #tpu.memory_space<vmem_shared>>)
        %mul3A_697 = arith.constant 16 : i32
        %mul3A_698 = arith.muli %sub3A_577, %mul3A_697 : i32
        %add3A_699 = arith.constant 7 : i32
        %add3A_700 = arith.addi %mul3A_698, %add3A_699 : i32
        %dma_wait3A_701 = arith.constant 0 : i32
        %dma_wait3A_702 = tpu.memref_slice %arg5[%add3A_700, %dma_wait3A_701] : memref<128x128xi32, #tpu.memory_space<vmem>> -> memref<1x128xi32, #tpu.memory_space<vmem>>
        %dma_wait3A_703 = tpu.memref_squeeze %dma_wait3A_702 : memref<1x128xi32, #tpu.memory_space<vmem>> -> memref<128xi32, #tpu.memory_space<vmem>>
        %dma_wait3A_704 = arith.constant 0 : i32
        %dma_wait3A_705 = tpu.memref_slice %arg13[%dma_wait3A_704] : memref<26624xf32, #tpu.memory_space<vmem_shared>> -> memref<26624xf32, #tpu.memory_space<vmem_shared>>
        tpu.wait_indirect_dma semaphore(%arg16 : memref<!tpu.dma_semaphore, #tpu.memory_space<semaphore_mem>>) src(%arg7 : memref<128xf32, #tpu.memory_space<vmem>>) dst(%dma_wait3A_705 : memref<26624xf32, #tpu.memory_space<vmem_shared>>)
        %dma_wait3A_706 = arith.constant 0 : i32
        %dma_wait3A_707 = tpu.memref_slice %arg6[%add3A_700, %dma_wait3A_706] : memref<128x128xf32, #tpu.memory_space<vmem>> -> memref<1x128xf32, #tpu.memory_space<vmem>>
        %dma_wait3A_708 = tpu.memref_squeeze %dma_wait3A_707 : memref<1x128xf32, #tpu.memory_space<vmem>> -> memref<128xf32, #tpu.memory_space<vmem>>
        %dma_wait3A_709 = arith.constant 0 : i32
        %dma_wait3A_710 = tpu.memref_slice %arg5[%add3A_700, %dma_wait3A_709] : memref<128x128xi32, #tpu.memory_space<vmem>> -> memref<1x128xi32, #tpu.memory_space<vmem>>
        %dma_wait3A_711 = tpu.memref_squeeze %dma_wait3A_710 : memref<1x128xi32, #tpu.memory_space<vmem>> -> memref<128xi32, #tpu.memory_space<vmem>>
        %dma_wait3A_712 = arith.constant 0 : i32
        %dma_wait3A_713 = tpu.memref_slice %arg14[%dma_wait3A_712] : memref<26624xf32, #tpu.memory_space<vmem_shared>> -> memref<26624xf32, #tpu.memory_space<vmem_shared>>
        tpu.wait_indirect_dma semaphore(%arg16 : memref<!tpu.dma_semaphore, #tpu.memory_space<semaphore_mem>>) src(%dma_wait3A_708 : memref<128xf32, #tpu.memory_space<vmem>>) dst(%dma_wait3A_713 : memref<26624xf32, #tpu.memory_space<vmem_shared>>)
        %mul3A_714 = arith.constant 16 : i32
        %mul3A_715 = arith.muli %sub3A_577, %mul3A_714 : i32
        %add3A_716 = arith.constant 8 : i32
        %add3A_717 = arith.addi %mul3A_715, %add3A_716 : i32
        %dma_wait3A_718 = arith.constant 0 : i32
        %dma_wait3A_719 = tpu.memref_slice %arg5[%add3A_717, %dma_wait3A_718] : memref<128x128xi32, #tpu.memory_space<vmem>> -> memref<1x128xi32, #tpu.memory_space<vmem>>
        %dma_wait3A_720 = tpu.memref_squeeze %dma_wait3A_719 : memref<1x128xi32, #tpu.memory_space<vmem>> -> memref<128xi32, #tpu.memory_space<vmem>>
        %dma_wait3A_721 = arith.constant 0 : i32
        %dma_wait3A_722 = tpu.memref_slice %arg13[%dma_wait3A_721] : memref<26624xf32, #tpu.memory_space<vmem_shared>> -> memref<26624xf32, #tpu.memory_space<vmem_shared>>
        tpu.wait_indirect_dma semaphore(%arg16 : memref<!tpu.dma_semaphore, #tpu.memory_space<semaphore_mem>>) src(%arg7 : memref<128xf32, #tpu.memory_space<vmem>>) dst(%dma_wait3A_722 : memref<26624xf32, #tpu.memory_space<vmem_shared>>)
        %dma_wait3A_723 = arith.constant 0 : i32
        %dma_wait3A_724 = tpu.memref_slice %arg6[%add3A_717, %dma_wait3A_723] : memref<128x128xf32, #tpu.memory_space<vmem>> -> memref<1x128xf32, #tpu.memory_space<vmem>>
        %dma_wait3A_725 = tpu.memref_squeeze %dma_wait3A_724 : memref<1x128xf32, #tpu.memory_space<vmem>> -> memref<128xf32, #tpu.memory_space<vmem>>
        %dma_wait3A_726 = arith.constant 0 : i32
        %dma_wait3A_727 = tpu.memref_slice %arg5[%add3A_717, %dma_wait3A_726] : memref<128x128xi32, #tpu.memory_space<vmem>> -> memref<1x128xi32, #tpu.memory_space<vmem>>
        %dma_wait3A_728 = tpu.memref_squeeze %dma_wait3A_727 : memref<1x128xi32, #tpu.memory_space<vmem>> -> memref<128xi32, #tpu.memory_space<vmem>>
        %dma_wait3A_729 = arith.constant 0 : i32
        %dma_wait3A_730 = tpu.memref_slice %arg14[%dma_wait3A_729] : memref<26624xf32, #tpu.memory_space<vmem_shared>> -> memref<26624xf32, #tpu.memory_space<vmem_shared>>
        tpu.wait_indirect_dma semaphore(%arg16 : memref<!tpu.dma_semaphore, #tpu.memory_space<semaphore_mem>>) src(%dma_wait3A_725 : memref<128xf32, #tpu.memory_space<vmem>>) dst(%dma_wait3A_730 : memref<26624xf32, #tpu.memory_space<vmem_shared>>)
        %mul3A_731 = arith.constant 16 : i32
        %mul3A_732 = arith.muli %sub3A_577, %mul3A_731 : i32
        %add3A_733 = arith.constant 9 : i32
        %add3A_734 = arith.addi %mul3A_732, %add3A_733 : i32
        %dma_wait3A_735 = arith.constant 0 : i32
        %dma_wait3A_736 = tpu.memref_slice %arg5[%add3A_734, %dma_wait3A_735] : memref<128x128xi32, #tpu.memory_space<vmem>> -> memref<1x128xi32, #tpu.memory_space<vmem>>
        %dma_wait3A_737 = tpu.memref_squeeze %dma_wait3A_736 : memref<1x128xi32, #tpu.memory_space<vmem>> -> memref<128xi32, #tpu.memory_space<vmem>>
        %dma_wait3A_738 = arith.constant 0 : i32
        %dma_wait3A_739 = tpu.memref_slice %arg13[%dma_wait3A_738] : memref<26624xf32, #tpu.memory_space<vmem_shared>> -> memref<26624xf32, #tpu.memory_space<vmem_shared>>
        tpu.wait_indirect_dma semaphore(%arg16 : memref<!tpu.dma_semaphore, #tpu.memory_space<semaphore_mem>>) src(%arg7 : memref<128xf32, #tpu.memory_space<vmem>>) dst(%dma_wait3A_739 : memref<26624xf32, #tpu.memory_space<vmem_shared>>)
        %dma_wait3A_740 = arith.constant 0 : i32
        %dma_wait3A_741 = tpu.memref_slice %arg6[%add3A_734, %dma_wait3A_740] : memref<128x128xf32, #tpu.memory_space<vmem>> -> memref<1x128xf32, #tpu.memory_space<vmem>>
        %dma_wait3A_742 = tpu.memref_squeeze %dma_wait3A_741 : memref<1x128xf32, #tpu.memory_space<vmem>> -> memref<128xf32, #tpu.memory_space<vmem>>
        %dma_wait3A_743 = arith.constant 0 : i32
        %dma_wait3A_744 = tpu.memref_slice %arg5[%add3A_734, %dma_wait3A_743] : memref<128x128xi32, #tpu.memory_space<vmem>> -> memref<1x128xi32, #tpu.memory_space<vmem>>
        %dma_wait3A_745 = tpu.memref_squeeze %dma_wait3A_744 : memref<1x128xi32, #tpu.memory_space<vmem>> -> memref<128xi32, #tpu.memory_space<vmem>>
        %dma_wait3A_746 = arith.constant 0 : i32
        %dma_wait3A_747 = tpu.memref_slice %arg14[%dma_wait3A_746] : memref<26624xf32, #tpu.memory_space<vmem_shared>> -> memref<26624xf32, #tpu.memory_space<vmem_shared>>
        tpu.wait_indirect_dma semaphore(%arg16 : memref<!tpu.dma_semaphore, #tpu.memory_space<semaphore_mem>>) src(%dma_wait3A_742 : memref<128xf32, #tpu.memory_space<vmem>>) dst(%dma_wait3A_747 : memref<26624xf32, #tpu.memory_space<vmem_shared>>)
        %mul3A_748 = arith.constant 16 : i32
        %mul3A_749 = arith.muli %sub3A_577, %mul3A_748 : i32
        %add3A_750 = arith.constant 10 : i32
        %add3A_751 = arith.addi %mul3A_749, %add3A_750 : i32
        %dma_wait3A_752 = arith.constant 0 : i32
        %dma_wait3A_753 = tpu.memref_slice %arg5[%add3A_751, %dma_wait3A_752] : memref<128x128xi32, #tpu.memory_space<vmem>> -> memref<1x128xi32, #tpu.memory_space<vmem>>
        %dma_wait3A_754 = tpu.memref_squeeze %dma_wait3A_753 : memref<1x128xi32, #tpu.memory_space<vmem>> -> memref<128xi32, #tpu.memory_space<vmem>>
        %dma_wait3A_755 = arith.constant 0 : i32
        %dma_wait3A_756 = tpu.memref_slice %arg13[%dma_wait3A_755] : memref<26624xf32, #tpu.memory_space<vmem_shared>> -> memref<26624xf32, #tpu.memory_space<vmem_shared>>
        tpu.wait_indirect_dma semaphore(%arg16 : memref<!tpu.dma_semaphore, #tpu.memory_space<semaphore_mem>>) src(%arg7 : memref<128xf32, #tpu.memory_space<vmem>>) dst(%dma_wait3A_756 : memref<26624xf32, #tpu.memory_space<vmem_shared>>)
        %dma_wait3A_757 = arith.constant 0 : i32
        %dma_wait3A_758 = tpu.memref_slice %arg6[%add3A_751, %dma_wait3A_757] : memref<128x128xf32, #tpu.memory_space<vmem>> -> memref<1x128xf32, #tpu.memory_space<vmem>>
        %dma_wait3A_759 = tpu.memref_squeeze %dma_wait3A_758 : memref<1x128xf32, #tpu.memory_space<vmem>> -> memref<128xf32, #tpu.memory_space<vmem>>
        %dma_wait3A_760 = arith.constant 0 : i32
        %dma_wait3A_761 = tpu.memref_slice %arg5[%add3A_751, %dma_wait3A_760] : memref<128x128xi32, #tpu.memory_space<vmem>> -> memref<1x128xi32, #tpu.memory_space<vmem>>
        %dma_wait3A_762 = tpu.memref_squeeze %dma_wait3A_761 : memref<1x128xi32, #tpu.memory_space<vmem>> -> memref<128xi32, #tpu.memory_space<vmem>>
        %dma_wait3A_763 = arith.constant 0 : i32
        %dma_wait3A_764 = tpu.memref_slice %arg14[%dma_wait3A_763] : memref<26624xf32, #tpu.memory_space<vmem_shared>> -> memref<26624xf32, #tpu.memory_space<vmem_shared>>
        tpu.wait_indirect_dma semaphore(%arg16 : memref<!tpu.dma_semaphore, #tpu.memory_space<semaphore_mem>>) src(%dma_wait3A_759 : memref<128xf32, #tpu.memory_space<vmem>>) dst(%dma_wait3A_764 : memref<26624xf32, #tpu.memory_space<vmem_shared>>)
        %mul3A_765 = arith.constant 16 : i32
        %mul3A_766 = arith.muli %sub3A_577, %mul3A_765 : i32
        %add3A_767 = arith.constant 11 : i32
        %add3A_768 = arith.addi %mul3A_766, %add3A_767 : i32
        %dma_wait3A_769 = arith.constant 0 : i32
        %dma_wait3A_770 = tpu.memref_slice %arg5[%add3A_768, %dma_wait3A_769] : memref<128x128xi32, #tpu.memory_space<vmem>> -> memref<1x128xi32, #tpu.memory_space<vmem>>
        %dma_wait3A_771 = tpu.memref_squeeze %dma_wait3A_770 : memref<1x128xi32, #tpu.memory_space<vmem>> -> memref<128xi32, #tpu.memory_space<vmem>>
        %dma_wait3A_772 = arith.constant 0 : i32
        %dma_wait3A_773 = tpu.memref_slice %arg13[%dma_wait3A_772] : memref<26624xf32, #tpu.memory_space<vmem_shared>> -> memref<26624xf32, #tpu.memory_space<vmem_shared>>
        tpu.wait_indirect_dma semaphore(%arg16 : memref<!tpu.dma_semaphore, #tpu.memory_space<semaphore_mem>>) src(%arg7 : memref<128xf32, #tpu.memory_space<vmem>>) dst(%dma_wait3A_773 : memref<26624xf32, #tpu.memory_space<vmem_shared>>)
        %dma_wait3A_774 = arith.constant 0 : i32
        %dma_wait3A_775 = tpu.memref_slice %arg6[%add3A_768, %dma_wait3A_774] : memref<128x128xf32, #tpu.memory_space<vmem>> -> memref<1x128xf32, #tpu.memory_space<vmem>>
        %dma_wait3A_776 = tpu.memref_squeeze %dma_wait3A_775 : memref<1x128xf32, #tpu.memory_space<vmem>> -> memref<128xf32, #tpu.memory_space<vmem>>
        %dma_wait3A_777 = arith.constant 0 : i32
        %dma_wait3A_778 = tpu.memref_slice %arg5[%add3A_768, %dma_wait3A_777] : memref<128x128xi32, #tpu.memory_space<vmem>> -> memref<1x128xi32, #tpu.memory_space<vmem>>
        %dma_wait3A_779 = tpu.memref_squeeze %dma_wait3A_778 : memref<1x128xi32, #tpu.memory_space<vmem>> -> memref<128xi32, #tpu.memory_space<vmem>>
        %dma_wait3A_780 = arith.constant 0 : i32
        %dma_wait3A_781 = tpu.memref_slice %arg14[%dma_wait3A_780] : memref<26624xf32, #tpu.memory_space<vmem_shared>> -> memref<26624xf32, #tpu.memory_space<vmem_shared>>
        tpu.wait_indirect_dma semaphore(%arg16 : memref<!tpu.dma_semaphore, #tpu.memory_space<semaphore_mem>>) src(%dma_wait3A_776 : memref<128xf32, #tpu.memory_space<vmem>>) dst(%dma_wait3A_781 : memref<26624xf32, #tpu.memory_space<vmem_shared>>)
        %mul3A_782 = arith.constant 16 : i32
        %mul3A_783 = arith.muli %sub3A_577, %mul3A_782 : i32
        %add3A_784 = arith.constant 12 : i32
        %add3A_785 = arith.addi %mul3A_783, %add3A_784 : i32
        %dma_wait3A_786 = arith.constant 0 : i32
        %dma_wait3A_787 = tpu.memref_slice %arg5[%add3A_785, %dma_wait3A_786] : memref<128x128xi32, #tpu.memory_space<vmem>> -> memref<1x128xi32, #tpu.memory_space<vmem>>
        %dma_wait3A_788 = tpu.memref_squeeze %dma_wait3A_787 : memref<1x128xi32, #tpu.memory_space<vmem>> -> memref<128xi32, #tpu.memory_space<vmem>>
        %dma_wait3A_789 = arith.constant 0 : i32
        %dma_wait3A_790 = tpu.memref_slice %arg13[%dma_wait3A_789] : memref<26624xf32, #tpu.memory_space<vmem_shared>> -> memref<26624xf32, #tpu.memory_space<vmem_shared>>
        tpu.wait_indirect_dma semaphore(%arg16 : memref<!tpu.dma_semaphore, #tpu.memory_space<semaphore_mem>>) src(%arg7 : memref<128xf32, #tpu.memory_space<vmem>>) dst(%dma_wait3A_790 : memref<26624xf32, #tpu.memory_space<vmem_shared>>)
        %dma_wait3A_791 = arith.constant 0 : i32
        %dma_wait3A_792 = tpu.memref_slice %arg6[%add3A_785, %dma_wait3A_791] : memref<128x128xf32, #tpu.memory_space<vmem>> -> memref<1x128xf32, #tpu.memory_space<vmem>>
        %dma_wait3A_793 = tpu.memref_squeeze %dma_wait3A_792 : memref<1x128xf32, #tpu.memory_space<vmem>> -> memref<128xf32, #tpu.memory_space<vmem>>
        %dma_wait3A_794 = arith.constant 0 : i32
        %dma_wait3A_795 = tpu.memref_slice %arg5[%add3A_785, %dma_wait3A_794] : memref<128x128xi32, #tpu.memory_space<vmem>> -> memref<1x128xi32, #tpu.memory_space<vmem>>
        %dma_wait3A_796 = tpu.memref_squeeze %dma_wait3A_795 : memref<1x128xi32, #tpu.memory_space<vmem>> -> memref<128xi32, #tpu.memory_space<vmem>>
        %dma_wait3A_797 = arith.constant 0 : i32
        %dma_wait3A_798 = tpu.memref_slice %arg14[%dma_wait3A_797] : memref<26624xf32, #tpu.memory_space<vmem_shared>> -> memref<26624xf32, #tpu.memory_space<vmem_shared>>
        tpu.wait_indirect_dma semaphore(%arg16 : memref<!tpu.dma_semaphore, #tpu.memory_space<semaphore_mem>>) src(%dma_wait3A_793 : memref<128xf32, #tpu.memory_space<vmem>>) dst(%dma_wait3A_798 : memref<26624xf32, #tpu.memory_space<vmem_shared>>)
        %mul3A_799 = arith.constant 16 : i32
        %mul3A_800 = arith.muli %sub3A_577, %mul3A_799 : i32
        %add3A_801 = arith.constant 13 : i32
        %add3A_802 = arith.addi %mul3A_800, %add3A_801 : i32
        %dma_wait3A_803 = arith.constant 0 : i32
        %dma_wait3A_804 = tpu.memref_slice %arg5[%add3A_802, %dma_wait3A_803] : memref<128x128xi32, #tpu.memory_space<vmem>> -> memref<1x128xi32, #tpu.memory_space<vmem>>
        %dma_wait3A_805 = tpu.memref_squeeze %dma_wait3A_804 : memref<1x128xi32, #tpu.memory_space<vmem>> -> memref<128xi32, #tpu.memory_space<vmem>>
        %dma_wait3A_806 = arith.constant 0 : i32
        %dma_wait3A_807 = tpu.memref_slice %arg13[%dma_wait3A_806] : memref<26624xf32, #tpu.memory_space<vmem_shared>> -> memref<26624xf32, #tpu.memory_space<vmem_shared>>
        tpu.wait_indirect_dma semaphore(%arg16 : memref<!tpu.dma_semaphore, #tpu.memory_space<semaphore_mem>>) src(%arg7 : memref<128xf32, #tpu.memory_space<vmem>>) dst(%dma_wait3A_807 : memref<26624xf32, #tpu.memory_space<vmem_shared>>)
        %dma_wait3A_808 = arith.constant 0 : i32
        %dma_wait3A_809 = tpu.memref_slice %arg6[%add3A_802, %dma_wait3A_808] : memref<128x128xf32, #tpu.memory_space<vmem>> -> memref<1x128xf32, #tpu.memory_space<vmem>>
        %dma_wait3A_810 = tpu.memref_squeeze %dma_wait3A_809 : memref<1x128xf32, #tpu.memory_space<vmem>> -> memref<128xf32, #tpu.memory_space<vmem>>
        %dma_wait3A_811 = arith.constant 0 : i32
        %dma_wait3A_812 = tpu.memref_slice %arg5[%add3A_802, %dma_wait3A_811] : memref<128x128xi32, #tpu.memory_space<vmem>> -> memref<1x128xi32, #tpu.memory_space<vmem>>
        %dma_wait3A_813 = tpu.memref_squeeze %dma_wait3A_812 : memref<1x128xi32, #tpu.memory_space<vmem>> -> memref<128xi32, #tpu.memory_space<vmem>>
        %dma_wait3A_814 = arith.constant 0 : i32
        %dma_wait3A_815 = tpu.memref_slice %arg14[%dma_wait3A_814] : memref<26624xf32, #tpu.memory_space<vmem_shared>> -> memref<26624xf32, #tpu.memory_space<vmem_shared>>
        tpu.wait_indirect_dma semaphore(%arg16 : memref<!tpu.dma_semaphore, #tpu.memory_space<semaphore_mem>>) src(%dma_wait3A_810 : memref<128xf32, #tpu.memory_space<vmem>>) dst(%dma_wait3A_815 : memref<26624xf32, #tpu.memory_space<vmem_shared>>)
        %mul3A_816 = arith.constant 16 : i32
        %mul3A_817 = arith.muli %sub3A_577, %mul3A_816 : i32
        %add3A_818 = arith.constant 14 : i32
        %add3A_819 = arith.addi %mul3A_817, %add3A_818 : i32
        %dma_wait3A_820 = arith.constant 0 : i32
        %dma_wait3A_821 = tpu.memref_slice %arg5[%add3A_819, %dma_wait3A_820] : memref<128x128xi32, #tpu.memory_space<vmem>> -> memref<1x128xi32, #tpu.memory_space<vmem>>
        %dma_wait3A_822 = tpu.memref_squeeze %dma_wait3A_821 : memref<1x128xi32, #tpu.memory_space<vmem>> -> memref<128xi32, #tpu.memory_space<vmem>>
        %dma_wait3A_823 = arith.constant 0 : i32
        %dma_wait3A_824 = tpu.memref_slice %arg13[%dma_wait3A_823] : memref<26624xf32, #tpu.memory_space<vmem_shared>> -> memref<26624xf32, #tpu.memory_space<vmem_shared>>
        tpu.wait_indirect_dma semaphore(%arg16 : memref<!tpu.dma_semaphore, #tpu.memory_space<semaphore_mem>>) src(%arg7 : memref<128xf32, #tpu.memory_space<vmem>>) dst(%dma_wait3A_824 : memref<26624xf32, #tpu.memory_space<vmem_shared>>)
        %dma_wait3A_825 = arith.constant 0 : i32
        %dma_wait3A_826 = tpu.memref_slice %arg6[%add3A_819, %dma_wait3A_825] : memref<128x128xf32, #tpu.memory_space<vmem>> -> memref<1x128xf32, #tpu.memory_space<vmem>>
        %dma_wait3A_827 = tpu.memref_squeeze %dma_wait3A_826 : memref<1x128xf32, #tpu.memory_space<vmem>> -> memref<128xf32, #tpu.memory_space<vmem>>
        %dma_wait3A_828 = arith.constant 0 : i32
        %dma_wait3A_829 = tpu.memref_slice %arg5[%add3A_819, %dma_wait3A_828] : memref<128x128xi32, #tpu.memory_space<vmem>> -> memref<1x128xi32, #tpu.memory_space<vmem>>
        %dma_wait3A_830 = tpu.memref_squeeze %dma_wait3A_829 : memref<1x128xi32, #tpu.memory_space<vmem>> -> memref<128xi32, #tpu.memory_space<vmem>>
        %dma_wait3A_831 = arith.constant 0 : i32
        %dma_wait3A_832 = tpu.memref_slice %arg14[%dma_wait3A_831] : memref<26624xf32, #tpu.memory_space<vmem_shared>> -> memref<26624xf32, #tpu.memory_space<vmem_shared>>
        tpu.wait_indirect_dma semaphore(%arg16 : memref<!tpu.dma_semaphore, #tpu.memory_space<semaphore_mem>>) src(%dma_wait3A_827 : memref<128xf32, #tpu.memory_space<vmem>>) dst(%dma_wait3A_832 : memref<26624xf32, #tpu.memory_space<vmem_shared>>)
        %mul3A_833 = arith.constant 16 : i32
        %mul3A_834 = arith.muli %sub3A_577, %mul3A_833 : i32
        %add3A_835 = arith.constant 15 : i32
        %add3A_836 = arith.addi %mul3A_834, %add3A_835 : i32
        %dma_wait3A_837 = arith.constant 0 : i32
        %dma_wait3A_838 = tpu.memref_slice %arg5[%add3A_836, %dma_wait3A_837] : memref<128x128xi32, #tpu.memory_space<vmem>> -> memref<1x128xi32, #tpu.memory_space<vmem>>
        %dma_wait3A_839 = tpu.memref_squeeze %dma_wait3A_838 : memref<1x128xi32, #tpu.memory_space<vmem>> -> memref<128xi32, #tpu.memory_space<vmem>>
        %dma_wait3A_840 = arith.constant 0 : i32
        %dma_wait3A_841 = tpu.memref_slice %arg13[%dma_wait3A_840] : memref<26624xf32, #tpu.memory_space<vmem_shared>> -> memref<26624xf32, #tpu.memory_space<vmem_shared>>
        tpu.wait_indirect_dma semaphore(%arg16 : memref<!tpu.dma_semaphore, #tpu.memory_space<semaphore_mem>>) src(%arg7 : memref<128xf32, #tpu.memory_space<vmem>>) dst(%dma_wait3A_841 : memref<26624xf32, #tpu.memory_space<vmem_shared>>)
        %dma_wait3A_842 = arith.constant 0 : i32
        %dma_wait3A_843 = tpu.memref_slice %arg6[%add3A_836, %dma_wait3A_842] : memref<128x128xf32, #tpu.memory_space<vmem>> -> memref<1x128xf32, #tpu.memory_space<vmem>>
        %dma_wait3A_844 = tpu.memref_squeeze %dma_wait3A_843 : memref<1x128xf32, #tpu.memory_space<vmem>> -> memref<128xf32, #tpu.memory_space<vmem>>
        %dma_wait3A_845 = arith.constant 0 : i32
        %dma_wait3A_846 = tpu.memref_slice %arg5[%add3A_836, %dma_wait3A_845] : memref<128x128xi32, #tpu.memory_space<vmem>> -> memref<1x128xi32, #tpu.memory_space<vmem>>
        %dma_wait3A_847 = tpu.memref_squeeze %dma_wait3A_846 : memref<1x128xi32, #tpu.memory_space<vmem>> -> memref<128xi32, #tpu.memory_space<vmem>>
        %dma_wait3A_848 = arith.constant 0 : i32
        %dma_wait3A_849 = tpu.memref_slice %arg14[%dma_wait3A_848] : memref<26624xf32, #tpu.memory_space<vmem_shared>> -> memref<26624xf32, #tpu.memory_space<vmem_shared>>
        tpu.wait_indirect_dma semaphore(%arg16 : memref<!tpu.dma_semaphore, #tpu.memory_space<semaphore_mem>>) src(%dma_wait3A_844 : memref<128xf32, #tpu.memory_space<vmem>>) dst(%dma_wait3A_849 : memref<26624xf32, #tpu.memory_space<vmem_shared>>)
      } else {
      }
      %scan3A_576 = arith.constant 0 : i32
      scf.yield %scan3A_576 : i32
    }
    %scan3A_23 = arith.constant 8 : i32
    %dma_wait3A = arith.constant 112 : i32
    %dma_wait3A_24 = arith.constant 0 : i32
    %dma_wait3A_25 = tpu.memref_slice %arg5[%dma_wait3A, %dma_wait3A_24] : memref<128x128xi32, #tpu.memory_space<vmem>> -> memref<1x128xi32, #tpu.memory_space<vmem>>
    %dma_wait3A_26 = tpu.memref_squeeze %dma_wait3A_25 : memref<1x128xi32, #tpu.memory_space<vmem>> -> memref<128xi32, #tpu.memory_space<vmem>>
    %dma_wait3A_27 = arith.constant 0 : i32
    %dma_wait3A_28 = tpu.memref_slice %arg13[%dma_wait3A_27] : memref<26624xf32, #tpu.memory_space<vmem_shared>> -> memref<26624xf32, #tpu.memory_space<vmem_shared>>
    tpu.wait_indirect_dma semaphore(%arg16 : memref<!tpu.dma_semaphore, #tpu.memory_space<semaphore_mem>>) src(%arg7 : memref<128xf32, #tpu.memory_space<vmem>>) dst(%dma_wait3A_28 : memref<26624xf32, #tpu.memory_space<vmem_shared>>)
    %dma_wait3A_29 = arith.constant 112 : i32
    %dma_wait3A_30 = arith.constant 112 : i32
    %dma_wait3A_31 = arith.constant 0 : i32
    %dma_wait3A_32 = tpu.memref_slice %arg6[%dma_wait3A_29, %dma_wait3A_31] : memref<128x128xf32, #tpu.memory_space<vmem>> -> memref<1x128xf32, #tpu.memory_space<vmem>>
    %dma_wait3A_33 = tpu.memref_squeeze %dma_wait3A_32 : memref<1x128xf32, #tpu.memory_space<vmem>> -> memref<128xf32, #tpu.memory_space<vmem>>
    %dma_wait3A_34 = arith.constant 0 : i32
    %dma_wait3A_35 = tpu.memref_slice %arg5[%dma_wait3A_30, %dma_wait3A_34] : memref<128x128xi32, #tpu.memory_space<vmem>> -> memref<1x128xi32, #tpu.memory_space<vmem>>
    %dma_wait3A_36 = tpu.memref_squeeze %dma_wait3A_35 : memref<1x128xi32, #tpu.memory_space<vmem>> -> memref<128xi32, #tpu.memory_space<vmem>>
    %dma_wait3A_37 = arith.constant 0 : i32
    %dma_wait3A_38 = tpu.memref_slice %arg14[%dma_wait3A_37] : memref<26624xf32, #tpu.memory_space<vmem_shared>> -> memref<26624xf32, #tpu.memory_space<vmem_shared>>
    tpu.wait_indirect_dma semaphore(%arg16 : memref<!tpu.dma_semaphore, #tpu.memory_space<semaphore_mem>>) src(%dma_wait3A_33 : memref<128xf32, #tpu.memory_space<vmem>>) dst(%dma_wait3A_38 : memref<26624xf32, #tpu.memory_space<vmem_shared>>)
    %dma_wait3A_39 = arith.constant 113 : i32
    %dma_wait3A_40 = arith.constant 0 : i32
    %dma_wait3A_41 = tpu.memref_slice %arg5[%dma_wait3A_39, %dma_wait3A_40] : memref<128x128xi32, #tpu.memory_space<vmem>> -> memref<1x128xi32, #tpu.memory_space<vmem>>
    %dma_wait3A_42 = tpu.memref_squeeze %dma_wait3A_41 : memref<1x128xi32, #tpu.memory_space<vmem>> -> memref<128xi32, #tpu.memory_space<vmem>>
    %dma_wait3A_43 = arith.constant 0 : i32
    %dma_wait3A_44 = tpu.memref_slice %arg13[%dma_wait3A_43] : memref<26624xf32, #tpu.memory_space<vmem_shared>> -> memref<26624xf32, #tpu.memory_space<vmem_shared>>
    tpu.wait_indirect_dma semaphore(%arg16 : memref<!tpu.dma_semaphore, #tpu.memory_space<semaphore_mem>>) src(%arg7 : memref<128xf32, #tpu.memory_space<vmem>>) dst(%dma_wait3A_44 : memref<26624xf32, #tpu.memory_space<vmem_shared>>)
    %dma_wait3A_45 = arith.constant 113 : i32
    %dma_wait3A_46 = arith.constant 113 : i32
    %dma_wait3A_47 = arith.constant 0 : i32
    %dma_wait3A_48 = tpu.memref_slice %arg6[%dma_wait3A_45, %dma_wait3A_47] : memref<128x128xf32, #tpu.memory_space<vmem>> -> memref<1x128xf32, #tpu.memory_space<vmem>>
    %dma_wait3A_49 = tpu.memref_squeeze %dma_wait3A_48 : memref<1x128xf32, #tpu.memory_space<vmem>> -> memref<128xf32, #tpu.memory_space<vmem>>
    %dma_wait3A_50 = arith.constant 0 : i32
    %dma_wait3A_51 = tpu.memref_slice %arg5[%dma_wait3A_46, %dma_wait3A_50] : memref<128x128xi32, #tpu.memory_space<vmem>> -> memref<1x128xi32, #tpu.memory_space<vmem>>
    %dma_wait3A_52 = tpu.memref_squeeze %dma_wait3A_51 : memref<1x128xi32, #tpu.memory_space<vmem>> -> memref<128xi32, #tpu.memory_space<vmem>>
    %dma_wait3A_53 = arith.constant 0 : i32
    %dma_wait3A_54 = tpu.memref_slice %arg14[%dma_wait3A_53] : memref<26624xf32, #tpu.memory_space<vmem_shared>> -> memref<26624xf32, #tpu.memory_space<vmem_shared>>
    tpu.wait_indirect_dma semaphore(%arg16 : memref<!tpu.dma_semaphore, #tpu.memory_space<semaphore_mem>>) src(%dma_wait3A_49 : memref<128xf32, #tpu.memory_space<vmem>>) dst(%dma_wait3A_54 : memref<26624xf32, #tpu.memory_space<vmem_shared>>)
    %dma_wait3A_55 = arith.constant 114 : i32
    %dma_wait3A_56 = arith.constant 0 : i32
    %dma_wait3A_57 = tpu.memref_slice %arg5[%dma_wait3A_55, %dma_wait3A_56] : memref<128x128xi32, #tpu.memory_space<vmem>> -> memref<1x128xi32, #tpu.memory_space<vmem>>
    %dma_wait3A_58 = tpu.memref_squeeze %dma_wait3A_57 : memref<1x128xi32, #tpu.memory_space<vmem>> -> memref<128xi32, #tpu.memory_space<vmem>>
    %dma_wait3A_59 = arith.constant 0 : i32
    %dma_wait3A_60 = tpu.memref_slice %arg13[%dma_wait3A_59] : memref<26624xf32, #tpu.memory_space<vmem_shared>> -> memref<26624xf32, #tpu.memory_space<vmem_shared>>
    tpu.wait_indirect_dma semaphore(%arg16 : memref<!tpu.dma_semaphore, #tpu.memory_space<semaphore_mem>>) src(%arg7 : memref<128xf32, #tpu.memory_space<vmem>>) dst(%dma_wait3A_60 : memref<26624xf32, #tpu.memory_space<vmem_shared>>)
    %dma_wait3A_61 = arith.constant 114 : i32
    %dma_wait3A_62 = arith.constant 114 : i32
    %dma_wait3A_63 = arith.constant 0 : i32
    %dma_wait3A_64 = tpu.memref_slice %arg6[%dma_wait3A_61, %dma_wait3A_63] : memref<128x128xf32, #tpu.memory_space<vmem>> -> memref<1x128xf32, #tpu.memory_space<vmem>>
    %dma_wait3A_65 = tpu.memref_squeeze %dma_wait3A_64 : memref<1x128xf32, #tpu.memory_space<vmem>> -> memref<128xf32, #tpu.memory_space<vmem>>
    %dma_wait3A_66 = arith.constant 0 : i32
    %dma_wait3A_67 = tpu.memref_slice %arg5[%dma_wait3A_62, %dma_wait3A_66] : memref<128x128xi32, #tpu.memory_space<vmem>> -> memref<1x128xi32, #tpu.memory_space<vmem>>
    %dma_wait3A_68 = tpu.memref_squeeze %dma_wait3A_67 : memref<1x128xi32, #tpu.memory_space<vmem>> -> memref<128xi32, #tpu.memory_space<vmem>>
    %dma_wait3A_69 = arith.constant 0 : i32
    %dma_wait3A_70 = tpu.memref_slice %arg14[%dma_wait3A_69] : memref<26624xf32, #tpu.memory_space<vmem_shared>> -> memref<26624xf32, #tpu.memory_space<vmem_shared>>
    tpu.wait_indirect_dma semaphore(%arg16 : memref<!tpu.dma_semaphore, #tpu.memory_space<semaphore_mem>>) src(%dma_wait3A_65 : memref<128xf32, #tpu.memory_space<vmem>>) dst(%dma_wait3A_70 : memref<26624xf32, #tpu.memory_space<vmem_shared>>)
    %dma_wait3A_71 = arith.constant 115 : i32
    %dma_wait3A_72 = arith.constant 0 : i32
    %dma_wait3A_73 = tpu.memref_slice %arg5[%dma_wait3A_71, %dma_wait3A_72] : memref<128x128xi32, #tpu.memory_space<vmem>> -> memref<1x128xi32, #tpu.memory_space<vmem>>
    %dma_wait3A_74 = tpu.memref_squeeze %dma_wait3A_73 : memref<1x128xi32, #tpu.memory_space<vmem>> -> memref<128xi32, #tpu.memory_space<vmem>>
    %dma_wait3A_75 = arith.constant 0 : i32
    %dma_wait3A_76 = tpu.memref_slice %arg13[%dma_wait3A_75] : memref<26624xf32, #tpu.memory_space<vmem_shared>> -> memref<26624xf32, #tpu.memory_space<vmem_shared>>
    tpu.wait_indirect_dma semaphore(%arg16 : memref<!tpu.dma_semaphore, #tpu.memory_space<semaphore_mem>>) src(%arg7 : memref<128xf32, #tpu.memory_space<vmem>>) dst(%dma_wait3A_76 : memref<26624xf32, #tpu.memory_space<vmem_shared>>)
    %dma_wait3A_77 = arith.constant 115 : i32
    %dma_wait3A_78 = arith.constant 115 : i32
    %dma_wait3A_79 = arith.constant 0 : i32
    %dma_wait3A_80 = tpu.memref_slice %arg6[%dma_wait3A_77, %dma_wait3A_79] : memref<128x128xf32, #tpu.memory_space<vmem>> -> memref<1x128xf32, #tpu.memory_space<vmem>>
    %dma_wait3A_81 = tpu.memref_squeeze %dma_wait3A_80 : memref<1x128xf32, #tpu.memory_space<vmem>> -> memref<128xf32, #tpu.memory_space<vmem>>
    %dma_wait3A_82 = arith.constant 0 : i32
    %dma_wait3A_83 = tpu.memref_slice %arg5[%dma_wait3A_78, %dma_wait3A_82] : memref<128x128xi32, #tpu.memory_space<vmem>> -> memref<1x128xi32, #tpu.memory_space<vmem>>
    %dma_wait3A_84 = tpu.memref_squeeze %dma_wait3A_83 : memref<1x128xi32, #tpu.memory_space<vmem>> -> memref<128xi32, #tpu.memory_space<vmem>>
    %dma_wait3A_85 = arith.constant 0 : i32
    %dma_wait3A_86 = tpu.memref_slice %arg14[%dma_wait3A_85] : memref<26624xf32, #tpu.memory_space<vmem_shared>> -> memref<26624xf32, #tpu.memory_space<vmem_shared>>
    tpu.wait_indirect_dma semaphore(%arg16 : memref<!tpu.dma_semaphore, #tpu.memory_space<semaphore_mem>>) src(%dma_wait3A_81 : memref<128xf32, #tpu.memory_space<vmem>>) dst(%dma_wait3A_86 : memref<26624xf32, #tpu.memory_space<vmem_shared>>)
    %dma_wait3A_87 = arith.constant 116 : i32
    %dma_wait3A_88 = arith.constant 0 : i32
    %dma_wait3A_89 = tpu.memref_slice %arg5[%dma_wait3A_87, %dma_wait3A_88] : memref<128x128xi32, #tpu.memory_space<vmem>> -> memref<1x128xi32, #tpu.memory_space<vmem>>
    %dma_wait3A_90 = tpu.memref_squeeze %dma_wait3A_89 : memref<1x128xi32, #tpu.memory_space<vmem>> -> memref<128xi32, #tpu.memory_space<vmem>>
    %dma_wait3A_91 = arith.constant 0 : i32
    %dma_wait3A_92 = tpu.memref_slice %arg13[%dma_wait3A_91] : memref<26624xf32, #tpu.memory_space<vmem_shared>> -> memref<26624xf32, #tpu.memory_space<vmem_shared>>
    tpu.wait_indirect_dma semaphore(%arg16 : memref<!tpu.dma_semaphore, #tpu.memory_space<semaphore_mem>>) src(%arg7 : memref<128xf32, #tpu.memory_space<vmem>>) dst(%dma_wait3A_92 : memref<26624xf32, #tpu.memory_space<vmem_shared>>)
    %dma_wait3A_93 = arith.constant 116 : i32
    %dma_wait3A_94 = arith.constant 116 : i32
    %dma_wait3A_95 = arith.constant 0 : i32
    %dma_wait3A_96 = tpu.memref_slice %arg6[%dma_wait3A_93, %dma_wait3A_95] : memref<128x128xf32, #tpu.memory_space<vmem>> -> memref<1x128xf32, #tpu.memory_space<vmem>>
    %dma_wait3A_97 = tpu.memref_squeeze %dma_wait3A_96 : memref<1x128xf32, #tpu.memory_space<vmem>> -> memref<128xf32, #tpu.memory_space<vmem>>
    %dma_wait3A_98 = arith.constant 0 : i32
    %dma_wait3A_99 = tpu.memref_slice %arg5[%dma_wait3A_94, %dma_wait3A_98] : memref<128x128xi32, #tpu.memory_space<vmem>> -> memref<1x128xi32, #tpu.memory_space<vmem>>
    %dma_wait3A_100 = tpu.memref_squeeze %dma_wait3A_99 : memref<1x128xi32, #tpu.memory_space<vmem>> -> memref<128xi32, #tpu.memory_space<vmem>>
    %dma_wait3A_101 = arith.constant 0 : i32
    %dma_wait3A_102 = tpu.memref_slice %arg14[%dma_wait3A_101] : memref<26624xf32, #tpu.memory_space<vmem_shared>> -> memref<26624xf32, #tpu.memory_space<vmem_shared>>
    tpu.wait_indirect_dma semaphore(%arg16 : memref<!tpu.dma_semaphore, #tpu.memory_space<semaphore_mem>>) src(%dma_wait3A_97 : memref<128xf32, #tpu.memory_space<vmem>>) dst(%dma_wait3A_102 : memref<26624xf32, #tpu.memory_space<vmem_shared>>)
    %dma_wait3A_103 = arith.constant 117 : i32
    %dma_wait3A_104 = arith.constant 0 : i32
    %dma_wait3A_105 = tpu.memref_slice %arg5[%dma_wait3A_103, %dma_wait3A_104] : memref<128x128xi32, #tpu.memory_space<vmem>> -> memref<1x128xi32, #tpu.memory_space<vmem>>
    %dma_wait3A_106 = tpu.memref_squeeze %dma_wait3A_105 : memref<1x128xi32, #tpu.memory_space<vmem>> -> memref<128xi32, #tpu.memory_space<vmem>>
    %dma_wait3A_107 = arith.constant 0 : i32
    %dma_wait3A_108 = tpu.memref_slice %arg13[%dma_wait3A_107] : memref<26624xf32, #tpu.memory_space<vmem_shared>> -> memref<26624xf32, #tpu.memory_space<vmem_shared>>
    tpu.wait_indirect_dma semaphore(%arg16 : memref<!tpu.dma_semaphore, #tpu.memory_space<semaphore_mem>>) src(%arg7 : memref<128xf32, #tpu.memory_space<vmem>>) dst(%dma_wait3A_108 : memref<26624xf32, #tpu.memory_space<vmem_shared>>)
    %dma_wait3A_109 = arith.constant 117 : i32
    %dma_wait3A_110 = arith.constant 117 : i32
    %dma_wait3A_111 = arith.constant 0 : i32
    %dma_wait3A_112 = tpu.memref_slice %arg6[%dma_wait3A_109, %dma_wait3A_111] : memref<128x128xf32, #tpu.memory_space<vmem>> -> memref<1x128xf32, #tpu.memory_space<vmem>>
    %dma_wait3A_113 = tpu.memref_squeeze %dma_wait3A_112 : memref<1x128xf32, #tpu.memory_space<vmem>> -> memref<128xf32, #tpu.memory_space<vmem>>
    %dma_wait3A_114 = arith.constant 0 : i32
    %dma_wait3A_115 = tpu.memref_slice %arg5[%dma_wait3A_110, %dma_wait3A_114] : memref<128x128xi32, #tpu.memory_space<vmem>> -> memref<1x128xi32, #tpu.memory_space<vmem>>
    %dma_wait3A_116 = tpu.memref_squeeze %dma_wait3A_115 : memref<1x128xi32, #tpu.memory_space<vmem>> -> memref<128xi32, #tpu.memory_space<vmem>>
    %dma_wait3A_117 = arith.constant 0 : i32
    %dma_wait3A_118 = tpu.memref_slice %arg14[%dma_wait3A_117] : memref<26624xf32, #tpu.memory_space<vmem_shared>> -> memref<26624xf32, #tpu.memory_space<vmem_shared>>
    tpu.wait_indirect_dma semaphore(%arg16 : memref<!tpu.dma_semaphore, #tpu.memory_space<semaphore_mem>>) src(%dma_wait3A_113 : memref<128xf32, #tpu.memory_space<vmem>>) dst(%dma_wait3A_118 : memref<26624xf32, #tpu.memory_space<vmem_shared>>)
    %dma_wait3A_119 = arith.constant 118 : i32
    %dma_wait3A_120 = arith.constant 0 : i32
    %dma_wait3A_121 = tpu.memref_slice %arg5[%dma_wait3A_119, %dma_wait3A_120] : memref<128x128xi32, #tpu.memory_space<vmem>> -> memref<1x128xi32, #tpu.memory_space<vmem>>
    %dma_wait3A_122 = tpu.memref_squeeze %dma_wait3A_121 : memref<1x128xi32, #tpu.memory_space<vmem>> -> memref<128xi32, #tpu.memory_space<vmem>>
    %dma_wait3A_123 = arith.constant 0 : i32
    %dma_wait3A_124 = tpu.memref_slice %arg13[%dma_wait3A_123] : memref<26624xf32, #tpu.memory_space<vmem_shared>> -> memref<26624xf32, #tpu.memory_space<vmem_shared>>
    tpu.wait_indirect_dma semaphore(%arg16 : memref<!tpu.dma_semaphore, #tpu.memory_space<semaphore_mem>>) src(%arg7 : memref<128xf32, #tpu.memory_space<vmem>>) dst(%dma_wait3A_124 : memref<26624xf32, #tpu.memory_space<vmem_shared>>)
    %dma_wait3A_125 = arith.constant 118 : i32
    %dma_wait3A_126 = arith.constant 118 : i32
    %dma_wait3A_127 = arith.constant 0 : i32
    %dma_wait3A_128 = tpu.memref_slice %arg6[%dma_wait3A_125, %dma_wait3A_127] : memref<128x128xf32, #tpu.memory_space<vmem>> -> memref<1x128xf32, #tpu.memory_space<vmem>>
    %dma_wait3A_129 = tpu.memref_squeeze %dma_wait3A_128 : memref<1x128xf32, #tpu.memory_space<vmem>> -> memref<128xf32, #tpu.memory_space<vmem>>
    %dma_wait3A_130 = arith.constant 0 : i32
    %dma_wait3A_131 = tpu.memref_slice %arg5[%dma_wait3A_126, %dma_wait3A_130] : memref<128x128xi32, #tpu.memory_space<vmem>> -> memref<1x128xi32, #tpu.memory_space<vmem>>
    %dma_wait3A_132 = tpu.memref_squeeze %dma_wait3A_131 : memref<1x128xi32, #tpu.memory_space<vmem>> -> memref<128xi32, #tpu.memory_space<vmem>>
    %dma_wait3A_133 = arith.constant 0 : i32
    %dma_wait3A_134 = tpu.memref_slice %arg14[%dma_wait3A_133] : memref<26624xf32, #tpu.memory_space<vmem_shared>> -> memref<26624xf32, #tpu.memory_space<vmem_shared>>
    tpu.wait_indirect_dma semaphore(%arg16 : memref<!tpu.dma_semaphore, #tpu.memory_space<semaphore_mem>>) src(%dma_wait3A_129 : memref<128xf32, #tpu.memory_space<vmem>>) dst(%dma_wait3A_134 : memref<26624xf32, #tpu.memory_space<vmem_shared>>)
    %dma_wait3A_135 = arith.constant 119 : i32
    %dma_wait3A_136 = arith.constant 0 : i32
    %dma_wait3A_137 = tpu.memref_slice %arg5[%dma_wait3A_135, %dma_wait3A_136] : memref<128x128xi32, #tpu.memory_space<vmem>> -> memref<1x128xi32, #tpu.memory_space<vmem>>
    %dma_wait3A_138 = tpu.memref_squeeze %dma_wait3A_137 : memref<1x128xi32, #tpu.memory_space<vmem>> -> memref<128xi32, #tpu.memory_space<vmem>>
    %dma_wait3A_139 = arith.constant 0 : i32
    %dma_wait3A_140 = tpu.memref_slice %arg13[%dma_wait3A_139] : memref<26624xf32, #tpu.memory_space<vmem_shared>> -> memref<26624xf32, #tpu.memory_space<vmem_shared>>
    tpu.wait_indirect_dma semaphore(%arg16 : memref<!tpu.dma_semaphore, #tpu.memory_space<semaphore_mem>>) src(%arg7 : memref<128xf32, #tpu.memory_space<vmem>>) dst(%dma_wait3A_140 : memref<26624xf32, #tpu.memory_space<vmem_shared>>)
    %dma_wait3A_141 = arith.constant 119 : i32
    %dma_wait3A_142 = arith.constant 119 : i32
    %dma_wait3A_143 = arith.constant 0 : i32
    %dma_wait3A_144 = tpu.memref_slice %arg6[%dma_wait3A_141, %dma_wait3A_143] : memref<128x128xf32, #tpu.memory_space<vmem>> -> memref<1x128xf32, #tpu.memory_space<vmem>>
    %dma_wait3A_145 = tpu.memref_squeeze %dma_wait3A_144 : memref<1x128xf32, #tpu.memory_space<vmem>> -> memref<128xf32, #tpu.memory_space<vmem>>
    %dma_wait3A_146 = arith.constant 0 : i32
    %dma_wait3A_147 = tpu.memref_slice %arg5[%dma_wait3A_142, %dma_wait3A_146] : memref<128x128xi32, #tpu.memory_space<vmem>> -> memref<1x128xi32, #tpu.memory_space<vmem>>
    %dma_wait3A_148 = tpu.memref_squeeze %dma_wait3A_147 : memref<1x128xi32, #tpu.memory_space<vmem>> -> memref<128xi32, #tpu.memory_space<vmem>>
    %dma_wait3A_149 = arith.constant 0 : i32
    %dma_wait3A_150 = tpu.memref_slice %arg14[%dma_wait3A_149] : memref<26624xf32, #tpu.memory_space<vmem_shared>> -> memref<26624xf32, #tpu.memory_space<vmem_shared>>
    tpu.wait_indirect_dma semaphore(%arg16 : memref<!tpu.dma_semaphore, #tpu.memory_space<semaphore_mem>>) src(%dma_wait3A_145 : memref<128xf32, #tpu.memory_space<vmem>>) dst(%dma_wait3A_150 : memref<26624xf32, #tpu.memory_space<vmem_shared>>)
    %dma_wait3A_151 = arith.constant 120 : i32
    %dma_wait3A_152 = arith.constant 0 : i32
    %dma_wait3A_153 = tpu.memref_slice %arg5[%dma_wait3A_151, %dma_wait3A_152] : memref<128x128xi32, #tpu.memory_space<vmem>> -> memref<1x128xi32, #tpu.memory_space<vmem>>
    %dma_wait3A_154 = tpu.memref_squeeze %dma_wait3A_153 : memref<1x128xi32, #tpu.memory_space<vmem>> -> memref<128xi32, #tpu.memory_space<vmem>>
    %dma_wait3A_155 = arith.constant 0 : i32
    %dma_wait3A_156 = tpu.memref_slice %arg13[%dma_wait3A_155] : memref<26624xf32, #tpu.memory_space<vmem_shared>> -> memref<26624xf32, #tpu.memory_space<vmem_shared>>
    tpu.wait_indirect_dma semaphore(%arg16 : memref<!tpu.dma_semaphore, #tpu.memory_space<semaphore_mem>>) src(%arg7 : memref<128xf32, #tpu.memory_space<vmem>>) dst(%dma_wait3A_156 : memref<26624xf32, #tpu.memory_space<vmem_shared>>)
    %dma_wait3A_157 = arith.constant 120 : i32
    %dma_wait3A_158 = arith.constant 120 : i32
    %dma_wait3A_159 = arith.constant 0 : i32
    %dma_wait3A_160 = tpu.memref_slice %arg6[%dma_wait3A_157, %dma_wait3A_159] : memref<128x128xf32, #tpu.memory_space<vmem>> -> memref<1x128xf32, #tpu.memory_space<vmem>>
    %dma_wait3A_161 = tpu.memref_squeeze %dma_wait3A_160 : memref<1x128xf32, #tpu.memory_space<vmem>> -> memref<128xf32, #tpu.memory_space<vmem>>
    %dma_wait3A_162 = arith.constant 0 : i32
    %dma_wait3A_163 = tpu.memref_slice %arg5[%dma_wait3A_158, %dma_wait3A_162] : memref<128x128xi32, #tpu.memory_space<vmem>> -> memref<1x128xi32, #tpu.memory_space<vmem>>
    %dma_wait3A_164 = tpu.memref_squeeze %dma_wait3A_163 : memref<1x128xi32, #tpu.memory_space<vmem>> -> memref<128xi32, #tpu.memory_space<vmem>>
    %dma_wait3A_165 = arith.constant 0 : i32
    %dma_wait3A_166 = tpu.memref_slice %arg14[%dma_wait3A_165] : memref<26624xf32, #tpu.memory_space<vmem_shared>> -> memref<26624xf32, #tpu.memory_space<vmem_shared>>
    tpu.wait_indirect_dma semaphore(%arg16 : memref<!tpu.dma_semaphore, #tpu.memory_space<semaphore_mem>>) src(%dma_wait3A_161 : memref<128xf32, #tpu.memory_space<vmem>>) dst(%dma_wait3A_166 : memref<26624xf32, #tpu.memory_space<vmem_shared>>)
    %dma_wait3A_167 = arith.constant 121 : i32
    %dma_wait3A_168 = arith.constant 0 : i32
    %dma_wait3A_169 = tpu.memref_slice %arg5[%dma_wait3A_167, %dma_wait3A_168] : memref<128x128xi32, #tpu.memory_space<vmem>> -> memref<1x128xi32, #tpu.memory_space<vmem>>
    %dma_wait3A_170 = tpu.memref_squeeze %dma_wait3A_169 : memref<1x128xi32, #tpu.memory_space<vmem>> -> memref<128xi32, #tpu.memory_space<vmem>>
    %dma_wait3A_171 = arith.constant 0 : i32
    %dma_wait3A_172 = tpu.memref_slice %arg13[%dma_wait3A_171] : memref<26624xf32, #tpu.memory_space<vmem_shared>> -> memref<26624xf32, #tpu.memory_space<vmem_shared>>
    tpu.wait_indirect_dma semaphore(%arg16 : memref<!tpu.dma_semaphore, #tpu.memory_space<semaphore_mem>>) src(%arg7 : memref<128xf32, #tpu.memory_space<vmem>>) dst(%dma_wait3A_172 : memref<26624xf32, #tpu.memory_space<vmem_shared>>)
    %dma_wait3A_173 = arith.constant 121 : i32
    %dma_wait3A_174 = arith.constant 121 : i32
    %dma_wait3A_175 = arith.constant 0 : i32
    %dma_wait3A_176 = tpu.memref_slice %arg6[%dma_wait3A_173, %dma_wait3A_175] : memref<128x128xf32, #tpu.memory_space<vmem>> -> memref<1x128xf32, #tpu.memory_space<vmem>>
    %dma_wait3A_177 = tpu.memref_squeeze %dma_wait3A_176 : memref<1x128xf32, #tpu.memory_space<vmem>> -> memref<128xf32, #tpu.memory_space<vmem>>
    %dma_wait3A_178 = arith.constant 0 : i32
    %dma_wait3A_179 = tpu.memref_slice %arg5[%dma_wait3A_174, %dma_wait3A_178] : memref<128x128xi32, #tpu.memory_space<vmem>> -> memref<1x128xi32, #tpu.memory_space<vmem>>
    %dma_wait3A_180 = tpu.memref_squeeze %dma_wait3A_179 : memref<1x128xi32, #tpu.memory_space<vmem>> -> memref<128xi32, #tpu.memory_space<vmem>>
    %dma_wait3A_181 = arith.constant 0 : i32
    %dma_wait3A_182 = tpu.memref_slice %arg14[%dma_wait3A_181] : memref<26624xf32, #tpu.memory_space<vmem_shared>> -> memref<26624xf32, #tpu.memory_space<vmem_shared>>
    tpu.wait_indirect_dma semaphore(%arg16 : memref<!tpu.dma_semaphore, #tpu.memory_space<semaphore_mem>>) src(%dma_wait3A_177 : memref<128xf32, #tpu.memory_space<vmem>>) dst(%dma_wait3A_182 : memref<26624xf32, #tpu.memory_space<vmem_shared>>)
    %dma_wait3A_183 = arith.constant 122 : i32
    %dma_wait3A_184 = arith.constant 0 : i32
    %dma_wait3A_185 = tpu.memref_slice %arg5[%dma_wait3A_183, %dma_wait3A_184] : memref<128x128xi32, #tpu.memory_space<vmem>> -> memref<1x128xi32, #tpu.memory_space<vmem>>
    %dma_wait3A_186 = tpu.memref_squeeze %dma_wait3A_185 : memref<1x128xi32, #tpu.memory_space<vmem>> -> memref<128xi32, #tpu.memory_space<vmem>>
    %dma_wait3A_187 = arith.constant 0 : i32
    %dma_wait3A_188 = tpu.memref_slice %arg13[%dma_wait3A_187] : memref<26624xf32, #tpu.memory_space<vmem_shared>> -> memref<26624xf32, #tpu.memory_space<vmem_shared>>
    tpu.wait_indirect_dma semaphore(%arg16 : memref<!tpu.dma_semaphore, #tpu.memory_space<semaphore_mem>>) src(%arg7 : memref<128xf32, #tpu.memory_space<vmem>>) dst(%dma_wait3A_188 : memref<26624xf32, #tpu.memory_space<vmem_shared>>)
    %dma_wait3A_189 = arith.constant 122 : i32
    %dma_wait3A_190 = arith.constant 122 : i32
    %dma_wait3A_191 = arith.constant 0 : i32
    %dma_wait3A_192 = tpu.memref_slice %arg6[%dma_wait3A_189, %dma_wait3A_191] : memref<128x128xf32, #tpu.memory_space<vmem>> -> memref<1x128xf32, #tpu.memory_space<vmem>>
    %dma_wait3A_193 = tpu.memref_squeeze %dma_wait3A_192 : memref<1x128xf32, #tpu.memory_space<vmem>> -> memref<128xf32, #tpu.memory_space<vmem>>
    %dma_wait3A_194 = arith.constant 0 : i32
    %dma_wait3A_195 = tpu.memref_slice %arg5[%dma_wait3A_190, %dma_wait3A_194] : memref<128x128xi32, #tpu.memory_space<vmem>> -> memref<1x128xi32, #tpu.memory_space<vmem>>
    %dma_wait3A_196 = tpu.memref_squeeze %dma_wait3A_195 : memref<1x128xi32, #tpu.memory_space<vmem>> -> memref<128xi32, #tpu.memory_space<vmem>>
    %dma_wait3A_197 = arith.constant 0 : i32
    %dma_wait3A_198 = tpu.memref_slice %arg14[%dma_wait3A_197] : memref<26624xf32, #tpu.memory_space<vmem_shared>> -> memref<26624xf32, #tpu.memory_space<vmem_shared>>
    tpu.wait_indirect_dma semaphore(%arg16 : memref<!tpu.dma_semaphore, #tpu.memory_space<semaphore_mem>>) src(%dma_wait3A_193 : memref<128xf32, #tpu.memory_space<vmem>>) dst(%dma_wait3A_198 : memref<26624xf32, #tpu.memory_space<vmem_shared>>)
    %dma_wait3A_199 = arith.constant 123 : i32
    %dma_wait3A_200 = arith.constant 0 : i32
    %dma_wait3A_201 = tpu.memref_slice %arg5[%dma_wait3A_199, %dma_wait3A_200] : memref<128x128xi32, #tpu.memory_space<vmem>> -> memref<1x128xi32, #tpu.memory_space<vmem>>
    %dma_wait3A_202 = tpu.memref_squeeze %dma_wait3A_201 : memref<1x128xi32, #tpu.memory_space<vmem>> -> memref<128xi32, #tpu.memory_space<vmem>>
    %dma_wait3A_203 = arith.constant 0 : i32
    %dma_wait3A_204 = tpu.memref_slice %arg13[%dma_wait3A_203] : memref<26624xf32, #tpu.memory_space<vmem_shared>> -> memref<26624xf32, #tpu.memory_space<vmem_shared>>
    tpu.wait_indirect_dma semaphore(%arg16 : memref<!tpu.dma_semaphore, #tpu.memory_space<semaphore_mem>>) src(%arg7 : memref<128xf32, #tpu.memory_space<vmem>>) dst(%dma_wait3A_204 : memref<26624xf32, #tpu.memory_space<vmem_shared>>)
    %dma_wait3A_205 = arith.constant 123 : i32
    %dma_wait3A_206 = arith.constant 123 : i32
    %dma_wait3A_207 = arith.constant 0 : i32
    %dma_wait3A_208 = tpu.memref_slice %arg6[%dma_wait3A_205, %dma_wait3A_207] : memref<128x128xf32, #tpu.memory_space<vmem>> -> memref<1x128xf32, #tpu.memory_space<vmem>>
    %dma_wait3A_209 = tpu.memref_squeeze %dma_wait3A_208 : memref<1x128xf32, #tpu.memory_space<vmem>> -> memref<128xf32, #tpu.memory_space<vmem>>
    %dma_wait3A_210 = arith.constant 0 : i32
    %dma_wait3A_211 = tpu.memref_slice %arg5[%dma_wait3A_206, %dma_wait3A_210] : memref<128x128xi32, #tpu.memory_space<vmem>> -> memref<1x128xi32, #tpu.memory_space<vmem>>
    %dma_wait3A_212 = tpu.memref_squeeze %dma_wait3A_211 : memref<1x128xi32, #tpu.memory_space<vmem>> -> memref<128xi32, #tpu.memory_space<vmem>>
    %dma_wait3A_213 = arith.constant 0 : i32
    %dma_wait3A_214 = tpu.memref_slice %arg14[%dma_wait3A_213] : memref<26624xf32, #tpu.memory_space<vmem_shared>> -> memref<26624xf32, #tpu.memory_space<vmem_shared>>
    tpu.wait_indirect_dma semaphore(%arg16 : memref<!tpu.dma_semaphore, #tpu.memory_space<semaphore_mem>>) src(%dma_wait3A_209 : memref<128xf32, #tpu.memory_space<vmem>>) dst(%dma_wait3A_214 : memref<26624xf32, #tpu.memory_space<vmem_shared>>)
    %dma_wait3A_215 = arith.constant 124 : i32
    %dma_wait3A_216 = arith.constant 0 : i32
    %dma_wait3A_217 = tpu.memref_slice %arg5[%dma_wait3A_215, %dma_wait3A_216] : memref<128x128xi32, #tpu.memory_space<vmem>> -> memref<1x128xi32, #tpu.memory_space<vmem>>
    %dma_wait3A_218 = tpu.memref_squeeze %dma_wait3A_217 : memref<1x128xi32, #tpu.memory_space<vmem>> -> memref<128xi32, #tpu.memory_space<vmem>>
    %dma_wait3A_219 = arith.constant 0 : i32
    %dma_wait3A_220 = tpu.memref_slice %arg13[%dma_wait3A_219] : memref<26624xf32, #tpu.memory_space<vmem_shared>> -> memref<26624xf32, #tpu.memory_space<vmem_shared>>
    tpu.wait_indirect_dma semaphore(%arg16 : memref<!tpu.dma_semaphore, #tpu.memory_space<semaphore_mem>>) src(%arg7 : memref<128xf32, #tpu.memory_space<vmem>>) dst(%dma_wait3A_220 : memref<26624xf32, #tpu.memory_space<vmem_shared>>)
    %dma_wait3A_221 = arith.constant 124 : i32
    %dma_wait3A_222 = arith.constant 124 : i32
    %dma_wait3A_223 = arith.constant 0 : i32
    %dma_wait3A_224 = tpu.memref_slice %arg6[%dma_wait3A_221, %dma_wait3A_223] : memref<128x128xf32, #tpu.memory_space<vmem>> -> memref<1x128xf32, #tpu.memory_space<vmem>>
    %dma_wait3A_225 = tpu.memref_squeeze %dma_wait3A_224 : memref<1x128xf32, #tpu.memory_space<vmem>> -> memref<128xf32, #tpu.memory_space<vmem>>
    %dma_wait3A_226 = arith.constant 0 : i32
    %dma_wait3A_227 = tpu.memref_slice %arg5[%dma_wait3A_222, %dma_wait3A_226] : memref<128x128xi32, #tpu.memory_space<vmem>> -> memref<1x128xi32, #tpu.memory_space<vmem>>
    %dma_wait3A_228 = tpu.memref_squeeze %dma_wait3A_227 : memref<1x128xi32, #tpu.memory_space<vmem>> -> memref<128xi32, #tpu.memory_space<vmem>>
    %dma_wait3A_229 = arith.constant 0 : i32
    %dma_wait3A_230 = tpu.memref_slice %arg14[%dma_wait3A_229] : memref<26624xf32, #tpu.memory_space<vmem_shared>> -> memref<26624xf32, #tpu.memory_space<vmem_shared>>
    tpu.wait_indirect_dma semaphore(%arg16 : memref<!tpu.dma_semaphore, #tpu.memory_space<semaphore_mem>>) src(%dma_wait3A_225 : memref<128xf32, #tpu.memory_space<vmem>>) dst(%dma_wait3A_230 : memref<26624xf32, #tpu.memory_space<vmem_shared>>)
    %dma_wait3A_231 = arith.constant 125 : i32
    %dma_wait3A_232 = arith.constant 0 : i32
    %dma_wait3A_233 = tpu.memref_slice %arg5[%dma_wait3A_231, %dma_wait3A_232] : memref<128x128xi32, #tpu.memory_space<vmem>> -> memref<1x128xi32, #tpu.memory_space<vmem>>
    %dma_wait3A_234 = tpu.memref_squeeze %dma_wait3A_233 : memref<1x128xi32, #tpu.memory_space<vmem>> -> memref<128xi32, #tpu.memory_space<vmem>>
    %dma_wait3A_235 = arith.constant 0 : i32
    %dma_wait3A_236 = tpu.memref_slice %arg13[%dma_wait3A_235] : memref<26624xf32, #tpu.memory_space<vmem_shared>> -> memref<26624xf32, #tpu.memory_space<vmem_shared>>
    tpu.wait_indirect_dma semaphore(%arg16 : memref<!tpu.dma_semaphore, #tpu.memory_space<semaphore_mem>>) src(%arg7 : memref<128xf32, #tpu.memory_space<vmem>>) dst(%dma_wait3A_236 : memref<26624xf32, #tpu.memory_space<vmem_shared>>)
    %dma_wait3A_237 = arith.constant 125 : i32
    %dma_wait3A_238 = arith.constant 125 : i32
    %dma_wait3A_239 = arith.constant 0 : i32
    %dma_wait3A_240 = tpu.memref_slice %arg6[%dma_wait3A_237, %dma_wait3A_239] : memref<128x128xf32, #tpu.memory_space<vmem>> -> memref<1x128xf32, #tpu.memory_space<vmem>>
    %dma_wait3A_241 = tpu.memref_squeeze %dma_wait3A_240 : memref<1x128xf32, #tpu.memory_space<vmem>> -> memref<128xf32, #tpu.memory_space<vmem>>
    %dma_wait3A_242 = arith.constant 0 : i32
    %dma_wait3A_243 = tpu.memref_slice %arg5[%dma_wait3A_238, %dma_wait3A_242] : memref<128x128xi32, #tpu.memory_space<vmem>> -> memref<1x128xi32, #tpu.memory_space<vmem>>
    %dma_wait3A_244 = tpu.memref_squeeze %dma_wait3A_243 : memref<1x128xi32, #tpu.memory_space<vmem>> -> memref<128xi32, #tpu.memory_space<vmem>>
    %dma_wait3A_245 = arith.constant 0 : i32
    %dma_wait3A_246 = tpu.memref_slice %arg14[%dma_wait3A_245] : memref<26624xf32, #tpu.memory_space<vmem_shared>> -> memref<26624xf32, #tpu.memory_space<vmem_shared>>
    tpu.wait_indirect_dma semaphore(%arg16 : memref<!tpu.dma_semaphore, #tpu.memory_space<semaphore_mem>>) src(%dma_wait3A_241 : memref<128xf32, #tpu.memory_space<vmem>>) dst(%dma_wait3A_246 : memref<26624xf32, #tpu.memory_space<vmem_shared>>)
    %dma_wait3A_247 = arith.constant 126 : i32
    %dma_wait3A_248 = arith.constant 0 : i32
    %dma_wait3A_249 = tpu.memref_slice %arg5[%dma_wait3A_247, %dma_wait3A_248] : memref<128x128xi32, #tpu.memory_space<vmem>> -> memref<1x128xi32, #tpu.memory_space<vmem>>
    %dma_wait3A_250 = tpu.memref_squeeze %dma_wait3A_249 : memref<1x128xi32, #tpu.memory_space<vmem>> -> memref<128xi32, #tpu.memory_space<vmem>>
    %dma_wait3A_251 = arith.constant 0 : i32
    %dma_wait3A_252 = tpu.memref_slice %arg13[%dma_wait3A_251] : memref<26624xf32, #tpu.memory_space<vmem_shared>> -> memref<26624xf32, #tpu.memory_space<vmem_shared>>
    tpu.wait_indirect_dma semaphore(%arg16 : memref<!tpu.dma_semaphore, #tpu.memory_space<semaphore_mem>>) src(%arg7 : memref<128xf32, #tpu.memory_space<vmem>>) dst(%dma_wait3A_252 : memref<26624xf32, #tpu.memory_space<vmem_shared>>)
    %dma_wait3A_253 = arith.constant 126 : i32
    %dma_wait3A_254 = arith.constant 126 : i32
    %dma_wait3A_255 = arith.constant 0 : i32
    %dma_wait3A_256 = tpu.memref_slice %arg6[%dma_wait3A_253, %dma_wait3A_255] : memref<128x128xf32, #tpu.memory_space<vmem>> -> memref<1x128xf32, #tpu.memory_space<vmem>>
    %dma_wait3A_257 = tpu.memref_squeeze %dma_wait3A_256 : memref<1x128xf32, #tpu.memory_space<vmem>> -> memref<128xf32, #tpu.memory_space<vmem>>
    %dma_wait3A_258 = arith.constant 0 : i32
    %dma_wait3A_259 = tpu.memref_slice %arg5[%dma_wait3A_254, %dma_wait3A_258] : memref<128x128xi32, #tpu.memory_space<vmem>> -> memref<1x128xi32, #tpu.memory_space<vmem>>
    %dma_wait3A_260 = tpu.memref_squeeze %dma_wait3A_259 : memref<1x128xi32, #tpu.memory_space<vmem>> -> memref<128xi32, #tpu.memory_space<vmem>>
    %dma_wait3A_261 = arith.constant 0 : i32
    %dma_wait3A_262 = tpu.memref_slice %arg14[%dma_wait3A_261] : memref<26624xf32, #tpu.memory_space<vmem_shared>> -> memref<26624xf32, #tpu.memory_space<vmem_shared>>
    tpu.wait_indirect_dma semaphore(%arg16 : memref<!tpu.dma_semaphore, #tpu.memory_space<semaphore_mem>>) src(%dma_wait3A_257 : memref<128xf32, #tpu.memory_space<vmem>>) dst(%dma_wait3A_262 : memref<26624xf32, #tpu.memory_space<vmem_shared>>)
    %dma_wait3A_263 = arith.constant 127 : i32
    %dma_wait3A_264 = arith.constant 0 : i32
    %dma_wait3A_265 = tpu.memref_slice %arg5[%dma_wait3A_263, %dma_wait3A_264] : memref<128x128xi32, #tpu.memory_space<vmem>> -> memref<1x128xi32, #tpu.memory_space<vmem>>
    %dma_wait3A_266 = tpu.memref_squeeze %dma_wait3A_265 : memref<1x128xi32, #tpu.memory_space<vmem>> -> memref<128xi32, #tpu.memory_space<vmem>>
    %dma_wait3A_267 = arith.constant 0 : i32
    %dma_wait3A_268 = tpu.memref_slice %arg13[%dma_wait3A_267] : memref<26624xf32, #tpu.memory_space<vmem_shared>> -> memref<26624xf32, #tpu.memory_space<vmem_shared>>
    tpu.wait_indirect_dma semaphore(%arg16 : memref<!tpu.dma_semaphore, #tpu.memory_space<semaphore_mem>>) src(%arg7 : memref<128xf32, #tpu.memory_space<vmem>>) dst(%dma_wait3A_268 : memref<26624xf32, #tpu.memory_space<vmem_shared>>)
    %dma_wait3A_269 = arith.constant 127 : i32
    %dma_wait3A_270 = arith.constant 127 : i32
    %dma_wait3A_271 = arith.constant 0 : i32
    %dma_wait3A_272 = tpu.memref_slice %arg6[%dma_wait3A_269, %dma_wait3A_271] : memref<128x128xf32, #tpu.memory_space<vmem>> -> memref<1x128xf32, #tpu.memory_space<vmem>>
    %dma_wait3A_273 = tpu.memref_squeeze %dma_wait3A_272 : memref<1x128xf32, #tpu.memory_space<vmem>> -> memref<128xf32, #tpu.memory_space<vmem>>
    %dma_wait3A_274 = arith.constant 0 : i32
    %dma_wait3A_275 = tpu.memref_slice %arg5[%dma_wait3A_270, %dma_wait3A_274] : memref<128x128xi32, #tpu.memory_space<vmem>> -> memref<1x128xi32, #tpu.memory_space<vmem>>
    %dma_wait3A_276 = tpu.memref_squeeze %dma_wait3A_275 : memref<1x128xi32, #tpu.memory_space<vmem>> -> memref<128xi32, #tpu.memory_space<vmem>>
    %dma_wait3A_277 = arith.constant 0 : i32
    %dma_wait3A_278 = tpu.memref_slice %arg14[%dma_wait3A_277] : memref<26624xf32, #tpu.memory_space<vmem_shared>> -> memref<26624xf32, #tpu.memory_space<vmem_shared>>
    tpu.wait_indirect_dma semaphore(%arg16 : memref<!tpu.dma_semaphore, #tpu.memory_space<semaphore_mem>>) src(%dma_wait3A_273 : memref<128xf32, #tpu.memory_space<vmem>>) dst(%dma_wait3A_278 : memref<26624xf32, #tpu.memory_space<vmem_shared>>)
    %barrier3A_279 = arith.constant 0 : index
    tpu.barrier barrier_id(%barrier3A_279)
    "tpu.region"() ({
      %run_scoped3A = tpu.sem_alloc : memref<!tpu.dma_semaphore, #tpu.memory_space<semaphore_mem>>
      %dma_start3A = tpu.memref_slice %arg13[%mul3A_16] : memref<26624xf32, #tpu.memory_space<vmem_shared>> -> memref<1664xf32, #tpu.memory_space<vmem_shared>>
      %dma_start3A_300 = tpu.memref_slice %arg13[%mul3A_16] : memref<26624xf32, #tpu.memory_space<vmem_shared>> -> memref<1664xf32, #tpu.memory_space<vmem_shared>>
      tpu.enqueue_dma source(%dma_start3A_300 : memref<1664xf32, #tpu.memory_space<vmem_shared>>) target(%arg9 : memref<1664xf32, #tpu.memory_space<vmem>>) target_semaphore(%run_scoped3A : memref<!tpu.dma_semaphore, #tpu.memory_space<semaphore_mem>>)
      %dma_wait3A_301 = tpu.memref_slice %arg13[%mul3A_16] : memref<26624xf32, #tpu.memory_space<vmem_shared>> -> memref<1664xf32, #tpu.memory_space<vmem_shared>>
      %dma_wait3A_302 = tpu.memref_slice %arg13[%mul3A_16] : memref<26624xf32, #tpu.memory_space<vmem_shared>> -> memref<1664xf32, #tpu.memory_space<vmem_shared>>
      tpu.wait_dma2 semaphore(%run_scoped3A : memref<!tpu.dma_semaphore, #tpu.memory_space<semaphore_mem>>) src(%dma_wait3A_302 : memref<1664xf32, #tpu.memory_space<vmem_shared>>) dst(%arg9 : memref<1664xf32, #tpu.memory_space<vmem>>)
      tpu.yield
    }) : () -> ()
    "tpu.region"() ({
      %run_scoped3A = tpu.sem_alloc : memref<!tpu.dma_semaphore, #tpu.memory_space<semaphore_mem>>
      %dma_start3A = tpu.memref_slice %arg14[%mul3A_16] : memref<26624xf32, #tpu.memory_space<vmem_shared>> -> memref<1664xf32, #tpu.memory_space<vmem_shared>>
      %dma_start3A_300 = tpu.memref_slice %arg14[%mul3A_16] : memref<26624xf32, #tpu.memory_space<vmem_shared>> -> memref<1664xf32, #tpu.memory_space<vmem_shared>>
      tpu.enqueue_dma source(%dma_start3A_300 : memref<1664xf32, #tpu.memory_space<vmem_shared>>) target(%arg10 : memref<1664xf32, #tpu.memory_space<vmem>>) target_semaphore(%run_scoped3A : memref<!tpu.dma_semaphore, #tpu.memory_space<semaphore_mem>>)
      %dma_wait3A_301 = tpu.memref_slice %arg14[%mul3A_16] : memref<26624xf32, #tpu.memory_space<vmem_shared>> -> memref<1664xf32, #tpu.memory_space<vmem_shared>>
      %dma_wait3A_302 = tpu.memref_slice %arg14[%mul3A_16] : memref<26624xf32, #tpu.memory_space<vmem_shared>> -> memref<1664xf32, #tpu.memory_space<vmem_shared>>
      tpu.wait_dma2 semaphore(%run_scoped3A : memref<!tpu.dma_semaphore, #tpu.memory_space<semaphore_mem>>) src(%dma_wait3A_302 : memref<1664xf32, #tpu.memory_space<vmem_shared>>) dst(%arg10 : memref<1664xf32, #tpu.memory_space<vmem>>)
      tpu.yield
    }) : () -> ()
    %scan3A_280 = arith.constant 0 : i32
    %scan3A_281 = arith.constant 104 : i32
    %scan3A_282 = arith.addi %scan3A_280, %scan3A_281 : i32
    %scan3A_283 = arith.constant 1 : i32
    %scan3A_284:2 = scf.for %scan3A_300 = %scan3A_280 to %scan3A_282 step %scan3A_283 iter_args(%scan3A_301 = %broadcast_in_dim3A_0, %scan3A_302 = %broadcast_in_dim3A_0) -> (vector<16xf32>, vector<16xf32>)  : i32 {
      %mul3A_303 = arith.constant 16 : i32
      %mul3A_304 = arith.muli %scan3A_300, %mul3A_303 : i32
      %get3A = arith.index_cast %mul3A_304 : i32 to index
      %get3A_305 = tpu.vector_load %arg9[%get3A] {strides = array<i32>} : memref<1664xf32, #tpu.memory_space<vmem>>, vector<16xf32>,
      %get3A_306 = vector.shape_cast %get3A_305 : vector<16xf32> to vector<16xf32>
      %mul3A_307 = arith.constant 16 : i32
      %mul3A_308 = arith.muli %scan3A_300, %mul3A_307 : i32
      %get3A_309 = arith.index_cast %mul3A_308 : i32 to index
      %get3A_310 = tpu.vector_load %arg10[%get3A_309] {strides = array<i32>} : memref<1664xf32, #tpu.memory_space<vmem>>, vector<16xf32>,
      %get3A_311 = vector.shape_cast %get3A_310 : vector<16xf32> to vector<16xf32>
      %max3A = arith.constant 1.000000e+00 : f32
      %max3A_312 = vector.broadcast %max3A : f32 to vector<16xf32>
      %max3A_313 = arith.maximumf %get3A_306, %max3A_312 : vector<16xf32>
      %div3A = arith.divf %get3A_311, %max3A_313 : vector<16xf32>
      %add3A = arith.addf %scan3A_301, %div3A : vector<16xf32>
      %gt3A = arith.constant 0.000000e+00 : f32
      %gt3A_314 = vector.broadcast %gt3A : f32 to vector<16xf32>
      %gt3A_315 = arith.cmpf ogt, %get3A_306, %gt3A_314 : vector<16xf32>
      %jit3A = arith.constant 1.000000e+00 : f32
      %jit3A_316 = arith.constant 0.000000e+00 : f32
      %broadcast_in_dim3A_317 = vector.broadcast %jit3A : f32 to vector<16xf32>
      %broadcast_in_dim3A_318 = vector.broadcast %jit3A_316 : f32 to vector<16xf32>
      %select_n3A = arith.select %gt3A_315, %broadcast_in_dim3A_317, %broadcast_in_dim3A_318 : vector<16xi1>, vector<16xf32>
      %add3A_319 = arith.addf %scan3A_302, %select_n3A : vector<16xf32>
      scf.yield %add3A, %add3A_319 : vector<16xf32>, vector<16xf32>
    }
    %scan3A_285 = arith.constant 104 : i32
    %swap3A = arith.constant 0 : i32
    %swap3A_286 = arith.index_cast %swap3A : i32 to index
    %swap3A_287 = arith.constant 0 : index
    %swap3A_288 = tpu.vector_load %arg11[%swap3A_286, %swap3A_287] {strides = array<i32>} : memref<2x16xf32, #tpu.memory_space<vmem>>, vector<1x16xf32>,
    %swap3A_289 = vector.shape_cast %swap3A_288 : vector<1x16xf32> to vector<16xf32>
    %swap3A_290 = vector.shape_cast %scan3A_284#0 : vector<16xf32> to vector<1x16xf32>
    tpu.vector_store %arg11[%swap3A_286, %swap3A_287], %swap3A_290 {strides = array<i32>} : memref<2x16xf32, #tpu.memory_space<vmem>>, vector<1x16xf32>,
    %swap3A_291 = arith.constant 1 : i32
    %swap3A_292 = arith.index_cast %swap3A_291 : i32 to index
    %swap3A_293 = arith.constant 0 : index
    %swap3A_294 = tpu.vector_load %arg11[%swap3A_292, %swap3A_293] {strides = array<i32>} : memref<2x16xf32, #tpu.memory_space<vmem>>, vector<1x16xf32>,
    %swap3A_295 = vector.shape_cast %swap3A_294 : vector<1x16xf32> to vector<16xf32>
    %swap3A_296 = vector.shape_cast %scan3A_284#1 : vector<16xf32> to vector<1x16xf32>
    tpu.vector_store %arg11[%swap3A_292, %swap3A_293], %swap3A_296 {strides = array<i32>} : memref<2x16xf32, #tpu.memory_space<vmem>>, vector<1x16xf32>,
    "tpu.region"() ({
      %run_scoped3A = tpu.sem_alloc : memref<!tpu.dma_semaphore, #tpu.memory_space<semaphore_mem>>
      %dma_start3A = arith.constant 0 : i32
      %dma_start3A_300 = arith.constant 0 : i32
      %dma_start3A_301 = tpu.memref_slice %arg15[%arg1, %dma_start3A, %dma_start3A_300] : memref<16x2x16xf32, #tpu.memory_space<vmem_shared>> -> memref<1x2x16xf32, #tpu.memory_space<vmem_shared>>
      %dma_start3A_302 = tpu.memref_squeeze %dma_start3A_301 : memref<1x2x16xf32, #tpu.memory_space<vmem_shared>> -> memref<2x16xf32, #tpu.memory_space<vmem_shared>>
      %dma_start3A_303 = arith.constant 0 : i32
      %dma_start3A_304 = arith.constant 0 : i32
      %dma_start3A_305 = tpu.memref_slice %arg15[%arg1, %dma_start3A_303, %dma_start3A_304] : memref<16x2x16xf32, #tpu.memory_space<vmem_shared>> -> memref<1x2x16xf32, #tpu.memory_space<vmem_shared>>
      %dma_start3A_306 = tpu.memref_squeeze %dma_start3A_305 : memref<1x2x16xf32, #tpu.memory_space<vmem_shared>> -> memref<2x16xf32, #tpu.memory_space<vmem_shared>>
      tpu.enqueue_dma source(%arg11 : memref<2x16xf32, #tpu.memory_space<vmem>>) target(%dma_start3A_306 : memref<2x16xf32, #tpu.memory_space<vmem_shared>>) target_semaphore(%run_scoped3A : memref<!tpu.dma_semaphore, #tpu.memory_space<semaphore_mem>>)
      %dma_wait3A_307 = arith.constant 0 : i32
      %dma_wait3A_308 = arith.constant 0 : i32
      %dma_wait3A_309 = tpu.memref_slice %arg15[%arg1, %dma_wait3A_307, %dma_wait3A_308] : memref<16x2x16xf32, #tpu.memory_space<vmem_shared>> -> memref<1x2x16xf32, #tpu.memory_space<vmem_shared>>
      %dma_wait3A_310 = tpu.memref_squeeze %dma_wait3A_309 : memref<1x2x16xf32, #tpu.memory_space<vmem_shared>> -> memref<2x16xf32, #tpu.memory_space<vmem_shared>>
      %dma_wait3A_311 = arith.constant 0 : i32
      %dma_wait3A_312 = arith.constant 0 : i32
      %dma_wait3A_313 = tpu.memref_slice %arg15[%arg1, %dma_wait3A_311, %dma_wait3A_312] : memref<16x2x16xf32, #tpu.memory_space<vmem_shared>> -> memref<1x2x16xf32, #tpu.memory_space<vmem_shared>>
      %dma_wait3A_314 = tpu.memref_squeeze %dma_wait3A_313 : memref<1x2x16xf32, #tpu.memory_space<vmem_shared>> -> memref<2x16xf32, #tpu.memory_space<vmem_shared>>
      tpu.wait_dma2 semaphore(%run_scoped3A : memref<!tpu.dma_semaphore, #tpu.memory_space<semaphore_mem>>) src(%arg11 : memref<2x16xf32, #tpu.memory_space<vmem>>) dst(%dma_wait3A_314 : memref<2x16xf32, #tpu.memory_space<vmem_shared>>)
      tpu.yield
    }) : () -> ()
    %barrier3A_297 = arith.constant 0 : index
    tpu.barrier barrier_id(%barrier3A_297)
    %eq3A = arith.constant 0 : i32
    %eq3A_298 = arith.cmpi eq, %arg1, %eq3A : i32
    %convert_element_type3A = arith.extui %eq3A_298 : i1 to i32
    %cond3A = arith.constant 0 : i32
    %cond3A_299 = arith.cmpi ne, %convert_element_type3A, %cond3A : i32
    scf.if %cond3A_299 {
      "tpu.region"() ({
        %run_scoped3A = tpu.sem_alloc : memref<!tpu.dma_semaphore, #tpu.memory_space<semaphore_mem>>
        tpu.enqueue_dma source(%arg15 : memref<16x2x16xf32, #tpu.memory_space<vmem_shared>>) target(%arg12 : memref<16x2x16xf32, #tpu.memory_space<vmem>>) target_semaphore(%run_scoped3A : memref<!tpu.dma_semaphore, #tpu.memory_space<semaphore_mem>>)
        tpu.wait_dma2 semaphore(%run_scoped3A : memref<!tpu.dma_semaphore, #tpu.memory_space<semaphore_mem>>) src(%arg15 : memref<16x2x16xf32, #tpu.memory_space<vmem_shared>>) dst(%arg12 : memref<16x2x16xf32, #tpu.memory_space<vmem>>)
        tpu.yield
      }) : () -> ()
      %scan3A_300 = arith.constant 0 : i32
      %scan3A_301 = arith.constant 16 : i32
      %scan3A_302 = arith.addi %scan3A_300, %scan3A_301 : i32
      %scan3A_303 = arith.constant 1 : i32
      %scan3A_304:2 = scf.for %scan3A_318 = %scan3A_300 to %scan3A_302 step %scan3A_303 iter_args(%scan3A_319 = %broadcast_in_dim3A_0, %scan3A_320 = %broadcast_in_dim3A_0) -> (vector<16xf32>, vector<16xf32>)  : i32 {
        %get3A = arith.constant 0 : i32
        %get3A_321 = arith.index_cast %scan3A_318 : i32 to index
        %get3A_322 = arith.index_cast %get3A : i32 to index
        %get3A_323 = arith.constant 0 : index
        %get3A_324 = tpu.vector_load %arg12[%get3A_321, %get3A_322, %get3A_323] {strides = array<i32>} : memref<16x2x16xf32, #tpu.memory_space<vmem>>, vector<1x1x16xf32>,
        %get3A_325 = vector.shape_cast %get3A_324 : vector<1x1x16xf32> to vector<16xf32>
        %add3A = arith.addf %scan3A_319, %get3A_325 : vector<16xf32>
        %get3A_326 = arith.constant 1 : i32
        %get3A_327 = arith.index_cast %scan3A_318 : i32 to index
        %get3A_328 = arith.index_cast %get3A_326 : i32 to index
        %get3A_329 = arith.constant 0 : index
        %get3A_330 = tpu.vector_load %arg12[%get3A_327, %get3A_328, %get3A_329] {strides = array<i32>} : memref<16x2x16xf32, #tpu.memory_space<vmem>>, vector<1x1x16xf32>,
        %get3A_331 = vector.shape_cast %get3A_330 : vector<1x1x16xf32> to vector<16xf32>
        %add3A_332 = arith.addf %scan3A_320, %get3A_331 : vector<16xf32>
        scf.yield %add3A, %add3A_332 : vector<16xf32>, vector<16xf32>
      }
      %scan3A_305 = arith.constant 16 : i32
      %swap3A_306 = arith.constant 0 : i32
      %swap3A_307 = arith.index_cast %swap3A_306 : i32 to index
      %swap3A_308 = arith.constant 0 : index
      %swap3A_309 = tpu.vector_load %arg11[%swap3A_307, %swap3A_308] {strides = array<i32>} : memref<2x16xf32, #tpu.memory_space<vmem>>, vector<1x16xf32>,
      %swap3A_310 = vector.shape_cast %swap3A_309 : vector<1x16xf32> to vector<16xf32>
      %swap3A_311 = vector.shape_cast %scan3A_304#0 : vector<16xf32> to vector<1x16xf32>
      tpu.vector_store %arg11[%swap3A_307, %swap3A_308], %swap3A_311 {strides = array<i32>} : memref<2x16xf32, #tpu.memory_space<vmem>>, vector<1x16xf32>,
      %swap3A_312 = arith.constant 1 : i32
      %swap3A_313 = arith.index_cast %swap3A_312 : i32 to index
      %swap3A_314 = arith.constant 0 : index
      %swap3A_315 = tpu.vector_load %arg11[%swap3A_313, %swap3A_314] {strides = array<i32>} : memref<2x16xf32, #tpu.memory_space<vmem>>, vector<1x16xf32>,
      %swap3A_316 = vector.shape_cast %swap3A_315 : vector<1x16xf32> to vector<16xf32>
      %swap3A_317 = vector.shape_cast %scan3A_304#1 : vector<16xf32> to vector<1x16xf32>
      tpu.vector_store %arg11[%swap3A_313, %swap3A_314], %swap3A_317 {strides = array<i32>} : memref<2x16xf32, #tpu.memory_space<vmem>>, vector<1x16xf32>,
      "tpu.region"() ({
        %run_scoped3A = tpu.sem_alloc : memref<!tpu.dma_semaphore, #tpu.memory_space<semaphore_mem>>
        %dma_start3A = arith.constant 0 : i32
        %dma_start3A_318 = arith.constant 0 : i32
        %dma_start3A_319 = tpu.memref_slice %arg4[%arg0, %dma_start3A, %dma_start3A_318] : memref<2x2x16xf32, #tpu.memory_space<hbm>> -> memref<1x2x16xf32, #tpu.memory_space<hbm>>
        %dma_start3A_320 = tpu.memref_squeeze %dma_start3A_319 : memref<1x2x16xf32, #tpu.memory_space<hbm>> -> memref<2x16xf32, #tpu.memory_space<hbm>>
        %dma_start3A_321 = arith.constant 0 : i32
        %dma_start3A_322 = arith.constant 0 : i32
        %dma_start3A_323 = tpu.memref_slice %arg4[%arg0, %dma_start3A_321, %dma_start3A_322] : memref<2x2x16xf32, #tpu.memory_space<hbm>> -> memref<1x2x16xf32, #tpu.memory_space<hbm>>
        %dma_start3A_324 = tpu.memref_squeeze %dma_start3A_323 : memref<1x2x16xf32, #tpu.memory_space<hbm>> -> memref<2x16xf32, #tpu.memory_space<hbm>>
        tpu.enqueue_dma source(%arg11 : memref<2x16xf32, #tpu.memory_space<vmem>>) target(%dma_start3A_324 : memref<2x16xf32, #tpu.memory_space<hbm>>) target_semaphore(%run_scoped3A : memref<!tpu.dma_semaphore, #tpu.memory_space<semaphore_mem>>)
        %dma_wait3A_325 = arith.constant 0 : i32
        %dma_wait3A_326 = arith.constant 0 : i32
        %dma_wait3A_327 = tpu.memref_slice %arg4[%arg0, %dma_wait3A_325, %dma_wait3A_326] : memref<2x2x16xf32, #tpu.memory_space<hbm>> -> memref<1x2x16xf32, #tpu.memory_space<hbm>>
        %dma_wait3A_328 = tpu.memref_squeeze %dma_wait3A_327 : memref<1x2x16xf32, #tpu.memory_space<hbm>> -> memref<2x16xf32, #tpu.memory_space<hbm>>
        %dma_wait3A_329 = arith.constant 0 : i32
        %dma_wait3A_330 = arith.constant 0 : i32
        %dma_wait3A_331 = tpu.memref_slice %arg4[%arg0, %dma_wait3A_329, %dma_wait3A_330] : memref<2x2x16xf32, #tpu.memory_space<hbm>> -> memref<1x2x16xf32, #tpu.memory_space<hbm>>
        %dma_wait3A_332 = tpu.memref_squeeze %dma_wait3A_331 : memref<1x2x16xf32, #tpu.memory_space<hbm>> -> memref<2x16xf32, #tpu.memory_space<hbm>>
        tpu.wait_dma2 semaphore(%run_scoped3A : memref<!tpu.dma_semaphore, #tpu.memory_space<semaphore_mem>>) src(%arg11 : memref<2x16xf32, #tpu.memory_space<vmem>>) dst(%dma_wait3A_332 : memref<2x16xf32, #tpu.memory_space<hbm>>)
        tpu.yield
      }) : () -> ()
    } else {
    }
    return
  }
}

module attributes {stable_mosaic.version = 14 : i64} {
  func.func @_tc_body(%arg0: i32, %arg1: i32, %arg2: memref<1x19x256x512xf32, #tpu.memory_space<vmem>>, %arg3: memref<1x256x512xi32, #tpu.memory_space<vmem>>, %arg4: memref<1x8x128x128xf32, #tpu.memory_space<vmem>>, %arg5: memref<1x8x128x128xi32, #tpu.memory_space<vmem>>) attributes {dimension_semantics = [#tpu.dimension_semantics<parallel>, #tpu.dimension_semantics<parallel>], iteration_bounds = array<i64: 2, 2>, scalar_prefetch = 0 : i64, scratch_operands = 0 : i64, tpu.core_type = #tpu.core_type<tc>, window_params = [{transform_indices = @transform_0, window_bounds = array<i64: 1, 19, 256, 512>}, {transform_indices = @transform_1, window_bounds = array<i64: 1, 256, 512>}, {transform_indices = @transform_2, window_bounds = array<i64: 1, 8, 128, 128>}, {transform_indices = @transform_3, window_bounds = array<i64: 1, 8, 128, 128>}]} {
    %get3A = arith.constant 0 : index
    %get3A_0 = arith.constant 0 : index
    %get3A_1 = arith.constant 0 : index
    %get3A_2 = arith.constant 0 : index
    %get3A_3 = vector.load %arg2[%get3A, %get3A_0, %get3A_1, %get3A_2] : memref<1x19x256x512xf32, #tpu.memory_space<vmem>>, vector<1x19x256x512xf32>
    %get3A_4 = vector.shape_cast %get3A_3 : vector<1x19x256x512xf32> to vector<19x256x512xf32>
    %get3A_5 = arith.constant 0 : index
    %get3A_6 = arith.constant 0 : index
    %get3A_7 = arith.constant 0 : index
    %get3A_8 = vector.load %arg3[%get3A_5, %get3A_6, %get3A_7] : memref<1x256x512xi32, #tpu.memory_space<vmem>>, vector<1x256x512xi32>
    %get3A_9 = vector.shape_cast %get3A_8 : vector<1x256x512xi32> to vector<256x512xi32>
    %reduce_max3A = arith.constant dense<0xFF800000> : vector<256x512xf32>
    %reduce_max3A_10 = vector.multi_reduction <maximumf>, %get3A_4, %reduce_max3A [0] : vector<19x256x512xf32> to vector<256x512xf32>
    %broadcast_in_dim3A = vector.shape_cast %reduce_max3A_10 : vector<256x512xf32> to vector<1x256x512xf32>
    %sub3A = vector.broadcast %broadcast_in_dim3A : vector<1x256x512xf32> to vector<19x256x512xf32>
    %sub3A_11 = arith.subf %get3A_4, %sub3A : vector<19x256x512xf32>
    %exp3A = math.exp %sub3A_11 : vector<19x256x512xf32>
    %reduce_sum3A = arith.constant dense<0.000000e+00> : vector<256x512xf32>
    %reduce_sum3A_12 = vector.multi_reduction <add>, %exp3A, %reduce_sum3A [0] : vector<19x256x512xf32> to vector<256x512xf32>
    %log3A = math.log %reduce_sum3A_12 : vector<256x512xf32>
    %add3A = arith.addf %log3A, %reduce_max3A_10 : vector<256x512xf32>
    %iota3A = tpu.iota {dimensions = array<i32: 0>} : vector<19x256x512xi32>
    %broadcast_in_dim3A_13 = vector.shape_cast %get3A_9 : vector<256x512xi32> to vector<1x256x512xi32>
    %eq3A = vector.broadcast %broadcast_in_dim3A_13 : vector<1x256x512xi32> to vector<19x256x512xi32>
    %eq3A_14 = arith.cmpi eq, %iota3A, %eq3A : vector<19x256x512xi32>
    %jit3A = arith.constant 0.000000e+00 : f32
    %broadcast_in_dim3A_15 = vector.broadcast %jit3A : f32 to vector<19x256x512xf32>
    %select_n3A = arith.select %eq3A_14, %get3A_4, %broadcast_in_dim3A_15 : vector<19x256x512xi1>, vector<19x256x512xf32>
    %reduce_sum3A_16 = arith.constant dense<0.000000e+00> : vector<256x512xf32>
    %reduce_sum3A_17 = vector.multi_reduction <add>, %select_n3A, %reduce_sum3A_16 [0] : vector<19x256x512xf32> to vector<256x512xf32>
    %sub3A_18 = arith.subf %reduce_sum3A_17, %add3A : vector<256x512xf32>
    %exp3A_19 = math.exp %sub3A_18 : vector<256x512xf32>
    %sub3A_20 = arith.constant 1.000000e+00 : f32
    %sub3A_21 = vector.broadcast %sub3A_20 : f32 to vector<256x512xf32>
    %sub3A_22 = arith.subf %exp3A_19, %sub3A_21 : vector<256x512xf32>
    %abs3A = math.absf %sub3A_22 : vector<256x512xf32>
    %mul3A = arith.constant 2.621400e+04 : f32
    %mul3A_23 = vector.broadcast %mul3A : f32 to vector<256x512xf32>
    %mul3A_24 = arith.mulf %abs3A, %mul3A_23 : vector<256x512xf32>
    %floor3A = math.floor %mul3A_24 : vector<256x512xf32>
    %convert_element_type3A = arith.fptosi %floor3A : vector<256x512xf32> to vector<256x512xi32>
    %min3A = arith.constant 26213 : i32
    %min3A_25 = vector.broadcast %min3A : i32 to vector<256x512xi32>
    %min3A_26 = arith.minsi %convert_element_type3A, %min3A_25 : vector<256x512xi32>
    %reshape3A = vector.shape_cast %min3A_26 : vector<256x512xi32> to vector<8x128x128xi32>
    %swap3A = arith.constant 0 : index
    %swap3A_27 = arith.constant 0 : index
    %swap3A_28 = arith.constant 0 : index
    %swap3A_29 = arith.constant 0 : index
    %swap3A_30 = vector.load %arg5[%swap3A, %swap3A_27, %swap3A_28, %swap3A_29] : memref<1x8x128x128xi32, #tpu.memory_space<vmem>>, vector<1x8x128x128xi32>
    %swap3A_31 = vector.shape_cast %swap3A_30 : vector<1x8x128x128xi32> to vector<8x128x128xi32>
    %swap3A_32 = vector.shape_cast %reshape3A : vector<8x128x128xi32> to vector<1x8x128x128xi32>
    tpu.vector_store %arg5[%swap3A, %swap3A_27, %swap3A_28, %swap3A_29], %swap3A_32 {strides = array<i32>} : memref<1x8x128x128xi32, #tpu.memory_space<vmem>>, vector<1x8x128x128xi32>,
    %neg3A = arith.constant 0.000000e+00 : f32
    %neg3A_33 = vector.broadcast %neg3A : f32 to vector<256x512xf32>
    %neg3A_34 = arith.subf %neg3A_33, %sub3A_18 : vector<256x512xf32>
    %reshape3A_35 = vector.shape_cast %neg3A_34 : vector<256x512xf32> to vector<8x128x128xf32>
    %swap3A_36 = arith.constant 0 : index
    %swap3A_37 = arith.constant 0 : index
    %swap3A_38 = arith.constant 0 : index
    %swap3A_39 = arith.constant 0 : index
    %swap3A_40 = vector.load %arg4[%swap3A_36, %swap3A_37, %swap3A_38, %swap3A_39] : memref<1x8x128x128xf32, #tpu.memory_space<vmem>>, vector<1x8x128x128xf32>
    %swap3A_41 = vector.shape_cast %swap3A_40 : vector<1x8x128x128xf32> to vector<8x128x128xf32>
    %swap3A_42 = vector.shape_cast %reshape3A_35 : vector<8x128x128xf32> to vector<1x8x128x128xf32>
    tpu.vector_store %arg4[%swap3A_36, %swap3A_37, %swap3A_38, %swap3A_39], %swap3A_42 {strides = array<i32>} : memref<1x8x128x128xf32, #tpu.memory_space<vmem>>, vector<1x8x128x128xf32>,
    return
  }
  func.func @transform_0(%arg0: i32, %arg1: i32) -> (i32, i32, i32, i32) {
    %add3A = arith.constant 2 : i32
    %add3A_0 = arith.addi %add3A, %arg0 : i32
    %c0_i32 = arith.constant 0 : i32
    %c0_i32_1 = arith.constant 0 : i32
    %c0_i32_2 = arith.constant 0 : i32
    return %add3A_0, %c0_i32, %arg1, %c0_i32_1 : i32, i32, i32, i32
  }
  func.func @transform_1(%arg0: i32, %arg1: i32) -> (i32, i32, i32) {
    %add3A = arith.constant 2 : i32
    %add3A_0 = arith.addi %add3A, %arg0 : i32
    %c0_i32 = arith.constant 0 : i32
    %c0_i32_1 = arith.constant 0 : i32
    return %add3A_0, %arg1, %c0_i32 : i32, i32, i32
  }
  func.func @transform_2(%arg0: i32, %arg1: i32) -> (i32, i32, i32, i32) {
    %c0_i32 = arith.constant 0 : i32
    %c0_i32_0 = arith.constant 0 : i32
    %c0_i32_1 = arith.constant 0 : i32
    return %arg0, %arg1, %c0_i32, %c0_i32_0 : i32, i32, i32, i32
  }
  func.func @transform_3(%arg0: i32, %arg1: i32) -> (i32, i32, i32, i32) {
    %c0_i32 = arith.constant 0 : i32
    %c0_i32_0 = arith.constant 0 : i32
    %c0_i32_1 = arith.constant 0 : i32
    return %arg0, %arg1, %c0_i32, %c0_i32_0 : i32, i32, i32, i32
  }
}

module attributes {stable_mosaic.version = 14 : i64} {
  func.func @_tc_body(%arg0: i32, %arg1: i32, %arg2: memref<1x19x256x512xf32, #tpu.memory_space<vmem>>, %arg3: memref<1x256x512xi32, #tpu.memory_space<vmem>>, %arg4: memref<1x8x128x128xf32, #tpu.memory_space<vmem>>, %arg5: memref<1x8x128x128xi32, #tpu.memory_space<vmem>>) attributes {dimension_semantics = [#tpu.dimension_semantics<parallel>, #tpu.dimension_semantics<parallel>], iteration_bounds = array<i64: 2, 2>, scalar_prefetch = 0 : i64, scratch_operands = 0 : i64, tpu.core_type = #tpu.core_type<tc>, window_params = [{transform_indices = @transform_0, window_bounds = array<i64: 1, 19, 256, 512>}, {transform_indices = @transform_1, window_bounds = array<i64: 1, 256, 512>}, {transform_indices = @transform_2, window_bounds = array<i64: 1, 8, 128, 128>}, {transform_indices = @transform_3, window_bounds = array<i64: 1, 8, 128, 128>}]} {
    %get3A = arith.constant 0 : index
    %get3A_0 = arith.constant 0 : index
    %get3A_1 = arith.constant 0 : index
    %get3A_2 = arith.constant 0 : index
    %get3A_3 = vector.load %arg2[%get3A, %get3A_0, %get3A_1, %get3A_2] : memref<1x19x256x512xf32, #tpu.memory_space<vmem>>, vector<1x19x256x512xf32>
    %get3A_4 = vector.shape_cast %get3A_3 : vector<1x19x256x512xf32> to vector<19x256x512xf32>
    %get3A_5 = arith.constant 0 : index
    %get3A_6 = arith.constant 0 : index
    %get3A_7 = arith.constant 0 : index
    %get3A_8 = vector.load %arg3[%get3A_5, %get3A_6, %get3A_7] : memref<1x256x512xi32, #tpu.memory_space<vmem>>, vector<1x256x512xi32>
    %get3A_9 = vector.shape_cast %get3A_8 : vector<1x256x512xi32> to vector<256x512xi32>
    %reduce_max3A = arith.constant dense<0xFF800000> : vector<256x512xf32>
    %reduce_max3A_10 = vector.multi_reduction <maximumf>, %get3A_4, %reduce_max3A [0] : vector<19x256x512xf32> to vector<256x512xf32>
    %broadcast_in_dim3A = vector.shape_cast %reduce_max3A_10 : vector<256x512xf32> to vector<1x256x512xf32>
    %sub3A = vector.broadcast %broadcast_in_dim3A : vector<1x256x512xf32> to vector<19x256x512xf32>
    %sub3A_11 = arith.subf %get3A_4, %sub3A : vector<19x256x512xf32>
    %exp3A = math.exp %sub3A_11 : vector<19x256x512xf32>
    %reduce_sum3A = arith.constant dense<0.000000e+00> : vector<256x512xf32>
    %reduce_sum3A_12 = vector.multi_reduction <add>, %exp3A, %reduce_sum3A [0] : vector<19x256x512xf32> to vector<256x512xf32>
    %log3A = math.log %reduce_sum3A_12 : vector<256x512xf32>
    %add3A = arith.addf %log3A, %reduce_max3A_10 : vector<256x512xf32>
    %iota3A = tpu.iota {dimensions = array<i32: 0>} : vector<19x256x512xi32>
    %broadcast_in_dim3A_13 = vector.shape_cast %get3A_9 : vector<256x512xi32> to vector<1x256x512xi32>
    %eq3A = vector.broadcast %broadcast_in_dim3A_13 : vector<1x256x512xi32> to vector<19x256x512xi32>
    %eq3A_14 = arith.cmpi eq, %iota3A, %eq3A : vector<19x256x512xi32>
    %jit3A = arith.constant 0.000000e+00 : f32
    %broadcast_in_dim3A_15 = vector.broadcast %jit3A : f32 to vector<19x256x512xf32>
    %select_n3A = arith.select %eq3A_14, %get3A_4, %broadcast_in_dim3A_15 : vector<19x256x512xi1>, vector<19x256x512xf32>
    %reduce_sum3A_16 = arith.constant dense<0.000000e+00> : vector<256x512xf32>
    %reduce_sum3A_17 = vector.multi_reduction <add>, %select_n3A, %reduce_sum3A_16 [0] : vector<19x256x512xf32> to vector<256x512xf32>
    %sub3A_18 = arith.subf %reduce_sum3A_17, %add3A : vector<256x512xf32>
    %exp3A_19 = math.exp %sub3A_18 : vector<256x512xf32>
    %sub3A_20 = arith.constant 1.000000e+00 : f32
    %sub3A_21 = vector.broadcast %sub3A_20 : f32 to vector<256x512xf32>
    %sub3A_22 = arith.subf %exp3A_19, %sub3A_21 : vector<256x512xf32>
    %abs3A = math.absf %sub3A_22 : vector<256x512xf32>
    %mul3A = arith.constant 2.621400e+04 : f32
    %mul3A_23 = vector.broadcast %mul3A : f32 to vector<256x512xf32>
    %mul3A_24 = arith.mulf %abs3A, %mul3A_23 : vector<256x512xf32>
    %floor3A = math.floor %mul3A_24 : vector<256x512xf32>
    %convert_element_type3A = arith.fptosi %floor3A : vector<256x512xf32> to vector<256x512xi32>
    %min3A = arith.constant 26213 : i32
    %min3A_25 = vector.broadcast %min3A : i32 to vector<256x512xi32>
    %min3A_26 = arith.minsi %convert_element_type3A, %min3A_25 : vector<256x512xi32>
    %reshape3A = vector.shape_cast %min3A_26 : vector<256x512xi32> to vector<8x128x128xi32>
    %swap3A = arith.constant 0 : index
    %swap3A_27 = arith.constant 0 : index
    %swap3A_28 = arith.constant 0 : index
    %swap3A_29 = arith.constant 0 : index
    %swap3A_30 = vector.load %arg5[%swap3A, %swap3A_27, %swap3A_28, %swap3A_29] : memref<1x8x128x128xi32, #tpu.memory_space<vmem>>, vector<1x8x128x128xi32>
    %swap3A_31 = vector.shape_cast %swap3A_30 : vector<1x8x128x128xi32> to vector<8x128x128xi32>
    %swap3A_32 = vector.shape_cast %reshape3A : vector<8x128x128xi32> to vector<1x8x128x128xi32>
    tpu.vector_store %arg5[%swap3A, %swap3A_27, %swap3A_28, %swap3A_29], %swap3A_32 {strides = array<i32>} : memref<1x8x128x128xi32, #tpu.memory_space<vmem>>, vector<1x8x128x128xi32>,
    %neg3A = arith.constant 0.000000e+00 : f32
    %neg3A_33 = vector.broadcast %neg3A : f32 to vector<256x512xf32>
    %neg3A_34 = arith.subf %neg3A_33, %sub3A_18 : vector<256x512xf32>
    %reshape3A_35 = vector.shape_cast %neg3A_34 : vector<256x512xf32> to vector<8x128x128xf32>
    %swap3A_36 = arith.constant 0 : index
    %swap3A_37 = arith.constant 0 : index
    %swap3A_38 = arith.constant 0 : index
    %swap3A_39 = arith.constant 0 : index
    %swap3A_40 = vector.load %arg4[%swap3A_36, %swap3A_37, %swap3A_38, %swap3A_39] : memref<1x8x128x128xf32, #tpu.memory_space<vmem>>, vector<1x8x128x128xf32>
    %swap3A_41 = vector.shape_cast %swap3A_40 : vector<1x8x128x128xf32> to vector<8x128x128xf32>
    %swap3A_42 = vector.shape_cast %reshape3A_35 : vector<8x128x128xf32> to vector<1x8x128x128xf32>
    tpu.vector_store %arg4[%swap3A_36, %swap3A_37, %swap3A_38, %swap3A_39], %swap3A_42 {strides = array<i32>} : memref<1x8x128x128xf32, #tpu.memory_space<vmem>>, vector<1x8x128x128xf32>,
    return
  }
  func.func @transform_0(%arg0: i32, %arg1: i32) -> (i32, i32, i32, i32) {
    %add3A = arith.constant 0 : i32
    %add3A_0 = arith.addi %add3A, %arg0 : i32
    %c0_i32 = arith.constant 0 : i32
    %c0_i32_1 = arith.constant 0 : i32
    %c0_i32_2 = arith.constant 0 : i32
    return %add3A_0, %c0_i32, %arg1, %c0_i32_1 : i32, i32, i32, i32
  }
  func.func @transform_1(%arg0: i32, %arg1: i32) -> (i32, i32, i32) {
    %add3A = arith.constant 0 : i32
    %add3A_0 = arith.addi %add3A, %arg0 : i32
    %c0_i32 = arith.constant 0 : i32
    %c0_i32_1 = arith.constant 0 : i32
    return %add3A_0, %arg1, %c0_i32 : i32, i32, i32
  }
  func.func @transform_2(%arg0: i32, %arg1: i32) -> (i32, i32, i32, i32) {
    %c0_i32 = arith.constant 0 : i32
    %c0_i32_0 = arith.constant 0 : i32
    %c0_i32_1 = arith.constant 0 : i32
    return %arg0, %arg1, %c0_i32, %c0_i32_0 : i32, i32, i32, i32
  }
  func.func @transform_3(%arg0: i32, %arg1: i32) -> (i32, i32, i32, i32) {
    %c0_i32 = arith.constant 0 : i32
    %c0_i32_0 = arith.constant 0 : i32
    %c0_i32_1 = arith.constant 0 : i32
    return %arg0, %arg1, %c0_i32, %c0_i32_0 : i32, i32, i32, i32
  }
}

</mosaic_0001>

<sc_bundles>
// kernel: kernel.6.cloned.1.call-start
scs
__scs_entry_jumppad:
0x0: {  	(pc) =	sbr.rel $0x88, $3  }
0x1: {  	(tag) =	ssettag $0x0;
	lr =	simm.s32 $0x1  }
0x2: {  	[smem:$0x3F9F] =	sst lr;
	_ =	strace $0xD0000000  }
0x3: {  	_ = 	snop  }
0x4: {  	_ = 	snop  }
0x5: {  	_ = 	snop  }
0x6: {  	_ = 	snop  }
0x7: {  	_ = 	snop  }
__scs_overlays_trampoline_lowered:
0x8: {  	[smem:$0x3FAE] =	sst s0  }
0x9: {  	[smem:$0x3FAF] =	sst s1  }
0xa: {  	[smem:$0x3FB0] =	sst s2  }
0xb: {  	[smem:$0x3FB1] =	sst s3  }
0xc: {  	[smem:$0x3FB2] =	sst s4  }
0xd: {  	[smem:$0x3FB3] =	sst s5  }
0xe: {  	[smem:$0x3FB4] =	sst s6  }
0xf: {  	[smem:$0x3FB5] =	sst s7  }
0x10: {  	[smem:$0x3FB6] =	sst s8  }
0x11: {  	[smem:$0x3FB7] =	sst s9;
	s0 =	simm.s32 @!p0 $0x0  }
0x12: {  	s1 =	sld [smem:$0x3F9D];
	s0 =	simm.s32 @p0 $0x1  }
0x13: {  	[smem:$0x3FB8] =	sst s0;
	s0 =	simm.s32 @!p1 $0x0  }
0x14: {  	s2 =	sld [smem:$0x3F9C];
	s0 =	simm.s32 @p1 $0x1  }
0x15: {  	[smem:$0x3FB9] =	sst s0;
	s0 =	simm.s32 @!p2 $0x0  }
0x16: {  	s3 =	sld [smem:$0x3FDB];
	s0 =	simm.s32 @p2 $0x1  }
0x17: {  	s4 =	simm.s32 $0x1BF5;
	[smem:$0x3FBB] =	sst s0  }
0x18: {  	s0 =	sld [smem:$0x3F9E];
	_ =	swait.ge [sflag:s4], $0x0  }
0x19: {  	s7 =	sld [smem:$0x3F9F]  }
0x1a: {  	s8 =	sadd.s32 $0xFFFFE003, lr  }
0x1b: {  	s9 =	sadd.s32 $0xFFFFFEF7, lr;
	s5 =	simm.s32 $0xFFFFFFFF;
	p2 =	slt.u32 s8, $0xFFFFF086  }
0x1c: {  	p1 =	slt.u32 s9, $0xF7A;
	s5 =	simm.s32 @!p2 $0x0  }
0x1d: {  	s5 =	simm.s32 @p1 $0x1;
	p0 =	seq.s32 s7, s2  }
0x1e: {  	s7 =	smul.u32 @!p0 $0xF7A, s2;
	p2 =	seq.s32 @!p0 s5, $0x0  }
0x1f: {  	s9 =	smul.u32 $0xF7A, s1;
	s8 =	simm.s32 @!p0 $0x1BF5;
	p2 =	por !p2, p0  }
0x20: {  	[sflag:s8] =	ssyncset.s32 @!p0 $0xFFFFF086;
	s6 =	sadd.s32 @!p0 s3, s7;
	s7 =	simm.s32 @!p0 $0x108  }
0x21: {  	s3 =	sadd.s32 s3, s9;
	s6 =	sadd.s32 @!p0 $0x88, s6;
	s7 =	simm.s32 @p2 $0x1082  }
0x22: {  	[simem:s7], [sflag:s8] =	dma.local @!p0 [hbm:s6], $0xF7A  }
0x23: {  	s9 =	sor.u32 $0xD0000000, s2;
	s6 =	simm.s32 $0x108;
	_ =	swait.ge @!p0 [sflag:s8], $0x0  }
0x24: {  	s3 =	sadd.s32 $0x88, s3;
	s6 =	simm.s32 @!p1 $0x1082;
	[sflag:s4] =	ssyncset.s32 $0xFFFFF086  }
0x25: {  	[simem:s6], [sflag:s4] =	dma.local [hbm:s3], $0xF7A  }
0x26: {  	[smem:$0x3F9F] =	sst s1;
	(tag) =	ssettag s2;
	_ =	strace s9  }
0x27: {  	s1 =	sld [smem:$0x3FAF]  }
0x28: {  	s2 =	sld [smem:$0x3FB0]  }
0x29: {  	s4 =	sld [smem:$0x3FB2]  }
0x2a: {  	p0 =	seq.s32 s5, $0x0;
	s5 =	sld [smem:$0x3FB3]  }
0x2b: {  	s6 =	sld [smem:$0x3FB4]  }
0x2c: {  	s7 =	sld [smem:$0x3FB5]  }
0x2d: {  	s3 =	simm.s32 $0x108;
	s8 =	sld [smem:$0x3FB6]  }
0x2e: {  	s3 =	simm.s32 @!p0 $0x1082;
	s9 =	sld [smem:$0x3FB7]  }
0x2f: {  	lr =	sadd.s32 s0, s3;
	s0 =	sld [smem:$0x3FAE]  }
0x30: {  	s3 =	sld [smem:$0x3FB1]  }
0x31: {  	[smem:$0x3FBA] =	sst s10  }
0x32: {  	s10 =	sld [smem:$0x3FB8];
	_ =	sdelay $0x3  }
0x33: {  	p0 =	seq.s32 s10, $0x1;
	s10 =	sld [smem:$0x3FBA];
	_ =	sdelay $0x3  }
0x34: {  	[smem:$0x3FBA] =	sst s10  }
0x35: {  	s10 =	sld [smem:$0x3FB9];
	_ =	sdelay $0x3  }
0x36: {  	p1 =	seq.s32 s10, $0x1;
	s10 =	sld [smem:$0x3FBA];
	_ =	sdelay $0x3  }
0x37: {  	[smem:$0x3FBA] =	sst s10  }
0x38: {  	s10 =	sld [smem:$0x3FBB]  }
0x39: {  	_ = 	snop;
	(pc) =	sbr.ind lr, $3  }
0x3a: {  	_ = 	snop  }
0x3b: {  	_ = 	snop  }
0x3c: {  	p2 =	seq.s32 s10, $0x1;
	s10 =	sld [smem:$0x3FBA]  }
0x3d: {  	_ =	shalt  }
0x3e: {  	_ =	shalt  }
0x3f: {  	_ =	shalt  }
0x40: {  	_ =	shalt  }
0x41: {  	_ =	shalt  }
0x42: {  	_ =	shalt  }
0x43: {  	_ =	shalt  }
0x44: {  	_ =	shalt  }
0x45: {  	_ =	shalt  }
0x46: {  	_ =	shalt  }
0x47: {  	_ =	shalt  }
0x48: {  	_ =	shalt  }
0x49: {  	_ =	shalt  }
0x4a: {  	_ =	shalt  }
0x4b: {  	_ =	shalt  }
0x4c: {  	_ =	shalt  }
0x4d: {  	_ =	shalt  }
0x4e: {  	_ =	shalt  }
0x4f: {  	_ =	shalt  }
0x50: {  	_ =	shalt  }
0x51: {  	_ =	shalt  }
0x52: {  	_ =	shalt  }
0x53: {  	_ =	shalt  }
0x54: {  	_ =	shalt  }
0x55: {  	_ =	shalt  }
0x56: {  	_ =	shalt  }
0x57: {  	_ =	shalt  }
0x58: {  	_ =	shalt  }
0x59: {  	_ =	shalt  }
0x5a: {  	_ =	shalt  }
0x5b: {  	_ =	shalt  }
0x5c: {  	_ =	shalt  }
0x5d: {  	_ =	shalt  }
0x5e: {  	_ =	shalt  }
0x5f: {  	_ =	shalt  }
0x60: {  	_ =	shalt  }
0x61: {  	_ =	shalt  }
0x62: {  	_ =	shalt  }
0x63: {  	_ =	shalt  }
0x64: {  	_ =	shalt  }
0x65: {  	_ =	shalt  }
0x66: {  	_ =	shalt  }
0x67: {  	_ =	shalt  }
0x68: {  	_ =	shalt  }
0x69: {  	_ =	shalt  }
0x6a: {  	_ =	shalt  }
0x6b: {  	_ =	shalt  }
0x6c: {  	_ =	shalt  }
0x6d: {  	_ =	shalt  }
0x6e: {  	_ =	shalt  }
0x6f: {  	_ =	shalt  }
0x70: {  	_ =	shalt  }
0x71: {  	_ =	shalt  }
0x72: {  	_ =	shalt  }
0x73: {  	_ =	shalt  }
0x74: {  	_ =	shalt  }
0x75: {  	_ =	shalt  }
0x76: {  	_ =	shalt  }
0x77: {  	_ =	shalt  }
0x78: {  	_ =	shalt  }
0x79: {  	_ =	shalt  }
0x7a: {  	_ =	shalt  }
0x7b: {  	_ =	shalt  }
0x7c: {  	_ =	shalt  }
0x7d: {  	_ =	shalt  }
0x7e: {  	_ =	shalt  }
0x7f: {  	_ =	shalt  }
0x80: {  	_ =	shalt  }
0x81: {  	_ =	shalt  }
0x82: {  	_ =	shalt  }
0x83: {  	_ =	shalt  }
0x84: {  	_ =	shalt  }
0x85: {  	_ =	shalt  }
0x86: {  	_ =	shalt  }
0x87: {  	_ =	shalt  }
.Lfunc_end0:
.L_simem_size_0:
called_computation_lowered:
.L_overlay_start_0:
0x88: {  	s2 =	sld [smem:$0x3FD9]  }
0x89: {  	s3 =	sld [smem:$0x3FFE];
	_ =	sdelay $0x1  }
0x8a: {  	s1 =	srdreg.scid  }
0x8b: {  	s0 =	sand.u32 $0x1, s1  }
0x8c: {  	s17 =	sshll.u32 s0, $0xA;
	s2 =	sadd.s32 s3, s2  }
0x8d: {  	s2 =	sadd.s32 s2, s17  }
0x8e: {  	[smem:$0x3FC6] =	sst s2  }
0x8f: {  	_ = 	snop  }
0x90: {  	(tm) =	ssettm $0x1  }
0x91: {  	s18 =	sld [smem:$0x3FFB];
	_ =	sdelay $0x3  }
0x92: {  	_ =	strace s18  }
0x93: {  	s2 =	sld [smem:$0x3FFC];
	_ =	sdelay $0x3  }
0x94: {  	_ =	strace s2  }
0x95: {  	s2 =	sld [smem:$0x3FFD];
	_ =	sdelay $0x3  }
0x96: {  	_ =	strace s2  }
0x97: {  	_ =	strace $0x8FFFFFFF  }
0x98: {  	s19 =	sld [smem:$0x3FDB];
	_ =	sdelay $0x1  }
0x99: {  	s20 =	simm.s32 $_scs_section_size  }
0x9a: {  	s4 =	simm.s32 $_size__tile_overlayer_lowered;
	s5 =	simm.s32 $_tile_overlayer_lowered  }
0x9b: {  	s6 =	simm.s32 $0x1BFF;
	s21 =	sshll.u32 s5, $0x1;
	s3 =	sadd.s32 s20, s19  }
0x9c: {  	s22 =	simm.s32 $0x0;
	s4 =	sshll.u32 s4, $0x1;
	s5 =	sadd.s32 s21, s3  }
0x9d: {  	[timem:s22], [sflag:s6] =	dma.local [hbm:s5], s4  }
0x9e: {  	_ =	swait.ge [sflag:s6], s4  }
0x9f: {  	s4 =	ssub.s32 $0x0, s4;
	[sflag:s6] =	ssyncset.done $0x0  }
0xa0: {  	[sflag:s6] =	ssyncadd.s32 s4;
	_ =	sdelay $0x1  }
0xa1: {  	s23 =	simm.s32 $0x1B8B  }
0xa2: {  	_ =	swait.ge [sflag:s23], $0x1  }
0xa3: {  	[sflag:s23] =	ssyncset.done $0x0  }
0xa4: {  	[sflag:s23] =	ssyncadd.s32 $0xFFFFFFFF  }
0xa5: {  	s4 =	sld [smem:$0x0]  }
0xa6: {  	s5 =	sand.u32 $0xFFFFFFFE, s1  }
0xa7: {  	p0 =	sne.s32 s1, s5  }
0xa8: {  	s5 =	sshll.u32 @p0 s5, $0xE  }
0xa9: {  	s5 =	sadd.s32 @p0 $0x11B8D, s5;
	s6 =	sshll.u32 @p0 s4, $0x11  }
0xaa: {  	s5 =	sor.u32 @p0 s6, s5  }
0xab: {  	[sflag:s5] =	ssyncadd.remote.s32 @p0 $0x1;
	_ =	sdelay $0x1  }
0xac: {  	s5 =	simm.s32 @p0 $0x1B8D  }
0xad: {  	_ =	swait.eq @p0 [sflag:s5], $0x1  }
0xae: {  	[sflag:s5] =	ssyncadd.s32 @p0 $0xFFFFFFFF  }
0xaf: {  	s6 =	sshll.u32 @!p0 s1, $0xE  }
0xb0: {  	s6 =	sor.u32 @!p0 $0x4000, s6;
	s5 =	simm.s32 @!p0 $0x1B8D  }
0xb1: {  	s4 =	sshll.u32 @!p0 s4, $0x11;
	s6 =	sadd.s32 @!p0 $0x11B8D, s6;
	_ =	swait.eq @!p0 [sflag:s5], $0x1  }
0xb2: {  	s4 =	sor.u32 @!p0 s4, s6;
	[sflag:s5] =	ssyncadd.s32 @!p0 $0xFFFFFFFF  }
0xb3: {  	s25 =	simm.s32 $0x1B8E;
	s24 =	sld [smem:$0x3FFE];
	[sflag:s4] =	ssyncadd.remote.s32 @!p0 $0x1  }
0xb4: {  	s26 =	simm.s32 $execute0_lowered;
	[smem:$0x3FD2] =	sst s25  }
0xb5: {  	s5 =	sshll.u32 s26, $0x1;
	_ =	strace $0x80000049;
	[dreg:$0x1] =	wrdreg $0xFFFFFFFF  }
0xb6: {  	s28 =	simm.s32 $_size_execute0_lowered;
	s3 =	sadd.s32 s3, s5;
	[dreg:$0x0] =	wrdreg $0x0  }
0xb7: {  	s5 =	sshll.u32 s28, $0x1;
	[dreg:$0x2] =	wrdreg s3  }
0xb8: {  	[dreg:$0x3] =	wrdreg s5  }
0xb9: {  	[dreg:$0x4] =	wrdreg $0xC0  }
0xba: {  	_ =	task [dreg:s22], $0x5FFFF  }
0xbb: {  	[dreg:$0x1] =	wrdreg $0xFFFFFFFF  }
0xbc: {  	[dreg:$0x0] =	wrdreg $0x60  }
0xbd: {  	[dreg:$0x2] =	wrdreg s24  }
0xbe: {  	[dreg:$0x3] =	wrdreg $0xB2000  }
0xbf: {  	[dreg:$0x4] =	wrdreg $0xA5000  }
0xc0: {  	[dreg:$0x5] =	wrdreg $0xAB800  }
0xc1: {  	[dreg:$0x6] =	wrdreg $0x9  }
0xc2: {  	_ =	task.clear_ibuf [dreg:s22], $0x7FFFF;
	_ =	strace $0x90000049  }
0xc3: {  	s29 =	simm.s32 $0x9;
	_ =	strace $0x8000004B  }
0xc4: {  	_ =	swait.ge [sflag:s29], $0x1  }
0xc5: {  	[sflag:s29] =	ssyncadd.s32 $0xFFFFFFFF  }
0xc6: {  	_ =	strace $0x9000004B  }
0xc7: {  	_ =	sfence  }
0xc8: {  	s30 =	sld [smem:$0x0];
	_ =	sdelay $0x2  }
0xc9: {  	s31 =	sshll.u32 s1, $0xD;
	s1 =	sshrl.u32 s1, $0x2  }
0xca: {  	s4 =	sand.u32 $0x4000, s31;
	s1 =	sadd.s32 s1, s30  }
0xcb: {  	s0 =	sor.u32 s4, s0;
	s1 =	sshll.u32 s1, $0x11  }
0xcc: {  	s0 =	sor.u32 s1, s0  }
0xcd: {  	s0 =	sadd.s32 $0x8F2B, s0  }
0xce: {  	[sflag:s0] =	ssyncadd.remote.s32 $0x1  }
0xcf: {  	_ =	sfence.sel $0xFFFF  }
0xd0: {  	[dreg:$0x0] =	wrdreg $0xFFFFFFFF;
	(pc) =	sbr.abs _section_cstart, $3  }
0xd1: {  	[dreg:$0x1] =	wrdreg $0xFFFFFFFF  }
0xd2: {  	_ =	task.clear_ibuf [dreg:s22], $0x2FFFF;
	_ =	strace $0x9FFFFFFF  }
0xd3: {  	(tm) =	ssettm $0x7FFFFFFF  }
tec
execute0_lowered:
.L_overlay_start_1:
0x0: {  	(tag) =	ssettag $0x1  }
0x1: {  	s5 =	rddreg [dreg:$0x0]  }
0x2: {  	s1 =	rddreg [dreg:$0x1]  }
0x3: {  	s2 =	rddreg [dreg:$0x2]  }
0x4: {  	s3 =	rddreg [dreg:$0x3]  }
0x5: {  	s0 =	rddreg [dreg:$0x4];
	s6 =	srdreg.scid  }
0x6: {  	s4 =	simm.s32 $0x0;
	s20 =	stileid.u32;
	s13 =	simm.s32 $0x2  }
0x7: {  	s14 =	simm.s32 $0x4000;
	s15 =	simm.s32 $0x80;
	s16 =	simm.s32 $0x8000  }
0x8: {  	s17 =	simm.s32 $0x1;
	s18 =	simm.s32 $0x8700;
	s19 =	simm.s32 $0x8D80  }
0x9: {  	s21 =	simm.s32 $0x9500;
	s22 =	simm.s32 $0x0;
	s6 =	sand.u32 $0x1, s6  }
0xa: {  	[smem:$0x7FF] =	sst s4;
	s8 =	sshll.u32 s20, $0xB;
	s9 =	smul.u32 $0x680, s20  }
0xb: {  	s31 =	sshll.u32 s20, $0x8;
	p0 =	sne.s32 s20, $0x0;
	s20 =	simm.s32 $0x9400  }
0xc: {  	s7 =	sshll.u32 s6, $0xF;
	_ =	strace $0x8000004A;
	s29 =	sshll.u32 s6, $0x5  }
.Ltmp0:
0xd: {  	s6 =	ssub.s32 $0x2, s6;
	s7 =	sor.u32 s8, s7;
	(pc) =	sbr.rel .LBB2_1-.Ltmp0, $4  }
0xe: {  	s11 =	sadd.s32 s29, s5;
	s30 =	sshrl.u32 s6, $0x1;
	s10 =	sadd.s32 s7, s5  }
0xf: {  	s12 =	ssub.s32 s6, s30;
	s5 =	sadd.s32 s9, s2;
	s6 =	sadd.s32 s9, s3  }
0x10: {  	s9 =	sadd.s32 s31, s1;
	s7 =	sadd.s32 $0x20A00, s10;
	s8 =	sadd.s32 $0x30A00, s10  }
0x11: {  	v0 =	vimm.f32 $0.0e+00;
	v1 =	vimm.f32 $1.000000000e+00;
	s10 =	sadd.s32 $0x40A00, s11;
	s11 =	smax.u32 s12, $0x1;
	s12 =	simm.s32 $0x8080  }
.LBB2_11:
0x12: {  	s22 =	sadd.s32 $0x1, s22  }
0x13: {  	p1 =	sne.s32 s22, s11  }
.Ltmp1:
0x14: {  	_ = 	snop;
	(pc) =	sbr.rel @!p1 .LBB2_12-.Ltmp1, $1  }
0x15: {  	_ =	sdelay $0x3  }
.LBB2_1:
0x16: {  	s23 =	simm.s32 $0x40;
	s24 =	simm.s32 $0x0  }
.LBB2_2:
0x17: {  	p1 =	sne.s32 s23, $0x19C0;
	[tilespmem:s24+$0x8080] =	vst v0;
	s24 =	smov.u32 s23;
	s23 =	sadd.s32 $0x40, s23  }
.Ltmp2:
0x18: {  	(pc) =	sbr.rel @p1 .LBB2_2-.Ltmp2, $2  }
0x19: {  	_ =	sdelay $0x2  }
0x1a: {  	s24 =	sshra.s32 s24, $0x2  }
0x1b: {  	[tilespmem:s24+$0x8080] =	vst v0  }
0x1c: {  	[tilespmem:$0x8000] =	vst v1  }
0x1d: {  	[tilespmem:$0x8010] =	vst v1  }
0x1e: {  	[tilespmem:$0x8020] =	vst v1  }
0x1f: {  	[tilespmem:$0x8030] =	vst v1  }
0x20: {  	[tilespmem:$0x8040] =	vst v1  }
0x21: {  	[tilespmem:$0x8050] =	vst v1  }
0x22: {  	[tilespmem:$0x8060] =	vst v1  }
0x23: {  	[tilespmem:$0x8070] =	vst v1  }
0x24: {  	[spmem:s5] =	stream.linear.scatter [tilespmem:s12], [sflag:$0x2], $0x680, $0x38;
	[tilespmem:$0xB220] =	vst v63  }
0x25: {  	_ =	swait.ge [sflag:s13], $0x680  }
0x26: {  	[sflag:s13] =	ssyncset.done $0x0  }
0x27: {  	[sflag:s13] =	ssyncadd.s32 $0xFFFFF980  }
0x28: {  	[spmem:s6] =	stream.linear.scatter [tilespmem:s12], [sflag:$0x2], $0x680, $0x38;
	[tilespmem:$0xB220] =	vst v63  }
0x29: {  	_ =	swait.ge [sflag:s13], $0x680  }
0x2a: {  	[sflag:s13] =	ssyncset.done $0x0  }
0x2b: {  	s23 =	simm.s32 $0x0;
	[sflag:s13] =	ssyncadd.s32 $0xFFFFF980  }
0x2c: {  	[tilespmem:s23], [sflag:$0x2] =	stream.linear.gather [hbm4b:s7+s23], $0x4000, $0x38;
	[tilespmem:$0xB220] =	vst v63  }
0x2d: {  	_ =	swait.ge [sflag:s13], $0x4000  }
0x2e: {  	[sflag:s13] =	ssyncset.done $0x0  }
0x2f: {  	[sflag:s13] =	ssyncadd.s32 $0xFFFFC000  }
0x30: {  	[tilespmem:s14], [sflag:$0x2] =	stream.linear.gather [hbm4b:s8+s23], $0x4000, $0x38;
	[tilespmem:$0xB220] =	vst v63  }
.Ltmp3:
0x31: {  	_ =	swait.ge [sflag:s13], $0x4000;
	(pc) =	sbr.rel .LBB2_4-.Ltmp3, $3  }
0x32: {  	[sflag:s13] =	ssyncset.done $0x0  }
0x33: {  	[sflag:s13] =	ssyncadd.s32 $0xFFFFC000  }
0x34: {  	[bflag:$0x0] =	sbarrier.arrive $0xFFFF;
	_ =	sdelay $0x1  }
.LBB2_6:
0x35: {  	s23 =	sadd.s32 $0x2000, s23  }
0x36: {  	p1 =	sne.s32 s23, $0x10000  }
.Ltmp4:
0x37: {  	_ = 	snop;
	(pc) =	sbr.rel @!p1 .LBB2_7-.Ltmp4, $1  }
0x38: {  	_ =	sdelay $0x3  }
.LBB2_4:
0x39: {  	s24 =	sshra.s32 s23, $0x2  }
0x3a: {  	[spmem:s2] =	stream.indirect.scatter.add.f32 [tilespmem:s16], [sflag:$0x1], $0x1, s24, s15, $0xb8;
	[tilespmem:$0xB220] =	vst v63  }
0x3b: {  	s25 =	sadd.s32 $0x4000, s24  }
0x3c: {  	[spmem:s3] =	stream.indirect.scatter.add.f32 [tilespmem:s25], [sflag:$0x1], $0x1, s24, s15, $0xb8;
	[tilespmem:$0xB220] =	vst v63  }
0x3d: {  	s29 =	sadd.s32 $0x80, s24  }
0x3e: {  	[spmem:s2] =	stream.indirect.scatter.add.f32 [tilespmem:s16], [sflag:$0x1], $0x1, s29, s15, $0xb8;
	[tilespmem:$0xB220] =	vst v63  }
0x3f: {  	s26 =	sadd.s32 $0x4080, s24  }
0x40: {  	[spmem:s3] =	stream.indirect.scatter.add.f32 [tilespmem:s26], [sflag:$0x1], $0x1, s29, s15, $0xb8;
	[tilespmem:$0xB220] =	vst v63  }
0x41: {  	s30 =	sadd.s32 $0x100, s24  }
0x42: {  	[spmem:s2] =	stream.indirect.scatter.add.f32 [tilespmem:s16], [sflag:$0x1], $0x1, s30, s15, $0xb8;
	[tilespmem:$0xB220] =	vst v63  }
0x43: {  	s31 =	sadd.s32 $0x4100, s24  }
0x44: {  	[spmem:s3] =	stream.indirect.scatter.add.f32 [tilespmem:s31], [sflag:$0x1], $0x1, s30, s15, $0xb8;
	[tilespmem:$0xB220] =	vst v63  }
0x45: {  	s28 =	sadd.s32 $0x180, s24  }
0x46: {  	[spmem:s2] =	stream.indirect.scatter.add.f32 [tilespmem:s16], [sflag:$0x1], $0x1, s28, s15, $0xb8;
	[tilespmem:$0xB220] =	vst v63  }
0x47: {  	s29 =	sadd.s32 $0x4180, s24  }
0x48: {  	[spmem:s3] =	stream.indirect.scatter.add.f32 [tilespmem:s29], [sflag:$0x1], $0x1, s28, s15, $0xb8;
	[tilespmem:$0xB220] =	vst v63  }
0x49: {  	s30 =	sadd.s32 $0x200, s24  }
0x4a: {  	[spmem:s2] =	stream.indirect.scatter.add.f32 [tilespmem:s16], [sflag:$0x1], $0x1, s30, s15, $0xb8;
	[tilespmem:$0xB220] =	vst v63  }
0x4b: {  	s31 =	sadd.s32 $0x4200, s24  }
0x4c: {  	[spmem:s3] =	stream.indirect.scatter.add.f32 [tilespmem:s31], [sflag:$0x1], $0x1, s30, s15, $0xb8;
	[tilespmem:$0xB220] =	vst v63  }
0x4d: {  	s28 =	sadd.s32 $0x280, s24  }
0x4e: {  	[spmem:s2] =	stream.indirect.scatter.add.f32 [tilespmem:s16], [sflag:$0x1], $0x1, s28, s15, $0xb8;
	[tilespmem:$0xB220] =	vst v63  }
0x4f: {  	s29 =	sadd.s32 $0x4280, s24  }
0x50: {  	[spmem:s3] =	stream.indirect.scatter.add.f32 [tilespmem:s29], [sflag:$0x1], $0x1, s28, s15, $0xb8;
	[tilespmem:$0xB220] =	vst v63  }
0x51: {  	s30 =	sadd.s32 $0x300, s24  }
0x52: {  	[spmem:s2] =	stream.indirect.scatter.add.f32 [tilespmem:s16], [sflag:$0x1], $0x1, s30, s15, $0xb8;
	[tilespmem:$0xB220] =	vst v63  }
0x53: {  	s31 =	sadd.s32 $0x4300, s24  }
0x54: {  	[spmem:s3] =	stream.indirect.scatter.add.f32 [tilespmem:s31], [sflag:$0x1], $0x1, s30, s15, $0xb8;
	[tilespmem:$0xB220] =	vst v63  }
0x55: {  	s28 =	sadd.s32 $0x380, s24  }
0x56: {  	[spmem:s2] =	stream.indirect.scatter.add.f32 [tilespmem:s16], [sflag:$0x1], $0x1, s28, s15, $0xb8;
	[tilespmem:$0xB220] =	vst v63  }
0x57: {  	s29 =	sadd.s32 $0x4380, s24  }
0x58: {  	[spmem:s3] =	stream.indirect.scatter.add.f32 [tilespmem:s29], [sflag:$0x1], $0x1, s28, s15, $0xb8;
	[tilespmem:$0xB220] =	vst v63  }
0x59: {  	s30 =	sadd.s32 $0x400, s24  }
0x5a: {  	[spmem:s2] =	stream.indirect.scatter.add.f32 [tilespmem:s16], [sflag:$0x1], $0x1, s30, s15, $0xb8;
	[tilespmem:$0xB220] =	vst v63  }
0x5b: {  	s31 =	sadd.s32 $0x4400, s24  }
0x5c: {  	[spmem:s3] =	stream.indirect.scatter.add.f32 [tilespmem:s31], [sflag:$0x1], $0x1, s30, s15, $0xb8;
	[tilespmem:$0xB220] =	vst v63  }
0x5d: {  	s28 =	sadd.s32 $0x480, s24  }
0x5e: {  	[spmem:s2] =	stream.indirect.scatter.add.f32 [tilespmem:s16], [sflag:$0x1], $0x1, s28, s15, $0xb8;
	[tilespmem:$0xB220] =	vst v63  }
0x5f: {  	s29 =	sadd.s32 $0x4480, s24  }
0x60: {  	[spmem:s3] =	stream.indirect.scatter.add.f32 [tilespmem:s29], [sflag:$0x1], $0x1, s28, s15, $0xb8;
	[tilespmem:$0xB220] =	vst v63  }
0x61: {  	s30 =	sadd.s32 $0x500, s24  }
0x62: {  	[spmem:s2] =	stream.indirect.scatter.add.f32 [tilespmem:s16], [sflag:$0x1], $0x1, s30, s15, $0xb8;
	[tilespmem:$0xB220] =	vst v63  }
0x63: {  	s31 =	sadd.s32 $0x4500, s24  }
0x64: {  	[spmem:s3] =	stream.indirect.scatter.add.f32 [tilespmem:s31], [sflag:$0x1], $0x1, s30, s15, $0xb8;
	[tilespmem:$0xB220] =	vst v63  }
0x65: {  	s28 =	sadd.s32 $0x580, s24  }
0x66: {  	[spmem:s2] =	stream.indirect.scatter.add.f32 [tilespmem:s16], [sflag:$0x1], $0x1, s28, s15, $0xb8;
	[tilespmem:$0xB220] =	vst v63  }
0x67: {  	s29 =	sadd.s32 $0x4580, s24  }
0x68: {  	[spmem:s3] =	stream.indirect.scatter.add.f32 [tilespmem:s29], [sflag:$0x1], $0x1, s28, s15, $0xb8;
	[tilespmem:$0xB220] =	vst v63  }
0x69: {  	s30 =	sadd.s32 $0x600, s24  }
0x6a: {  	[spmem:s2] =	stream.indirect.scatter.add.f32 [tilespmem:s16], [sflag:$0x1], $0x1, s30, s15, $0xb8;
	[tilespmem:$0xB220] =	vst v63  }
0x6b: {  	s31 =	sadd.s32 $0x4600, s24  }
0x6c: {  	[spmem:s3] =	stream.indirect.scatter.add.f32 [tilespmem:s31], [sflag:$0x1], $0x1, s30, s15, $0xb8;
	[tilespmem:$0xB220] =	vst v63  }
0x6d: {  	s26 =	sadd.s32 $0x680, s24  }
0x6e: {  	[spmem:s2] =	stream.indirect.scatter.add.f32 [tilespmem:s16], [sflag:$0x1], $0x1, s26, s15, $0xb8;
	[tilespmem:$0xB220] =	vst v63  }
0x6f: {  	s28 =	sadd.s32 $0x4680, s24  }
0x70: {  	[spmem:s3] =	stream.indirect.scatter.add.f32 [tilespmem:s28], [sflag:$0x1], $0x1, s26, s15, $0xb8;
	[tilespmem:$0xB220] =	vst v63  }
0x71: {  	s29 =	sadd.s32 $0x700, s24  }
0x72: {  	[spmem:s2] =	stream.indirect.scatter.add.f32 [tilespmem:s16], [sflag:$0x1], $0x1, s29, s15, $0xb8;
	[tilespmem:$0xB220] =	vst v63  }
0x73: {  	p1 =	seq.s32 s23, $0x0;
	s30 =	sadd.s32 $0x4700, s24  }
0x74: {  	[spmem:s3] =	stream.indirect.scatter.add.f32 [tilespmem:s30], [sflag:$0x1], $0x1, s29, s15, $0xb8;
	[tilespmem:$0xB220] =	vst v63  }
.Ltmp5:
0x75: {  	_ = 	snop;
	(pc) =	sbr.rel @p1 .LBB2_6-.Ltmp5, $4  }
0x76: {  	s31 =	sadd.s32 $0x780, s24  }
0x77: {  	[spmem:s2] =	stream.indirect.scatter.add.f32 [tilespmem:s16], [sflag:$0x1], $0x1, s31, s15, $0xb8;
	[tilespmem:$0xB220] =	vst v63  }
0x78: {  	s24 =	sadd.s32 $0x4780, s24  }
0x79: {  	[spmem:s3] =	stream.indirect.scatter.add.f32 [tilespmem:s24], [sflag:$0x1], $0x1, s31, s15, $0xb8;
	[tilespmem:$0xB220] =	vst v63  }
0x7a: {  	_ =	swait.ge [sflag:s17], $0x80  }
0x7b: {  	[sflag:s17] =	ssyncset.done $0x0  }
0x7c: {  	[sflag:s17] =	ssyncadd.s32 $0xFFFFFF80  }
0x7d: {  	_ =	swait.ge [sflag:s17], $0x80  }
0x7e: {  	[sflag:s17] =	ssyncset.done $0x0  }
0x7f: {  	[sflag:s17] =	ssyncadd.s32 $0xFFFFFF80  }
0x80: {  	_ =	swait.ge [sflag:s17], $0x80  }
0x81: {  	[sflag:s17] =	ssyncset.done $0x0  }
0x82: {  	[sflag:s17] =	ssyncadd.s32 $0xFFFFFF80  }
0x83: {  	_ =	swait.ge [sflag:s17], $0x80  }
0x84: {  	[sflag:s17] =	ssyncset.done $0x0  }
0x85: {  	[sflag:s17] =	ssyncadd.s32 $0xFFFFFF80  }
0x86: {  	_ =	swait.ge [sflag:s17], $0x80  }
0x87: {  	[sflag:s17] =	ssyncset.done $0x0  }
0x88: {  	[sflag:s17] =	ssyncadd.s32 $0xFFFFFF80  }
0x89: {  	_ =	swait.ge [sflag:s17], $0x80  }
0x8a: {  	[sflag:s17] =	ssyncset.done $0x0  }
0x8b: {  	[sflag:s17] =	ssyncadd.s32 $0xFFFFFF80  }
0x8c: {  	_ =	swait.ge [sflag:s17], $0x80  }
0x8d: {  	[sflag:s17] =	ssyncset.done $0x0  }
0x8e: {  	[sflag:s17] =	ssyncadd.s32 $0xFFFFFF80  }
0x8f: {  	_ =	swait.ge [sflag:s17], $0x80  }
0x90: {  	[sflag:s17] =	ssyncset.done $0x0  }
0x91: {  	[sflag:s17] =	ssyncadd.s32 $0xFFFFFF80  }
0x92: {  	_ =	swait.ge [sflag:s17], $0x80  }
0x93: {  	[sflag:s17] =	ssyncset.done $0x0  }
0x94: {  	[sflag:s17] =	ssyncadd.s32 $0xFFFFFF80  }
0x95: {  	_ =	swait.ge [sflag:s17], $0x80  }
0x96: {  	[sflag:s17] =	ssyncset.done $0x0  }
0x97: {  	[sflag:s17] =	ssyncadd.s32 $0xFFFFFF80  }
0x98: {  	_ =	swait.ge [sflag:s17], $0x80  }
0x99: {  	[sflag:s17] =	ssyncset.done $0x0  }
0x9a: {  	[sflag:s17] =	ssyncadd.s32 $0xFFFFFF80  }
0x9b: {  	_ =	swait.ge [sflag:s17], $0x80  }
0x9c: {  	[sflag:s17] =	ssyncset.done $0x0  }
0x9d: {  	[sflag:s17] =	ssyncadd.s32 $0xFFFFFF80  }
0x9e: {  	_ =	swait.ge [sflag:s17], $0x80  }
0x9f: {  	[sflag:s17] =	ssyncset.done $0x0  }
0xa0: {  	[sflag:s17] =	ssyncadd.s32 $0xFFFFFF80  }
0xa1: {  	_ =	swait.ge [sflag:s17], $0x80  }
0xa2: {  	[sflag:s17] =	ssyncset.done $0x0  }
0xa3: {  	[sflag:s17] =	ssyncadd.s32 $0xFFFFFF80  }
0xa4: {  	_ =	swait.ge [sflag:s17], $0x80  }
0xa5: {  	[sflag:s17] =	ssyncset.done $0x0  }
0xa6: {  	[sflag:s17] =	ssyncadd.s32 $0xFFFFFF80  }
0xa7: {  	_ =	swait.ge [sflag:s17], $0x80  }
0xa8: {  	[sflag:s17] =	ssyncset.done $0x0  }
0xa9: {  	[sflag:s17] =	ssyncadd.s32 $0xFFFFFF80  }
0xaa: {  	_ =	swait.ge [sflag:s17], $0x80  }
0xab: {  	[sflag:s17] =	ssyncset.done $0x0  }
0xac: {  	[sflag:s17] =	ssyncadd.s32 $0xFFFFFF80  }
0xad: {  	_ =	swait.ge [sflag:s17], $0x80  }
0xae: {  	[sflag:s17] =	ssyncset.done $0x0  }
0xaf: {  	[sflag:s17] =	ssyncadd.s32 $0xFFFFFF80  }
0xb0: {  	_ =	swait.ge [sflag:s17], $0x80  }
0xb1: {  	[sflag:s17] =	ssyncset.done $0x0  }
0xb2: {  	[sflag:s17] =	ssyncadd.s32 $0xFFFFFF80  }
0xb3: {  	_ =	swait.ge [sflag:s17], $0x80  }
0xb4: {  	[sflag:s17] =	ssyncset.done $0x0  }
0xb5: {  	[sflag:s17] =	ssyncadd.s32 $0xFFFFFF80  }
0xb6: {  	_ =	swait.ge [sflag:s17], $0x80  }
0xb7: {  	[sflag:s17] =	ssyncset.done $0x0  }
0xb8: {  	[sflag:s17] =	ssyncadd.s32 $0xFFFFFF80  }
0xb9: {  	_ =	swait.ge [sflag:s17], $0x80  }
0xba: {  	[sflag:s17] =	ssyncset.done $0x0  }
0xbb: {  	[sflag:s17] =	ssyncadd.s32 $0xFFFFFF80  }
0xbc: {  	_ =	swait.ge [sflag:s17], $0x80  }
0xbd: {  	[sflag:s17] =	ssyncset.done $0x0  }
0xbe: {  	[sflag:s17] =	ssyncadd.s32 $0xFFFFFF80  }
0xbf: {  	_ =	swait.ge [sflag:s17], $0x80  }
0xc0: {  	[sflag:s17] =	ssyncset.done $0x0  }
0xc1: {  	[sflag:s17] =	ssyncadd.s32 $0xFFFFFF80  }
0xc2: {  	_ =	swait.ge [sflag:s17], $0x80  }
0xc3: {  	[sflag:s17] =	ssyncset.done $0x0  }
0xc4: {  	[sflag:s17] =	ssyncadd.s32 $0xFFFFFF80  }
0xc5: {  	_ =	swait.ge [sflag:s17], $0x80  }
0xc6: {  	[sflag:s17] =	ssyncset.done $0x0  }
0xc7: {  	[sflag:s17] =	ssyncadd.s32 $0xFFFFFF80  }
0xc8: {  	_ =	swait.ge [sflag:s17], $0x80  }
0xc9: {  	[sflag:s17] =	ssyncset.done $0x0  }
0xca: {  	[sflag:s17] =	ssyncadd.s32 $0xFFFFFF80  }
0xcb: {  	_ =	swait.ge [sflag:s17], $0x80  }
0xcc: {  	[sflag:s17] =	ssyncset.done $0x0  }
0xcd: {  	[sflag:s17] =	ssyncadd.s32 $0xFFFFFF80  }
0xce: {  	_ =	swait.ge [sflag:s17], $0x80  }
0xcf: {  	[sflag:s17] =	ssyncset.done $0x0  }
0xd0: {  	[sflag:s17] =	ssyncadd.s32 $0xFFFFFF80  }
0xd1: {  	_ =	swait.ge [sflag:s17], $0x80  }
0xd2: {  	[sflag:s17] =	ssyncset.done $0x0  }
0xd3: {  	[sflag:s17] =	ssyncadd.s32 $0xFFFFFF80  }
0xd4: {  	_ =	swait.ge [sflag:s17], $0x80  }
.Ltmp6:
0xd5: {  	[sflag:s17] =	ssyncset.done $0x0;
	(pc) =	sbr.rel .LBB2_6-.Ltmp6, $4  }
0xd6: {  	[sflag:s17] =	ssyncadd.s32 $0xFFFFFF80  }
0xd7: {  	_ =	swait.ge [sflag:s17], $0x80  }
0xd8: {  	[sflag:s17] =	ssyncset.done $0x0  }
0xd9: {  	[sflag:s17] =	ssyncadd.s32 $0xFFFFFF80  }
.LBB2_7:
0xda: {  	_ =	swait.ge [sflag:s17], $0x80  }
0xdb: {  	[sflag:s17] =	ssyncset.done $0x0  }
0xdc: {  	[sflag:s17] =	ssyncadd.s32 $0xFFFFFF80  }
0xdd: {  	_ =	swait.ge [sflag:s17], $0x80  }
0xde: {  	[sflag:s17] =	ssyncset.done $0x0  }
0xdf: {  	[sflag:s17] =	ssyncadd.s32 $0xFFFFFF80  }
0xe0: {  	_ =	swait.ge [sflag:s17], $0x80  }
0xe1: {  	[sflag:s17] =	ssyncset.done $0x0  }
0xe2: {  	[sflag:s17] =	ssyncadd.s32 $0xFFFFFF80  }
0xe3: {  	_ =	swait.ge [sflag:s17], $0x80  }
0xe4: {  	[sflag:s17] =	ssyncset.done $0x0  }
0xe5: {  	[sflag:s17] =	ssyncadd.s32 $0xFFFFFF80  }
0xe6: {  	_ =	swait.ge [sflag:s17], $0x80  }
0xe7: {  	[sflag:s17] =	ssyncset.done $0x0  }
0xe8: {  	[sflag:s17] =	ssyncadd.s32 $0xFFFFFF80  }
0xe9: {  	_ =	swait.ge [sflag:s17], $0x80  }
0xea: {  	[sflag:s17] =	ssyncset.done $0x0  }
0xeb: {  	[sflag:s17] =	ssyncadd.s32 $0xFFFFFF80  }
0xec: {  	_ =	swait.ge [sflag:s17], $0x80  }
0xed: {  	[sflag:s17] =	ssyncset.done $0x0  }
0xee: {  	[sflag:s17] =	ssyncadd.s32 $0xFFFFFF80  }
0xef: {  	_ =	swait.ge [sflag:s17], $0x80  }
0xf0: {  	[sflag:s17] =	ssyncset.done $0x0  }
0xf1: {  	[sflag:s17] =	ssyncadd.s32 $0xFFFFFF80  }
0xf2: {  	_ =	swait.ge [sflag:s17], $0x80  }
0xf3: {  	[sflag:s17] =	ssyncset.done $0x0  }
0xf4: {  	[sflag:s17] =	ssyncadd.s32 $0xFFFFFF80  }
0xf5: {  	_ =	swait.ge [sflag:s17], $0x80  }
0xf6: {  	[sflag:s17] =	ssyncset.done $0x0  }
0xf7: {  	[sflag:s17] =	ssyncadd.s32 $0xFFFFFF80  }
0xf8: {  	_ =	swait.ge [sflag:s17], $0x80  }
0xf9: {  	[sflag:s17] =	ssyncset.done $0x0  }
0xfa: {  	[sflag:s17] =	ssyncadd.s32 $0xFFFFFF80  }
0xfb: {  	_ =	swait.ge [sflag:s17], $0x80  }
0xfc: {  	[sflag:s17] =	ssyncset.done $0x0  }
0xfd: {  	[sflag:s17] =	ssyncadd.s32 $0xFFFFFF80  }
0xfe: {  	_ =	swait.ge [sflag:s17], $0x80  }
0xff: {  	[sflag:s17] =	ssyncset.done $0x0  }
0x100: {  	[sflag:s17] =	ssyncadd.s32 $0xFFFFFF80  }
0x101: {  	_ =	swait.ge [sflag:s17], $0x80  }
0x102: {  	[sflag:s17] =	ssyncset.done $0x0  }
0x103: {  	[sflag:s17] =	ssyncadd.s32 $0xFFFFFF80  }
0x104: {  	_ =	swait.ge [sflag:s17], $0x80  }
0x105: {  	[sflag:s17] =	ssyncset.done $0x0  }
0x106: {  	[sflag:s17] =	ssyncadd.s32 $0xFFFFFF80  }
0x107: {  	_ =	swait.ge [sflag:s17], $0x80  }
0x108: {  	[sflag:s17] =	ssyncset.done $0x0  }
0x109: {  	[sflag:s17] =	ssyncadd.s32 $0xFFFFFF80  }
0x10a: {  	_ =	swait.ge [sflag:s17], $0x80  }
0x10b: {  	[sflag:s17] =	ssyncset.done $0x0  }
0x10c: {  	[sflag:s17] =	ssyncadd.s32 $0xFFFFFF80  }
0x10d: {  	_ =	swait.ge [sflag:s17], $0x80  }
0x10e: {  	[sflag:s17] =	ssyncset.done $0x0  }
0x10f: {  	[sflag:s17] =	ssyncadd.s32 $0xFFFFFF80  }
0x110: {  	_ =	swait.ge [sflag:s17], $0x80  }
0x111: {  	[sflag:s17] =	ssyncset.done $0x0  }
0x112: {  	[sflag:s17] =	ssyncadd.s32 $0xFFFFFF80  }
0x113: {  	_ =	swait.ge [sflag:s17], $0x80  }
0x114: {  	[sflag:s17] =	ssyncset.done $0x0  }
0x115: {  	[sflag:s17] =	ssyncadd.s32 $0xFFFFFF80  }
0x116: {  	_ =	swait.ge [sflag:s17], $0x80  }
0x117: {  	[sflag:s17] =	ssyncset.done $0x0  }
0x118: {  	[sflag:s17] =	ssyncadd.s32 $0xFFFFFF80  }
0x119: {  	_ =	swait.ge [sflag:s17], $0x80  }
0x11a: {  	[sflag:s17] =	ssyncset.done $0x0  }
0x11b: {  	[sflag:s17] =	ssyncadd.s32 $0xFFFFFF80  }
0x11c: {  	_ =	swait.ge [sflag:s17], $0x80  }
0x11d: {  	[sflag:s17] =	ssyncset.done $0x0  }
0x11e: {  	[sflag:s17] =	ssyncadd.s32 $0xFFFFFF80  }
0x11f: {  	_ =	swait.ge [sflag:s17], $0x80  }
0x120: {  	[sflag:s17] =	ssyncset.done $0x0  }
0x121: {  	[sflag:s17] =	ssyncadd.s32 $0xFFFFFF80  }
0x122: {  	_ =	swait.ge [sflag:s17], $0x80  }
0x123: {  	[sflag:s17] =	ssyncset.done $0x0  }
0x124: {  	[sflag:s17] =	ssyncadd.s32 $0xFFFFFF80  }
0x125: {  	_ =	swait.ge [sflag:s17], $0x80  }
0x126: {  	[sflag:s17] =	ssyncset.done $0x0  }
0x127: {  	[sflag:s17] =	ssyncadd.s32 $0xFFFFFF80  }
0x128: {  	_ =	swait.ge [sflag:s17], $0x80  }
0x129: {  	[sflag:s17] =	ssyncset.done $0x0  }
0x12a: {  	[sflag:s17] =	ssyncadd.s32 $0xFFFFFF80  }
0x12b: {  	_ =	swait.ge [sflag:s17], $0x80  }
0x12c: {  	[sflag:s17] =	ssyncset.done $0x0  }
0x12d: {  	[sflag:s17] =	ssyncadd.s32 $0xFFFFFF80  }
0x12e: {  	_ =	swait.ge [sflag:s17], $0x80  }
0x12f: {  	[sflag:s17] =	ssyncset.done $0x0  }
0x130: {  	[sflag:s17] =	ssyncadd.s32 $0xFFFFFF80  }
0x131: {  	_ =	swait.ge [sflag:s17], $0x80  }
0x132: {  	[sflag:s17] =	ssyncset.done $0x0  }
0x133: {  	[sflag:s17] =	ssyncadd.s32 $0xFFFFFF80  }
0x134: {  	_ =	swait.ge [sflag:s17], $0x80  }
0x135: {  	[sflag:s17] =	ssyncset.done $0x0  }
0x136: {  	[sflag:s17] =	ssyncadd.s32 $0xFFFFFF80  }
0x137: {  	_ =	swait.ge [sflag:s17], $0x80  }
0x138: {  	[sflag:s17] =	ssyncset.done $0x0  }
0x139: {  	[sflag:s17] =	ssyncadd.s32 $0xFFFFFF80  }
0x13a: {  	[bflag:$0x0] =	sbarrier.arrive $0xFFFF  }
0x13b: {  	[tilespmem:s18], [sflag:$0x2] =	stream.linear.gather [spmem:s5], $0x680, $0x38;
	[tilespmem:$0xB220] =	vst v63  }
0x13c: {  	_ =	swait.ge [sflag:s13], $0x680  }
0x13d: {  	[sflag:s13] =	ssyncset.done $0x0  }
0x13e: {  	[sflag:s13] =	ssyncadd.s32 $0xFFFFF980  }
0x13f: {  	[tilespmem:s19], [sflag:$0x2] =	stream.linear.gather [spmem:s6], $0x680, $0x38;
	[tilespmem:$0xB220] =	vst v63  }
0x140: {  	_ =	swait.ge [sflag:s13], $0x680  }
0x141: {  	[sflag:s13] =	ssyncset.done $0x0  }
0x142: {  	s24 =	simm.s32 $0x0;
	[sflag:s13] =	ssyncadd.s32 $0xFFFFF980  }
0x143: {  	v2 =	vld [tilespmem:s24+$0x8700];
	_ =	sdelay $0x4  }
0x144: {  	v3 =	vmax.f32 v2, $1.000000000e+00  }
0x145: {  	(erf) = vrcp.f32 v3;
	_ =	sdelay $0x1  }
0x146: {  	s23 =	simm.s32 $0x10  }
0x147: {  	v3 =	vld [tilespmem:s23+$0x8700];
	_ =	sdelay $0x3  }
0x148: {  	vm0 =	vgt.f32 v2, $0.0e+00;
	v2 =	vimm.f32 $0.0e+00  }
0x149: {  	v5 =	vld [tilespmem:s24+$0x8D80];
	s24 =	simm.s32 $0x20;
	v4 =	vsel vm0, $0x3F800000, v0;
	vm15 =	vgt.f32 v3, $0.0e+00;
	v3 =	vmax.f32 v3, $1.000000000e+00  }
0x14a: {  	v6 =	vadd.f32 v4, v2;
	v4 =	vld [tilespmem:s24+$0x8700];
	v8 =	vpop (erf);
	(erf) = vrcp.f32 v3;
	_ =	sdelay $0x2  }
0x14b: {  	v7 =	vsel vm15, $0x3F800000, v0  }
0x14c: {  	s25 =	simm.s32 $0xC0;
	v3 =	vadd.f32 v7, v6;
	v5 =	vmul.f32 v8, v5  }
.LBB2_8:
0x14d: {  	s26 =	sshra.s32 s25, $0x2;
	p1 =	sne.s32 s25, $0x19C0;
	s25 =	sadd.s32 $0x40, s25;
	v6 =	vmax.f32 v4, $1.000000000e+00;
	vm0 =	vgt.f32 v4, $0.0e+00;
	v7 =	vld [tilespmem:s23+$0x8D80]  }
.Ltmp7:
0x14e: {  	s23 =	smov.u32 s24;
	v4 =	vld [tilespmem:s26+$0x8700];
	v8 =	vsel vm0, $0x3F800000, v0;
	(erf) = vrcp.f32 v6;
	v2 =	vadd.f32 v5, v2;
	s24 =	smov.u32 s26;
	(pc) =	sbr.rel @p1 .LBB2_8-.Ltmp7, $3  }
0x14f: {  	v3 =	vadd.f32 v8, v3;
	_ =	sdelay $0x1  }
0x150: {  	v5 =	vpop (erf)  }
0x151: {  	v5 =	vmul.f32 v5, v7  }
0x152: {  	v6 =	vmax.f32 v4, $1.000000000e+00  }
0x153: {  	(erf) = vrcp.f32 v6;
	_ =	sdelay $0x2  }
0x154: {  	v60 =	vld [tilespmem:s23+$0x8D80];
	_ =	sdelay $0x1  }
0x155: {  	v7 =	vld [tilespmem:s24+$0x8D80];
	_ =	sdelay $0x1  }
0x156: {  	v8 =	vpop (erf)  }
0x157: {  	v2 =	vadd.f32 v5, v2;
	v61 =	vmul.f32 v8, v60  }
0x158: {  	vm0 =	vgt.f32 v4, $0.0e+00;
	v62 =	vpop (erf)  }
0x159: {  	v4 =	vsel vm0, $0x3F800000, v0;
	v2 =	vadd.f32 v61, v2;
	v63 =	vmul.f32 v62, v7  }
0x15a: {  	v3 =	vadd.f32 v4, v3  }
0x15b: {  	v2 =	vadd.f32 v63, v2  }
0x15c: {  	[tilespmem:$0x9480] =	vst v3  }
0x15d: {  	[tilespmem:$0x9400] =	vst v2  }
0x15e: {  	[spmem:s9] =	stream.linear.scatter [tilespmem:s20], [sflag:$0x2], $0x100, $0x38;
	[tilespmem:$0xB220] =	vst v63  }
.Ltmp8:
0x15f: {  	_ =	swait.ge [sflag:s13], $0x100;
	(pc) =	sbr.rel @p0 .LBB2_11-.Ltmp8, $3  }
0x160: {  	[sflag:s13] =	ssyncset.done $0x0  }
0x161: {  	[sflag:s13] =	ssyncadd.s32 $0xFFFFFF00  }
0x162: {  	[bflag:$0x0] =	sbarrier.arrive $0xFFFF;
	_ =	sdelay $0x1  }
0x163: {  	[tilespmem:s21], [sflag:$0x2] =	stream.linear.gather [spmem:s1], $0x1000, $0x38;
	[tilespmem:$0xB220] =	vst v63  }
0x164: {  	_ =	swait.ge [sflag:s13], $0x1000  }
0x165: {  	[sflag:s13] =	ssyncset.done $0x0  }
0x166: {  	[sflag:s13] =	ssyncadd.s32 $0xFFFFF000  }
0x167: {  	v2 =	vld [tilespmem:$0x9500]  }
0x168: {  	v3 =	vld [tilespmem:$0x9580]  }
0x169: {  	v4 =	vld [tilespmem:$0x9600]  }
0x16a: {  	v5 =	vld [tilespmem:$0x9680]  }
0x16b: {  	v6 =	vld [tilespmem:$0x9700]  }
0x16c: {  	v7 =	vld [tilespmem:$0x9780];
	v2 =	vadd.f32 $0.0e+00, v2  }
0x16d: {  	v8 =	vld [tilespmem:$0x9800];
	v3 =	vadd.f32 $0.0e+00, v3  }
0x16e: {  	v39 =	vld [tilespmem:$0x9880];
	v2 =	vadd.f32 v4, v2  }
0x16f: {  	v40 =	vld [tilespmem:$0x9900];
	v3 =	vadd.f32 v5, v3  }
0x170: {  	v41 =	vld [tilespmem:$0x9980];
	v2 =	vadd.f32 v6, v2  }
0x171: {  	v42 =	vld [tilespmem:$0x9A00];
	v3 =	vadd.f32 v7, v3  }
0x172: {  	v43 =	vld [tilespmem:$0x9A80];
	v2 =	vadd.f32 v8, v2  }
0x173: {  	v44 =	vld [tilespmem:$0x9B00];
	v3 =	vadd.f32 v39, v3  }
0x174: {  	v45 =	vld [tilespmem:$0x9B80];
	v2 =	vadd.f32 v40, v2  }
0x175: {  	v46 =	vld [tilespmem:$0x9C00];
	v3 =	vadd.f32 v41, v3  }
0x176: {  	v47 =	vld [tilespmem:$0x9C80];
	v2 =	vadd.f32 v42, v2  }
0x177: {  	v48 =	vld [tilespmem:$0x9D00];
	v3 =	vadd.f32 v43, v3  }
0x178: {  	v49 =	vld [tilespmem:$0x9D80];
	v2 =	vadd.f32 v44, v2  }
0x179: {  	v50 =	vld [tilespmem:$0x9E00];
	v3 =	vadd.f32 v45, v3  }
0x17a: {  	v51 =	vld [tilespmem:$0x9E80];
	v2 =	vadd.f32 v46, v2  }
0x17b: {  	v52 =	vld [tilespmem:$0x9F00];
	v3 =	vadd.f32 v47, v3  }
0x17c: {  	v53 =	vld [tilespmem:$0x9F80];
	v2 =	vadd.f32 v48, v2  }
0x17d: {  	v54 =	vld [tilespmem:$0xA000];
	v3 =	vadd.f32 v49, v3  }
0x17e: {  	v55 =	vld [tilespmem:$0xA080];
	v2 =	vadd.f32 v50, v2  }
0x17f: {  	v56 =	vld [tilespmem:$0xA100];
	v3 =	vadd.f32 v51, v3  }
0x180: {  	v57 =	vld [tilespmem:$0xA180];
	v2 =	vadd.f32 v52, v2  }
0x181: {  	v58 =	vld [tilespmem:$0xA200];
	v3 =	vadd.f32 v53, v3  }
0x182: {  	v59 =	vld [tilespmem:$0xA280];
	v2 =	vadd.f32 v54, v2  }
0x183: {  	v60 =	vld [tilespmem:$0xA300];
	v3 =	vadd.f32 v55, v3  }
0x184: {  	v61 =	vld [tilespmem:$0xA380];
	v2 =	vadd.f32 v56, v2  }
0x185: {  	v62 =	vld [tilespmem:$0xA400];
	v3 =	vadd.f32 v57, v3  }
0x186: {  	v63 =	vld [tilespmem:$0xA480];
	v2 =	vadd.f32 v58, v2  }
0x187: {  	v3 =	vadd.f32 v59, v3  }
0x188: {  	v2 =	vadd.f32 v60, v2  }
0x189: {  	v3 =	vadd.f32 v61, v3  }
0x18a: {  	v2 =	vadd.f32 v62, v2  }
0x18b: {  	v3 =	vadd.f32 v63, v3  }
0x18c: {  	[tilespmem:$0x9400] =	vst v2  }
.Ltmp9:
0x18d: {  	[tilespmem:$0x9480] =	vst v3;
	(pc) =	sbr.rel .LBB2_11-.Ltmp9, $4  }
0x18e: {  	[hbm4b:s10+s4] =	stream.linear.scatter [tilespmem:s20], [sflag:$0x2], $0x100, $0x38;
	[tilespmem:$0xB220] =	vst v63  }
0x18f: {  	_ =	swait.ge [sflag:s13], $0x100  }
0x190: {  	[sflag:s13] =	ssyncset.done $0x0  }
0x191: {  	[sflag:s13] =	ssyncadd.s32 $0xFFFFFF00  }
.LBB2_12:
0x192: {  	_ =	sfence.sel $0x180000  }
0x193: {  	[bflag:$0x0] =	sbarrier.arrive $0xFFFF  }
0x194: {  	_ =	strace $0x9000004A  }
0x195: {  	s0 =	sadd.s32 @!p0 $0x100000, s0;
	[bflag:$0x2] =	sbarrier.arrive $0xFFFF  }
0x196: {  	[sflag:s0] =	ssyncadd.tile.s32 @!p0 $0x1;
	_ =	shalt  }
.Lfunc_end2:
_tile_overlayer_lowered:
.L_overlay_start_2:
0x197: {  	(tag) =	ssettag $0x2  }
0x198: {  	s0 =	rddreg [dreg:$0x0];
	s2 =	stileid.u32  }
0x199: {  	s1 =	rddreg [dreg:$0x1];
	p0 =	sne.s32 s2, $0x0  }
0x19a: {  	s3 =	rddreg [dreg:$0x2];
	[bflag:$0x3] =	sbarrier.arrive $0xFFFF;
	s2 =	simm.s32 @!p0 $0x1C02  }
0x19b: {  	[timem:s3], [sflag:s2] =	dma.local @!p0 [hbm:s0], s1  }
0x19c: {  	s0 =	simm.s32 @!p0 $0x2  }
0x19d: {  	_ =	swait.ge @!p0 [sflag:s0], s1  }
0x19e: {  	s1 =	ssub.s32 @!p0 $0x0, s1;
	[sflag:s0] =	ssyncset.done @!p0 $0x0  }
0x19f: {  	[sflag:s0] =	ssyncadd.s32 @!p0 s1  }
0x1a0: {  	[bflag:$0x3] =	sbarrier.arrive $0xFFFF  }
0x1a1: {  	_ =	shalt  }

// kernel: kernel.9.cloned.1.call-start
scs
__scs_entry_jumppad:
0x0: {  	(pc) =	sbr.rel $0x88, $3  }
0x1: {  	(tag) =	ssettag $0x0;
	lr =	simm.s32 $0x1  }
0x2: {  	[smem:$0x3F9F] =	sst lr;
	_ =	strace $0xD0000000  }
0x3: {  	_ = 	snop  }
0x4: {  	_ = 	snop  }
0x5: {  	_ = 	snop  }
0x6: {  	_ = 	snop  }
0x7: {  	_ = 	snop  }
__scs_overlays_trampoline_lowered:
0x8: {  	[smem:$0x3FAE] =	sst s0  }
0x9: {  	[smem:$0x3FAF] =	sst s1  }
0xa: {  	[smem:$0x3FB0] =	sst s2  }
0xb: {  	[smem:$0x3FB1] =	sst s3  }
0xc: {  	[smem:$0x3FB2] =	sst s4  }
0xd: {  	[smem:$0x3FB3] =	sst s5  }
0xe: {  	[smem:$0x3FB4] =	sst s6  }
0xf: {  	[smem:$0x3FB5] =	sst s7  }
0x10: {  	[smem:$0x3FB6] =	sst s8  }
0x11: {  	[smem:$0x3FB7] =	sst s9;
	s0 =	simm.s32 @!p0 $0x0  }
0x12: {  	s1 =	sld [smem:$0x3F9D];
	s0 =	simm.s32 @p0 $0x1  }
0x13: {  	[smem:$0x3FB8] =	sst s0;
	s0 =	simm.s32 @!p1 $0x0  }
0x14: {  	s2 =	sld [smem:$0x3F9C];
	s0 =	simm.s32 @p1 $0x1  }
0x15: {  	[smem:$0x3FB9] =	sst s0;
	s0 =	simm.s32 @!p2 $0x0  }
0x16: {  	s3 =	sld [smem:$0x3FDB];
	s0 =	simm.s32 @p2 $0x1  }
0x17: {  	s4 =	simm.s32 $0x1BF5;
	[smem:$0x3FBB] =	sst s0  }
0x18: {  	s0 =	sld [smem:$0x3F9E];
	_ =	swait.ge [sflag:s4], $0x0  }
0x19: {  	s7 =	sld [smem:$0x3F9F]  }
0x1a: {  	s8 =	sadd.s32 $0xFFFFE003, lr  }
0x1b: {  	s9 =	sadd.s32 $0xFFFFFEF7, lr;
	s5 =	simm.s32 $0xFFFFFFFF;
	p2 =	slt.u32 s8, $0xFFFFF086  }
0x1c: {  	p1 =	slt.u32 s9, $0xF7A;
	s5 =	simm.s32 @!p2 $0x0  }
0x1d: {  	s5 =	simm.s32 @p1 $0x1;
	p0 =	seq.s32 s7, s2  }
0x1e: {  	s7 =	smul.u32 @!p0 $0xF7A, s2;
	p2 =	seq.s32 @!p0 s5, $0x0  }
0x1f: {  	s9 =	smul.u32 $0xF7A, s1;
	s8 =	simm.s32 @!p0 $0x1BF5;
	p2 =	por !p2, p0  }
0x20: {  	[sflag:s8] =	ssyncset.s32 @!p0 $0xFFFFF086;
	s6 =	sadd.s32 @!p0 s3, s7;
	s7 =	simm.s32 @!p0 $0x108  }
0x21: {  	s3 =	sadd.s32 s3, s9;
	s6 =	sadd.s32 @!p0 $0x88, s6;
	s7 =	simm.s32 @p2 $0x1082  }
0x22: {  	[simem:s7], [sflag:s8] =	dma.local @!p0 [hbm:s6], $0xF7A  }
0x23: {  	s9 =	sor.u32 $0xD0000000, s2;
	s6 =	simm.s32 $0x108;
	_ =	swait.ge @!p0 [sflag:s8], $0x0  }
0x24: {  	s3 =	sadd.s32 $0x88, s3;
	s6 =	simm.s32 @!p1 $0x1082;
	[sflag:s4] =	ssyncset.s32 $0xFFFFF086  }
0x25: {  	[simem:s6], [sflag:s4] =	dma.local [hbm:s3], $0xF7A  }
0x26: {  	[smem:$0x3F9F] =	sst s1;
	(tag) =	ssettag s2;
	_ =	strace s9  }
0x27: {  	s1 =	sld [smem:$0x3FAF]  }
0x28: {  	s2 =	sld [smem:$0x3FB0]  }
0x29: {  	s4 =	sld [smem:$0x3FB2]  }
0x2a: {  	p0 =	seq.s32 s5, $0x0;
	s5 =	sld [smem:$0x3FB3]  }
0x2b: {  	s6 =	sld [smem:$0x3FB4]  }
0x2c: {  	s7 =	sld [smem:$0x3FB5]  }
0x2d: {  	s3 =	simm.s32 $0x108;
	s8 =	sld [smem:$0x3FB6]  }
0x2e: {  	s3 =	simm.s32 @!p0 $0x1082;
	s9 =	sld [smem:$0x3FB7]  }
0x2f: {  	lr =	sadd.s32 s0, s3;
	s0 =	sld [smem:$0x3FAE]  }
0x30: {  	s3 =	sld [smem:$0x3FB1]  }
0x31: {  	[smem:$0x3FBA] =	sst s10  }
0x32: {  	s10 =	sld [smem:$0x3FB8];
	_ =	sdelay $0x3  }
0x33: {  	p0 =	seq.s32 s10, $0x1;
	s10 =	sld [smem:$0x3FBA];
	_ =	sdelay $0x3  }
0x34: {  	[smem:$0x3FBA] =	sst s10  }
0x35: {  	s10 =	sld [smem:$0x3FB9];
	_ =	sdelay $0x3  }
0x36: {  	p1 =	seq.s32 s10, $0x1;
	s10 =	sld [smem:$0x3FBA];
	_ =	sdelay $0x3  }
0x37: {  	[smem:$0x3FBA] =	sst s10  }
0x38: {  	s10 =	sld [smem:$0x3FBB]  }
0x39: {  	_ = 	snop;
	(pc) =	sbr.ind lr, $3  }
0x3a: {  	_ = 	snop  }
0x3b: {  	_ = 	snop  }
0x3c: {  	p2 =	seq.s32 s10, $0x1;
	s10 =	sld [smem:$0x3FBA]  }
0x3d: {  	_ =	shalt  }
0x3e: {  	_ =	shalt  }
0x3f: {  	_ =	shalt  }
0x40: {  	_ =	shalt  }
0x41: {  	_ =	shalt  }
0x42: {  	_ =	shalt  }
0x43: {  	_ =	shalt  }
0x44: {  	_ =	shalt  }
0x45: {  	_ =	shalt  }
0x46: {  	_ =	shalt  }
0x47: {  	_ =	shalt  }
0x48: {  	_ =	shalt  }
0x49: {  	_ =	shalt  }
0x4a: {  	_ =	shalt  }
0x4b: {  	_ =	shalt  }
0x4c: {  	_ =	shalt  }
0x4d: {  	_ =	shalt  }
0x4e: {  	_ =	shalt  }
0x4f: {  	_ =	shalt  }
0x50: {  	_ =	shalt  }
0x51: {  	_ =	shalt  }
0x52: {  	_ =	shalt  }
0x53: {  	_ =	shalt  }
0x54: {  	_ =	shalt  }
0x55: {  	_ =	shalt  }
0x56: {  	_ =	shalt  }
0x57: {  	_ =	shalt  }
0x58: {  	_ =	shalt  }
0x59: {  	_ =	shalt  }
0x5a: {  	_ =	shalt  }
0x5b: {  	_ =	shalt  }
0x5c: {  	_ =	shalt  }
0x5d: {  	_ =	shalt  }
0x5e: {  	_ =	shalt  }
0x5f: {  	_ =	shalt  }
0x60: {  	_ =	shalt  }
0x61: {  	_ =	shalt  }
0x62: {  	_ =	shalt  }
0x63: {  	_ =	shalt  }
0x64: {  	_ =	shalt  }
0x65: {  	_ =	shalt  }
0x66: {  	_ =	shalt  }
0x67: {  	_ =	shalt  }
0x68: {  	_ =	shalt  }
0x69: {  	_ =	shalt  }
0x6a: {  	_ =	shalt  }
0x6b: {  	_ =	shalt  }
0x6c: {  	_ =	shalt  }
0x6d: {  	_ =	shalt  }
0x6e: {  	_ =	shalt  }
0x6f: {  	_ =	shalt  }
0x70: {  	_ =	shalt  }
0x71: {  	_ =	shalt  }
0x72: {  	_ =	shalt  }
0x73: {  	_ =	shalt  }
0x74: {  	_ =	shalt  }
0x75: {  	_ =	shalt  }
0x76: {  	_ =	shalt  }
0x77: {  	_ =	shalt  }
0x78: {  	_ =	shalt  }
0x79: {  	_ =	shalt  }
0x7a: {  	_ =	shalt  }
0x7b: {  	_ =	shalt  }
0x7c: {  	_ =	shalt  }
0x7d: {  	_ =	shalt  }
0x7e: {  	_ =	shalt  }
0x7f: {  	_ =	shalt  }
0x80: {  	_ =	shalt  }
0x81: {  	_ =	shalt  }
0x82: {  	_ =	shalt  }
0x83: {  	_ =	shalt  }
0x84: {  	_ =	shalt  }
0x85: {  	_ =	shalt  }
0x86: {  	_ =	shalt  }
0x87: {  	_ =	shalt  }
.Lfunc_end0:
.L_simem_size_0:
called_computation.1_lowered:
.L_overlay_start_0:
0x88: {  	s2 =	sld [smem:$0x3FD9]  }
0x89: {  	s3 =	sld [smem:$0x3FFE];
	_ =	sdelay $0x1  }
0x8a: {  	s1 =	srdreg.scid  }
0x8b: {  	s0 =	sand.u32 $0x1, s1  }
0x8c: {  	s16 =	sshll.u32 s0, $0xA;
	s2 =	sadd.s32 s3, s2  }
0x8d: {  	s2 =	sadd.s32 s2, s16  }
0x8e: {  	[smem:$0x3FC6] =	sst s2  }
0x8f: {  	_ = 	snop  }
0x90: {  	(tm) =	ssettm $0x1  }
0x91: {  	s17 =	sld [smem:$0x3FFB];
	_ =	sdelay $0x3  }
0x92: {  	_ =	strace s17  }
0x93: {  	s2 =	sld [smem:$0x3FFC];
	_ =	sdelay $0x3  }
0x94: {  	_ =	strace s2  }
0x95: {  	s2 =	sld [smem:$0x3FFD];
	_ =	sdelay $0x3  }
0x96: {  	_ =	strace s2  }
0x97: {  	_ =	strace $0x8FFFFFFF  }
0x98: {  	s18 =	sld [smem:$0x3FDB];
	_ =	sdelay $0x1  }
0x99: {  	s19 =	simm.s32 $_scs_section_size  }
0x9a: {  	s4 =	simm.s32 $_size__tile_overlayer_lowered;
	s5 =	simm.s32 $_tile_overlayer_lowered  }
0x9b: {  	s22 =	simm.s32 $0x1BFF;
	s21 =	sshll.u32 s5, $0x1;
	s2 =	sadd.s32 s19, s18  }
0x9c: {  	s6 =	simm.s32 $0x0;
	s20 =	sshll.u32 s4, $0x1;
	s4 =	sadd.s32 s21, s2  }
0x9d: {  	[timem:s6], [sflag:s22] =	dma.local [hbm:s4], s20  }
0x9e: {  	_ =	swait.ge [sflag:s22], s20  }
0x9f: {  	s3 =	ssub.s32 $0x0, s20;
	[sflag:s22] =	ssyncset.done $0x0  }
0xa0: {  	[sflag:s22] =	ssyncadd.s32 s3;
	_ =	sdelay $0x1  }
0xa1: {  	s23 =	simm.s32 $0x1B8B  }
0xa2: {  	_ =	swait.ge [sflag:s23], $0x1  }
0xa3: {  	[sflag:s23] =	ssyncset.done $0x0  }
0xa4: {  	s25 =	simm.s32 $0x1B8E;
	s24 =	sld [smem:$0x3FFE];
	[sflag:s23] =	ssyncadd.s32 $0xFFFFFFFF  }
0xa5: {  	s26 =	simm.s32 $execute0_lowered;
	[smem:$0x3FD2] =	sst s25  }
0xa6: {  	s4 =	sshll.u32 s26, $0x1;
	_ =	strace $0x80000046;
	[dreg:$0x1] =	wrdreg $0xFFFFFFFF  }
0xa7: {  	s28 =	simm.s32 $_size_execute0_lowered;
	s2 =	sadd.s32 s2, s4;
	[dreg:$0x0] =	wrdreg $0x0  }
0xa8: {  	s4 =	sshll.u32 s28, $0x1;
	[dreg:$0x2] =	wrdreg s2  }
0xa9: {  	[dreg:$0x3] =	wrdreg s4  }
0xaa: {  	[dreg:$0x4] =	wrdreg $0xC0  }
0xab: {  	_ =	task [dreg:s6], $0x5FFFF  }
0xac: {  	[dreg:$0x1] =	wrdreg $0xFFFFFFFF  }
0xad: {  	[dreg:$0x0] =	wrdreg $0x60  }
0xae: {  	[dreg:$0x2] =	wrdreg s24  }
0xaf: {  	[dreg:$0x3] =	wrdreg $0xB2000  }
0xb0: {  	[dreg:$0x4] =	wrdreg $0xA5000  }
0xb1: {  	[dreg:$0x5] =	wrdreg $0xAB800  }
0xb2: {  	[dreg:$0x6] =	wrdreg $0xA  }
0xb3: {  	_ =	task.clear_ibuf [dreg:s6], $0x7FFFF;
	_ =	strace $0x90000046  }
0xb4: {  	s29 =	simm.s32 $0xA;
	_ =	strace $0x80000048  }
0xb5: {  	_ =	swait.ge [sflag:s29], $0x1  }
0xb6: {  	[sflag:s29] =	ssyncadd.s32 $0xFFFFFFFF  }
0xb7: {  	_ =	strace $0x90000048  }
0xb8: {  	_ =	sfence  }
0xb9: {  	s30 =	sld [smem:$0x0];
	_ =	sdelay $0x2  }
0xba: {  	s31 =	sshll.u32 s1, $0xD;
	s1 =	sshrl.u32 s1, $0x2  }
0xbb: {  	s3 =	sand.u32 $0x4000, s31;
	s1 =	sadd.s32 s1, s30  }
0xbc: {  	s0 =	sor.u32 s3, s0;
	s1 =	sshll.u32 s1, $0x11  }
0xbd: {  	s0 =	sor.u32 s1, s0  }
0xbe: {  	s0 =	sadd.s32 $0x8F2B, s0  }
0xbf: {  	[sflag:s0] =	ssyncadd.remote.s32 $0x1  }
0xc0: {  	_ =	sfence.sel $0xFFFF  }
0xc1: {  	[dreg:$0x0] =	wrdreg $0xFFFFFFFF;
	(pc) =	sbr.abs _section_cstart, $3  }
0xc2: {  	[dreg:$0x1] =	wrdreg $0xFFFFFFFF  }
0xc3: {  	_ =	task.clear_ibuf [dreg:s6], $0x2FFFF;
	_ =	strace $0x9FFFFFFF  }
0xc4: {  	(tm) =	ssettm $0x7FFFFFFF  }
0xc5: {  	_ =	shalt  }
tec
execute0_lowered:
.L_overlay_start_1:
0x0: {  	(tag) =	ssettag $0x1  }
0x1: {  	s5 =	rddreg [dreg:$0x0]  }
0x2: {  	s1 =	rddreg [dreg:$0x1]  }
0x3: {  	s2 =	rddreg [dreg:$0x2]  }
0x4: {  	s3 =	rddreg [dreg:$0x3]  }
0x5: {  	s0 =	rddreg [dreg:$0x4];
	s6 =	srdreg.scid  }
0x6: {  	s4 =	simm.s32 $0x0;
	s20 =	stileid.u32;
	s13 =	simm.s32 $0x2  }
0x7: {  	s14 =	simm.s32 $0x4000;
	s15 =	simm.s32 $0x80;
	s16 =	simm.s32 $0x8000  }
0x8: {  	s17 =	simm.s32 $0x1;
	s18 =	simm.s32 $0x8700;
	s19 =	simm.s32 $0x8D80  }
0x9: {  	s21 =	simm.s32 $0x9500;
	s22 =	simm.s32 $0x0;
	s6 =	sand.u32 $0x1, s6  }
0xa: {  	[smem:$0x7FF] =	sst s4;
	s8 =	sshll.u32 s20, $0xB;
	s9 =	smul.u32 $0x680, s20  }
0xb: {  	s31 =	sshll.u32 s20, $0x8;
	p0 =	sne.s32 s20, $0x0;
	s20 =	simm.s32 $0x9400  }
0xc: {  	s7 =	sshll.u32 s6, $0xF;
	_ =	strace $0x80000047;
	s29 =	sshll.u32 s6, $0x5  }
.Ltmp0:
0xd: {  	s6 =	ssub.s32 $0x2, s6;
	s7 =	sor.u32 s8, s7;
	(pc) =	sbr.rel .LBB2_1-.Ltmp0, $4  }
0xe: {  	s11 =	sadd.s32 s29, s5;
	s30 =	sshrl.u32 s6, $0x1;
	s10 =	sadd.s32 s7, s5  }
0xf: {  	s12 =	ssub.s32 s6, s30;
	s5 =	sadd.s32 s9, s2;
	s6 =	sadd.s32 s9, s3  }
0x10: {  	s9 =	sadd.s32 s31, s1;
	s7 =	sadd.s32 $0x800, s10;
	s8 =	sadd.s32 $0x10800, s10  }
0x11: {  	v0 =	vimm.f32 $0.0e+00;
	v1 =	vimm.f32 $1.000000000e+00;
	s10 =	sadd.s32 $0x20800, s11;
	s11 =	smax.u32 s12, $0x1;
	s12 =	simm.s32 $0x8080  }
.LBB2_11:
0x12: {  	s22 =	sadd.s32 $0x1, s22  }
0x13: {  	p1 =	sne.s32 s22, s11  }
.Ltmp1:
0x14: {  	_ = 	snop;
	(pc) =	sbr.rel @!p1 .LBB2_12-.Ltmp1, $1  }
0x15: {  	_ =	sdelay $0x3  }
.LBB2_1:
0x16: {  	s23 =	simm.s32 $0x40;
	s24 =	simm.s32 $0x0  }
.LBB2_2:
0x17: {  	p1 =	sne.s32 s23, $0x19C0;
	[tilespmem:s24+$0x8080] =	vst v0;
	s24 =	smov.u32 s23;
	s23 =	sadd.s32 $0x40, s23  }
.Ltmp2:
0x18: {  	(pc) =	sbr.rel @p1 .LBB2_2-.Ltmp2, $2  }
0x19: {  	_ =	sdelay $0x2  }
0x1a: {  	s24 =	sshra.s32 s24, $0x2  }
0x1b: {  	[tilespmem:s24+$0x8080] =	vst v0  }
0x1c: {  	[tilespmem:$0x8000] =	vst v1  }
0x1d: {  	[tilespmem:$0x8010] =	vst v1  }
0x1e: {  	[tilespmem:$0x8020] =	vst v1  }
0x1f: {  	[tilespmem:$0x8030] =	vst v1  }
0x20: {  	[tilespmem:$0x8040] =	vst v1  }
0x21: {  	[tilespmem:$0x8050] =	vst v1  }
0x22: {  	[tilespmem:$0x8060] =	vst v1  }
0x23: {  	[tilespmem:$0x8070] =	vst v1  }
0x24: {  	[spmem:s5] =	stream.linear.scatter [tilespmem:s12], [sflag:$0x2], $0x680, $0x38;
	[tilespmem:$0xB220] =	vst v63  }
0x25: {  	_ =	swait.ge [sflag:s13], $0x680  }
0x26: {  	[sflag:s13] =	ssyncset.done $0x0  }
0x27: {  	[sflag:s13] =	ssyncadd.s32 $0xFFFFF980  }
0x28: {  	[spmem:s6] =	stream.linear.scatter [tilespmem:s12], [sflag:$0x2], $0x680, $0x38;
	[tilespmem:$0xB220] =	vst v63  }
0x29: {  	_ =	swait.ge [sflag:s13], $0x680  }
0x2a: {  	[sflag:s13] =	ssyncset.done $0x0  }
0x2b: {  	s23 =	simm.s32 $0x0;
	[sflag:s13] =	ssyncadd.s32 $0xFFFFF980  }
0x2c: {  	[tilespmem:s23], [sflag:$0x2] =	stream.linear.gather [hbm4b:s7+s23], $0x4000, $0x38;
	[tilespmem:$0xB220] =	vst v63  }
0x2d: {  	_ =	swait.ge [sflag:s13], $0x4000  }
0x2e: {  	[sflag:s13] =	ssyncset.done $0x0  }
0x2f: {  	[sflag:s13] =	ssyncadd.s32 $0xFFFFC000  }
0x30: {  	[tilespmem:s14], [sflag:$0x2] =	stream.linear.gather [hbm4b:s8+s23], $0x4000, $0x38;
	[tilespmem:$0xB220] =	vst v63  }
.Ltmp3:
0x31: {  	_ =	swait.ge [sflag:s13], $0x4000;
	(pc) =	sbr.rel .LBB2_4-.Ltmp3, $3  }
0x32: {  	[sflag:s13] =	ssyncset.done $0x0  }
0x33: {  	[sflag:s13] =	ssyncadd.s32 $0xFFFFC000  }
0x34: {  	[bflag:$0x0] =	sbarrier.arrive $0xFFFF;
	_ =	sdelay $0x1  }
.LBB2_6:
0x35: {  	s23 =	sadd.s32 $0x2000, s23  }
0x36: {  	p1 =	sne.s32 s23, $0x10000  }
.Ltmp4:
0x37: {  	_ = 	snop;
	(pc) =	sbr.rel @!p1 .LBB2_7-.Ltmp4, $1  }
0x38: {  	_ =	sdelay $0x3  }
.LBB2_4:
0x39: {  	s24 =	sshra.s32 s23, $0x2  }
0x3a: {  	[spmem:s2] =	stream.indirect.scatter.add.f32 [tilespmem:s16], [sflag:$0x1], $0x1, s24, s15, $0xb8;
	[tilespmem:$0xB220] =	vst v63  }
0x3b: {  	s25 =	sadd.s32 $0x4000, s24  }
0x3c: {  	[spmem:s3] =	stream.indirect.scatter.add.f32 [tilespmem:s25], [sflag:$0x1], $0x1, s24, s15, $0xb8;
	[tilespmem:$0xB220] =	vst v63  }
0x3d: {  	s29 =	sadd.s32 $0x80, s24  }
0x3e: {  	[spmem:s2] =	stream.indirect.scatter.add.f32 [tilespmem:s16], [sflag:$0x1], $0x1, s29, s15, $0xb8;
	[tilespmem:$0xB220] =	vst v63  }
0x3f: {  	s26 =	sadd.s32 $0x4080, s24  }
0x40: {  	[spmem:s3] =	stream.indirect.scatter.add.f32 [tilespmem:s26], [sflag:$0x1], $0x1, s29, s15, $0xb8;
	[tilespmem:$0xB220] =	vst v63  }
0x41: {  	s30 =	sadd.s32 $0x100, s24  }
0x42: {  	[spmem:s2] =	stream.indirect.scatter.add.f32 [tilespmem:s16], [sflag:$0x1], $0x1, s30, s15, $0xb8;
	[tilespmem:$0xB220] =	vst v63  }
0x43: {  	s31 =	sadd.s32 $0x4100, s24  }
0x44: {  	[spmem:s3] =	stream.indirect.scatter.add.f32 [tilespmem:s31], [sflag:$0x1], $0x1, s30, s15, $0xb8;
	[tilespmem:$0xB220] =	vst v63  }
0x45: {  	s28 =	sadd.s32 $0x180, s24  }
0x46: {  	[spmem:s2] =	stream.indirect.scatter.add.f32 [tilespmem:s16], [sflag:$0x1], $0x1, s28, s15, $0xb8;
	[tilespmem:$0xB220] =	vst v63  }
0x47: {  	s29 =	sadd.s32 $0x4180, s24  }
0x48: {  	[spmem:s3] =	stream.indirect.scatter.add.f32 [tilespmem:s29], [sflag:$0x1], $0x1, s28, s15, $0xb8;
	[tilespmem:$0xB220] =	vst v63  }
0x49: {  	s30 =	sadd.s32 $0x200, s24  }
0x4a: {  	[spmem:s2] =	stream.indirect.scatter.add.f32 [tilespmem:s16], [sflag:$0x1], $0x1, s30, s15, $0xb8;
	[tilespmem:$0xB220] =	vst v63  }
0x4b: {  	s31 =	sadd.s32 $0x4200, s24  }
0x4c: {  	[spmem:s3] =	stream.indirect.scatter.add.f32 [tilespmem:s31], [sflag:$0x1], $0x1, s30, s15, $0xb8;
	[tilespmem:$0xB220] =	vst v63  }
0x4d: {  	s28 =	sadd.s32 $0x280, s24  }
0x4e: {  	[spmem:s2] =	stream.indirect.scatter.add.f32 [tilespmem:s16], [sflag:$0x1], $0x1, s28, s15, $0xb8;
	[tilespmem:$0xB220] =	vst v63  }
0x4f: {  	s29 =	sadd.s32 $0x4280, s24  }
0x50: {  	[spmem:s3] =	stream.indirect.scatter.add.f32 [tilespmem:s29], [sflag:$0x1], $0x1, s28, s15, $0xb8;
	[tilespmem:$0xB220] =	vst v63  }
0x51: {  	s30 =	sadd.s32 $0x300, s24  }
0x52: {  	[spmem:s2] =	stream.indirect.scatter.add.f32 [tilespmem:s16], [sflag:$0x1], $0x1, s30, s15, $0xb8;
	[tilespmem:$0xB220] =	vst v63  }
0x53: {  	s31 =	sadd.s32 $0x4300, s24  }
0x54: {  	[spmem:s3] =	stream.indirect.scatter.add.f32 [tilespmem:s31], [sflag:$0x1], $0x1, s30, s15, $0xb8;
	[tilespmem:$0xB220] =	vst v63  }
0x55: {  	s28 =	sadd.s32 $0x380, s24  }
0x56: {  	[spmem:s2] =	stream.indirect.scatter.add.f32 [tilespmem:s16], [sflag:$0x1], $0x1, s28, s15, $0xb8;
	[tilespmem:$0xB220] =	vst v63  }
0x57: {  	s29 =	sadd.s32 $0x4380, s24  }
0x58: {  	[spmem:s3] =	stream.indirect.scatter.add.f32 [tilespmem:s29], [sflag:$0x1], $0x1, s28, s15, $0xb8;
	[tilespmem:$0xB220] =	vst v63  }
0x59: {  	s30 =	sadd.s32 $0x400, s24  }
0x5a: {  	[spmem:s2] =	stream.indirect.scatter.add.f32 [tilespmem:s16], [sflag:$0x1], $0x1, s30, s15, $0xb8;
	[tilespmem:$0xB220] =	vst v63  }
0x5b: {  	s31 =	sadd.s32 $0x4400, s24  }
0x5c: {  	[spmem:s3] =	stream.indirect.scatter.add.f32 [tilespmem:s31], [sflag:$0x1], $0x1, s30, s15, $0xb8;
	[tilespmem:$0xB220] =	vst v63  }
0x5d: {  	s28 =	sadd.s32 $0x480, s24  }
0x5e: {  	[spmem:s2] =	stream.indirect.scatter.add.f32 [tilespmem:s16], [sflag:$0x1], $0x1, s28, s15, $0xb8;
	[tilespmem:$0xB220] =	vst v63  }
0x5f: {  	s29 =	sadd.s32 $0x4480, s24  }
0x60: {  	[spmem:s3] =	stream.indirect.scatter.add.f32 [tilespmem:s29], [sflag:$0x1], $0x1, s28, s15, $0xb8;
	[tilespmem:$0xB220] =	vst v63  }
0x61: {  	s30 =	sadd.s32 $0x500, s24  }
0x62: {  	[spmem:s2] =	stream.indirect.scatter.add.f32 [tilespmem:s16], [sflag:$0x1], $0x1, s30, s15, $0xb8;
	[tilespmem:$0xB220] =	vst v63  }
0x63: {  	s31 =	sadd.s32 $0x4500, s24  }
0x64: {  	[spmem:s3] =	stream.indirect.scatter.add.f32 [tilespmem:s31], [sflag:$0x1], $0x1, s30, s15, $0xb8;
	[tilespmem:$0xB220] =	vst v63  }
0x65: {  	s28 =	sadd.s32 $0x580, s24  }
0x66: {  	[spmem:s2] =	stream.indirect.scatter.add.f32 [tilespmem:s16], [sflag:$0x1], $0x1, s28, s15, $0xb8;
	[tilespmem:$0xB220] =	vst v63  }
0x67: {  	s29 =	sadd.s32 $0x4580, s24  }
0x68: {  	[spmem:s3] =	stream.indirect.scatter.add.f32 [tilespmem:s29], [sflag:$0x1], $0x1, s28, s15, $0xb8;
	[tilespmem:$0xB220] =	vst v63  }
0x69: {  	s30 =	sadd.s32 $0x600, s24  }
0x6a: {  	[spmem:s2] =	stream.indirect.scatter.add.f32 [tilespmem:s16], [sflag:$0x1], $0x1, s30, s15, $0xb8;
	[tilespmem:$0xB220] =	vst v63  }
0x6b: {  	s31 =	sadd.s32 $0x4600, s24  }
0x6c: {  	[spmem:s3] =	stream.indirect.scatter.add.f32 [tilespmem:s31], [sflag:$0x1], $0x1, s30, s15, $0xb8;
	[tilespmem:$0xB220] =	vst v63  }
0x6d: {  	s26 =	sadd.s32 $0x680, s24  }
0x6e: {  	[spmem:s2] =	stream.indirect.scatter.add.f32 [tilespmem:s16], [sflag:$0x1], $0x1, s26, s15, $0xb8;
	[tilespmem:$0xB220] =	vst v63  }
0x6f: {  	s28 =	sadd.s32 $0x4680, s24  }
0x70: {  	[spmem:s3] =	stream.indirect.scatter.add.f32 [tilespmem:s28], [sflag:$0x1], $0x1, s26, s15, $0xb8;
	[tilespmem:$0xB220] =	vst v63  }
0x71: {  	s29 =	sadd.s32 $0x700, s24  }
0x72: {  	[spmem:s2] =	stream.indirect.scatter.add.f32 [tilespmem:s16], [sflag:$0x1], $0x1, s29, s15, $0xb8;
	[tilespmem:$0xB220] =	vst v63  }
0x73: {  	p1 =	seq.s32 s23, $0x0;
	s30 =	sadd.s32 $0x4700, s24  }
0x74: {  	[spmem:s3] =	stream.indirect.scatter.add.f32 [tilespmem:s30], [sflag:$0x1], $0x1, s29, s15, $0xb8;
	[tilespmem:$0xB220] =	vst v63  }
.Ltmp5:
0x75: {  	_ = 	snop;
	(pc) =	sbr.rel @p1 .LBB2_6-.Ltmp5, $4  }
0x76: {  	s31 =	sadd.s32 $0x780, s24  }
0x77: {  	[spmem:s2] =	stream.indirect.scatter.add.f32 [tilespmem:s16], [sflag:$0x1], $0x1, s31, s15, $0xb8;
	[tilespmem:$0xB220] =	vst v63  }
0x78: {  	s24 =	sadd.s32 $0x4780, s24  }
0x79: {  	[spmem:s3] =	stream.indirect.scatter.add.f32 [tilespmem:s24], [sflag:$0x1], $0x1, s31, s15, $0xb8;
	[tilespmem:$0xB220] =	vst v63  }
0x7a: {  	_ =	swait.ge [sflag:s17], $0x80  }
0x7b: {  	[sflag:s17] =	ssyncset.done $0x0  }
0x7c: {  	[sflag:s17] =	ssyncadd.s32 $0xFFFFFF80  }
0x7d: {  	_ =	swait.ge [sflag:s17], $0x80  }
0x7e: {  	[sflag:s17] =	ssyncset.done $0x0  }
0x7f: {  	[sflag:s17] =	ssyncadd.s32 $0xFFFFFF80  }
0x80: {  	_ =	swait.ge [sflag:s17], $0x80  }
0x81: {  	[sflag:s17] =	ssyncset.done $0x0  }
0x82: {  	[sflag:s17] =	ssyncadd.s32 $0xFFFFFF80  }
0x83: {  	_ =	swait.ge [sflag:s17], $0x80  }
0x84: {  	[sflag:s17] =	ssyncset.done $0x0  }
0x85: {  	[sflag:s17] =	ssyncadd.s32 $0xFFFFFF80  }
0x86: {  	_ =	swait.ge [sflag:s17], $0x80  }
0x87: {  	[sflag:s17] =	ssyncset.done $0x0  }
0x88: {  	[sflag:s17] =	ssyncadd.s32 $0xFFFFFF80  }
0x89: {  	_ =	swait.ge [sflag:s17], $0x80  }
0x8a: {  	[sflag:s17] =	ssyncset.done $0x0  }
0x8b: {  	[sflag:s17] =	ssyncadd.s32 $0xFFFFFF80  }
0x8c: {  	_ =	swait.ge [sflag:s17], $0x80  }
0x8d: {  	[sflag:s17] =	ssyncset.done $0x0  }
0x8e: {  	[sflag:s17] =	ssyncadd.s32 $0xFFFFFF80  }
0x8f: {  	_ =	swait.ge [sflag:s17], $0x80  }
0x90: {  	[sflag:s17] =	ssyncset.done $0x0  }
0x91: {  	[sflag:s17] =	ssyncadd.s32 $0xFFFFFF80  }
0x92: {  	_ =	swait.ge [sflag:s17], $0x80  }
0x93: {  	[sflag:s17] =	ssyncset.done $0x0  }
0x94: {  	[sflag:s17] =	ssyncadd.s32 $0xFFFFFF80  }
0x95: {  	_ =	swait.ge [sflag:s17], $0x80  }
0x96: {  	[sflag:s17] =	ssyncset.done $0x0  }
0x97: {  	[sflag:s17] =	ssyncadd.s32 $0xFFFFFF80  }
0x98: {  	_ =	swait.ge [sflag:s17], $0x80  }
0x99: {  	[sflag:s17] =	ssyncset.done $0x0  }
0x9a: {  	[sflag:s17] =	ssyncadd.s32 $0xFFFFFF80  }
0x9b: {  	_ =	swait.ge [sflag:s17], $0x80  }
0x9c: {  	[sflag:s17] =	ssyncset.done $0x0  }
0x9d: {  	[sflag:s17] =	ssyncadd.s32 $0xFFFFFF80  }
0x9e: {  	_ =	swait.ge [sflag:s17], $0x80  }
0x9f: {  	[sflag:s17] =	ssyncset.done $0x0  }
0xa0: {  	[sflag:s17] =	ssyncadd.s32 $0xFFFFFF80  }
0xa1: {  	_ =	swait.ge [sflag:s17], $0x80  }
0xa2: {  	[sflag:s17] =	ssyncset.done $0x0  }
0xa3: {  	[sflag:s17] =	ssyncadd.s32 $0xFFFFFF80  }
0xa4: {  	_ =	swait.ge [sflag:s17], $0x80  }
0xa5: {  	[sflag:s17] =	ssyncset.done $0x0  }
0xa6: {  	[sflag:s17] =	ssyncadd.s32 $0xFFFFFF80  }
0xa7: {  	_ =	swait.ge [sflag:s17], $0x80  }
0xa8: {  	[sflag:s17] =	ssyncset.done $0x0  }
0xa9: {  	[sflag:s17] =	ssyncadd.s32 $0xFFFFFF80  }
0xaa: {  	_ =	swait.ge [sflag:s17], $0x80  }
0xab: {  	[sflag:s17] =	ssyncset.done $0x0  }
0xac: {  	[sflag:s17] =	ssyncadd.s32 $0xFFFFFF80  }
0xad: {  	_ =	swait.ge [sflag:s17], $0x80  }
0xae: {  	[sflag:s17] =	ssyncset.done $0x0  }
0xaf: {  	[sflag:s17] =	ssyncadd.s32 $0xFFFFFF80  }
0xb0: {  	_ =	swait.ge [sflag:s17], $0x80  }
0xb1: {  	[sflag:s17] =	ssyncset.done $0x0  }
0xb2: {  	[sflag:s17] =	ssyncadd.s32 $0xFFFFFF80  }
0xb3: {  	_ =	swait.ge [sflag:s17], $0x80  }
0xb4: {  	[sflag:s17] =	ssyncset.done $0x0  }
0xb5: {  	[sflag:s17] =	ssyncadd.s32 $0xFFFFFF80  }
0xb6: {  	_ =	swait.ge [sflag:s17], $0x80  }
0xb7: {  	[sflag:s17] =	ssyncset.done $0x0  }
0xb8: {  	[sflag:s17] =	ssyncadd.s32 $0xFFFFFF80  }
0xb9: {  	_ =	swait.ge [sflag:s17], $0x80  }
0xba: {  	[sflag:s17] =	ssyncset.done $0x0  }
0xbb: {  	[sflag:s17] =	ssyncadd.s32 $0xFFFFFF80  }
0xbc: {  	_ =	swait.ge [sflag:s17], $0x80  }
0xbd: {  	[sflag:s17] =	ssyncset.done $0x0  }
0xbe: {  	[sflag:s17] =	ssyncadd.s32 $0xFFFFFF80  }
0xbf: {  	_ =	swait.ge [sflag:s17], $0x80  }
0xc0: {  	[sflag:s17] =	ssyncset.done $0x0  }
0xc1: {  	[sflag:s17] =	ssyncadd.s32 $0xFFFFFF80  }
0xc2: {  	_ =	swait.ge [sflag:s17], $0x80  }
0xc3: {  	[sflag:s17] =	ssyncset.done $0x0  }
0xc4: {  	[sflag:s17] =	ssyncadd.s32 $0xFFFFFF80  }
0xc5: {  	_ =	swait.ge [sflag:s17], $0x80  }
0xc6: {  	[sflag:s17] =	ssyncset.done $0x0  }
0xc7: {  	[sflag:s17] =	ssyncadd.s32 $0xFFFFFF80  }
0xc8: {  	_ =	swait.ge [sflag:s17], $0x80  }
0xc9: {  	[sflag:s17] =	ssyncset.done $0x0  }
0xca: {  	[sflag:s17] =	ssyncadd.s32 $0xFFFFFF80  }
0xcb: {  	_ =	swait.ge [sflag:s17], $0x80  }
0xcc: {  	[sflag:s17] =	ssyncset.done $0x0  }
0xcd: {  	[sflag:s17] =	ssyncadd.s32 $0xFFFFFF80  }
0xce: {  	_ =	swait.ge [sflag:s17], $0x80  }
0xcf: {  	[sflag:s17] =	ssyncset.done $0x0  }
0xd0: {  	[sflag:s17] =	ssyncadd.s32 $0xFFFFFF80  }
0xd1: {  	_ =	swait.ge [sflag:s17], $0x80  }
0xd2: {  	[sflag:s17] =	ssyncset.done $0x0  }
0xd3: {  	[sflag:s17] =	ssyncadd.s32 $0xFFFFFF80  }
0xd4: {  	_ =	swait.ge [sflag:s17], $0x80  }
.Ltmp6:
0xd5: {  	[sflag:s17] =	ssyncset.done $0x0;
	(pc) =	sbr.rel .LBB2_6-.Ltmp6, $4  }
0xd6: {  	[sflag:s17] =	ssyncadd.s32 $0xFFFFFF80  }
0xd7: {  	_ =	swait.ge [sflag:s17], $0x80  }
0xd8: {  	[sflag:s17] =	ssyncset.done $0x0  }
0xd9: {  	[sflag:s17] =	ssyncadd.s32 $0xFFFFFF80  }
.LBB2_7:
0xda: {  	_ =	swait.ge [sflag:s17], $0x80  }
0xdb: {  	[sflag:s17] =	ssyncset.done $0x0  }
0xdc: {  	[sflag:s17] =	ssyncadd.s32 $0xFFFFFF80  }
0xdd: {  	_ =	swait.ge [sflag:s17], $0x80  }
0xde: {  	[sflag:s17] =	ssyncset.done $0x0  }
0xdf: {  	[sflag:s17] =	ssyncadd.s32 $0xFFFFFF80  }
0xe0: {  	_ =	swait.ge [sflag:s17], $0x80  }
0xe1: {  	[sflag:s17] =	ssyncset.done $0x0  }
0xe2: {  	[sflag:s17] =	ssyncadd.s32 $0xFFFFFF80  }
0xe3: {  	_ =	swait.ge [sflag:s17], $0x80  }
0xe4: {  	[sflag:s17] =	ssyncset.done $0x0  }
0xe5: {  	[sflag:s17] =	ssyncadd.s32 $0xFFFFFF80  }
0xe6: {  	_ =	swait.ge [sflag:s17], $0x80  }
0xe7: {  	[sflag:s17] =	ssyncset.done $0x0  }
0xe8: {  	[sflag:s17] =	ssyncadd.s32 $0xFFFFFF80  }
0xe9: {  	_ =	swait.ge [sflag:s17], $0x80  }
0xea: {  	[sflag:s17] =	ssyncset.done $0x0  }
0xeb: {  	[sflag:s17] =	ssyncadd.s32 $0xFFFFFF80  }
0xec: {  	_ =	swait.ge [sflag:s17], $0x80  }
0xed: {  	[sflag:s17] =	ssyncset.done $0x0  }
0xee: {  	[sflag:s17] =	ssyncadd.s32 $0xFFFFFF80  }
0xef: {  	_ =	swait.ge [sflag:s17], $0x80  }
0xf0: {  	[sflag:s17] =	ssyncset.done $0x0  }
0xf1: {  	[sflag:s17] =	ssyncadd.s32 $0xFFFFFF80  }
0xf2: {  	_ =	swait.ge [sflag:s17], $0x80  }
0xf3: {  	[sflag:s17] =	ssyncset.done $0x0  }
0xf4: {  	[sflag:s17] =	ssyncadd.s32 $0xFFFFFF80  }
0xf5: {  	_ =	swait.ge [sflag:s17], $0x80  }
0xf6: {  	[sflag:s17] =	ssyncset.done $0x0  }
0xf7: {  	[sflag:s17] =	ssyncadd.s32 $0xFFFFFF80  }
0xf8: {  	_ =	swait.ge [sflag:s17], $0x80  }
0xf9: {  	[sflag:s17] =	ssyncset.done $0x0  }
0xfa: {  	[sflag:s17] =	ssyncadd.s32 $0xFFFFFF80  }
0xfb: {  	_ =	swait.ge [sflag:s17], $0x80  }
0xfc: {  	[sflag:s17] =	ssyncset.done $0x0  }
0xfd: {  	[sflag:s17] =	ssyncadd.s32 $0xFFFFFF80  }
0xfe: {  	_ =	swait.ge [sflag:s17], $0x80  }
0xff: {  	[sflag:s17] =	ssyncset.done $0x0  }
0x100: {  	[sflag:s17] =	ssyncadd.s32 $0xFFFFFF80  }
0x101: {  	_ =	swait.ge [sflag:s17], $0x80  }
0x102: {  	[sflag:s17] =	ssyncset.done $0x0  }
0x103: {  	[sflag:s17] =	ssyncadd.s32 $0xFFFFFF80  }
0x104: {  	_ =	swait.ge [sflag:s17], $0x80  }
0x105: {  	[sflag:s17] =	ssyncset.done $0x0  }
0x106: {  	[sflag:s17] =	ssyncadd.s32 $0xFFFFFF80  }
0x107: {  	_ =	swait.ge [sflag:s17], $0x80  }
0x108: {  	[sflag:s17] =	ssyncset.done $0x0  }
0x109: {  	[sflag:s17] =	ssyncadd.s32 $0xFFFFFF80  }
0x10a: {  	_ =	swait.ge [sflag:s17], $0x80  }
0x10b: {  	[sflag:s17] =	ssyncset.done $0x0  }
0x10c: {  	[sflag:s17] =	ssyncadd.s32 $0xFFFFFF80  }
0x10d: {  	_ =	swait.ge [sflag:s17], $0x80  }
0x10e: {  	[sflag:s17] =	ssyncset.done $0x0  }
0x10f: {  	[sflag:s17] =	ssyncadd.s32 $0xFFFFFF80  }
0x110: {  	_ =	swait.ge [sflag:s17], $0x80  }
0x111: {  	[sflag:s17] =	ssyncset.done $0x0  }
0x112: {  	[sflag:s17] =	ssyncadd.s32 $0xFFFFFF80  }
0x113: {  	_ =	swait.ge [sflag:s17], $0x80  }
0x114: {  	[sflag:s17] =	ssyncset.done $0x0  }
0x115: {  	[sflag:s17] =	ssyncadd.s32 $0xFFFFFF80  }
0x116: {  	_ =	swait.ge [sflag:s17], $0x80  }
0x117: {  	[sflag:s17] =	ssyncset.done $0x0  }
0x118: {  	[sflag:s17] =	ssyncadd.s32 $0xFFFFFF80  }
0x119: {  	_ =	swait.ge [sflag:s17], $0x80  }
0x11a: {  	[sflag:s17] =	ssyncset.done $0x0  }
0x11b: {  	[sflag:s17] =	ssyncadd.s32 $0xFFFFFF80  }
0x11c: {  	_ =	swait.ge [sflag:s17], $0x80  }
0x11d: {  	[sflag:s17] =	ssyncset.done $0x0  }
0x11e: {  	[sflag:s17] =	ssyncadd.s32 $0xFFFFFF80  }
0x11f: {  	_ =	swait.ge [sflag:s17], $0x80  }
0x120: {  	[sflag:s17] =	ssyncset.done $0x0  }
0x121: {  	[sflag:s17] =	ssyncadd.s32 $0xFFFFFF80  }
0x122: {  	_ =	swait.ge [sflag:s17], $0x80  }
0x123: {  	[sflag:s17] =	ssyncset.done $0x0  }
0x124: {  	[sflag:s17] =	ssyncadd.s32 $0xFFFFFF80  }
0x125: {  	_ =	swait.ge [sflag:s17], $0x80  }
0x126: {  	[sflag:s17] =	ssyncset.done $0x0  }
0x127: {  	[sflag:s17] =	ssyncadd.s32 $0xFFFFFF80  }
0x128: {  	_ =	swait.ge [sflag:s17], $0x80  }
0x129: {  	[sflag:s17] =	ssyncset.done $0x0  }
0x12a: {  	[sflag:s17] =	ssyncadd.s32 $0xFFFFFF80  }
0x12b: {  	_ =	swait.ge [sflag:s17], $0x80  }
0x12c: {  	[sflag:s17] =	ssyncset.done $0x0  }
0x12d: {  	[sflag:s17] =	ssyncadd.s32 $0xFFFFFF80  }
0x12e: {  	_ =	swait.ge [sflag:s17], $0x80  }
0x12f: {  	[sflag:s17] =	ssyncset.done $0x0  }
0x130: {  	[sflag:s17] =	ssyncadd.s32 $0xFFFFFF80  }
0x131: {  	_ =	swait.ge [sflag:s17], $0x80  }
0x132: {  	[sflag:s17] =	ssyncset.done $0x0  }
0x133: {  	[sflag:s17] =	ssyncadd.s32 $0xFFFFFF80  }
0x134: {  	_ =	swait.ge [sflag:s17], $0x80  }
0x135: {  	[sflag:s17] =	ssyncset.done $0x0  }
0x136: {  	[sflag:s17] =	ssyncadd.s32 $0xFFFFFF80  }
0x137: {  	_ =	swait.ge [sflag:s17], $0x80  }
0x138: {  	[sflag:s17] =	ssyncset.done $0x0  }
0x139: {  	[sflag:s17] =	ssyncadd.s32 $0xFFFFFF80  }
0x13a: {  	[bflag:$0x0] =	sbarrier.arrive $0xFFFF  }
0x13b: {  	[tilespmem:s18], [sflag:$0x2] =	stream.linear.gather [spmem:s5], $0x680, $0x38;
	[tilespmem:$0xB220] =	vst v63  }
0x13c: {  	_ =	swait.ge [sflag:s13], $0x680  }
0x13d: {  	[sflag:s13] =	ssyncset.done $0x0  }
0x13e: {  	[sflag:s13] =	ssyncadd.s32 $0xFFFFF980  }
0x13f: {  	[tilespmem:s19], [sflag:$0x2] =	stream.linear.gather [spmem:s6], $0x680, $0x38;
	[tilespmem:$0xB220] =	vst v63  }
0x140: {  	_ =	swait.ge [sflag:s13], $0x680  }
0x141: {  	[sflag:s13] =	ssyncset.done $0x0  }
0x142: {  	s24 =	simm.s32 $0x0;
	[sflag:s13] =	ssyncadd.s32 $0xFFFFF980  }
0x143: {  	v2 =	vld [tilespmem:s24+$0x8700];
	_ =	sdelay $0x4  }
0x144: {  	v3 =	vmax.f32 v2, $1.000000000e+00  }
0x145: {  	(erf) = vrcp.f32 v3;
	_ =	sdelay $0x1  }
0x146: {  	s23 =	simm.s32 $0x10  }
0x147: {  	v3 =	vld [tilespmem:s23+$0x8700];
	_ =	sdelay $0x3  }
0x148: {  	vm0 =	vgt.f32 v2, $0.0e+00;
	v2 =	vimm.f32 $0.0e+00  }
0x149: {  	v5 =	vld [tilespmem:s24+$0x8D80];
	s24 =	simm.s32 $0x20;
	v4 =	vsel vm0, $0x3F800000, v0;
	vm15 =	vgt.f32 v3, $0.0e+00;
	v3 =	vmax.f32 v3, $1.000000000e+00  }
0x14a: {  	v6 =	vadd.f32 v4, v2;
	v4 =	vld [tilespmem:s24+$0x8700];
	v8 =	vpop (erf);
	(erf) = vrcp.f32 v3;
	_ =	sdelay $0x2  }
0x14b: {  	v7 =	vsel vm15, $0x3F800000, v0  }
0x14c: {  	s25 =	simm.s32 $0xC0;
	v3 =	vadd.f32 v7, v6;
	v5 =	vmul.f32 v8, v5  }
.LBB2_8:
0x14d: {  	s26 =	sshra.s32 s25, $0x2;
	p1 =	sne.s32 s25, $0x19C0;
	s25 =	sadd.s32 $0x40, s25;
	v6 =	vmax.f32 v4, $1.000000000e+00;
	vm0 =	vgt.f32 v4, $0.0e+00;
	v7 =	vld [tilespmem:s23+$0x8D80]  }
.Ltmp7:
0x14e: {  	s23 =	smov.u32 s24;
	v4 =	vld [tilespmem:s26+$0x8700];
	v8 =	vsel vm0, $0x3F800000, v0;
	(erf) = vrcp.f32 v6;
	v2 =	vadd.f32 v5, v2;
	s24 =	smov.u32 s26;
	(pc) =	sbr.rel @p1 .LBB2_8-.Ltmp7, $3  }
0x14f: {  	v3 =	vadd.f32 v8, v3;
	_ =	sdelay $0x1  }
0x150: {  	v5 =	vpop (erf)  }
0x151: {  	v5 =	vmul.f32 v5, v7  }
0x152: {  	v6 =	vmax.f32 v4, $1.000000000e+00  }
0x153: {  	(erf) = vrcp.f32 v6;
	_ =	sdelay $0x2  }
0x154: {  	v60 =	vld [tilespmem:s23+$0x8D80];
	_ =	sdelay $0x1  }
0x155: {  	v7 =	vld [tilespmem:s24+$0x8D80];
	_ =	sdelay $0x1  }
0x156: {  	v8 =	vpop (erf)  }
0x157: {  	v2 =	vadd.f32 v5, v2;
	v61 =	vmul.f32 v8, v60  }
0x158: {  	vm0 =	vgt.f32 v4, $0.0e+00;
	v62 =	vpop (erf)  }
0x159: {  	v4 =	vsel vm0, $0x3F800000, v0;
	v2 =	vadd.f32 v61, v2;
	v63 =	vmul.f32 v62, v7  }
0x15a: {  	v3 =	vadd.f32 v4, v3  }
0x15b: {  	v2 =	vadd.f32 v63, v2  }
0x15c: {  	[tilespmem:$0x9480] =	vst v3  }
0x15d: {  	[tilespmem:$0x9400] =	vst v2  }
0x15e: {  	[spmem:s9] =	stream.linear.scatter [tilespmem:s20], [sflag:$0x2], $0x100, $0x38;
	[tilespmem:$0xB220] =	vst v63  }
.Ltmp8:
0x15f: {  	_ =	swait.ge [sflag:s13], $0x100;
	(pc) =	sbr.rel @p0 .LBB2_11-.Ltmp8, $3  }
0x160: {  	[sflag:s13] =	ssyncset.done $0x0  }
0x161: {  	[sflag:s13] =	ssyncadd.s32 $0xFFFFFF00  }
0x162: {  	[bflag:$0x0] =	sbarrier.arrive $0xFFFF;
	_ =	sdelay $0x1  }
0x163: {  	[tilespmem:s21], [sflag:$0x2] =	stream.linear.gather [spmem:s1], $0x1000, $0x38;
	[tilespmem:$0xB220] =	vst v63  }
0x164: {  	_ =	swait.ge [sflag:s13], $0x1000  }
0x165: {  	[sflag:s13] =	ssyncset.done $0x0  }
0x166: {  	[sflag:s13] =	ssyncadd.s32 $0xFFFFF000  }
0x167: {  	v2 =	vld [tilespmem:$0x9500]  }
0x168: {  	v3 =	vld [tilespmem:$0x9580]  }
0x169: {  	v4 =	vld [tilespmem:$0x9600]  }
0x16a: {  	v5 =	vld [tilespmem:$0x9680]  }
0x16b: {  	v6 =	vld [tilespmem:$0x9700]  }
0x16c: {  	v7 =	vld [tilespmem:$0x9780];
	v2 =	vadd.f32 $0.0e+00, v2  }
0x16d: {  	v8 =	vld [tilespmem:$0x9800];
	v3 =	vadd.f32 $0.0e+00, v3  }
0x16e: {  	v39 =	vld [tilespmem:$0x9880];
	v2 =	vadd.f32 v4, v2  }
0x16f: {  	v40 =	vld [tilespmem:$0x9900];
	v3 =	vadd.f32 v5, v3  }
0x170: {  	v41 =	vld [tilespmem:$0x9980];
	v2 =	vadd.f32 v6, v2  }
0x171: {  	v42 =	vld [tilespmem:$0x9A00];
	v3 =	vadd.f32 v7, v3  }
0x172: {  	v43 =	vld [tilespmem:$0x9A80];
	v2 =	vadd.f32 v8, v2  }
0x173: {  	v44 =	vld [tilespmem:$0x9B00];
	v3 =	vadd.f32 v39, v3  }
0x174: {  	v45 =	vld [tilespmem:$0x9B80];
	v2 =	vadd.f32 v40, v2  }
0x175: {  	v46 =	vld [tilespmem:$0x9C00];
	v3 =	vadd.f32 v41, v3  }
0x176: {  	v47 =	vld [tilespmem:$0x9C80];
	v2 =	vadd.f32 v42, v2  }
0x177: {  	v48 =	vld [tilespmem:$0x9D00];
	v3 =	vadd.f32 v43, v3  }
0x178: {  	v49 =	vld [tilespmem:$0x9D80];
	v2 =	vadd.f32 v44, v2  }
0x179: {  	v50 =	vld [tilespmem:$0x9E00];
	v3 =	vadd.f32 v45, v3  }
0x17a: {  	v51 =	vld [tilespmem:$0x9E80];
	v2 =	vadd.f32 v46, v2  }
0x17b: {  	v52 =	vld [tilespmem:$0x9F00];
	v3 =	vadd.f32 v47, v3  }
0x17c: {  	v53 =	vld [tilespmem:$0x9F80];
	v2 =	vadd.f32 v48, v2  }
0x17d: {  	v54 =	vld [tilespmem:$0xA000];
	v3 =	vadd.f32 v49, v3  }
0x17e: {  	v55 =	vld [tilespmem:$0xA080];
	v2 =	vadd.f32 v50, v2  }
0x17f: {  	v56 =	vld [tilespmem:$0xA100];
	v3 =	vadd.f32 v51, v3  }
0x180: {  	v57 =	vld [tilespmem:$0xA180];
	v2 =	vadd.f32 v52, v2  }
0x181: {  	v58 =	vld [tilespmem:$0xA200];
	v3 =	vadd.f32 v53, v3  }
0x182: {  	v59 =	vld [tilespmem:$0xA280];
	v2 =	vadd.f32 v54, v2  }
0x183: {  	v60 =	vld [tilespmem:$0xA300];
	v3 =	vadd.f32 v55, v3  }
0x184: {  	v61 =	vld [tilespmem:$0xA380];
	v2 =	vadd.f32 v56, v2  }
0x185: {  	v62 =	vld [tilespmem:$0xA400];
	v3 =	vadd.f32 v57, v3  }
0x186: {  	v63 =	vld [tilespmem:$0xA480];
	v2 =	vadd.f32 v58, v2  }
0x187: {  	v3 =	vadd.f32 v59, v3  }
0x188: {  	v2 =	vadd.f32 v60, v2  }
0x189: {  	v3 =	vadd.f32 v61, v3  }
0x18a: {  	v2 =	vadd.f32 v62, v2  }
0x18b: {  	v3 =	vadd.f32 v63, v3  }
0x18c: {  	[tilespmem:$0x9400] =	vst v2  }
.Ltmp9:
0x18d: {  	[tilespmem:$0x9480] =	vst v3;
	(pc) =	sbr.rel .LBB2_11-.Ltmp9, $4  }
0x18e: {  	[hbm4b:s10+s4] =	stream.linear.scatter [tilespmem:s20], [sflag:$0x2], $0x100, $0x38;
	[tilespmem:$0xB220] =	vst v63  }
0x18f: {  	_ =	swait.ge [sflag:s13], $0x100  }
0x190: {  	[sflag:s13] =	ssyncset.done $0x0  }
0x191: {  	[sflag:s13] =	ssyncadd.s32 $0xFFFFFF00  }
.LBB2_12:
0x192: {  	_ =	sfence.sel $0x180000  }
0x193: {  	[bflag:$0x0] =	sbarrier.arrive $0xFFFF  }
0x194: {  	_ =	strace $0x90000047  }
0x195: {  	s0 =	sadd.s32 @!p0 $0x100000, s0;
	[bflag:$0x2] =	sbarrier.arrive $0xFFFF  }
0x196: {  	[sflag:s0] =	ssyncadd.tile.s32 @!p0 $0x1;
	_ =	shalt  }
.Lfunc_end2:
_tile_overlayer_lowered:
.L_overlay_start_2:
0x197: {  	(tag) =	ssettag $0x2  }
0x198: {  	s0 =	rddreg [dreg:$0x0];
	s2 =	stileid.u32  }
0x199: {  	s1 =	rddreg [dreg:$0x1];
	p0 =	sne.s32 s2, $0x0  }
0x19a: {  	s3 =	rddreg [dreg:$0x2];
	[bflag:$0x3] =	sbarrier.arrive $0xFFFF;
	s2 =	simm.s32 @!p0 $0x1C02  }
0x19b: {  	[timem:s3], [sflag:s2] =	dma.local @!p0 [hbm:s0], s1  }
0x19c: {  	s0 =	simm.s32 @!p0 $0x2  }
0x19d: {  	_ =	swait.ge @!p0 [sflag:s0], s1  }
0x19e: {  	s1 =	ssub.s32 @!p0 $0x0, s1;
	[sflag:s0] =	ssyncset.done @!p0 $0x0  }
0x19f: {  	[sflag:s0] =	ssyncadd.s32 @!p0 s1  }
0x1a0: {  	[bflag:$0x3] =	sbarrier.arrive $0xFFFF  }
0x1a1: {  	_ =	shalt  }

</sc_bundles>
